<compile_context>
chip_gen: v7x
topology: tpu7x:2x2x1
jax: 0.10.2.dev20260603
libtpu: 0.0.44.dev20260713+nightly
codegen_flags: <defaults>
</compile_context>

<pallas_src>
import functools

import jax
import jax.numpy as jnp
from jax import lax
from jax.experimental import pallas as pl
from jax.experimental.pallas import tpu as pltpu
from jax.experimental.pallas import tpu_sc as plsc

U_RES = 400
CH = 8
H_RES = 50
ANG = 8
HID = 32
B = 524288

NC = 2
NS = 16
NW = NC * NS
QPW = B // NW
L = 16
CHUNK_Q = 1024
GPC = CHUNK_Q // L
NCHUNK = QPW // CHUNK_Q
NGRP = QPW // L

HD_WORDS = 2 * H_RES * (H_RES + 1) * ANG
D_OFF = H_RES * (H_RES + 1) * ANG

LA = 4
NSLOT = 8

MLP_BN = 8192


def _sc_body(x_hbm, uplane_hbm, hd_hbm, feat_hbm,
             hdbuf, xbuf, featbuf, gbuf, idxring, fracring,
             semx, semg, semf):
    wid = lax.axis_index("s") * NC + lax.axis_index("c")
    qbase = wid * QPW

    pltpu.sync_copy(hd_hbm, hdbuf)

    lane = lax.iota(jnp.int32, L)

    pltpu.async_copy(
        x_hbm.at[pl.ds(qbase * 6, CHUNK_Q * 6)],
        xbuf.at[pl.ds(0, CHUNK_Q * 6)], semx)

    def xcomp(par, gl, comp):
        idx = (gl * L + lane) * 6 + (par * (CHUNK_Q * 6) + comp)
        return plsc.load_gather(xbuf, [idx])

    def bil_weights(urf, vrf):
        w10 = urf * (1.0 - vrf)
        w01 = (1.0 - urf) * vrf
        w11 = urf * vrf
        w00 = (1.0 - urf) * (1.0 - vrf)
        return w00, w10, w01, w11

    ROWSTRIDE = (H_RES + 1) * ANG

    def cconst(c):
        return jnp.full((L,), c, jnp.int32)

    def one_group(g):
        kc = g >> 6
        gl = g & 63
        par = kc & 1

        @pl.when(g < NGRP)
        def _():
            @pl.when(gl == 0)
            def _():
                pltpu.make_async_copy(
                    x_hbm.at[pl.ds((qbase + kc * CHUNK_Q) * 6, CHUNK_Q * 6)],
                    xbuf.at[pl.ds(par * (CHUNK_Q * 6), CHUNK_Q * 6)],
                    semx).wait()

            u0 = xcomp(par, gl, 0)
            v0 = xcomp(par, gl, 1)
            uu = u0 * jnp.float32(U_RES - 1)
            vv = v0 * jnp.float32(U_RES - 1)
            xi = jnp.minimum(uu.astype(jnp.int32), U_RES - 1)
            yi = jnp.minimum(vv.astype(jnp.int32), U_RES - 1)
            ur = uu - xi.astype(jnp.float32)
            vr = vv - yi.astype(jnp.float32)
            slot = g & (NSLOT - 1)
            sbase = slot * (2 * L)
            row0 = yi * U_RES + xi
            row1 = jnp.minimum(yi + 1, U_RES - 1) * U_RES + xi
            for j, rows in enumerate((row0, row1)):
                plsc.store_scatter(idxring, [lane + (sbase + j * L)], rows)
                pltpu.async_copy(uplane_hbm.at[rows],
                                 gbuf.at[2 * slot + j],
                                 semg.at[2 * slot + j])
            plsc.store_scatter(fracring, [lane + slot * (2 * L)], ur)
            plsc.store_scatter(fracring, [lane + (slot * (2 * L) + L)], vr)

            @pl.when(jnp.logical_and(gl == LA, kc + 1 < NCHUNK))
            def _():
                pltpu.async_copy(
                    x_hbm.at[pl.ds((qbase + (kc + 1) * CHUNK_Q) * 6,
                                   CHUNK_Q * 6)],
                    xbuf.at[pl.ds((1 - par) * (CHUNK_Q * 6), CHUNK_Q * 6)],
                    semx)

        @pl.when(g >= LA)
        def _():
            cg = g - LA
            ckc = cg >> 6
            cgl = cg & 63
            cpar = ckc & 1
            slot = cg & (NSLOT - 1)
            sbase = slot * (2 * L)

            @pl.when(jnp.logical_and(cgl == 0, ckc >= 2))
            def _():
                for r in range(12):
                    pltpu.make_async_copy(
                        featbuf.at[cpar, r],
                        feat_hbm.at[r, pl.ds(qbase + (ckc - 2) * CHUNK_Q,
                                             CHUNK_Q)],
                        semf.at[cpar]).wait()

            qvec = cgl * L + lane
            fb = featbuf.at[cpar]

            hphi = xcomp(cpar, cgl, 3)
            hth = xcomp(cpar, cgl, 2)
            hu = hphi * jnp.float32(H_RES)
            hv = hth * jnp.float32(H_RES - 1)
            hxi = jnp.minimum(hu.astype(jnp.int32), H_RES - 1)
            hyi = jnp.minimum(hv.astype(jnp.int32), H_RES - 2)
            hur = hu - hxi.astype(jnp.float32)
            hvr = hv - hyi.astype(jnp.float32)
            hbase = (hyi * (H_RES + 1) + hxi) * ANG

            dphi = xcomp(cpar, cgl, 5)
            dth = xcomp(cpar, cgl, 4)
            du = dphi * jnp.float32(H_RES)
            dv = dth * jnp.float32(H_RES - 1)
            dxi = jnp.minimum(du.astype(jnp.int32), H_RES - 1)
            dyi = jnp.minimum(dv.astype(jnp.int32), H_RES - 2)
            dur = du - dxi.astype(jnp.float32)
            dvr = dv - dyi.astype(jnp.float32)
            dbase = (dyi * (H_RES + 1) + dxi) * ANG + D_OFF

            hw = bil_weights(hur, hvr)
            dw = bil_weights(dur, dvr)

            def hd_chan(base, w, c):
                p00 = plsc.load_gather(hdbuf, [base + c])
                p10 = plsc.load_gather(hdbuf, [base + (ANG + c)])
                p01 = plsc.load_gather(hdbuf, [base + (ROWSTRIDE + c)])
                p11 = plsc.load_gather(hdbuf, [base + (ROWSTRIDE + ANG + c)])
                return w[0] * p00 + w[1] * p10 + w[2] * p01 + w[3] * p11

            def pack_store(cpair, fe, fo):
                w = plsc.bitcast(
                    plsc.pack(fe, fo, format=plsc.PackFormat.INTERLEAVED),
                    jnp.int32)
                plsc.store_scatter(fb, [cconst(cpair), qvec], w)

            crows = [plsc.load_gather(idxring, [lane + (sbase + j * L)])
                     for j in range(2)]
            cur = plsc.load_gather(fracring, [lane + slot * (2 * L)])
            cvr = plsc.load_gather(fracring, [lane + (slot * (2 * L) + L)])
            for j in range(2):
                pltpu.make_async_copy(uplane_hbm.at[crows[j]],
                                      gbuf.at[2 * slot + j],
                                      semg.at[2 * slot + j]).wait()
            uw = bil_weights(cur, cvr)

            def u_chan(c):
                cc = cconst(c)
                cc8 = cconst(CH + c)
                p00 = plsc.load_gather(gbuf.at[2 * slot + 0], [lane, cc])
                p10 = plsc.load_gather(gbuf.at[2 * slot + 0], [lane, cc8])
                p01 = plsc.load_gather(gbuf.at[2 * slot + 1], [lane, cc])
                p11 = plsc.load_gather(gbuf.at[2 * slot + 1], [lane, cc8])
                return uw[0] * p00 + uw[1] * p10 + uw[2] * p01 + uw[3] * p11

            for cp in range(4):
                pack_store(cp, u_chan(2 * cp), u_chan(2 * cp + 1))
            for cp in range(4):
                pack_store(4 + cp, hd_chan(hbase, hw, 2 * cp),
                           hd_chan(hbase, hw, 2 * cp + 1))
            for cp in range(4):
                pack_store(8 + cp, hd_chan(dbase, dw, 2 * cp),
                           hd_chan(dbase, dw, 2 * cp + 1))

            @pl.when(cgl == GPC - 1)
            def _():
                for r in range(12):
                    pltpu.async_copy(
                        featbuf.at[cpar, r],
                        feat_hbm.at[r, pl.ds(qbase + ckc * CHUNK_Q, CHUNK_Q)],
                        semf.at[cpar])

    def grp(gi, carry):
        one_group(gi * 2)
        one_group(gi * 2 + 1)
        return carry

    lax.fori_loop(0, (NGRP + LA) // 2, grp, 0)

    for ckc in (NCHUNK - 2, NCHUNK - 1):
        cpar = ckc & 1
        for r in range(12):
            pltpu.make_async_copy(
                featbuf.at[cpar, r],
                feat_hbm.at[r, pl.ds(qbase + ckc * CHUNK_Q, CHUNK_Q)],
                semf.at[cpar]).wait()


def _sc_features(x_flat, uplane8, hd_flat):
    mesh = plsc.VectorSubcoreMesh(core_axis_name="c", subcore_axis_name="s")
    f = pl.kernel(
        _sc_body,
        out_type=jax.ShapeDtypeStruct((12, B), jnp.int32),
        mesh=mesh,
        compiler_params=pltpu.CompilerParams(
            needs_layout_passes=False, use_tc_tiling_on_sc=False
        ),
        scratch_types=[
            pltpu.VMEM((HD_WORDS,), jnp.float32),
            pltpu.VMEM((2 * CHUNK_Q * 6,), jnp.float32),
            pltpu.VMEM((2, 12, CHUNK_Q), jnp.int32),
            pltpu.VMEM((2 * NSLOT, L, 2 * CH), jnp.float32),
            pltpu.VMEM((NSLOT * 2 * L,), jnp.int32),
            pltpu.VMEM((NSLOT * 2 * L,), jnp.float32),
            pltpu.SemaphoreType.DMA,
            pltpu.SemaphoreType.DMA((2 * NSLOT,)),
            pltpu.SemaphoreType.DMA((2,)),
        ],
    )
    return f(x_flat, uplane8, hd_flat)


def _mlp_body(ft_ref, w0_ref, w1_ref, w2_ref, w3_ref, out_ref):
    fb = pltpu.bitcast(ft_ref[...], jnp.bfloat16)
    y = jnp.maximum(
        jnp.dot(w0_ref[...], fb, preferred_element_type=jnp.float32), 0.0)
    y = jnp.maximum(
        jnp.dot(w1_ref[...], y.astype(jnp.bfloat16),
                preferred_element_type=jnp.float32), 0.0)
    y = jnp.maximum(
        jnp.dot(w2_ref[...], y.astype(jnp.bfloat16),
                preferred_element_type=jnp.float32), 0.0)
    out_ref[...] = jnp.dot(w3_ref[...], y.astype(jnp.bfloat16),
                           preferred_element_type=jnp.float32)


def _mlp_t(ft, w0, w1, w2, w3p):
    grid = B // MLP_BN
    return pl.pallas_call(
        _mlp_body,
        grid=(grid,),
        in_specs=[
            pl.BlockSpec((12, MLP_BN), lambda i: (0, i)),
            pl.BlockSpec((HID, 24), lambda i: (0, 0)),
            pl.BlockSpec((HID, HID), lambda i: (0, 0)),
            pl.BlockSpec((HID, HID), lambda i: (0, 0)),
            pl.BlockSpec((8, HID), lambda i: (0, 0)),
        ],
        out_specs=pl.BlockSpec((8, MLP_BN), lambda i: (0, i)),
        out_shape=jax.ShapeDtypeStruct((8, B), jnp.float32),
    )(ft, w0, w1, w2, w3p)


def kernel(x, u_plane, h_plane, d_plane, W0, W1, W2, W3):
    h_pad = jnp.concatenate([h_plane, h_plane[:, :1, :]], axis=1).reshape(-1)
    d_pad = jnp.concatenate([d_plane, d_plane[:, :1, :]], axis=1).reshape(-1)
    hd_flat = jnp.concatenate([h_pad, d_pad])

    u_next = jnp.concatenate([u_plane[:, 1:, :], u_plane[:, -1:, :]], axis=1)
    upairs = jnp.concatenate([u_plane, u_next], axis=2).reshape(
        U_RES * U_RES, 2 * CH)

    ft = _sc_features(x.reshape(-1), upairs, hd_flat)

    w0 = W0.astype(jnp.bfloat16)
    w1 = W1.astype(jnp.bfloat16)
    w2 = W2.astype(jnp.bfloat16)
    w3p = jnp.pad(W3, ((0, 5), (0, 0))).astype(jnp.bfloat16)
    out_t = _mlp_t(ft, w0, w1, w2, w3p)
    return out_t[:3].T

# --- scband reference (transcript-rebuilt; emitter-appended) ---
"""Pipeline reference for scband-triple-plane-mlp-3547642986675 (READ-ONLY COPY).

The authoritative reference and input builder live on the scoring server;
editing this copy changes nothing except your own understanding.
"""

import jax, jax.numpy as jnp
import numpy as np

U_RES = 400; CH = 8; H_RES = 50; D_RES = 50; ANG = 8; HID = 32
B = 524288


def _bilerp_clamp(tex, uv):
    # Bilinear interpolation without wrapping. tex: (H,W,C), uv: (B,2) in [0,1].
    H, W, C = tex.shape
    u = jnp.clip(uv[:, 0], 0.0, 1.0) * (W - 1)
    v = jnp.clip(uv[:, 1], 0.0, 1.0) * (H - 1)
    x0 = jnp.floor(u).astype(jnp.int32)
    x1 = jnp.clip(x0 + 1, 0, W - 1)
    y0 = jnp.floor(v).astype(jnp.int32)
    y1 = jnp.clip(y0 + 1, 0, H - 1)
    ur = (u - x0.astype(jnp.float32))[:, None]
    vr = (v - y0.astype(jnp.float32))[:, None]
    p00 = tex[y0, x0]
    p10 = tex[y0, x1]
    p01 = tex[y1, x0]
    p11 = tex[y1, x1]
    return (1 - ur) * (1 - vr) * p00 + ur * (1 - vr) * p10 + (1 - ur) * vr * p01 + ur * vr * p11


def _bilerp_wrap(tex, uv):
    # Bilinear interpolation that wraps in u (first coord), clamps in v.
    H, W, C = tex.shape
    u = uv[:, 0] * W
    v = jnp.clip(uv[:, 1], 0.0, 1.0) * (H - 1)
    uf = jnp.floor(u)
    x0 = uf.astype(jnp.int32) % W
    x1 = (x0 + 1) % W
    y0 = jnp.floor(v).astype(jnp.int32)
    y1 = jnp.clip(y0 + 1, 0, H - 1)
    ur = (u - uf)[:, None]
    vr = (v - y0.astype(jnp.float32))[:, None]
    p00 = tex[y0, x0]
    p10 = tex[y0, x1]
    p01 = tex[y1, x0]
    p11 = tex[y1, x1]
    return (1 - ur) * (1 - vr) * p00 + ur * (1 - vr) * p10 + (1 - ur) * vr * p01 + ur * vr * p11


def setup_inputs(seed: int = 0) -> dict:
    key = jax.random.key(seed)
    ks = jax.random.split(key, 8)
    x = jax.random.uniform(ks[0], (B, 6), dtype=jnp.float32)
    u_plane = 0.01 * jax.random.normal(ks[1], (U_RES, U_RES, CH), dtype=jnp.float32)
    h_plane = 0.01 * jax.random.normal(ks[2], (H_RES, H_RES, ANG), dtype=jnp.float32)
    d_plane = 0.01 * jax.random.normal(ks[3], (D_RES, D_RES, ANG), dtype=jnp.float32)
    in_ch = CH + 2 * ANG
    def lin(k, out_f, in_f):
        bound = 1.0 / np.sqrt(in_f)
        return jax.random.uniform(k, (out_f, in_f), minval=-bound, maxval=bound, dtype=jnp.float32)
    W0 = lin(ks[4], HID, in_ch)
    W1 = lin(ks[5], HID, HID)
    W2 = lin(ks[6], HID, HID)
    W3 = lin(ks[7], 3, HID)
    return {"x": x, "u_plane": u_plane, "h_plane": h_plane, "d_plane": d_plane,
            "W0": W0, "W1": W1, "W2": W2, "W3": W3}


def reference(x, u_plane, h_plane, d_plane, W0, W1, W2, W3):
    # _split_uv_hd: H/D planes are sampled with (phi, theta) ordering
    uv = x[:, 0:2]
    h_uv = jnp.stack((x[:, 3], x[:, 2]), axis=1)
    d_uv = jnp.stack((x[:, 5], x[:, 4]), axis=1)
    fU = _bilerp_clamp(u_plane, uv)
    fH = _bilerp_wrap(h_plane, h_uv)
    fD = _bilerp_wrap(d_plane, d_uv)
    feat = jnp.concatenate([fU, fH, fD], axis=1)
    # QLinear with quant mode 'off' is plain bias-free matmul
    y = jax.nn.relu(feat @ W0.T)
    y = jax.nn.relu(y @ W1.T)
    y = jax.nn.relu(y @ W2.T)
    return y @ W3.T

if __name__ == "__main__":
    import jax
    _d = setup_inputs()
    print(jax.jit(kernel)(*tuple(_d.values())))

</pallas_src>

<mosaic_0001>
#map = affine_map<(d0, d1) -> (0)>
#map1 = affine_map<(d0, d1) -> (0, 0)>
module attributes {stable_mosaic.version = 14 : i64} {
  func.func @_sc_body(%arg0: i32, %arg1: i32, %arg2: memref<3145728xf32, #tpu.memory_space<hbm>>, %arg3: memref<160000x16xf32, #tpu.memory_space<hbm>>, %arg4: memref<40800xf32, #tpu.memory_space<hbm>>, %arg5: memref<12x524288xi32, #tpu.memory_space<hbm>>, %arg6: memref<40800xf32, #tpu.memory_space<vmem>>, %arg7: memref<12288xf32, #tpu.memory_space<vmem>>, %arg8: memref<2x12x1024xi32, #tpu.memory_space<vmem>>, %arg9: memref<16x16x16xf32, #tpu.memory_space<vmem>>, %arg10: memref<256xi32, #tpu.memory_space<vmem>>, %arg11: memref<256xf32, #tpu.memory_space<vmem>>, %arg12: memref<!tpu.dma_semaphore, #tpu.memory_space<semaphore_mem>>, %arg13: memref<16x!tpu.dma_semaphore, #tpu.memory_space<semaphore_mem>>, %arg14: memref<2x!tpu.dma_semaphore, #tpu.memory_space<semaphore_mem>>) attributes {dimension_semantics = [#tpu.dimension_semantics<core_parallel>, #tpu.dimension_semantics<subcore_parallel>], iteration_bounds = array<i64: 2, 16>, scalar_prefetch = 0 : i64, scratch_operands = 9 : i64, tpu.core_type = #tpu.core_type<sc_vector_subcore>, window_params = [{transform_indices = #map}, {transform_indices = #map1}, {transform_indices = #map}, {transform_indices = #map1}]} {
    %mul3A = arith.constant 2 : i32
    %mul3A_0 = arith.muli %arg1, %mul3A : i32
    %add3A = arith.addi %mul3A_0, %arg0 : i32
    %mul3A_1 = arith.constant 16384 : i32
    %mul3A_2 = arith.muli %add3A, %mul3A_1 : i32
    "tpu.region"() ({
      %run_scoped3A = tpu.sem_alloc : memref<!tpu.dma_semaphore, #tpu.memory_space<semaphore_mem>>
      tpu.enqueue_dma source(%arg4 : memref<40800xf32, #tpu.memory_space<hbm>>) target(%arg6 : memref<40800xf32, #tpu.memory_space<vmem>>) target_semaphore(%run_scoped3A : memref<!tpu.dma_semaphore, #tpu.memory_space<semaphore_mem>>)
      tpu.wait_dma2 semaphore(%run_scoped3A : memref<!tpu.dma_semaphore, #tpu.memory_space<semaphore_mem>>) src(%arg4 : memref<40800xf32, #tpu.memory_space<hbm>>) dst(%arg6 : memref<40800xf32, #tpu.memory_space<vmem>>)
      tpu.yield
    }) : () -> ()
    %iota3A = tpu.iota {dimensions = array<i32: 0>} : vector<16xi32>
    %mul3A_3 = arith.constant 6 : i32
    %mul3A_4 = arith.muli %mul3A_2, %mul3A_3 : i32
    %dma_start3A = arith.constant 0 : i32
    %dma_start3A_5 = tpu.memref_slice %arg7[%dma_start3A] : memref<12288xf32, #tpu.memory_space<vmem>> -> memref<6144xf32, #tpu.memory_space<vmem>>
    %dma_start3A_6 = tpu.memref_slice %arg2[%mul3A_4] : memref<3145728xf32, #tpu.memory_space<hbm>> -> memref<6144xf32, #tpu.memory_space<hbm>>
    %dma_start3A_7 = arith.constant 0 : i32
    %dma_start3A_8 = tpu.memref_slice %arg7[%dma_start3A_7] : memref<12288xf32, #tpu.memory_space<vmem>> -> memref<6144xf32, #tpu.memory_space<vmem>>
    %dma_start3A_9 = tpu.memref_slice %arg2[%mul3A_4] : memref<3145728xf32, #tpu.memory_space<hbm>> -> memref<6144xf32, #tpu.memory_space<hbm>>
    tpu.enqueue_dma source(%dma_start3A_9 : memref<6144xf32, #tpu.memory_space<hbm>>) target(%dma_start3A_8 : memref<6144xf32, #tpu.memory_space<vmem>>) target_semaphore(%arg12 : memref<!tpu.dma_semaphore, #tpu.memory_space<semaphore_mem>>)
    %scan3A = arith.constant 0 : i32
    %scan3A_10 = arith.constant 0 : i32
    %scan3A_11 = arith.constant 514 : i32
    %scan3A_12 = arith.addi %scan3A_10, %scan3A_11 : i32
    %scan3A_13 = arith.constant 1 : i32
    scf.for %scan3A_446 = %scan3A_10 to %scan3A_12 step %scan3A_13  : i32 {
      %mul3A_447 = arith.constant 2 : i32
      %mul3A_448 = arith.muli %scan3A_446, %mul3A_447 : i32
      %shift_right_arithmetic3A = arith.constant 6 : i32
      %shift_right_arithmetic3A_449 = arith.shrsi %mul3A_448, %shift_right_arithmetic3A : i32
      %and3A = arith.constant 63 : i32
      %and3A_450 = arith.andi %mul3A_448, %and3A : i32
      %and3A_451 = arith.constant 1 : i32
      %and3A_452 = arith.andi %shift_right_arithmetic3A_449, %and3A_451 : i32
      %lt3A = arith.constant 1024 : i32
      %lt3A_453 = arith.cmpi slt, %mul3A_448, %lt3A : i32
      %convert_element_type3A = arith.extui %lt3A_453 : i1 to i32
      %cond3A = arith.constant 0 : i32
      %cond3A_454 = arith.cmpi ne, %convert_element_type3A, %cond3A : i32
      scf.if %cond3A_454 {
        %eq3A = arith.constant 0 : i32
        %eq3A_479 = arith.cmpi eq, %and3A_450, %eq3A : i32
        %convert_element_type3A_480 = arith.extui %eq3A_479 : i1 to i32
        %cond3A_481 = arith.constant 0 : i32
        %cond3A_482 = arith.cmpi ne, %convert_element_type3A_480, %cond3A_481 : i32
        scf.if %cond3A_482 {
          %mul3A_606 = arith.constant 1024 : i32
          %mul3A_607 = arith.muli %shift_right_arithmetic3A_449, %mul3A_606 : i32
          %add3A_608 = arith.addi %mul3A_2, %mul3A_607 : i32
          %mul3A_609 = arith.constant 6 : i32
          %mul3A_610 = arith.muli %add3A_608, %mul3A_609 : i32
          %mul3A_611 = arith.constant 6144 : i32
          %mul3A_612 = arith.muli %and3A_452, %mul3A_611 : i32
          %dma_wait3A_613 = tpu.memref_slice %arg7[%mul3A_612] : memref<12288xf32, #tpu.memory_space<vmem>> -> memref<6144xf32, #tpu.memory_space<vmem>>
          %dma_wait3A_614 = tpu.memref_slice %arg2[%mul3A_610] : memref<3145728xf32, #tpu.memory_space<hbm>> -> memref<6144xf32, #tpu.memory_space<hbm>>
          %dma_wait3A_615 = tpu.memref_slice %arg7[%mul3A_612] : memref<12288xf32, #tpu.memory_space<vmem>> -> memref<6144xf32, #tpu.memory_space<vmem>>
          %dma_wait3A_616 = tpu.memref_slice %arg2[%mul3A_610] : memref<3145728xf32, #tpu.memory_space<hbm>> -> memref<6144xf32, #tpu.memory_space<hbm>>
          tpu.wait_dma2 semaphore(%arg12 : memref<!tpu.dma_semaphore, #tpu.memory_space<semaphore_mem>>) src(%dma_wait3A_616 : memref<6144xf32, #tpu.memory_space<hbm>>) dst(%dma_wait3A_615 : memref<6144xf32, #tpu.memory_space<vmem>>)
        } else {
        }
        %mul3A_483 = arith.constant 16 : i32
        %mul3A_484 = arith.muli %and3A_450, %mul3A_483 : i32
        %add3A_485 = vector.broadcast %mul3A_484 : i32 to vector<16xi32>
        %add3A_486 = arith.addi %add3A_485, %iota3A : vector<16xi32>
        %mul3A_487 = arith.constant 6 : i32
        %mul3A_488 = vector.broadcast %mul3A_487 : i32 to vector<16xi32>
        %mul3A_489 = arith.muli %add3A_486, %mul3A_488 : vector<16xi32>
        %mul3A_490 = arith.constant 6144 : i32
        %mul3A_491 = arith.muli %and3A_452, %mul3A_490 : i32
        %add3A_492 = arith.constant 0 : i32
        %add3A_493 = arith.addi %mul3A_491, %add3A_492 : i32
        %add3A_494 = vector.broadcast %add3A_493 : i32 to vector<16xi32>
        %add3A_495 = arith.addi %mul3A_489, %add3A_494 : vector<16xi32>
        %gather3A = tpu.vector_load_idx %arg7[%add3A_495] : memref<12288xf32, #tpu.memory_space<vmem>>[vector<16xi32>], vector<16xf32>,
        %mul3A_496 = arith.constant 16 : i32
        %mul3A_497 = arith.muli %and3A_450, %mul3A_496 : i32
        %add3A_498 = vector.broadcast %mul3A_497 : i32 to vector<16xi32>
        %add3A_499 = arith.addi %add3A_498, %iota3A : vector<16xi32>
        %mul3A_500 = arith.constant 6 : i32
        %mul3A_501 = vector.broadcast %mul3A_500 : i32 to vector<16xi32>
        %mul3A_502 = arith.muli %add3A_499, %mul3A_501 : vector<16xi32>
        %mul3A_503 = arith.constant 6144 : i32
        %mul3A_504 = arith.muli %and3A_452, %mul3A_503 : i32
        %add3A_505 = arith.constant 1 : i32
        %add3A_506 = arith.addi %mul3A_504, %add3A_505 : i32
        %add3A_507 = vector.broadcast %add3A_506 : i32 to vector<16xi32>
        %add3A_508 = arith.addi %mul3A_502, %add3A_507 : vector<16xi32>
        %gather3A_509 = tpu.vector_load_idx %arg7[%add3A_508] : memref<12288xf32, #tpu.memory_space<vmem>>[vector<16xi32>], vector<16xf32>,
        %mul3A_510 = arith.constant 3.990000e+02 : f32
        %mul3A_511 = vector.broadcast %mul3A_510 : f32 to vector<16xf32>
        %mul3A_512 = arith.mulf %gather3A, %mul3A_511 : vector<16xf32>
        %mul3A_513 = arith.constant 3.990000e+02 : f32
        %mul3A_514 = vector.broadcast %mul3A_513 : f32 to vector<16xf32>
        %mul3A_515 = arith.mulf %gather3A_509, %mul3A_514 : vector<16xf32>
        %convert_element_type3A_516 = arith.fptosi %mul3A_512 : vector<16xf32> to vector<16xi32>
        %min3A = arith.constant 399 : i32
        %min3A_517 = vector.broadcast %min3A : i32 to vector<16xi32>
        %min3A_518 = arith.minsi %convert_element_type3A_516, %min3A_517 : vector<16xi32>
        %convert_element_type3A_519 = arith.fptosi %mul3A_515 : vector<16xf32> to vector<16xi32>
        %min3A_520 = arith.constant 399 : i32
        %min3A_521 = vector.broadcast %min3A_520 : i32 to vector<16xi32>
        %min3A_522 = arith.minsi %convert_element_type3A_519, %min3A_521 : vector<16xi32>
        %convert_element_type3A_523 = arith.sitofp %min3A_518 : vector<16xi32> to vector<16xf32>
        %sub3A = arith.subf %mul3A_512, %convert_element_type3A_523 : vector<16xf32>
        %convert_element_type3A_524 = arith.sitofp %min3A_522 : vector<16xi32> to vector<16xf32>
        %sub3A_525 = arith.subf %mul3A_515, %convert_element_type3A_524 : vector<16xf32>
        %and3A_526 = arith.constant 7 : i32
        %and3A_527 = arith.andi %mul3A_448, %and3A_526 : i32
        %mul3A_528 = arith.constant 32 : i32
        %mul3A_529 = arith.muli %and3A_527, %mul3A_528 : i32
        %mul3A_530 = arith.constant 400 : i32
        %mul3A_531 = vector.broadcast %mul3A_530 : i32 to vector<16xi32>
        %mul3A_532 = arith.muli %min3A_522, %mul3A_531 : vector<16xi32>
        %add3A_533 = arith.addi %mul3A_532, %min3A_518 : vector<16xi32>
        %add3A_534 = arith.constant 1 : i32
        %add3A_535 = vector.broadcast %add3A_534 : i32 to vector<16xi32>
        %add3A_536 = arith.addi %min3A_522, %add3A_535 : vector<16xi32>
        %min3A_537 = arith.constant 399 : i32
        %min3A_538 = vector.broadcast %min3A_537 : i32 to vector<16xi32>
        %min3A_539 = arith.minsi %add3A_536, %min3A_538 : vector<16xi32>
        %mul3A_540 = arith.constant 400 : i32
        %mul3A_541 = vector.broadcast %mul3A_540 : i32 to vector<16xi32>
        %mul3A_542 = arith.muli %min3A_539, %mul3A_541 : vector<16xi32>
        %add3A_543 = arith.addi %mul3A_542, %min3A_518 : vector<16xi32>
        %add3A_544 = arith.constant 0 : i32
        %add3A_545 = arith.addi %mul3A_529, %add3A_544 : i32
        %add3A_546 = vector.broadcast %add3A_545 : i32 to vector<16xi32>
        %add3A_547 = arith.addi %iota3A, %add3A_546 : vector<16xi32>
        tpu.vector_store_idx %arg10[%add3A_547], %add3A_533 : memref<256xi32, #tpu.memory_space<vmem>>[vector<16xi32>], vector<16xi32>,
        %mul3A_548 = arith.constant 2 : i32
        %mul3A_549 = arith.muli %mul3A_548, %and3A_527 : i32
        %add3A_550 = arith.constant 0 : i32
        %add3A_551 = arith.addi %mul3A_549, %add3A_550 : i32
        %mul3A_552 = arith.constant 2 : i32
        %mul3A_553 = arith.muli %mul3A_552, %and3A_527 : i32
        %add3A_554 = arith.constant 0 : i32
        %add3A_555 = arith.addi %mul3A_553, %add3A_554 : i32
        %dma_start3A_556 = arith.constant 0 : i32
        %dma_start3A_557 = arith.constant 0 : i32
        %dma_start3A_558 = tpu.memref_slice %arg9[%add3A_551, %dma_start3A_556, %dma_start3A_557] : memref<16x16x16xf32, #tpu.memory_space<vmem>> -> memref<1x16x16xf32, #tpu.memory_space<vmem>>
        %dma_start3A_559 = tpu.memref_squeeze %dma_start3A_558 : memref<1x16x16xf32, #tpu.memory_space<vmem>> -> memref<16x16xf32, #tpu.memory_space<vmem>>
        %dma_start3A_560 = arith.constant 0 : i32
        %dma_start3A_561 = arith.constant 0 : i32
        %dma_start3A_562 = tpu.memref_slice %arg3[%dma_start3A_560, %dma_start3A_561] : memref<160000x16xf32, #tpu.memory_space<hbm>> -> memref<160000x16xf32, #tpu.memory_space<hbm>>
        %dma_start3A_563 = tpu.memref_slice %arg13[%add3A_555] : memref<16x!tpu.dma_semaphore, #tpu.memory_space<semaphore_mem>> -> memref<1x!tpu.dma_semaphore, #tpu.memory_space<semaphore_mem>>
        %dma_start3A_564 = tpu.memref_squeeze %dma_start3A_563 : memref<1x!tpu.dma_semaphore, #tpu.memory_space<semaphore_mem>> -> memref<!tpu.dma_semaphore, #tpu.memory_space<semaphore_mem>>
        tpu.enqueue_indirect_dma source(%dma_start3A_562 : memref<160000x16xf32, #tpu.memory_space<hbm>>) target(%dma_start3A_559 : memref<16x16xf32, #tpu.memory_space<vmem>>) offsets(%add3A_533 : vector<16xi32>) semaphore(%dma_start3A_564 : memref<!tpu.dma_semaphore, #tpu.memory_space<semaphore_mem>>)
        %add3A_565 = arith.constant 16 : i32
        %add3A_566 = arith.addi %mul3A_529, %add3A_565 : i32
        %add3A_567 = vector.broadcast %add3A_566 : i32 to vector<16xi32>
        %add3A_568 = arith.addi %iota3A, %add3A_567 : vector<16xi32>
        tpu.vector_store_idx %arg10[%add3A_568], %add3A_543 : memref<256xi32, #tpu.memory_space<vmem>>[vector<16xi32>], vector<16xi32>,
        %mul3A_569 = arith.constant 2 : i32
        %mul3A_570 = arith.muli %mul3A_569, %and3A_527 : i32
        %add3A_571 = arith.constant 1 : i32
        %add3A_572 = arith.addi %mul3A_570, %add3A_571 : i32
        %mul3A_573 = arith.constant 2 : i32
        %mul3A_574 = arith.muli %mul3A_573, %and3A_527 : i32
        %add3A_575 = arith.constant 1 : i32
        %add3A_576 = arith.addi %mul3A_574, %add3A_575 : i32
        %dma_start3A_577 = arith.constant 0 : i32
        %dma_start3A_578 = arith.constant 0 : i32
        %dma_start3A_579 = tpu.memref_slice %arg9[%add3A_572, %dma_start3A_577, %dma_start3A_578] : memref<16x16x16xf32, #tpu.memory_space<vmem>> -> memref<1x16x16xf32, #tpu.memory_space<vmem>>
        %dma_start3A_580 = tpu.memref_squeeze %dma_start3A_579 : memref<1x16x16xf32, #tpu.memory_space<vmem>> -> memref<16x16xf32, #tpu.memory_space<vmem>>
        %dma_start3A_581 = arith.constant 0 : i32
        %dma_start3A_582 = arith.constant 0 : i32
        %dma_start3A_583 = tpu.memref_slice %arg3[%dma_start3A_581, %dma_start3A_582] : memref<160000x16xf32, #tpu.memory_space<hbm>> -> memref<160000x16xf32, #tpu.memory_space<hbm>>
        %dma_start3A_584 = tpu.memref_slice %arg13[%add3A_576] : memref<16x!tpu.dma_semaphore, #tpu.memory_space<semaphore_mem>> -> memref<1x!tpu.dma_semaphore, #tpu.memory_space<semaphore_mem>>
        %dma_start3A_585 = tpu.memref_squeeze %dma_start3A_584 : memref<1x!tpu.dma_semaphore, #tpu.memory_space<semaphore_mem>> -> memref<!tpu.dma_semaphore, #tpu.memory_space<semaphore_mem>>
        tpu.enqueue_indirect_dma source(%dma_start3A_583 : memref<160000x16xf32, #tpu.memory_space<hbm>>) target(%dma_start3A_580 : memref<16x16xf32, #tpu.memory_space<vmem>>) offsets(%add3A_543 : vector<16xi32>) semaphore(%dma_start3A_585 : memref<!tpu.dma_semaphore, #tpu.memory_space<semaphore_mem>>)
        %mul3A_586 = arith.constant 32 : i32
        %mul3A_587 = arith.muli %and3A_527, %mul3A_586 : i32
        %add3A_588 = vector.broadcast %mul3A_587 : i32 to vector<16xi32>
        %add3A_589 = arith.addi %iota3A, %add3A_588 : vector<16xi32>
        tpu.vector_store_idx %arg11[%add3A_589], %sub3A : memref<256xf32, #tpu.memory_space<vmem>>[vector<16xi32>], vector<16xf32>,
        %mul3A_590 = arith.constant 32 : i32
        %mul3A_591 = arith.muli %and3A_527, %mul3A_590 : i32
        %add3A_592 = arith.constant 16 : i32
        %add3A_593 = arith.addi %mul3A_591, %add3A_592 : i32
        %add3A_594 = vector.broadcast %add3A_593 : i32 to vector<16xi32>
        %add3A_595 = arith.addi %iota3A, %add3A_594 : vector<16xi32>
        tpu.vector_store_idx %arg11[%add3A_595], %sub3A_525 : memref<256xf32, #tpu.memory_space<vmem>>[vector<16xi32>], vector<16xf32>,
        %eq3A_596 = arith.constant 4 : i32
        %eq3A_597 = arith.cmpi eq, %and3A_450, %eq3A_596 : i32
        %add3A_598 = arith.constant 1 : i32
        %add3A_599 = arith.addi %shift_right_arithmetic3A_449, %add3A_598 : i32
        %lt3A_600 = arith.constant 16 : i32
        %lt3A_601 = arith.cmpi slt, %add3A_599, %lt3A_600 : i32
        %and3A_602 = arith.andi %eq3A_597, %lt3A_601 : i1
        %convert_element_type3A_603 = arith.extui %and3A_602 : i1 to i32
        %cond3A_604 = arith.constant 0 : i32
        %cond3A_605 = arith.cmpi ne, %convert_element_type3A_603, %cond3A_604 : i32
        scf.if %cond3A_605 {
          %add3A_606 = arith.constant 1 : i32
          %add3A_607 = arith.addi %shift_right_arithmetic3A_449, %add3A_606 : i32
          %mul3A_608 = arith.constant 1024 : i32
          %mul3A_609 = arith.muli %add3A_607, %mul3A_608 : i32
          %add3A_610 = arith.addi %mul3A_2, %mul3A_609 : i32
          %mul3A_611 = arith.constant 6 : i32
          %mul3A_612 = arith.muli %add3A_610, %mul3A_611 : i32
          %sub3A_613 = arith.constant 1 : i32
          %sub3A_614 = arith.subi %sub3A_613, %and3A_452 : i32
          %mul3A_615 = arith.constant 6144 : i32
          %mul3A_616 = arith.muli %sub3A_614, %mul3A_615 : i32
          %dma_start3A_617 = tpu.memref_slice %arg7[%mul3A_616] : memref<12288xf32, #tpu.memory_space<vmem>> -> memref<6144xf32, #tpu.memory_space<vmem>>
          %dma_start3A_618 = tpu.memref_slice %arg2[%mul3A_612] : memref<3145728xf32, #tpu.memory_space<hbm>> -> memref<6144xf32, #tpu.memory_space<hbm>>
          %dma_start3A_619 = tpu.memref_slice %arg7[%mul3A_616] : memref<12288xf32, #tpu.memory_space<vmem>> -> memref<6144xf32, #tpu.memory_space<vmem>>
          %dma_start3A_620 = tpu.memref_slice %arg2[%mul3A_612] : memref<3145728xf32, #tpu.memory_space<hbm>> -> memref<6144xf32, #tpu.memory_space<hbm>>
          tpu.enqueue_dma source(%dma_start3A_620 : memref<6144xf32, #tpu.memory_space<hbm>>) target(%dma_start3A_619 : memref<6144xf32, #tpu.memory_space<vmem>>) target_semaphore(%arg12 : memref<!tpu.dma_semaphore, #tpu.memory_space<semaphore_mem>>)
        } else {
        }
      } else {
      }
      %ge3A = arith.constant 4 : i32
      %ge3A_455 = arith.cmpi sge, %mul3A_448, %ge3A : i32
      %convert_element_type3A_456 = arith.extui %ge3A_455 : i1 to i32
      %cond3A_457 = arith.constant 0 : i32
      %cond3A_458 = arith.cmpi ne, %convert_element_type3A_456, %cond3A_457 : i32
      scf.if %cond3A_458 {
        %sub3A = arith.constant 4 : i32
        %sub3A_479 = arith.subi %mul3A_448, %sub3A : i32
        %shift_right_arithmetic3A_480 = arith.constant 6 : i32
        %shift_right_arithmetic3A_481 = arith.shrsi %sub3A_479, %shift_right_arithmetic3A_480 : i32
        %and3A_482 = arith.constant 63 : i32
        %and3A_483 = arith.andi %sub3A_479, %and3A_482 : i32
        %and3A_484 = arith.constant 1 : i32
        %and3A_485 = arith.andi %shift_right_arithmetic3A_481, %and3A_484 : i32
        %and3A_486 = arith.constant 7 : i32
        %and3A_487 = arith.andi %sub3A_479, %and3A_486 : i32
        %mul3A_488 = arith.constant 32 : i32
        %mul3A_489 = arith.muli %and3A_487, %mul3A_488 : i32
        %eq3A = arith.constant 0 : i32
        %eq3A_490 = arith.cmpi eq, %and3A_483, %eq3A : i32
        %ge3A_491 = arith.constant 2 : i32
        %ge3A_492 = arith.cmpi sge, %shift_right_arithmetic3A_481, %ge3A_491 : i32
        %and3A_493 = arith.andi %eq3A_490, %ge3A_492 : i1
        %convert_element_type3A_494 = arith.extui %and3A_493 : i1 to i32
        %cond3A_495 = arith.constant 0 : i32
        %cond3A_496 = arith.cmpi ne, %convert_element_type3A_494, %cond3A_495 : i32
        scf.if %cond3A_496 {
          %sub3A_1553 = arith.constant 2 : i32
          %sub3A_1554 = arith.subi %shift_right_arithmetic3A_481, %sub3A_1553 : i32
          %mul3A_1555 = arith.constant 1024 : i32
          %mul3A_1556 = arith.muli %sub3A_1554, %mul3A_1555 : i32
          %add3A_1557 = arith.addi %mul3A_2, %mul3A_1556 : i32
          %dma_wait3A_1558 = arith.constant 0 : i32
          %dma_wait3A_1559 = arith.constant 0 : i32
          %dma_wait3A_1560 = arith.constant 0 : i32
          %dma_wait3A_1561 = tpu.memref_slice %arg8[%and3A_485, %dma_wait3A_1558, %dma_wait3A_1560] : memref<2x12x1024xi32, #tpu.memory_space<vmem>> -> memref<1x1x1024xi32, #tpu.memory_space<vmem>>
          %dma_wait3A_1562 = tpu.memref_squeeze %dma_wait3A_1561 : memref<1x1x1024xi32, #tpu.memory_space<vmem>> -> memref<1024xi32, #tpu.memory_space<vmem>>
          %dma_wait3A_1563 = tpu.memref_slice %arg5[%dma_wait3A_1559, %add3A_1557] : memref<12x524288xi32, #tpu.memory_space<hbm>> -> memref<1x1024xi32, #tpu.memory_space<hbm>>
          %dma_wait3A_1564 = tpu.memref_squeeze %dma_wait3A_1563 : memref<1x1024xi32, #tpu.memory_space<hbm>> -> memref<1024xi32, #tpu.memory_space<hbm>>
          %dma_wait3A_1565 = tpu.memref_slice %arg14[%and3A_485] : memref<2x!tpu.dma_semaphore, #tpu.memory_space<semaphore_mem>> -> memref<1x!tpu.dma_semaphore, #tpu.memory_space<semaphore_mem>>
          %dma_wait3A_1566 = tpu.memref_squeeze %dma_wait3A_1565 : memref<1x!tpu.dma_semaphore, #tpu.memory_space<semaphore_mem>> -> memref<!tpu.dma_semaphore, #tpu.memory_space<semaphore_mem>>
          %dma_wait3A_1567 = tpu.memref_slice %arg5[%dma_wait3A_1559, %add3A_1557] : memref<12x524288xi32, #tpu.memory_space<hbm>> -> memref<1x1024xi32, #tpu.memory_space<hbm>>
          %dma_wait3A_1568 = tpu.memref_squeeze %dma_wait3A_1567 : memref<1x1024xi32, #tpu.memory_space<hbm>> -> memref<1024xi32, #tpu.memory_space<hbm>>
          %dma_wait3A_1569 = arith.constant 0 : i32
          %dma_wait3A_1570 = tpu.memref_slice %arg8[%and3A_485, %dma_wait3A_1558, %dma_wait3A_1569] : memref<2x12x1024xi32, #tpu.memory_space<vmem>> -> memref<1x1x1024xi32, #tpu.memory_space<vmem>>
          %dma_wait3A_1571 = tpu.memref_squeeze %dma_wait3A_1570 : memref<1x1x1024xi32, #tpu.memory_space<vmem>> -> memref<1024xi32, #tpu.memory_space<vmem>>
          tpu.wait_dma2 semaphore(%dma_wait3A_1566 : memref<!tpu.dma_semaphore, #tpu.memory_space<semaphore_mem>>) src(%dma_wait3A_1571 : memref<1024xi32, #tpu.memory_space<vmem>>) dst(%dma_wait3A_1568 : memref<1024xi32, #tpu.memory_space<hbm>>)
          %sub3A_1572 = arith.constant 2 : i32
          %sub3A_1573 = arith.subi %shift_right_arithmetic3A_481, %sub3A_1572 : i32
          %mul3A_1574 = arith.constant 1024 : i32
          %mul3A_1575 = arith.muli %sub3A_1573, %mul3A_1574 : i32
          %add3A_1576 = arith.addi %mul3A_2, %mul3A_1575 : i32
          %dma_wait3A_1577 = arith.constant 1 : i32
          %dma_wait3A_1578 = arith.constant 1 : i32
          %dma_wait3A_1579 = arith.constant 0 : i32
          %dma_wait3A_1580 = tpu.memref_slice %arg8[%and3A_485, %dma_wait3A_1577, %dma_wait3A_1579] : memref<2x12x1024xi32, #tpu.memory_space<vmem>> -> memref<1x1x1024xi32, #tpu.memory_space<vmem>>
          %dma_wait3A_1581 = tpu.memref_squeeze %dma_wait3A_1580 : memref<1x1x1024xi32, #tpu.memory_space<vmem>> -> memref<1024xi32, #tpu.memory_space<vmem>>
          %dma_wait3A_1582 = tpu.memref_slice %arg5[%dma_wait3A_1578, %add3A_1576] : memref<12x524288xi32, #tpu.memory_space<hbm>> -> memref<1x1024xi32, #tpu.memory_space<hbm>>
          %dma_wait3A_1583 = tpu.memref_squeeze %dma_wait3A_1582 : memref<1x1024xi32, #tpu.memory_space<hbm>> -> memref<1024xi32, #tpu.memory_space<hbm>>
          %dma_wait3A_1584 = tpu.memref_slice %arg14[%and3A_485] : memref<2x!tpu.dma_semaphore, #tpu.memory_space<semaphore_mem>> -> memref<1x!tpu.dma_semaphore, #tpu.memory_space<semaphore_mem>>
          %dma_wait3A_1585 = tpu.memref_squeeze %dma_wait3A_1584 : memref<1x!tpu.dma_semaphore, #tpu.memory_space<semaphore_mem>> -> memref<!tpu.dma_semaphore, #tpu.memory_space<semaphore_mem>>
          %dma_wait3A_1586 = tpu.memref_slice %arg5[%dma_wait3A_1578, %add3A_1576] : memref<12x524288xi32, #tpu.memory_space<hbm>> -> memref<1x1024xi32, #tpu.memory_space<hbm>>
          %dma_wait3A_1587 = tpu.memref_squeeze %dma_wait3A_1586 : memref<1x1024xi32, #tpu.memory_space<hbm>> -> memref<1024xi32, #tpu.memory_space<hbm>>
          %dma_wait3A_1588 = arith.constant 0 : i32
          %dma_wait3A_1589 = tpu.memref_slice %arg8[%and3A_485, %dma_wait3A_1577, %dma_wait3A_1588] : memref<2x12x1024xi32, #tpu.memory_space<vmem>> -> memref<1x1x1024xi32, #tpu.memory_space<vmem>>
          %dma_wait3A_1590 = tpu.memref_squeeze %dma_wait3A_1589 : memref<1x1x1024xi32, #tpu.memory_space<vmem>> -> memref<1024xi32, #tpu.memory_space<vmem>>
          tpu.wait_dma2 semaphore(%dma_wait3A_1585 : memref<!tpu.dma_semaphore, #tpu.memory_space<semaphore_mem>>) src(%dma_wait3A_1590 : memref<1024xi32, #tpu.memory_space<vmem>>) dst(%dma_wait3A_1587 : memref<1024xi32, #tpu.memory_space<hbm>>)
          %sub3A_1591 = arith.constant 2 : i32
          %sub3A_1592 = arith.subi %shift_right_arithmetic3A_481, %sub3A_1591 : i32
          %mul3A_1593 = arith.constant 1024 : i32
          %mul3A_1594 = arith.muli %sub3A_1592, %mul3A_1593 : i32
          %add3A_1595 = arith.addi %mul3A_2, %mul3A_1594 : i32
          %dma_wait3A_1596 = arith.constant 2 : i32
          %dma_wait3A_1597 = arith.constant 2 : i32
          %dma_wait3A_1598 = arith.constant 0 : i32
          %dma_wait3A_1599 = tpu.memref_slice %arg8[%and3A_485, %dma_wait3A_1596, %dma_wait3A_1598] : memref<2x12x1024xi32, #tpu.memory_space<vmem>> -> memref<1x1x1024xi32, #tpu.memory_space<vmem>>
          %dma_wait3A_1600 = tpu.memref_squeeze %dma_wait3A_1599 : memref<1x1x1024xi32, #tpu.memory_space<vmem>> -> memref<1024xi32, #tpu.memory_space<vmem>>
          %dma_wait3A_1601 = tpu.memref_slice %arg5[%dma_wait3A_1597, %add3A_1595] : memref<12x524288xi32, #tpu.memory_space<hbm>> -> memref<1x1024xi32, #tpu.memory_space<hbm>>
          %dma_wait3A_1602 = tpu.memref_squeeze %dma_wait3A_1601 : memref<1x1024xi32, #tpu.memory_space<hbm>> -> memref<1024xi32, #tpu.memory_space<hbm>>
          %dma_wait3A_1603 = tpu.memref_slice %arg14[%and3A_485] : memref<2x!tpu.dma_semaphore, #tpu.memory_space<semaphore_mem>> -> memref<1x!tpu.dma_semaphore, #tpu.memory_space<semaphore_mem>>
          %dma_wait3A_1604 = tpu.memref_squeeze %dma_wait3A_1603 : memref<1x!tpu.dma_semaphore, #tpu.memory_space<semaphore_mem>> -> memref<!tpu.dma_semaphore, #tpu.memory_space<semaphore_mem>>
          %dma_wait3A_1605 = tpu.memref_slice %arg5[%dma_wait3A_1597, %add3A_1595] : memref<12x524288xi32, #tpu.memory_space<hbm>> -> memref<1x1024xi32, #tpu.memory_space<hbm>>
          %dma_wait3A_1606 = tpu.memref_squeeze %dma_wait3A_1605 : memref<1x1024xi32, #tpu.memory_space<hbm>> -> memref<1024xi32, #tpu.memory_space<hbm>>
          %dma_wait3A_1607 = arith.constant 0 : i32
          %dma_wait3A_1608 = tpu.memref_slice %arg8[%and3A_485, %dma_wait3A_1596, %dma_wait3A_1607] : memref<2x12x1024xi32, #tpu.memory_space<vmem>> -> memref<1x1x1024xi32, #tpu.memory_space<vmem>>
          %dma_wait3A_1609 = tpu.memref_squeeze %dma_wait3A_1608 : memref<1x1x1024xi32, #tpu.memory_space<vmem>> -> memref<1024xi32, #tpu.memory_space<vmem>>
          tpu.wait_dma2 semaphore(%dma_wait3A_1604 : memref<!tpu.dma_semaphore, #tpu.memory_space<semaphore_mem>>) src(%dma_wait3A_1609 : memref<1024xi32, #tpu.memory_space<vmem>>) dst(%dma_wait3A_1606 : memref<1024xi32, #tpu.memory_space<hbm>>)
          %sub3A_1610 = arith.constant 2 : i32
          %sub3A_1611 = arith.subi %shift_right_arithmetic3A_481, %sub3A_1610 : i32
          %mul3A_1612 = arith.constant 1024 : i32
          %mul3A_1613 = arith.muli %sub3A_1611, %mul3A_1612 : i32
          %add3A_1614 = arith.addi %mul3A_2, %mul3A_1613 : i32
          %dma_wait3A_1615 = arith.constant 3 : i32
          %dma_wait3A_1616 = arith.constant 3 : i32
          %dma_wait3A_1617 = arith.constant 0 : i32
          %dma_wait3A_1618 = tpu.memref_slice %arg8[%and3A_485, %dma_wait3A_1615, %dma_wait3A_1617] : memref<2x12x1024xi32, #tpu.memory_space<vmem>> -> memref<1x1x1024xi32, #tpu.memory_space<vmem>>
          %dma_wait3A_1619 = tpu.memref_squeeze %dma_wait3A_1618 : memref<1x1x1024xi32, #tpu.memory_space<vmem>> -> memref<1024xi32, #tpu.memory_space<vmem>>
          %dma_wait3A_1620 = tpu.memref_slice %arg5[%dma_wait3A_1616, %add3A_1614] : memref<12x524288xi32, #tpu.memory_space<hbm>> -> memref<1x1024xi32, #tpu.memory_space<hbm>>
          %dma_wait3A_1621 = tpu.memref_squeeze %dma_wait3A_1620 : memref<1x1024xi32, #tpu.memory_space<hbm>> -> memref<1024xi32, #tpu.memory_space<hbm>>
          %dma_wait3A_1622 = tpu.memref_slice %arg14[%and3A_485] : memref<2x!tpu.dma_semaphore, #tpu.memory_space<semaphore_mem>> -> memref<1x!tpu.dma_semaphore, #tpu.memory_space<semaphore_mem>>
          %dma_wait3A_1623 = tpu.memref_squeeze %dma_wait3A_1622 : memref<1x!tpu.dma_semaphore, #tpu.memory_space<semaphore_mem>> -> memref<!tpu.dma_semaphore, #tpu.memory_space<semaphore_mem>>
          %dma_wait3A_1624 = tpu.memref_slice %arg5[%dma_wait3A_1616, %add3A_1614] : memref<12x524288xi32, #tpu.memory_space<hbm>> -> memref<1x1024xi32, #tpu.memory_space<hbm>>
          %dma_wait3A_1625 = tpu.memref_squeeze %dma_wait3A_1624 : memref<1x1024xi32, #tpu.memory_space<hbm>> -> memref<1024xi32, #tpu.memory_space<hbm>>
          %dma_wait3A_1626 = arith.constant 0 : i32
          %dma_wait3A_1627 = tpu.memref_slice %arg8[%and3A_485, %dma_wait3A_1615, %dma_wait3A_1626] : memref<2x12x1024xi32, #tpu.memory_space<vmem>> -> memref<1x1x1024xi32, #tpu.memory_space<vmem>>
          %dma_wait3A_1628 = tpu.memref_squeeze %dma_wait3A_1627 : memref<1x1x1024xi32, #tpu.memory_space<vmem>> -> memref<1024xi32, #tpu.memory_space<vmem>>
          tpu.wait_dma2 semaphore(%dma_wait3A_1623 : memref<!tpu.dma_semaphore, #tpu.memory_space<semaphore_mem>>) src(%dma_wait3A_1628 : memref<1024xi32, #tpu.memory_space<vmem>>) dst(%dma_wait3A_1625 : memref<1024xi32, #tpu.memory_space<hbm>>)
          %sub3A_1629 = arith.constant 2 : i32
          %sub3A_1630 = arith.subi %shift_right_arithmetic3A_481, %sub3A_1629 : i32
          %mul3A_1631 = arith.constant 1024 : i32
          %mul3A_1632 = arith.muli %sub3A_1630, %mul3A_1631 : i32
          %add3A_1633 = arith.addi %mul3A_2, %mul3A_1632 : i32
          %dma_wait3A_1634 = arith.constant 4 : i32
          %dma_wait3A_1635 = arith.constant 4 : i32
          %dma_wait3A_1636 = arith.constant 0 : i32
          %dma_wait3A_1637 = tpu.memref_slice %arg8[%and3A_485, %dma_wait3A_1634, %dma_wait3A_1636] : memref<2x12x1024xi32, #tpu.memory_space<vmem>> -> memref<1x1x1024xi32, #tpu.memory_space<vmem>>
          %dma_wait3A_1638 = tpu.memref_squeeze %dma_wait3A_1637 : memref<1x1x1024xi32, #tpu.memory_space<vmem>> -> memref<1024xi32, #tpu.memory_space<vmem>>
          %dma_wait3A_1639 = tpu.memref_slice %arg5[%dma_wait3A_1635, %add3A_1633] : memref<12x524288xi32, #tpu.memory_space<hbm>> -> memref<1x1024xi32, #tpu.memory_space<hbm>>
          %dma_wait3A_1640 = tpu.memref_squeeze %dma_wait3A_1639 : memref<1x1024xi32, #tpu.memory_space<hbm>> -> memref<1024xi32, #tpu.memory_space<hbm>>
          %dma_wait3A_1641 = tpu.memref_slice %arg14[%and3A_485] : memref<2x!tpu.dma_semaphore, #tpu.memory_space<semaphore_mem>> -> memref<1x!tpu.dma_semaphore, #tpu.memory_space<semaphore_mem>>
          %dma_wait3A_1642 = tpu.memref_squeeze %dma_wait3A_1641 : memref<1x!tpu.dma_semaphore, #tpu.memory_space<semaphore_mem>> -> memref<!tpu.dma_semaphore, #tpu.memory_space<semaphore_mem>>
          %dma_wait3A_1643 = tpu.memref_slice %arg5[%dma_wait3A_1635, %add3A_1633] : memref<12x524288xi32, #tpu.memory_space<hbm>> -> memref<1x1024xi32, #tpu.memory_space<hbm>>
          %dma_wait3A_1644 = tpu.memref_squeeze %dma_wait3A_1643 : memref<1x1024xi32, #tpu.memory_space<hbm>> -> memref<1024xi32, #tpu.memory_space<hbm>>
          %dma_wait3A_1645 = arith.constant 0 : i32
          %dma_wait3A_1646 = tpu.memref_slice %arg8[%and3A_485, %dma_wait3A_1634, %dma_wait3A_1645] : memref<2x12x1024xi32, #tpu.memory_space<vmem>> -> memref<1x1x1024xi32, #tpu.memory_space<vmem>>
          %dma_wait3A_1647 = tpu.memref_squeeze %dma_wait3A_1646 : memref<1x1x1024xi32, #tpu.memory_space<vmem>> -> memref<1024xi32, #tpu.memory_space<vmem>>
          tpu.wait_dma2 semaphore(%dma_wait3A_1642 : memref<!tpu.dma_semaphore, #tpu.memory_space<semaphore_mem>>) src(%dma_wait3A_1647 : memref<1024xi32, #tpu.memory_space<vmem>>) dst(%dma_wait3A_1644 : memref<1024xi32, #tpu.memory_space<hbm>>)
          %sub3A_1648 = arith.constant 2 : i32
          %sub3A_1649 = arith.subi %shift_right_arithmetic3A_481, %sub3A_1648 : i32
          %mul3A_1650 = arith.constant 1024 : i32
          %mul3A_1651 = arith.muli %sub3A_1649, %mul3A_1650 : i32
          %add3A_1652 = arith.addi %mul3A_2, %mul3A_1651 : i32
          %dma_wait3A_1653 = arith.constant 5 : i32
          %dma_wait3A_1654 = arith.constant 5 : i32
          %dma_wait3A_1655 = arith.constant 0 : i32
          %dma_wait3A_1656 = tpu.memref_slice %arg8[%and3A_485, %dma_wait3A_1653, %dma_wait3A_1655] : memref<2x12x1024xi32, #tpu.memory_space<vmem>> -> memref<1x1x1024xi32, #tpu.memory_space<vmem>>
          %dma_wait3A_1657 = tpu.memref_squeeze %dma_wait3A_1656 : memref<1x1x1024xi32, #tpu.memory_space<vmem>> -> memref<1024xi32, #tpu.memory_space<vmem>>
          %dma_wait3A_1658 = tpu.memref_slice %arg5[%dma_wait3A_1654, %add3A_1652] : memref<12x524288xi32, #tpu.memory_space<hbm>> -> memref<1x1024xi32, #tpu.memory_space<hbm>>
          %dma_wait3A_1659 = tpu.memref_squeeze %dma_wait3A_1658 : memref<1x1024xi32, #tpu.memory_space<hbm>> -> memref<1024xi32, #tpu.memory_space<hbm>>
          %dma_wait3A_1660 = tpu.memref_slice %arg14[%and3A_485] : memref<2x!tpu.dma_semaphore, #tpu.memory_space<semaphore_mem>> -> memref<1x!tpu.dma_semaphore, #tpu.memory_space<semaphore_mem>>
          %dma_wait3A_1661 = tpu.memref_squeeze %dma_wait3A_1660 : memref<1x!tpu.dma_semaphore, #tpu.memory_space<semaphore_mem>> -> memref<!tpu.dma_semaphore, #tpu.memory_space<semaphore_mem>>
          %dma_wait3A_1662 = tpu.memref_slice %arg5[%dma_wait3A_1654, %add3A_1652] : memref<12x524288xi32, #tpu.memory_space<hbm>> -> memref<1x1024xi32, #tpu.memory_space<hbm>>
          %dma_wait3A_1663 = tpu.memref_squeeze %dma_wait3A_1662 : memref<1x1024xi32, #tpu.memory_space<hbm>> -> memref<1024xi32, #tpu.memory_space<hbm>>
          %dma_wait3A_1664 = arith.constant 0 : i32
          %dma_wait3A_1665 = tpu.memref_slice %arg8[%and3A_485, %dma_wait3A_1653, %dma_wait3A_1664] : memref<2x12x1024xi32, #tpu.memory_space<vmem>> -> memref<1x1x1024xi32, #tpu.memory_space<vmem>>
          %dma_wait3A_1666 = tpu.memref_squeeze %dma_wait3A_1665 : memref<1x1x1024xi32, #tpu.memory_space<vmem>> -> memref<1024xi32, #tpu.memory_space<vmem>>
          tpu.wait_dma2 semaphore(%dma_wait3A_1661 : memref<!tpu.dma_semaphore, #tpu.memory_space<semaphore_mem>>) src(%dma_wait3A_1666 : memref<1024xi32, #tpu.memory_space<vmem>>) dst(%dma_wait3A_1663 : memref<1024xi32, #tpu.memory_space<hbm>>)
          %sub3A_1667 = arith.constant 2 : i32
          %sub3A_1668 = arith.subi %shift_right_arithmetic3A_481, %sub3A_1667 : i32
          %mul3A_1669 = arith.constant 1024 : i32
          %mul3A_1670 = arith.muli %sub3A_1668, %mul3A_1669 : i32
          %add3A_1671 = arith.addi %mul3A_2, %mul3A_1670 : i32
          %dma_wait3A_1672 = arith.constant 6 : i32
          %dma_wait3A_1673 = arith.constant 6 : i32
          %dma_wait3A_1674 = arith.constant 0 : i32
          %dma_wait3A_1675 = tpu.memref_slice %arg8[%and3A_485, %dma_wait3A_1672, %dma_wait3A_1674] : memref<2x12x1024xi32, #tpu.memory_space<vmem>> -> memref<1x1x1024xi32, #tpu.memory_space<vmem>>
          %dma_wait3A_1676 = tpu.memref_squeeze %dma_wait3A_1675 : memref<1x1x1024xi32, #tpu.memory_space<vmem>> -> memref<1024xi32, #tpu.memory_space<vmem>>
          %dma_wait3A_1677 = tpu.memref_slice %arg5[%dma_wait3A_1673, %add3A_1671] : memref<12x524288xi32, #tpu.memory_space<hbm>> -> memref<1x1024xi32, #tpu.memory_space<hbm>>
          %dma_wait3A_1678 = tpu.memref_squeeze %dma_wait3A_1677 : memref<1x1024xi32, #tpu.memory_space<hbm>> -> memref<1024xi32, #tpu.memory_space<hbm>>
          %dma_wait3A_1679 = tpu.memref_slice %arg14[%and3A_485] : memref<2x!tpu.dma_semaphore, #tpu.memory_space<semaphore_mem>> -> memref<1x!tpu.dma_semaphore, #tpu.memory_space<semaphore_mem>>
          %dma_wait3A_1680 = tpu.memref_squeeze %dma_wait3A_1679 : memref<1x!tpu.dma_semaphore, #tpu.memory_space<semaphore_mem>> -> memref<!tpu.dma_semaphore, #tpu.memory_space<semaphore_mem>>
          %dma_wait3A_1681 = tpu.memref_slice %arg5[%dma_wait3A_1673, %add3A_1671] : memref<12x524288xi32, #tpu.memory_space<hbm>> -> memref<1x1024xi32, #tpu.memory_space<hbm>>
          %dma_wait3A_1682 = tpu.memref_squeeze %dma_wait3A_1681 : memref<1x1024xi32, #tpu.memory_space<hbm>> -> memref<1024xi32, #tpu.memory_space<hbm>>
          %dma_wait3A_1683 = arith.constant 0 : i32
          %dma_wait3A_1684 = tpu.memref_slice %arg8[%and3A_485, %dma_wait3A_1672, %dma_wait3A_1683] : memref<2x12x1024xi32, #tpu.memory_space<vmem>> -> memref<1x1x1024xi32, #tpu.memory_space<vmem>>
          %dma_wait3A_1685 = tpu.memref_squeeze %dma_wait3A_1684 : memref<1x1x1024xi32, #tpu.memory_space<vmem>> -> memref<1024xi32, #tpu.memory_space<vmem>>
          tpu.wait_dma2 semaphore(%dma_wait3A_1680 : memref<!tpu.dma_semaphore, #tpu.memory_space<semaphore_mem>>) src(%dma_wait3A_1685 : memref<1024xi32, #tpu.memory_space<vmem>>) dst(%dma_wait3A_1682 : memref<1024xi32, #tpu.memory_space<hbm>>)
          %sub3A_1686 = arith.constant 2 : i32
          %sub3A_1687 = arith.subi %shift_right_arithmetic3A_481, %sub3A_1686 : i32
          %mul3A_1688 = arith.constant 1024 : i32
          %mul3A_1689 = arith.muli %sub3A_1687, %mul3A_1688 : i32
          %add3A_1690 = arith.addi %mul3A_2, %mul3A_1689 : i32
          %dma_wait3A_1691 = arith.constant 7 : i32
          %dma_wait3A_1692 = arith.constant 7 : i32
          %dma_wait3A_1693 = arith.constant 0 : i32
          %dma_wait3A_1694 = tpu.memref_slice %arg8[%and3A_485, %dma_wait3A_1691, %dma_wait3A_1693] : memref<2x12x1024xi32, #tpu.memory_space<vmem>> -> memref<1x1x1024xi32, #tpu.memory_space<vmem>>
          %dma_wait3A_1695 = tpu.memref_squeeze %dma_wait3A_1694 : memref<1x1x1024xi32, #tpu.memory_space<vmem>> -> memref<1024xi32, #tpu.memory_space<vmem>>
          %dma_wait3A_1696 = tpu.memref_slice %arg5[%dma_wait3A_1692, %add3A_1690] : memref<12x524288xi32, #tpu.memory_space<hbm>> -> memref<1x1024xi32, #tpu.memory_space<hbm>>
          %dma_wait3A_1697 = tpu.memref_squeeze %dma_wait3A_1696 : memref<1x1024xi32, #tpu.memory_space<hbm>> -> memref<1024xi32, #tpu.memory_space<hbm>>
          %dma_wait3A_1698 = tpu.memref_slice %arg14[%and3A_485] : memref<2x!tpu.dma_semaphore, #tpu.memory_space<semaphore_mem>> -> memref<1x!tpu.dma_semaphore, #tpu.memory_space<semaphore_mem>>
          %dma_wait3A_1699 = tpu.memref_squeeze %dma_wait3A_1698 : memref<1x!tpu.dma_semaphore, #tpu.memory_space<semaphore_mem>> -> memref<!tpu.dma_semaphore, #tpu.memory_space<semaphore_mem>>
          %dma_wait3A_1700 = tpu.memref_slice %arg5[%dma_wait3A_1692, %add3A_1690] : memref<12x524288xi32, #tpu.memory_space<hbm>> -> memref<1x1024xi32, #tpu.memory_space<hbm>>
          %dma_wait3A_1701 = tpu.memref_squeeze %dma_wait3A_1700 : memref<1x1024xi32, #tpu.memory_space<hbm>> -> memref<1024xi32, #tpu.memory_space<hbm>>
          %dma_wait3A_1702 = arith.constant 0 : i32
          %dma_wait3A_1703 = tpu.memref_slice %arg8[%and3A_485, %dma_wait3A_1691, %dma_wait3A_1702] : memref<2x12x1024xi32, #tpu.memory_space<vmem>> -> memref<1x1x1024xi32, #tpu.memory_space<vmem>>
          %dma_wait3A_1704 = tpu.memref_squeeze %dma_wait3A_1703 : memref<1x1x1024xi32, #tpu.memory_space<vmem>> -> memref<1024xi32, #tpu.memory_space<vmem>>
          tpu.wait_dma2 semaphore(%dma_wait3A_1699 : memref<!tpu.dma_semaphore, #tpu.memory_space<semaphore_mem>>) src(%dma_wait3A_1704 : memref<1024xi32, #tpu.memory_space<vmem>>) dst(%dma_wait3A_1701 : memref<1024xi32, #tpu.memory_space<hbm>>)
          %sub3A_1705 = arith.constant 2 : i32
          %sub3A_1706 = arith.subi %shift_right_arithmetic3A_481, %sub3A_1705 : i32
          %mul3A_1707 = arith.constant 1024 : i32
          %mul3A_1708 = arith.muli %sub3A_1706, %mul3A_1707 : i32
          %add3A_1709 = arith.addi %mul3A_2, %mul3A_1708 : i32
          %dma_wait3A_1710 = arith.constant 8 : i32
          %dma_wait3A_1711 = arith.constant 8 : i32
          %dma_wait3A_1712 = arith.constant 0 : i32
          %dma_wait3A_1713 = tpu.memref_slice %arg8[%and3A_485, %dma_wait3A_1710, %dma_wait3A_1712] : memref<2x12x1024xi32, #tpu.memory_space<vmem>> -> memref<1x1x1024xi32, #tpu.memory_space<vmem>>
          %dma_wait3A_1714 = tpu.memref_squeeze %dma_wait3A_1713 : memref<1x1x1024xi32, #tpu.memory_space<vmem>> -> memref<1024xi32, #tpu.memory_space<vmem>>
          %dma_wait3A_1715 = tpu.memref_slice %arg5[%dma_wait3A_1711, %add3A_1709] : memref<12x524288xi32, #tpu.memory_space<hbm>> -> memref<1x1024xi32, #tpu.memory_space<hbm>>
          %dma_wait3A_1716 = tpu.memref_squeeze %dma_wait3A_1715 : memref<1x1024xi32, #tpu.memory_space<hbm>> -> memref<1024xi32, #tpu.memory_space<hbm>>
          %dma_wait3A_1717 = tpu.memref_slice %arg14[%and3A_485] : memref<2x!tpu.dma_semaphore, #tpu.memory_space<semaphore_mem>> -> memref<1x!tpu.dma_semaphore, #tpu.memory_space<semaphore_mem>>
          %dma_wait3A_1718 = tpu.memref_squeeze %dma_wait3A_1717 : memref<1x!tpu.dma_semaphore, #tpu.memory_space<semaphore_mem>> -> memref<!tpu.dma_semaphore, #tpu.memory_space<semaphore_mem>>
          %dma_wait3A_1719 = tpu.memref_slice %arg5[%dma_wait3A_1711, %add3A_1709] : memref<12x524288xi32, #tpu.memory_space<hbm>> -> memref<1x1024xi32, #tpu.memory_space<hbm>>
          %dma_wait3A_1720 = tpu.memref_squeeze %dma_wait3A_1719 : memref<1x1024xi32, #tpu.memory_space<hbm>> -> memref<1024xi32, #tpu.memory_space<hbm>>
          %dma_wait3A_1721 = arith.constant 0 : i32
          %dma_wait3A_1722 = tpu.memref_slice %arg8[%and3A_485, %dma_wait3A_1710, %dma_wait3A_1721] : memref<2x12x1024xi32, #tpu.memory_space<vmem>> -> memref<1x1x1024xi32, #tpu.memory_space<vmem>>
          %dma_wait3A_1723 = tpu.memref_squeeze %dma_wait3A_1722 : memref<1x1x1024xi32, #tpu.memory_space<vmem>> -> memref<1024xi32, #tpu.memory_space<vmem>>
          tpu.wait_dma2 semaphore(%dma_wait3A_1718 : memref<!tpu.dma_semaphore, #tpu.memory_space<semaphore_mem>>) src(%dma_wait3A_1723 : memref<1024xi32, #tpu.memory_space<vmem>>) dst(%dma_wait3A_1720 : memref<1024xi32, #tpu.memory_space<hbm>>)
          %sub3A_1724 = arith.constant 2 : i32
          %sub3A_1725 = arith.subi %shift_right_arithmetic3A_481, %sub3A_1724 : i32
          %mul3A_1726 = arith.constant 1024 : i32
          %mul3A_1727 = arith.muli %sub3A_1725, %mul3A_1726 : i32
          %add3A_1728 = arith.addi %mul3A_2, %mul3A_1727 : i32
          %dma_wait3A_1729 = arith.constant 9 : i32
          %dma_wait3A_1730 = arith.constant 9 : i32
          %dma_wait3A_1731 = arith.constant 0 : i32
          %dma_wait3A_1732 = tpu.memref_slice %arg8[%and3A_485, %dma_wait3A_1729, %dma_wait3A_1731] : memref<2x12x1024xi32, #tpu.memory_space<vmem>> -> memref<1x1x1024xi32, #tpu.memory_space<vmem>>
          %dma_wait3A_1733 = tpu.memref_squeeze %dma_wait3A_1732 : memref<1x1x1024xi32, #tpu.memory_space<vmem>> -> memref<1024xi32, #tpu.memory_space<vmem>>
          %dma_wait3A_1734 = tpu.memref_slice %arg5[%dma_wait3A_1730, %add3A_1728] : memref<12x524288xi32, #tpu.memory_space<hbm>> -> memref<1x1024xi32, #tpu.memory_space<hbm>>
          %dma_wait3A_1735 = tpu.memref_squeeze %dma_wait3A_1734 : memref<1x1024xi32, #tpu.memory_space<hbm>> -> memref<1024xi32, #tpu.memory_space<hbm>>
          %dma_wait3A_1736 = tpu.memref_slice %arg14[%and3A_485] : memref<2x!tpu.dma_semaphore, #tpu.memory_space<semaphore_mem>> -> memref<1x!tpu.dma_semaphore, #tpu.memory_space<semaphore_mem>>
          %dma_wait3A_1737 = tpu.memref_squeeze %dma_wait3A_1736 : memref<1x!tpu.dma_semaphore, #tpu.memory_space<semaphore_mem>> -> memref<!tpu.dma_semaphore, #tpu.memory_space<semaphore_mem>>
          %dma_wait3A_1738 = tpu.memref_slice %arg5[%dma_wait3A_1730, %add3A_1728] : memref<12x524288xi32, #tpu.memory_space<hbm>> -> memref<1x1024xi32, #tpu.memory_space<hbm>>
          %dma_wait3A_1739 = tpu.memref_squeeze %dma_wait3A_1738 : memref<1x1024xi32, #tpu.memory_space<hbm>> -> memref<1024xi32, #tpu.memory_space<hbm>>
          %dma_wait3A_1740 = arith.constant 0 : i32
          %dma_wait3A_1741 = tpu.memref_slice %arg8[%and3A_485, %dma_wait3A_1729, %dma_wait3A_1740] : memref<2x12x1024xi32, #tpu.memory_space<vmem>> -> memref<1x1x1024xi32, #tpu.memory_space<vmem>>
          %dma_wait3A_1742 = tpu.memref_squeeze %dma_wait3A_1741 : memref<1x1x1024xi32, #tpu.memory_space<vmem>> -> memref<1024xi32, #tpu.memory_space<vmem>>
          tpu.wait_dma2 semaphore(%dma_wait3A_1737 : memref<!tpu.dma_semaphore, #tpu.memory_space<semaphore_mem>>) src(%dma_wait3A_1742 : memref<1024xi32, #tpu.memory_space<vmem>>) dst(%dma_wait3A_1739 : memref<1024xi32, #tpu.memory_space<hbm>>)
          %sub3A_1743 = arith.constant 2 : i32
          %sub3A_1744 = arith.subi %shift_right_arithmetic3A_481, %sub3A_1743 : i32
          %mul3A_1745 = arith.constant 1024 : i32
          %mul3A_1746 = arith.muli %sub3A_1744, %mul3A_1745 : i32
          %add3A_1747 = arith.addi %mul3A_2, %mul3A_1746 : i32
          %dma_wait3A_1748 = arith.constant 10 : i32
          %dma_wait3A_1749 = arith.constant 10 : i32
          %dma_wait3A_1750 = arith.constant 0 : i32
          %dma_wait3A_1751 = tpu.memref_slice %arg8[%and3A_485, %dma_wait3A_1748, %dma_wait3A_1750] : memref<2x12x1024xi32, #tpu.memory_space<vmem>> -> memref<1x1x1024xi32, #tpu.memory_space<vmem>>
          %dma_wait3A_1752 = tpu.memref_squeeze %dma_wait3A_1751 : memref<1x1x1024xi32, #tpu.memory_space<vmem>> -> memref<1024xi32, #tpu.memory_space<vmem>>
          %dma_wait3A_1753 = tpu.memref_slice %arg5[%dma_wait3A_1749, %add3A_1747] : memref<12x524288xi32, #tpu.memory_space<hbm>> -> memref<1x1024xi32, #tpu.memory_space<hbm>>
          %dma_wait3A_1754 = tpu.memref_squeeze %dma_wait3A_1753 : memref<1x1024xi32, #tpu.memory_space<hbm>> -> memref<1024xi32, #tpu.memory_space<hbm>>
          %dma_wait3A_1755 = tpu.memref_slice %arg14[%and3A_485] : memref<2x!tpu.dma_semaphore, #tpu.memory_space<semaphore_mem>> -> memref<1x!tpu.dma_semaphore, #tpu.memory_space<semaphore_mem>>
          %dma_wait3A_1756 = tpu.memref_squeeze %dma_wait3A_1755 : memref<1x!tpu.dma_semaphore, #tpu.memory_space<semaphore_mem>> -> memref<!tpu.dma_semaphore, #tpu.memory_space<semaphore_mem>>
          %dma_wait3A_1757 = tpu.memref_slice %arg5[%dma_wait3A_1749, %add3A_1747] : memref<12x524288xi32, #tpu.memory_space<hbm>> -> memref<1x1024xi32, #tpu.memory_space<hbm>>
          %dma_wait3A_1758 = tpu.memref_squeeze %dma_wait3A_1757 : memref<1x1024xi32, #tpu.memory_space<hbm>> -> memref<1024xi32, #tpu.memory_space<hbm>>
          %dma_wait3A_1759 = arith.constant 0 : i32
          %dma_wait3A_1760 = tpu.memref_slice %arg8[%and3A_485, %dma_wait3A_1748, %dma_wait3A_1759] : memref<2x12x1024xi32, #tpu.memory_space<vmem>> -> memref<1x1x1024xi32, #tpu.memory_space<vmem>>
          %dma_wait3A_1761 = tpu.memref_squeeze %dma_wait3A_1760 : memref<1x1x1024xi32, #tpu.memory_space<vmem>> -> memref<1024xi32, #tpu.memory_space<vmem>>
          tpu.wait_dma2 semaphore(%dma_wait3A_1756 : memref<!tpu.dma_semaphore, #tpu.memory_space<semaphore_mem>>) src(%dma_wait3A_1761 : memref<1024xi32, #tpu.memory_space<vmem>>) dst(%dma_wait3A_1758 : memref<1024xi32, #tpu.memory_space<hbm>>)
          %sub3A_1762 = arith.constant 2 : i32
          %sub3A_1763 = arith.subi %shift_right_arithmetic3A_481, %sub3A_1762 : i32
          %mul3A_1764 = arith.constant 1024 : i32
          %mul3A_1765 = arith.muli %sub3A_1763, %mul3A_1764 : i32
          %add3A_1766 = arith.addi %mul3A_2, %mul3A_1765 : i32
          %dma_wait3A_1767 = arith.constant 11 : i32
          %dma_wait3A_1768 = arith.constant 11 : i32
          %dma_wait3A_1769 = arith.constant 0 : i32
          %dma_wait3A_1770 = tpu.memref_slice %arg8[%and3A_485, %dma_wait3A_1767, %dma_wait3A_1769] : memref<2x12x1024xi32, #tpu.memory_space<vmem>> -> memref<1x1x1024xi32, #tpu.memory_space<vmem>>
          %dma_wait3A_1771 = tpu.memref_squeeze %dma_wait3A_1770 : memref<1x1x1024xi32, #tpu.memory_space<vmem>> -> memref<1024xi32, #tpu.memory_space<vmem>>
          %dma_wait3A_1772 = tpu.memref_slice %arg5[%dma_wait3A_1768, %add3A_1766] : memref<12x524288xi32, #tpu.memory_space<hbm>> -> memref<1x1024xi32, #tpu.memory_space<hbm>>
          %dma_wait3A_1773 = tpu.memref_squeeze %dma_wait3A_1772 : memref<1x1024xi32, #tpu.memory_space<hbm>> -> memref<1024xi32, #tpu.memory_space<hbm>>
          %dma_wait3A_1774 = tpu.memref_slice %arg14[%and3A_485] : memref<2x!tpu.dma_semaphore, #tpu.memory_space<semaphore_mem>> -> memref<1x!tpu.dma_semaphore, #tpu.memory_space<semaphore_mem>>
          %dma_wait3A_1775 = tpu.memref_squeeze %dma_wait3A_1774 : memref<1x!tpu.dma_semaphore, #tpu.memory_space<semaphore_mem>> -> memref<!tpu.dma_semaphore, #tpu.memory_space<semaphore_mem>>
          %dma_wait3A_1776 = tpu.memref_slice %arg5[%dma_wait3A_1768, %add3A_1766] : memref<12x524288xi32, #tpu.memory_space<hbm>> -> memref<1x1024xi32, #tpu.memory_space<hbm>>
          %dma_wait3A_1777 = tpu.memref_squeeze %dma_wait3A_1776 : memref<1x1024xi32, #tpu.memory_space<hbm>> -> memref<1024xi32, #tpu.memory_space<hbm>>
          %dma_wait3A_1778 = arith.constant 0 : i32
          %dma_wait3A_1779 = tpu.memref_slice %arg8[%and3A_485, %dma_wait3A_1767, %dma_wait3A_1778] : memref<2x12x1024xi32, #tpu.memory_space<vmem>> -> memref<1x1x1024xi32, #tpu.memory_space<vmem>>
          %dma_wait3A_1780 = tpu.memref_squeeze %dma_wait3A_1779 : memref<1x1x1024xi32, #tpu.memory_space<vmem>> -> memref<1024xi32, #tpu.memory_space<vmem>>
          tpu.wait_dma2 semaphore(%dma_wait3A_1775 : memref<!tpu.dma_semaphore, #tpu.memory_space<semaphore_mem>>) src(%dma_wait3A_1780 : memref<1024xi32, #tpu.memory_space<vmem>>) dst(%dma_wait3A_1777 : memref<1024xi32, #tpu.memory_space<hbm>>)
        } else {
        }
        %mul3A_497 = arith.constant 16 : i32
        %mul3A_498 = arith.muli %and3A_483, %mul3A_497 : i32
        %add3A_499 = vector.broadcast %mul3A_498 : i32 to vector<16xi32>
        %add3A_500 = arith.addi %add3A_499, %iota3A : vector<16xi32>
        %mul3A_501 = arith.constant 16 : i32
        %mul3A_502 = arith.muli %and3A_483, %mul3A_501 : i32
        %add3A_503 = vector.broadcast %mul3A_502 : i32 to vector<16xi32>
        %add3A_504 = arith.addi %add3A_503, %iota3A : vector<16xi32>
        %mul3A_505 = arith.constant 6 : i32
        %mul3A_506 = vector.broadcast %mul3A_505 : i32 to vector<16xi32>
        %mul3A_507 = arith.muli %add3A_504, %mul3A_506 : vector<16xi32>
        %mul3A_508 = arith.constant 6144 : i32
        %mul3A_509 = arith.muli %and3A_485, %mul3A_508 : i32
        %add3A_510 = arith.constant 3 : i32
        %add3A_511 = arith.addi %mul3A_509, %add3A_510 : i32
        %add3A_512 = vector.broadcast %add3A_511 : i32 to vector<16xi32>
        %add3A_513 = arith.addi %mul3A_507, %add3A_512 : vector<16xi32>
        %gather3A = tpu.vector_load_idx %arg7[%add3A_513] : memref<12288xf32, #tpu.memory_space<vmem>>[vector<16xi32>], vector<16xf32>,
        %mul3A_514 = arith.constant 16 : i32
        %mul3A_515 = arith.muli %and3A_483, %mul3A_514 : i32
        %add3A_516 = vector.broadcast %mul3A_515 : i32 to vector<16xi32>
        %add3A_517 = arith.addi %add3A_516, %iota3A : vector<16xi32>
        %mul3A_518 = arith.constant 6 : i32
        %mul3A_519 = vector.broadcast %mul3A_518 : i32 to vector<16xi32>
        %mul3A_520 = arith.muli %add3A_517, %mul3A_519 : vector<16xi32>
        %mul3A_521 = arith.constant 6144 : i32
        %mul3A_522 = arith.muli %and3A_485, %mul3A_521 : i32
        %add3A_523 = arith.constant 2 : i32
        %add3A_524 = arith.addi %mul3A_522, %add3A_523 : i32
        %add3A_525 = vector.broadcast %add3A_524 : i32 to vector<16xi32>
        %add3A_526 = arith.addi %mul3A_520, %add3A_525 : vector<16xi32>
        %gather3A_527 = tpu.vector_load_idx %arg7[%add3A_526] : memref<12288xf32, #tpu.memory_space<vmem>>[vector<16xi32>], vector<16xf32>,
        %mul3A_528 = arith.constant 5.000000e+01 : f32
        %mul3A_529 = vector.broadcast %mul3A_528 : f32 to vector<16xf32>
        %mul3A_530 = arith.mulf %gather3A, %mul3A_529 : vector<16xf32>
        %mul3A_531 = arith.constant 4.900000e+01 : f32
        %mul3A_532 = vector.broadcast %mul3A_531 : f32 to vector<16xf32>
        %mul3A_533 = arith.mulf %gather3A_527, %mul3A_532 : vector<16xf32>
        %convert_element_type3A_534 = arith.fptosi %mul3A_530 : vector<16xf32> to vector<16xi32>
        %min3A = arith.constant 49 : i32
        %min3A_535 = vector.broadcast %min3A : i32 to vector<16xi32>
        %min3A_536 = arith.minsi %convert_element_type3A_534, %min3A_535 : vector<16xi32>
        %convert_element_type3A_537 = arith.fptosi %mul3A_533 : vector<16xf32> to vector<16xi32>
        %min3A_538 = arith.constant 48 : i32
        %min3A_539 = vector.broadcast %min3A_538 : i32 to vector<16xi32>
        %min3A_540 = arith.minsi %convert_element_type3A_537, %min3A_539 : vector<16xi32>
        %convert_element_type3A_541 = arith.sitofp %min3A_536 : vector<16xi32> to vector<16xf32>
        %sub3A_542 = arith.subf %mul3A_530, %convert_element_type3A_541 : vector<16xf32>
        %convert_element_type3A_543 = arith.sitofp %min3A_540 : vector<16xi32> to vector<16xf32>
        %sub3A_544 = arith.subf %mul3A_533, %convert_element_type3A_543 : vector<16xf32>
        %mul3A_545 = arith.constant 51 : i32
        %mul3A_546 = vector.broadcast %mul3A_545 : i32 to vector<16xi32>
        %mul3A_547 = arith.muli %min3A_540, %mul3A_546 : vector<16xi32>
        %add3A_548 = arith.addi %mul3A_547, %min3A_536 : vector<16xi32>
        %mul3A_549 = arith.constant 8 : i32
        %mul3A_550 = vector.broadcast %mul3A_549 : i32 to vector<16xi32>
        %mul3A_551 = arith.muli %add3A_548, %mul3A_550 : vector<16xi32>
        %mul3A_552 = arith.constant 16 : i32
        %mul3A_553 = arith.muli %and3A_483, %mul3A_552 : i32
        %add3A_554 = vector.broadcast %mul3A_553 : i32 to vector<16xi32>
        %add3A_555 = arith.addi %add3A_554, %iota3A : vector<16xi32>
        %mul3A_556 = arith.constant 6 : i32
        %mul3A_557 = vector.broadcast %mul3A_556 : i32 to vector<16xi32>
        %mul3A_558 = arith.muli %add3A_555, %mul3A_557 : vector<16xi32>
        %mul3A_559 = arith.constant 6144 : i32
        %mul3A_560 = arith.muli %and3A_485, %mul3A_559 : i32
        %add3A_561 = arith.constant 5 : i32
        %add3A_562 = arith.addi %mul3A_560, %add3A_561 : i32
        %add3A_563 = vector.broadcast %add3A_562 : i32 to vector<16xi32>
        %add3A_564 = arith.addi %mul3A_558, %add3A_563 : vector<16xi32>
        %gather3A_565 = tpu.vector_load_idx %arg7[%add3A_564] : memref<12288xf32, #tpu.memory_space<vmem>>[vector<16xi32>], vector<16xf32>,
        %mul3A_566 = arith.constant 16 : i32
        %mul3A_567 = arith.muli %and3A_483, %mul3A_566 : i32
        %add3A_568 = vector.broadcast %mul3A_567 : i32 to vector<16xi32>
        %add3A_569 = arith.addi %add3A_568, %iota3A : vector<16xi32>
        %mul3A_570 = arith.constant 6 : i32
        %mul3A_571 = vector.broadcast %mul3A_570 : i32 to vector<16xi32>
        %mul3A_572 = arith.muli %add3A_569, %mul3A_571 : vector<16xi32>
        %mul3A_573 = arith.constant 6144 : i32
        %mul3A_574 = arith.muli %and3A_485, %mul3A_573 : i32
        %add3A_575 = arith.constant 4 : i32
        %add3A_576 = arith.addi %mul3A_574, %add3A_575 : i32
        %add3A_577 = vector.broadcast %add3A_576 : i32 to vector<16xi32>
        %add3A_578 = arith.addi %mul3A_572, %add3A_577 : vector<16xi32>
        %gather3A_579 = tpu.vector_load_idx %arg7[%add3A_578] : memref<12288xf32, #tpu.memory_space<vmem>>[vector<16xi32>], vector<16xf32>,
        %mul3A_580 = arith.constant 5.000000e+01 : f32
        %mul3A_581 = vector.broadcast %mul3A_580 : f32 to vector<16xf32>
        %mul3A_582 = arith.mulf %gather3A_565, %mul3A_581 : vector<16xf32>
        %mul3A_583 = arith.constant 4.900000e+01 : f32
        %mul3A_584 = vector.broadcast %mul3A_583 : f32 to vector<16xf32>
        %mul3A_585 = arith.mulf %gather3A_579, %mul3A_584 : vector<16xf32>
        %convert_element_type3A_586 = arith.fptosi %mul3A_582 : vector<16xf32> to vector<16xi32>
        %min3A_587 = arith.constant 49 : i32
        %min3A_588 = vector.broadcast %min3A_587 : i32 to vector<16xi32>
        %min3A_589 = arith.minsi %convert_element_type3A_586, %min3A_588 : vector<16xi32>
        %convert_element_type3A_590 = arith.fptosi %mul3A_585 : vector<16xf32> to vector<16xi32>
        %min3A_591 = arith.constant 48 : i32
        %min3A_592 = vector.broadcast %min3A_591 : i32 to vector<16xi32>
        %min3A_593 = arith.minsi %convert_element_type3A_590, %min3A_592 : vector<16xi32>
        %convert_element_type3A_594 = arith.sitofp %min3A_589 : vector<16xi32> to vector<16xf32>
        %sub3A_595 = arith.subf %mul3A_582, %convert_element_type3A_594 : vector<16xf32>
        %convert_element_type3A_596 = arith.sitofp %min3A_593 : vector<16xi32> to vector<16xf32>
        %sub3A_597 = arith.subf %mul3A_585, %convert_element_type3A_596 : vector<16xf32>
        %mul3A_598 = arith.constant 51 : i32
        %mul3A_599 = vector.broadcast %mul3A_598 : i32 to vector<16xi32>
        %mul3A_600 = arith.muli %min3A_593, %mul3A_599 : vector<16xi32>
        %add3A_601 = arith.addi %mul3A_600, %min3A_589 : vector<16xi32>
        %mul3A_602 = arith.constant 8 : i32
        %mul3A_603 = vector.broadcast %mul3A_602 : i32 to vector<16xi32>
        %mul3A_604 = arith.muli %add3A_601, %mul3A_603 : vector<16xi32>
        %add3A_605 = arith.constant 20400 : i32
        %add3A_606 = vector.broadcast %add3A_605 : i32 to vector<16xi32>
        %add3A_607 = arith.addi %mul3A_604, %add3A_606 : vector<16xi32>
        %sub3A_608 = arith.constant 1.000000e+00 : f32
        %sub3A_609 = vector.broadcast %sub3A_608 : f32 to vector<16xf32>
        %sub3A_610 = arith.subf %sub3A_609, %sub3A_544 : vector<16xf32>
        %mul3A_611 = arith.mulf %sub3A_542, %sub3A_610 : vector<16xf32>
        %sub3A_612 = arith.constant 1.000000e+00 : f32
        %sub3A_613 = vector.broadcast %sub3A_612 : f32 to vector<16xf32>
        %sub3A_614 = arith.subf %sub3A_613, %sub3A_542 : vector<16xf32>
        %mul3A_615 = arith.mulf %sub3A_614, %sub3A_544 : vector<16xf32>
        %mul3A_616 = arith.mulf %sub3A_542, %sub3A_544 : vector<16xf32>
        %sub3A_617 = arith.constant 1.000000e+00 : f32
        %sub3A_618 = vector.broadcast %sub3A_617 : f32 to vector<16xf32>
        %sub3A_619 = arith.subf %sub3A_618, %sub3A_542 : vector<16xf32>
        %sub3A_620 = arith.constant 1.000000e+00 : f32
        %sub3A_621 = vector.broadcast %sub3A_620 : f32 to vector<16xf32>
        %sub3A_622 = arith.subf %sub3A_621, %sub3A_544 : vector<16xf32>
        %mul3A_623 = arith.mulf %sub3A_619, %sub3A_622 : vector<16xf32>
        %sub3A_624 = arith.constant 1.000000e+00 : f32
        %sub3A_625 = vector.broadcast %sub3A_624 : f32 to vector<16xf32>
        %sub3A_626 = arith.subf %sub3A_625, %sub3A_597 : vector<16xf32>
        %mul3A_627 = arith.mulf %sub3A_595, %sub3A_626 : vector<16xf32>
        %sub3A_628 = arith.constant 1.000000e+00 : f32
        %sub3A_629 = vector.broadcast %sub3A_628 : f32 to vector<16xf32>
        %sub3A_630 = arith.subf %sub3A_629, %sub3A_595 : vector<16xf32>
        %mul3A_631 = arith.mulf %sub3A_630, %sub3A_597 : vector<16xf32>
        %mul3A_632 = arith.mulf %sub3A_595, %sub3A_597 : vector<16xf32>
        %sub3A_633 = arith.constant 1.000000e+00 : f32
        %sub3A_634 = vector.broadcast %sub3A_633 : f32 to vector<16xf32>
        %sub3A_635 = arith.subf %sub3A_634, %sub3A_595 : vector<16xf32>
        %sub3A_636 = arith.constant 1.000000e+00 : f32
        %sub3A_637 = vector.broadcast %sub3A_636 : f32 to vector<16xf32>
        %sub3A_638 = arith.subf %sub3A_637, %sub3A_597 : vector<16xf32>
        %mul3A_639 = arith.mulf %sub3A_635, %sub3A_638 : vector<16xf32>
        %add3A_640 = arith.constant 0 : i32
        %add3A_641 = arith.addi %mul3A_489, %add3A_640 : i32
        %add3A_642 = vector.broadcast %add3A_641 : i32 to vector<16xi32>
        %add3A_643 = arith.addi %iota3A, %add3A_642 : vector<16xi32>
        %gather3A_644 = tpu.vector_load_idx %arg10[%add3A_643] : memref<256xi32, #tpu.memory_space<vmem>>[vector<16xi32>], vector<16xi32>,
        %add3A_645 = arith.constant 16 : i32
        %add3A_646 = arith.addi %mul3A_489, %add3A_645 : i32
        %add3A_647 = vector.broadcast %add3A_646 : i32 to vector<16xi32>
        %add3A_648 = arith.addi %iota3A, %add3A_647 : vector<16xi32>
        %gather3A_649 = tpu.vector_load_idx %arg10[%add3A_648] : memref<256xi32, #tpu.memory_space<vmem>>[vector<16xi32>], vector<16xi32>,
        %mul3A_650 = arith.constant 32 : i32
        %mul3A_651 = arith.muli %and3A_487, %mul3A_650 : i32
        %add3A_652 = vector.broadcast %mul3A_651 : i32 to vector<16xi32>
        %add3A_653 = arith.addi %iota3A, %add3A_652 : vector<16xi32>
        %gather3A_654 = tpu.vector_load_idx %arg11[%add3A_653] : memref<256xf32, #tpu.memory_space<vmem>>[vector<16xi32>], vector<16xf32>,
        %mul3A_655 = arith.constant 32 : i32
        %mul3A_656 = arith.muli %and3A_487, %mul3A_655 : i32
        %add3A_657 = arith.constant 16 : i32
        %add3A_658 = arith.addi %mul3A_656, %add3A_657 : i32
        %add3A_659 = vector.broadcast %add3A_658 : i32 to vector<16xi32>
        %add3A_660 = arith.addi %iota3A, %add3A_659 : vector<16xi32>
        %gather3A_661 = tpu.vector_load_idx %arg11[%add3A_660] : memref<256xf32, #tpu.memory_space<vmem>>[vector<16xi32>], vector<16xf32>,
        %mul3A_662 = arith.constant 2 : i32
        %mul3A_663 = arith.muli %mul3A_662, %and3A_487 : i32
        %add3A_664 = arith.constant 0 : i32
        %add3A_665 = arith.addi %mul3A_663, %add3A_664 : i32
        %mul3A_666 = arith.constant 2 : i32
        %mul3A_667 = arith.muli %mul3A_666, %and3A_487 : i32
        %add3A_668 = arith.constant 0 : i32
        %add3A_669 = arith.addi %mul3A_667, %add3A_668 : i32
        %dma_wait3A_670 = arith.constant 0 : i32
        %dma_wait3A_671 = arith.constant 0 : i32
        %dma_wait3A_672 = tpu.memref_slice %arg9[%add3A_665, %dma_wait3A_670, %dma_wait3A_671] : memref<16x16x16xf32, #tpu.memory_space<vmem>> -> memref<1x16x16xf32, #tpu.memory_space<vmem>>
        %dma_wait3A_673 = tpu.memref_squeeze %dma_wait3A_672 : memref<1x16x16xf32, #tpu.memory_space<vmem>> -> memref<16x16xf32, #tpu.memory_space<vmem>>
        %dma_wait3A_674 = arith.constant 0 : i32
        %dma_wait3A_675 = arith.constant 0 : i32
        %dma_wait3A_676 = tpu.memref_slice %arg3[%dma_wait3A_674, %dma_wait3A_675] : memref<160000x16xf32, #tpu.memory_space<hbm>> -> memref<160000x16xf32, #tpu.memory_space<hbm>>
        %dma_wait3A_677 = tpu.memref_slice %arg13[%add3A_669] : memref<16x!tpu.dma_semaphore, #tpu.memory_space<semaphore_mem>> -> memref<1x!tpu.dma_semaphore, #tpu.memory_space<semaphore_mem>>
        %dma_wait3A_678 = tpu.memref_squeeze %dma_wait3A_677 : memref<1x!tpu.dma_semaphore, #tpu.memory_space<semaphore_mem>> -> memref<!tpu.dma_semaphore, #tpu.memory_space<semaphore_mem>>
        tpu.wait_indirect_dma semaphore(%dma_wait3A_678 : memref<!tpu.dma_semaphore, #tpu.memory_space<semaphore_mem>>) src(%dma_wait3A_676 : memref<160000x16xf32, #tpu.memory_space<hbm>>) dst(%dma_wait3A_673 : memref<16x16xf32, #tpu.memory_space<vmem>>)
        %mul3A_679 = arith.constant 2 : i32
        %mul3A_680 = arith.muli %mul3A_679, %and3A_487 : i32
        %add3A_681 = arith.constant 1 : i32
        %add3A_682 = arith.addi %mul3A_680, %add3A_681 : i32
        %mul3A_683 = arith.constant 2 : i32
        %mul3A_684 = arith.muli %mul3A_683, %and3A_487 : i32
        %add3A_685 = arith.constant 1 : i32
        %add3A_686 = arith.addi %mul3A_684, %add3A_685 : i32
        %dma_wait3A_687 = arith.constant 0 : i32
        %dma_wait3A_688 = arith.constant 0 : i32
        %dma_wait3A_689 = tpu.memref_slice %arg9[%add3A_682, %dma_wait3A_687, %dma_wait3A_688] : memref<16x16x16xf32, #tpu.memory_space<vmem>> -> memref<1x16x16xf32, #tpu.memory_space<vmem>>
        %dma_wait3A_690 = tpu.memref_squeeze %dma_wait3A_689 : memref<1x16x16xf32, #tpu.memory_space<vmem>> -> memref<16x16xf32, #tpu.memory_space<vmem>>
        %dma_wait3A_691 = arith.constant 0 : i32
        %dma_wait3A_692 = arith.constant 0 : i32
        %dma_wait3A_693 = tpu.memref_slice %arg3[%dma_wait3A_691, %dma_wait3A_692] : memref<160000x16xf32, #tpu.memory_space<hbm>> -> memref<160000x16xf32, #tpu.memory_space<hbm>>
        %dma_wait3A_694 = tpu.memref_slice %arg13[%add3A_686] : memref<16x!tpu.dma_semaphore, #tpu.memory_space<semaphore_mem>> -> memref<1x!tpu.dma_semaphore, #tpu.memory_space<semaphore_mem>>
        %dma_wait3A_695 = tpu.memref_squeeze %dma_wait3A_694 : memref<1x!tpu.dma_semaphore, #tpu.memory_space<semaphore_mem>> -> memref<!tpu.dma_semaphore, #tpu.memory_space<semaphore_mem>>
        tpu.wait_indirect_dma semaphore(%dma_wait3A_695 : memref<!tpu.dma_semaphore, #tpu.memory_space<semaphore_mem>>) src(%dma_wait3A_693 : memref<160000x16xf32, #tpu.memory_space<hbm>>) dst(%dma_wait3A_690 : memref<16x16xf32, #tpu.memory_space<vmem>>)
        %sub3A_696 = arith.constant 1.000000e+00 : f32
        %sub3A_697 = vector.broadcast %sub3A_696 : f32 to vector<16xf32>
        %sub3A_698 = arith.subf %sub3A_697, %gather3A_661 : vector<16xf32>
        %mul3A_699 = arith.mulf %gather3A_654, %sub3A_698 : vector<16xf32>
        %sub3A_700 = arith.constant 1.000000e+00 : f32
        %sub3A_701 = vector.broadcast %sub3A_700 : f32 to vector<16xf32>
        %sub3A_702 = arith.subf %sub3A_701, %gather3A_654 : vector<16xf32>
        %mul3A_703 = arith.mulf %sub3A_702, %gather3A_661 : vector<16xf32>
        %mul3A_704 = arith.mulf %gather3A_654, %gather3A_661 : vector<16xf32>
        %sub3A_705 = arith.constant 1.000000e+00 : f32
        %sub3A_706 = vector.broadcast %sub3A_705 : f32 to vector<16xf32>
        %sub3A_707 = arith.subf %sub3A_706, %gather3A_654 : vector<16xf32>
        %sub3A_708 = arith.constant 1.000000e+00 : f32
        %sub3A_709 = vector.broadcast %sub3A_708 : f32 to vector<16xf32>
        %sub3A_710 = arith.subf %sub3A_709, %gather3A_661 : vector<16xf32>
        %mul3A_711 = arith.mulf %sub3A_707, %sub3A_710 : vector<16xf32>
        %broadcast_in_dim3A = arith.constant 0 : i32
        %broadcast_in_dim3A_712 = vector.broadcast %broadcast_in_dim3A : i32 to vector<16xi32>
        %broadcast_in_dim3A_713 = arith.constant 8 : i32
        %broadcast_in_dim3A_714 = vector.broadcast %broadcast_in_dim3A_713 : i32 to vector<16xi32>
        %mul3A_715 = arith.constant 2 : i32
        %mul3A_716 = arith.muli %mul3A_715, %and3A_487 : i32
        %add3A_717 = arith.constant 0 : i32
        %add3A_718 = arith.addi %mul3A_716, %add3A_717 : i32
        %gather3A_719 = arith.constant 0 : i32
        %gather3A_720 = arith.constant 0 : i32
        %gather3A_721 = tpu.memref_slice %arg9[%add3A_718, %gather3A_719, %gather3A_720] : memref<16x16x16xf32, #tpu.memory_space<vmem>> -> memref<1x16x16xf32, #tpu.memory_space<vmem>>
        %gather3A_722 = tpu.memref_squeeze %gather3A_721 : memref<1x16x16xf32, #tpu.memory_space<vmem>> -> memref<16x16xf32, #tpu.memory_space<vmem>>
        %gather3A_723 = tpu.vector_load_idx %gather3A_722[%iota3A, %broadcast_in_dim3A_712] : memref<16x16xf32, #tpu.memory_space<vmem>>[vector<16xi32>, vector<16xi32>], vector<16xf32>,
        %mul3A_724 = arith.constant 2 : i32
        %mul3A_725 = arith.muli %mul3A_724, %and3A_487 : i32
        %add3A_726 = arith.constant 0 : i32
        %add3A_727 = arith.addi %mul3A_725, %add3A_726 : i32
        %gather3A_728 = arith.constant 0 : i32
        %gather3A_729 = arith.constant 0 : i32
        %gather3A_730 = tpu.memref_slice %arg9[%add3A_727, %gather3A_728, %gather3A_729] : memref<16x16x16xf32, #tpu.memory_space<vmem>> -> memref<1x16x16xf32, #tpu.memory_space<vmem>>
        %gather3A_731 = tpu.memref_squeeze %gather3A_730 : memref<1x16x16xf32, #tpu.memory_space<vmem>> -> memref<16x16xf32, #tpu.memory_space<vmem>>
        %gather3A_732 = tpu.vector_load_idx %gather3A_731[%iota3A, %broadcast_in_dim3A_714] : memref<16x16xf32, #tpu.memory_space<vmem>>[vector<16xi32>, vector<16xi32>], vector<16xf32>,
        %mul3A_733 = arith.constant 2 : i32
        %mul3A_734 = arith.muli %mul3A_733, %and3A_487 : i32
        %add3A_735 = arith.constant 1 : i32
        %add3A_736 = arith.addi %mul3A_734, %add3A_735 : i32
        %gather3A_737 = arith.constant 0 : i32
        %gather3A_738 = arith.constant 0 : i32
        %gather3A_739 = tpu.memref_slice %arg9[%add3A_736, %gather3A_737, %gather3A_738] : memref<16x16x16xf32, #tpu.memory_space<vmem>> -> memref<1x16x16xf32, #tpu.memory_space<vmem>>
        %gather3A_740 = tpu.memref_squeeze %gather3A_739 : memref<1x16x16xf32, #tpu.memory_space<vmem>> -> memref<16x16xf32, #tpu.memory_space<vmem>>
        %gather3A_741 = tpu.vector_load_idx %gather3A_740[%iota3A, %broadcast_in_dim3A_712] : memref<16x16xf32, #tpu.memory_space<vmem>>[vector<16xi32>, vector<16xi32>], vector<16xf32>,
        %mul3A_742 = arith.constant 2 : i32
        %mul3A_743 = arith.muli %mul3A_742, %and3A_487 : i32
        %add3A_744 = arith.constant 1 : i32
        %add3A_745 = arith.addi %mul3A_743, %add3A_744 : i32
        %gather3A_746 = arith.constant 0 : i32
        %gather3A_747 = arith.constant 0 : i32
        %gather3A_748 = tpu.memref_slice %arg9[%add3A_745, %gather3A_746, %gather3A_747] : memref<16x16x16xf32, #tpu.memory_space<vmem>> -> memref<1x16x16xf32, #tpu.memory_space<vmem>>
        %gather3A_749 = tpu.memref_squeeze %gather3A_748 : memref<1x16x16xf32, #tpu.memory_space<vmem>> -> memref<16x16xf32, #tpu.memory_space<vmem>>
        %gather3A_750 = tpu.vector_load_idx %gather3A_749[%iota3A, %broadcast_in_dim3A_714] : memref<16x16xf32, #tpu.memory_space<vmem>>[vector<16xi32>, vector<16xi32>], vector<16xf32>,
        %mul3A_751 = arith.mulf %mul3A_711, %gather3A_723 : vector<16xf32>
        %mul3A_752 = arith.mulf %mul3A_699, %gather3A_732 : vector<16xf32>
        %add3A_753 = arith.addf %mul3A_751, %mul3A_752 : vector<16xf32>
        %mul3A_754 = arith.mulf %mul3A_703, %gather3A_741 : vector<16xf32>
        %add3A_755 = arith.addf %add3A_753, %mul3A_754 : vector<16xf32>
        %mul3A_756 = arith.mulf %mul3A_704, %gather3A_750 : vector<16xf32>
        %add3A_757 = arith.addf %add3A_755, %mul3A_756 : vector<16xf32>
        %broadcast_in_dim3A_758 = arith.constant 1 : i32
        %broadcast_in_dim3A_759 = vector.broadcast %broadcast_in_dim3A_758 : i32 to vector<16xi32>
        %broadcast_in_dim3A_760 = arith.constant 9 : i32
        %broadcast_in_dim3A_761 = vector.broadcast %broadcast_in_dim3A_760 : i32 to vector<16xi32>
        %mul3A_762 = arith.constant 2 : i32
        %mul3A_763 = arith.muli %mul3A_762, %and3A_487 : i32
        %add3A_764 = arith.constant 0 : i32
        %add3A_765 = arith.addi %mul3A_763, %add3A_764 : i32
        %gather3A_766 = arith.constant 0 : i32
        %gather3A_767 = arith.constant 0 : i32
        %gather3A_768 = tpu.memref_slice %arg9[%add3A_765, %gather3A_766, %gather3A_767] : memref<16x16x16xf32, #tpu.memory_space<vmem>> -> memref<1x16x16xf32, #tpu.memory_space<vmem>>
        %gather3A_769 = tpu.memref_squeeze %gather3A_768 : memref<1x16x16xf32, #tpu.memory_space<vmem>> -> memref<16x16xf32, #tpu.memory_space<vmem>>
        %gather3A_770 = tpu.vector_load_idx %gather3A_769[%iota3A, %broadcast_in_dim3A_759] : memref<16x16xf32, #tpu.memory_space<vmem>>[vector<16xi32>, vector<16xi32>], vector<16xf32>,
        %mul3A_771 = arith.constant 2 : i32
        %mul3A_772 = arith.muli %mul3A_771, %and3A_487 : i32
        %add3A_773 = arith.constant 0 : i32
        %add3A_774 = arith.addi %mul3A_772, %add3A_773 : i32
        %gather3A_775 = arith.constant 0 : i32
        %gather3A_776 = arith.constant 0 : i32
        %gather3A_777 = tpu.memref_slice %arg9[%add3A_774, %gather3A_775, %gather3A_776] : memref<16x16x16xf32, #tpu.memory_space<vmem>> -> memref<1x16x16xf32, #tpu.memory_space<vmem>>
        %gather3A_778 = tpu.memref_squeeze %gather3A_777 : memref<1x16x16xf32, #tpu.memory_space<vmem>> -> memref<16x16xf32, #tpu.memory_space<vmem>>
        %gather3A_779 = tpu.vector_load_idx %gather3A_778[%iota3A, %broadcast_in_dim3A_761] : memref<16x16xf32, #tpu.memory_space<vmem>>[vector<16xi32>, vector<16xi32>], vector<16xf32>,
        %mul3A_780 = arith.constant 2 : i32
        %mul3A_781 = arith.muli %mul3A_780, %and3A_487 : i32
        %add3A_782 = arith.constant 1 : i32
        %add3A_783 = arith.addi %mul3A_781, %add3A_782 : i32
        %gather3A_784 = arith.constant 0 : i32
        %gather3A_785 = arith.constant 0 : i32
        %gather3A_786 = tpu.memref_slice %arg9[%add3A_783, %gather3A_784, %gather3A_785] : memref<16x16x16xf32, #tpu.memory_space<vmem>> -> memref<1x16x16xf32, #tpu.memory_space<vmem>>
        %gather3A_787 = tpu.memref_squeeze %gather3A_786 : memref<1x16x16xf32, #tpu.memory_space<vmem>> -> memref<16x16xf32, #tpu.memory_space<vmem>>
        %gather3A_788 = tpu.vector_load_idx %gather3A_787[%iota3A, %broadcast_in_dim3A_759] : memref<16x16xf32, #tpu.memory_space<vmem>>[vector<16xi32>, vector<16xi32>], vector<16xf32>,
        %mul3A_789 = arith.constant 2 : i32
        %mul3A_790 = arith.muli %mul3A_789, %and3A_487 : i32
        %add3A_791 = arith.constant 1 : i32
        %add3A_792 = arith.addi %mul3A_790, %add3A_791 : i32
        %gather3A_793 = arith.constant 0 : i32
        %gather3A_794 = arith.constant 0 : i32
        %gather3A_795 = tpu.memref_slice %arg9[%add3A_792, %gather3A_793, %gather3A_794] : memref<16x16x16xf32, #tpu.memory_space<vmem>> -> memref<1x16x16xf32, #tpu.memory_space<vmem>>
        %gather3A_796 = tpu.memref_squeeze %gather3A_795 : memref<1x16x16xf32, #tpu.memory_space<vmem>> -> memref<16x16xf32, #tpu.memory_space<vmem>>
        %gather3A_797 = tpu.vector_load_idx %gather3A_796[%iota3A, %broadcast_in_dim3A_761] : memref<16x16xf32, #tpu.memory_space<vmem>>[vector<16xi32>, vector<16xi32>], vector<16xf32>,
        %mul3A_798 = arith.mulf %mul3A_711, %gather3A_770 : vector<16xf32>
        %mul3A_799 = arith.mulf %mul3A_699, %gather3A_779 : vector<16xf32>
        %add3A_800 = arith.addf %mul3A_798, %mul3A_799 : vector<16xf32>
        %mul3A_801 = arith.mulf %mul3A_703, %gather3A_788 : vector<16xf32>
        %add3A_802 = arith.addf %add3A_800, %mul3A_801 : vector<16xf32>
        %mul3A_803 = arith.mulf %mul3A_704, %gather3A_797 : vector<16xf32>
        %add3A_804 = arith.addf %add3A_802, %mul3A_803 : vector<16xf32>
        %pack3A = tpu.pack_subelements %add3A_757, %add3A_804 {pack_format = #tpu.pack_format<interleaved>, positions = array<i32: 0, 1>} : vector<16xf32>, vector<16xf32> -> vector<32xbf16>
        %bitcast3A = vector.bitcast %pack3A : vector<32xbf16> to vector<16xi32>
        %broadcast_in_dim3A_805 = arith.constant 0 : i32
        %broadcast_in_dim3A_806 = vector.broadcast %broadcast_in_dim3A_805 : i32 to vector<16xi32>
        %scatter3A = arith.constant 0 : i32
        %scatter3A_807 = arith.constant 0 : i32
        %scatter3A_808 = tpu.memref_slice %arg8[%and3A_485, %scatter3A, %scatter3A_807] : memref<2x12x1024xi32, #tpu.memory_space<vmem>> -> memref<1x12x1024xi32, #tpu.memory_space<vmem>>
        %scatter3A_809 = tpu.memref_squeeze %scatter3A_808 : memref<1x12x1024xi32, #tpu.memory_space<vmem>> -> memref<12x1024xi32, #tpu.memory_space<vmem>>
        tpu.vector_store_idx %scatter3A_809[%broadcast_in_dim3A_806, %add3A_500], %bitcast3A : memref<12x1024xi32, #tpu.memory_space<vmem>>[vector<16xi32>, vector<16xi32>], vector<16xi32>,
        %broadcast_in_dim3A_810 = arith.constant 2 : i32
        %broadcast_in_dim3A_811 = vector.broadcast %broadcast_in_dim3A_810 : i32 to vector<16xi32>
        %broadcast_in_dim3A_812 = arith.constant 10 : i32
        %broadcast_in_dim3A_813 = vector.broadcast %broadcast_in_dim3A_812 : i32 to vector<16xi32>
        %mul3A_814 = arith.constant 2 : i32
        %mul3A_815 = arith.muli %mul3A_814, %and3A_487 : i32
        %add3A_816 = arith.constant 0 : i32
        %add3A_817 = arith.addi %mul3A_815, %add3A_816 : i32
        %gather3A_818 = arith.constant 0 : i32
        %gather3A_819 = arith.constant 0 : i32
        %gather3A_820 = tpu.memref_slice %arg9[%add3A_817, %gather3A_818, %gather3A_819] : memref<16x16x16xf32, #tpu.memory_space<vmem>> -> memref<1x16x16xf32, #tpu.memory_space<vmem>>
        %gather3A_821 = tpu.memref_squeeze %gather3A_820 : memref<1x16x16xf32, #tpu.memory_space<vmem>> -> memref<16x16xf32, #tpu.memory_space<vmem>>
        %gather3A_822 = tpu.vector_load_idx %gather3A_821[%iota3A, %broadcast_in_dim3A_811] : memref<16x16xf32, #tpu.memory_space<vmem>>[vector<16xi32>, vector<16xi32>], vector<16xf32>,
        %mul3A_823 = arith.constant 2 : i32
        %mul3A_824 = arith.muli %mul3A_823, %and3A_487 : i32
        %add3A_825 = arith.constant 0 : i32
        %add3A_826 = arith.addi %mul3A_824, %add3A_825 : i32
        %gather3A_827 = arith.constant 0 : i32
        %gather3A_828 = arith.constant 0 : i32
        %gather3A_829 = tpu.memref_slice %arg9[%add3A_826, %gather3A_827, %gather3A_828] : memref<16x16x16xf32, #tpu.memory_space<vmem>> -> memref<1x16x16xf32, #tpu.memory_space<vmem>>
        %gather3A_830 = tpu.memref_squeeze %gather3A_829 : memref<1x16x16xf32, #tpu.memory_space<vmem>> -> memref<16x16xf32, #tpu.memory_space<vmem>>
        %gather3A_831 = tpu.vector_load_idx %gather3A_830[%iota3A, %broadcast_in_dim3A_813] : memref<16x16xf32, #tpu.memory_space<vmem>>[vector<16xi32>, vector<16xi32>], vector<16xf32>,
        %mul3A_832 = arith.constant 2 : i32
        %mul3A_833 = arith.muli %mul3A_832, %and3A_487 : i32
        %add3A_834 = arith.constant 1 : i32
        %add3A_835 = arith.addi %mul3A_833, %add3A_834 : i32
        %gather3A_836 = arith.constant 0 : i32
        %gather3A_837 = arith.constant 0 : i32
        %gather3A_838 = tpu.memref_slice %arg9[%add3A_835, %gather3A_836, %gather3A_837] : memref<16x16x16xf32, #tpu.memory_space<vmem>> -> memref<1x16x16xf32, #tpu.memory_space<vmem>>
        %gather3A_839 = tpu.memref_squeeze %gather3A_838 : memref<1x16x16xf32, #tpu.memory_space<vmem>> -> memref<16x16xf32, #tpu.memory_space<vmem>>
        %gather3A_840 = tpu.vector_load_idx %gather3A_839[%iota3A, %broadcast_in_dim3A_811] : memref<16x16xf32, #tpu.memory_space<vmem>>[vector<16xi32>, vector<16xi32>], vector<16xf32>,
        %mul3A_841 = arith.constant 2 : i32
        %mul3A_842 = arith.muli %mul3A_841, %and3A_487 : i32
        %add3A_843 = arith.constant 1 : i32
        %add3A_844 = arith.addi %mul3A_842, %add3A_843 : i32
        %gather3A_845 = arith.constant 0 : i32
        %gather3A_846 = arith.constant 0 : i32
        %gather3A_847 = tpu.memref_slice %arg9[%add3A_844, %gather3A_845, %gather3A_846] : memref<16x16x16xf32, #tpu.memory_space<vmem>> -> memref<1x16x16xf32, #tpu.memory_space<vmem>>
        %gather3A_848 = tpu.memref_squeeze %gather3A_847 : memref<1x16x16xf32, #tpu.memory_space<vmem>> -> memref<16x16xf32, #tpu.memory_space<vmem>>
        %gather3A_849 = tpu.vector_load_idx %gather3A_848[%iota3A, %broadcast_in_dim3A_813] : memref<16x16xf32, #tpu.memory_space<vmem>>[vector<16xi32>, vector<16xi32>], vector<16xf32>,
        %mul3A_850 = arith.mulf %mul3A_711, %gather3A_822 : vector<16xf32>
        %mul3A_851 = arith.mulf %mul3A_699, %gather3A_831 : vector<16xf32>
        %add3A_852 = arith.addf %mul3A_850, %mul3A_851 : vector<16xf32>
        %mul3A_853 = arith.mulf %mul3A_703, %gather3A_840 : vector<16xf32>
        %add3A_854 = arith.addf %add3A_852, %mul3A_853 : vector<16xf32>
        %mul3A_855 = arith.mulf %mul3A_704, %gather3A_849 : vector<16xf32>
        %add3A_856 = arith.addf %add3A_854, %mul3A_855 : vector<16xf32>
        %broadcast_in_dim3A_857 = arith.constant 3 : i32
        %broadcast_in_dim3A_858 = vector.broadcast %broadcast_in_dim3A_857 : i32 to vector<16xi32>
        %broadcast_in_dim3A_859 = arith.constant 11 : i32
        %broadcast_in_dim3A_860 = vector.broadcast %broadcast_in_dim3A_859 : i32 to vector<16xi32>
        %mul3A_861 = arith.constant 2 : i32
        %mul3A_862 = arith.muli %mul3A_861, %and3A_487 : i32
        %add3A_863 = arith.constant 0 : i32
        %add3A_864 = arith.addi %mul3A_862, %add3A_863 : i32
        %gather3A_865 = arith.constant 0 : i32
        %gather3A_866 = arith.constant 0 : i32
        %gather3A_867 = tpu.memref_slice %arg9[%add3A_864, %gather3A_865, %gather3A_866] : memref<16x16x16xf32, #tpu.memory_space<vmem>> -> memref<1x16x16xf32, #tpu.memory_space<vmem>>
        %gather3A_868 = tpu.memref_squeeze %gather3A_867 : memref<1x16x16xf32, #tpu.memory_space<vmem>> -> memref<16x16xf32, #tpu.memory_space<vmem>>
        %gather3A_869 = tpu.vector_load_idx %gather3A_868[%iota3A, %broadcast_in_dim3A_858] : memref<16x16xf32, #tpu.memory_space<vmem>>[vector<16xi32>, vector<16xi32>], vector<16xf32>,
        %mul3A_870 = arith.constant 2 : i32
        %mul3A_871 = arith.muli %mul3A_870, %and3A_487 : i32
        %add3A_872 = arith.constant 0 : i32
        %add3A_873 = arith.addi %mul3A_871, %add3A_872 : i32
        %gather3A_874 = arith.constant 0 : i32
        %gather3A_875 = arith.constant 0 : i32
        %gather3A_876 = tpu.memref_slice %arg9[%add3A_873, %gather3A_874, %gather3A_875] : memref<16x16x16xf32, #tpu.memory_space<vmem>> -> memref<1x16x16xf32, #tpu.memory_space<vmem>>
        %gather3A_877 = tpu.memref_squeeze %gather3A_876 : memref<1x16x16xf32, #tpu.memory_space<vmem>> -> memref<16x16xf32, #tpu.memory_space<vmem>>
        %gather3A_878 = tpu.vector_load_idx %gather3A_877[%iota3A, %broadcast_in_dim3A_860] : memref<16x16xf32, #tpu.memory_space<vmem>>[vector<16xi32>, vector<16xi32>], vector<16xf32>,
        %mul3A_879 = arith.constant 2 : i32
        %mul3A_880 = arith.muli %mul3A_879, %and3A_487 : i32
        %add3A_881 = arith.constant 1 : i32
        %add3A_882 = arith.addi %mul3A_880, %add3A_881 : i32
        %gather3A_883 = arith.constant 0 : i32
        %gather3A_884 = arith.constant 0 : i32
        %gather3A_885 = tpu.memref_slice %arg9[%add3A_882, %gather3A_883, %gather3A_884] : memref<16x16x16xf32, #tpu.memory_space<vmem>> -> memref<1x16x16xf32, #tpu.memory_space<vmem>>
        %gather3A_886 = tpu.memref_squeeze %gather3A_885 : memref<1x16x16xf32, #tpu.memory_space<vmem>> -> memref<16x16xf32, #tpu.memory_space<vmem>>
        %gather3A_887 = tpu.vector_load_idx %gather3A_886[%iota3A, %broadcast_in_dim3A_858] : memref<16x16xf32, #tpu.memory_space<vmem>>[vector<16xi32>, vector<16xi32>], vector<16xf32>,
        %mul3A_888 = arith.constant 2 : i32
        %mul3A_889 = arith.muli %mul3A_888, %and3A_487 : i32
        %add3A_890 = arith.constant 1 : i32
        %add3A_891 = arith.addi %mul3A_889, %add3A_890 : i32
        %gather3A_892 = arith.constant 0 : i32
        %gather3A_893 = arith.constant 0 : i32
        %gather3A_894 = tpu.memref_slice %arg9[%add3A_891, %gather3A_892, %gather3A_893] : memref<16x16x16xf32, #tpu.memory_space<vmem>> -> memref<1x16x16xf32, #tpu.memory_space<vmem>>
        %gather3A_895 = tpu.memref_squeeze %gather3A_894 : memref<1x16x16xf32, #tpu.memory_space<vmem>> -> memref<16x16xf32, #tpu.memory_space<vmem>>
        %gather3A_896 = tpu.vector_load_idx %gather3A_895[%iota3A, %broadcast_in_dim3A_860] : memref<16x16xf32, #tpu.memory_space<vmem>>[vector<16xi32>, vector<16xi32>], vector<16xf32>,
        %mul3A_897 = arith.mulf %mul3A_711, %gather3A_869 : vector<16xf32>
        %mul3A_898 = arith.mulf %mul3A_699, %gather3A_878 : vector<16xf32>
        %add3A_899 = arith.addf %mul3A_897, %mul3A_898 : vector<16xf32>
        %mul3A_900 = arith.mulf %mul3A_703, %gather3A_887 : vector<16xf32>
        %add3A_901 = arith.addf %add3A_899, %mul3A_900 : vector<16xf32>
        %mul3A_902 = arith.mulf %mul3A_704, %gather3A_896 : vector<16xf32>
        %add3A_903 = arith.addf %add3A_901, %mul3A_902 : vector<16xf32>
        %pack3A_904 = tpu.pack_subelements %add3A_856, %add3A_903 {pack_format = #tpu.pack_format<interleaved>, positions = array<i32: 0, 1>} : vector<16xf32>, vector<16xf32> -> vector<32xbf16>
        %bitcast3A_905 = vector.bitcast %pack3A_904 : vector<32xbf16> to vector<16xi32>
        %broadcast_in_dim3A_906 = arith.constant 1 : i32
        %broadcast_in_dim3A_907 = vector.broadcast %broadcast_in_dim3A_906 : i32 to vector<16xi32>
        %scatter3A_908 = arith.constant 0 : i32
        %scatter3A_909 = arith.constant 0 : i32
        %scatter3A_910 = tpu.memref_slice %arg8[%and3A_485, %scatter3A_908, %scatter3A_909] : memref<2x12x1024xi32, #tpu.memory_space<vmem>> -> memref<1x12x1024xi32, #tpu.memory_space<vmem>>
        %scatter3A_911 = tpu.memref_squeeze %scatter3A_910 : memref<1x12x1024xi32, #tpu.memory_space<vmem>> -> memref<12x1024xi32, #tpu.memory_space<vmem>>
        tpu.vector_store_idx %scatter3A_911[%broadcast_in_dim3A_907, %add3A_500], %bitcast3A_905 : memref<12x1024xi32, #tpu.memory_space<vmem>>[vector<16xi32>, vector<16xi32>], vector<16xi32>,
        %broadcast_in_dim3A_912 = arith.constant 4 : i32
        %broadcast_in_dim3A_913 = vector.broadcast %broadcast_in_dim3A_912 : i32 to vector<16xi32>
        %broadcast_in_dim3A_914 = arith.constant 12 : i32
        %broadcast_in_dim3A_915 = vector.broadcast %broadcast_in_dim3A_914 : i32 to vector<16xi32>
        %mul3A_916 = arith.constant 2 : i32
        %mul3A_917 = arith.muli %mul3A_916, %and3A_487 : i32
        %add3A_918 = arith.constant 0 : i32
        %add3A_919 = arith.addi %mul3A_917, %add3A_918 : i32
        %gather3A_920 = arith.constant 0 : i32
        %gather3A_921 = arith.constant 0 : i32
        %gather3A_922 = tpu.memref_slice %arg9[%add3A_919, %gather3A_920, %gather3A_921] : memref<16x16x16xf32, #tpu.memory_space<vmem>> -> memref<1x16x16xf32, #tpu.memory_space<vmem>>
        %gather3A_923 = tpu.memref_squeeze %gather3A_922 : memref<1x16x16xf32, #tpu.memory_space<vmem>> -> memref<16x16xf32, #tpu.memory_space<vmem>>
        %gather3A_924 = tpu.vector_load_idx %gather3A_923[%iota3A, %broadcast_in_dim3A_913] : memref<16x16xf32, #tpu.memory_space<vmem>>[vector<16xi32>, vector<16xi32>], vector<16xf32>,
        %mul3A_925 = arith.constant 2 : i32
        %mul3A_926 = arith.muli %mul3A_925, %and3A_487 : i32
        %add3A_927 = arith.constant 0 : i32
        %add3A_928 = arith.addi %mul3A_926, %add3A_927 : i32
        %gather3A_929 = arith.constant 0 : i32
        %gather3A_930 = arith.constant 0 : i32
        %gather3A_931 = tpu.memref_slice %arg9[%add3A_928, %gather3A_929, %gather3A_930] : memref<16x16x16xf32, #tpu.memory_space<vmem>> -> memref<1x16x16xf32, #tpu.memory_space<vmem>>
        %gather3A_932 = tpu.memref_squeeze %gather3A_931 : memref<1x16x16xf32, #tpu.memory_space<vmem>> -> memref<16x16xf32, #tpu.memory_space<vmem>>
        %gather3A_933 = tpu.vector_load_idx %gather3A_932[%iota3A, %broadcast_in_dim3A_915] : memref<16x16xf32, #tpu.memory_space<vmem>>[vector<16xi32>, vector<16xi32>], vector<16xf32>,
        %mul3A_934 = arith.constant 2 : i32
        %mul3A_935 = arith.muli %mul3A_934, %and3A_487 : i32
        %add3A_936 = arith.constant 1 : i32
        %add3A_937 = arith.addi %mul3A_935, %add3A_936 : i32
        %gather3A_938 = arith.constant 0 : i32
        %gather3A_939 = arith.constant 0 : i32
        %gather3A_940 = tpu.memref_slice %arg9[%add3A_937, %gather3A_938, %gather3A_939] : memref<16x16x16xf32, #tpu.memory_space<vmem>> -> memref<1x16x16xf32, #tpu.memory_space<vmem>>
        %gather3A_941 = tpu.memref_squeeze %gather3A_940 : memref<1x16x16xf32, #tpu.memory_space<vmem>> -> memref<16x16xf32, #tpu.memory_space<vmem>>
        %gather3A_942 = tpu.vector_load_idx %gather3A_941[%iota3A, %broadcast_in_dim3A_913] : memref<16x16xf32, #tpu.memory_space<vmem>>[vector<16xi32>, vector<16xi32>], vector<16xf32>,
        %mul3A_943 = arith.constant 2 : i32
        %mul3A_944 = arith.muli %mul3A_943, %and3A_487 : i32
        %add3A_945 = arith.constant 1 : i32
        %add3A_946 = arith.addi %mul3A_944, %add3A_945 : i32
        %gather3A_947 = arith.constant 0 : i32
        %gather3A_948 = arith.constant 0 : i32
        %gather3A_949 = tpu.memref_slice %arg9[%add3A_946, %gather3A_947, %gather3A_948] : memref<16x16x16xf32, #tpu.memory_space<vmem>> -> memref<1x16x16xf32, #tpu.memory_space<vmem>>
        %gather3A_950 = tpu.memref_squeeze %gather3A_949 : memref<1x16x16xf32, #tpu.memory_space<vmem>> -> memref<16x16xf32, #tpu.memory_space<vmem>>
        %gather3A_951 = tpu.vector_load_idx %gather3A_950[%iota3A, %broadcast_in_dim3A_915] : memref<16x16xf32, #tpu.memory_space<vmem>>[vector<16xi32>, vector<16xi32>], vector<16xf32>,
        %mul3A_952 = arith.mulf %mul3A_711, %gather3A_924 : vector<16xf32>
        %mul3A_953 = arith.mulf %mul3A_699, %gather3A_933 : vector<16xf32>
        %add3A_954 = arith.addf %mul3A_952, %mul3A_953 : vector<16xf32>
        %mul3A_955 = arith.mulf %mul3A_703, %gather3A_942 : vector<16xf32>
        %add3A_956 = arith.addf %add3A_954, %mul3A_955 : vector<16xf32>
        %mul3A_957 = arith.mulf %mul3A_704, %gather3A_951 : vector<16xf32>
        %add3A_958 = arith.addf %add3A_956, %mul3A_957 : vector<16xf32>
        %broadcast_in_dim3A_959 = arith.constant 5 : i32
        %broadcast_in_dim3A_960 = vector.broadcast %broadcast_in_dim3A_959 : i32 to vector<16xi32>
        %broadcast_in_dim3A_961 = arith.constant 13 : i32
        %broadcast_in_dim3A_962 = vector.broadcast %broadcast_in_dim3A_961 : i32 to vector<16xi32>
        %mul3A_963 = arith.constant 2 : i32
        %mul3A_964 = arith.muli %mul3A_963, %and3A_487 : i32
        %add3A_965 = arith.constant 0 : i32
        %add3A_966 = arith.addi %mul3A_964, %add3A_965 : i32
        %gather3A_967 = arith.constant 0 : i32
        %gather3A_968 = arith.constant 0 : i32
        %gather3A_969 = tpu.memref_slice %arg9[%add3A_966, %gather3A_967, %gather3A_968] : memref<16x16x16xf32, #tpu.memory_space<vmem>> -> memref<1x16x16xf32, #tpu.memory_space<vmem>>
        %gather3A_970 = tpu.memref_squeeze %gather3A_969 : memref<1x16x16xf32, #tpu.memory_space<vmem>> -> memref<16x16xf32, #tpu.memory_space<vmem>>
        %gather3A_971 = tpu.vector_load_idx %gather3A_970[%iota3A, %broadcast_in_dim3A_960] : memref<16x16xf32, #tpu.memory_space<vmem>>[vector<16xi32>, vector<16xi32>], vector<16xf32>,
        %mul3A_972 = arith.constant 2 : i32
        %mul3A_973 = arith.muli %mul3A_972, %and3A_487 : i32
        %add3A_974 = arith.constant 0 : i32
        %add3A_975 = arith.addi %mul3A_973, %add3A_974 : i32
        %gather3A_976 = arith.constant 0 : i32
        %gather3A_977 = arith.constant 0 : i32
        %gather3A_978 = tpu.memref_slice %arg9[%add3A_975, %gather3A_976, %gather3A_977] : memref<16x16x16xf32, #tpu.memory_space<vmem>> -> memref<1x16x16xf32, #tpu.memory_space<vmem>>
        %gather3A_979 = tpu.memref_squeeze %gather3A_978 : memref<1x16x16xf32, #tpu.memory_space<vmem>> -> memref<16x16xf32, #tpu.memory_space<vmem>>
        %gather3A_980 = tpu.vector_load_idx %gather3A_979[%iota3A, %broadcast_in_dim3A_962] : memref<16x16xf32, #tpu.memory_space<vmem>>[vector<16xi32>, vector<16xi32>], vector<16xf32>,
        %mul3A_981 = arith.constant 2 : i32
        %mul3A_982 = arith.muli %mul3A_981, %and3A_487 : i32
        %add3A_983 = arith.constant 1 : i32
        %add3A_984 = arith.addi %mul3A_982, %add3A_983 : i32
        %gather3A_985 = arith.constant 0 : i32
        %gather3A_986 = arith.constant 0 : i32
        %gather3A_987 = tpu.memref_slice %arg9[%add3A_984, %gather3A_985, %gather3A_986] : memref<16x16x16xf32, #tpu.memory_space<vmem>> -> memref<1x16x16xf32, #tpu.memory_space<vmem>>
        %gather3A_988 = tpu.memref_squeeze %gather3A_987 : memref<1x16x16xf32, #tpu.memory_space<vmem>> -> memref<16x16xf32, #tpu.memory_space<vmem>>
        %gather3A_989 = tpu.vector_load_idx %gather3A_988[%iota3A, %broadcast_in_dim3A_960] : memref<16x16xf32, #tpu.memory_space<vmem>>[vector<16xi32>, vector<16xi32>], vector<16xf32>,
        %mul3A_990 = arith.constant 2 : i32
        %mul3A_991 = arith.muli %mul3A_990, %and3A_487 : i32
        %add3A_992 = arith.constant 1 : i32
        %add3A_993 = arith.addi %mul3A_991, %add3A_992 : i32
        %gather3A_994 = arith.constant 0 : i32
        %gather3A_995 = arith.constant 0 : i32
        %gather3A_996 = tpu.memref_slice %arg9[%add3A_993, %gather3A_994, %gather3A_995] : memref<16x16x16xf32, #tpu.memory_space<vmem>> -> memref<1x16x16xf32, #tpu.memory_space<vmem>>
        %gather3A_997 = tpu.memref_squeeze %gather3A_996 : memref<1x16x16xf32, #tpu.memory_space<vmem>> -> memref<16x16xf32, #tpu.memory_space<vmem>>
        %gather3A_998 = tpu.vector_load_idx %gather3A_997[%iota3A, %broadcast_in_dim3A_962] : memref<16x16xf32, #tpu.memory_space<vmem>>[vector<16xi32>, vector<16xi32>], vector<16xf32>,
        %mul3A_999 = arith.mulf %mul3A_711, %gather3A_971 : vector<16xf32>
        %mul3A_1000 = arith.mulf %mul3A_699, %gather3A_980 : vector<16xf32>
        %add3A_1001 = arith.addf %mul3A_999, %mul3A_1000 : vector<16xf32>
        %mul3A_1002 = arith.mulf %mul3A_703, %gather3A_989 : vector<16xf32>
        %add3A_1003 = arith.addf %add3A_1001, %mul3A_1002 : vector<16xf32>
        %mul3A_1004 = arith.mulf %mul3A_704, %gather3A_998 : vector<16xf32>
        %add3A_1005 = arith.addf %add3A_1003, %mul3A_1004 : vector<16xf32>
        %pack3A_1006 = tpu.pack_subelements %add3A_958, %add3A_1005 {pack_format = #tpu.pack_format<interleaved>, positions = array<i32: 0, 1>} : vector<16xf32>, vector<16xf32> -> vector<32xbf16>
        %bitcast3A_1007 = vector.bitcast %pack3A_1006 : vector<32xbf16> to vector<16xi32>
        %broadcast_in_dim3A_1008 = arith.constant 2 : i32
        %broadcast_in_dim3A_1009 = vector.broadcast %broadcast_in_dim3A_1008 : i32 to vector<16xi32>
        %scatter3A_1010 = arith.constant 0 : i32
        %scatter3A_1011 = arith.constant 0 : i32
        %scatter3A_1012 = tpu.memref_slice %arg8[%and3A_485, %scatter3A_1010, %scatter3A_1011] : memref<2x12x1024xi32, #tpu.memory_space<vmem>> -> memref<1x12x1024xi32, #tpu.memory_space<vmem>>
        %scatter3A_1013 = tpu.memref_squeeze %scatter3A_1012 : memref<1x12x1024xi32, #tpu.memory_space<vmem>> -> memref<12x1024xi32, #tpu.memory_space<vmem>>
        tpu.vector_store_idx %scatter3A_1013[%broadcast_in_dim3A_1009, %add3A_500], %bitcast3A_1007 : memref<12x1024xi32, #tpu.memory_space<vmem>>[vector<16xi32>, vector<16xi32>], vector<16xi32>,
        %broadcast_in_dim3A_1014 = arith.constant 6 : i32
        %broadcast_in_dim3A_1015 = vector.broadcast %broadcast_in_dim3A_1014 : i32 to vector<16xi32>
        %broadcast_in_dim3A_1016 = arith.constant 14 : i32
        %broadcast_in_dim3A_1017 = vector.broadcast %broadcast_in_dim3A_1016 : i32 to vector<16xi32>
        %mul3A_1018 = arith.constant 2 : i32
        %mul3A_1019 = arith.muli %mul3A_1018, %and3A_487 : i32
        %add3A_1020 = arith.constant 0 : i32
        %add3A_1021 = arith.addi %mul3A_1019, %add3A_1020 : i32
        %gather3A_1022 = arith.constant 0 : i32
        %gather3A_1023 = arith.constant 0 : i32
        %gather3A_1024 = tpu.memref_slice %arg9[%add3A_1021, %gather3A_1022, %gather3A_1023] : memref<16x16x16xf32, #tpu.memory_space<vmem>> -> memref<1x16x16xf32, #tpu.memory_space<vmem>>
        %gather3A_1025 = tpu.memref_squeeze %gather3A_1024 : memref<1x16x16xf32, #tpu.memory_space<vmem>> -> memref<16x16xf32, #tpu.memory_space<vmem>>
        %gather3A_1026 = tpu.vector_load_idx %gather3A_1025[%iota3A, %broadcast_in_dim3A_1015] : memref<16x16xf32, #tpu.memory_space<vmem>>[vector<16xi32>, vector<16xi32>], vector<16xf32>,
        %mul3A_1027 = arith.constant 2 : i32
        %mul3A_1028 = arith.muli %mul3A_1027, %and3A_487 : i32
        %add3A_1029 = arith.constant 0 : i32
        %add3A_1030 = arith.addi %mul3A_1028, %add3A_1029 : i32
        %gather3A_1031 = arith.constant 0 : i32
        %gather3A_1032 = arith.constant 0 : i32
        %gather3A_1033 = tpu.memref_slice %arg9[%add3A_1030, %gather3A_1031, %gather3A_1032] : memref<16x16x16xf32, #tpu.memory_space<vmem>> -> memref<1x16x16xf32, #tpu.memory_space<vmem>>
        %gather3A_1034 = tpu.memref_squeeze %gather3A_1033 : memref<1x16x16xf32, #tpu.memory_space<vmem>> -> memref<16x16xf32, #tpu.memory_space<vmem>>
        %gather3A_1035 = tpu.vector_load_idx %gather3A_1034[%iota3A, %broadcast_in_dim3A_1017] : memref<16x16xf32, #tpu.memory_space<vmem>>[vector<16xi32>, vector<16xi32>], vector<16xf32>,
        %mul3A_1036 = arith.constant 2 : i32
        %mul3A_1037 = arith.muli %mul3A_1036, %and3A_487 : i32
        %add3A_1038 = arith.constant 1 : i32
        %add3A_1039 = arith.addi %mul3A_1037, %add3A_1038 : i32
        %gather3A_1040 = arith.constant 0 : i32
        %gather3A_1041 = arith.constant 0 : i32
        %gather3A_1042 = tpu.memref_slice %arg9[%add3A_1039, %gather3A_1040, %gather3A_1041] : memref<16x16x16xf32, #tpu.memory_space<vmem>> -> memref<1x16x16xf32, #tpu.memory_space<vmem>>
        %gather3A_1043 = tpu.memref_squeeze %gather3A_1042 : memref<1x16x16xf32, #tpu.memory_space<vmem>> -> memref<16x16xf32, #tpu.memory_space<vmem>>
        %gather3A_1044 = tpu.vector_load_idx %gather3A_1043[%iota3A, %broadcast_in_dim3A_1015] : memref<16x16xf32, #tpu.memory_space<vmem>>[vector<16xi32>, vector<16xi32>], vector<16xf32>,
        %mul3A_1045 = arith.constant 2 : i32
        %mul3A_1046 = arith.muli %mul3A_1045, %and3A_487 : i32
        %add3A_1047 = arith.constant 1 : i32
        %add3A_1048 = arith.addi %mul3A_1046, %add3A_1047 : i32
        %gather3A_1049 = arith.constant 0 : i32
        %gather3A_1050 = arith.constant 0 : i32
        %gather3A_1051 = tpu.memref_slice %arg9[%add3A_1048, %gather3A_1049, %gather3A_1050] : memref<16x16x16xf32, #tpu.memory_space<vmem>> -> memref<1x16x16xf32, #tpu.memory_space<vmem>>
        %gather3A_1052 = tpu.memref_squeeze %gather3A_1051 : memref<1x16x16xf32, #tpu.memory_space<vmem>> -> memref<16x16xf32, #tpu.memory_space<vmem>>
        %gather3A_1053 = tpu.vector_load_idx %gather3A_1052[%iota3A, %broadcast_in_dim3A_1017] : memref<16x16xf32, #tpu.memory_space<vmem>>[vector<16xi32>, vector<16xi32>], vector<16xf32>,
        %mul3A_1054 = arith.mulf %mul3A_711, %gather3A_1026 : vector<16xf32>
        %mul3A_1055 = arith.mulf %mul3A_699, %gather3A_1035 : vector<16xf32>
        %add3A_1056 = arith.addf %mul3A_1054, %mul3A_1055 : vector<16xf32>
        %mul3A_1057 = arith.mulf %mul3A_703, %gather3A_1044 : vector<16xf32>
        %add3A_1058 = arith.addf %add3A_1056, %mul3A_1057 : vector<16xf32>
        %mul3A_1059 = arith.mulf %mul3A_704, %gather3A_1053 : vector<16xf32>
        %add3A_1060 = arith.addf %add3A_1058, %mul3A_1059 : vector<16xf32>
        %broadcast_in_dim3A_1061 = arith.constant 7 : i32
        %broadcast_in_dim3A_1062 = vector.broadcast %broadcast_in_dim3A_1061 : i32 to vector<16xi32>
        %broadcast_in_dim3A_1063 = arith.constant 15 : i32
        %broadcast_in_dim3A_1064 = vector.broadcast %broadcast_in_dim3A_1063 : i32 to vector<16xi32>
        %mul3A_1065 = arith.constant 2 : i32
        %mul3A_1066 = arith.muli %mul3A_1065, %and3A_487 : i32
        %add3A_1067 = arith.constant 0 : i32
        %add3A_1068 = arith.addi %mul3A_1066, %add3A_1067 : i32
        %gather3A_1069 = arith.constant 0 : i32
        %gather3A_1070 = arith.constant 0 : i32
        %gather3A_1071 = tpu.memref_slice %arg9[%add3A_1068, %gather3A_1069, %gather3A_1070] : memref<16x16x16xf32, #tpu.memory_space<vmem>> -> memref<1x16x16xf32, #tpu.memory_space<vmem>>
        %gather3A_1072 = tpu.memref_squeeze %gather3A_1071 : memref<1x16x16xf32, #tpu.memory_space<vmem>> -> memref<16x16xf32, #tpu.memory_space<vmem>>
        %gather3A_1073 = tpu.vector_load_idx %gather3A_1072[%iota3A, %broadcast_in_dim3A_1062] : memref<16x16xf32, #tpu.memory_space<vmem>>[vector<16xi32>, vector<16xi32>], vector<16xf32>,
        %mul3A_1074 = arith.constant 2 : i32
        %mul3A_1075 = arith.muli %mul3A_1074, %and3A_487 : i32
        %add3A_1076 = arith.constant 0 : i32
        %add3A_1077 = arith.addi %mul3A_1075, %add3A_1076 : i32
        %gather3A_1078 = arith.constant 0 : i32
        %gather3A_1079 = arith.constant 0 : i32
        %gather3A_1080 = tpu.memref_slice %arg9[%add3A_1077, %gather3A_1078, %gather3A_1079] : memref<16x16x16xf32, #tpu.memory_space<vmem>> -> memref<1x16x16xf32, #tpu.memory_space<vmem>>
        %gather3A_1081 = tpu.memref_squeeze %gather3A_1080 : memref<1x16x16xf32, #tpu.memory_space<vmem>> -> memref<16x16xf32, #tpu.memory_space<vmem>>
        %gather3A_1082 = tpu.vector_load_idx %gather3A_1081[%iota3A, %broadcast_in_dim3A_1064] : memref<16x16xf32, #tpu.memory_space<vmem>>[vector<16xi32>, vector<16xi32>], vector<16xf32>,
        %mul3A_1083 = arith.constant 2 : i32
        %mul3A_1084 = arith.muli %mul3A_1083, %and3A_487 : i32
        %add3A_1085 = arith.constant 1 : i32
        %add3A_1086 = arith.addi %mul3A_1084, %add3A_1085 : i32
        %gather3A_1087 = arith.constant 0 : i32
        %gather3A_1088 = arith.constant 0 : i32
        %gather3A_1089 = tpu.memref_slice %arg9[%add3A_1086, %gather3A_1087, %gather3A_1088] : memref<16x16x16xf32, #tpu.memory_space<vmem>> -> memref<1x16x16xf32, #tpu.memory_space<vmem>>
        %gather3A_1090 = tpu.memref_squeeze %gather3A_1089 : memref<1x16x16xf32, #tpu.memory_space<vmem>> -> memref<16x16xf32, #tpu.memory_space<vmem>>
        %gather3A_1091 = tpu.vector_load_idx %gather3A_1090[%iota3A, %broadcast_in_dim3A_1062] : memref<16x16xf32, #tpu.memory_space<vmem>>[vector<16xi32>, vector<16xi32>], vector<16xf32>,
        %mul3A_1092 = arith.constant 2 : i32
        %mul3A_1093 = arith.muli %mul3A_1092, %and3A_487 : i32
        %add3A_1094 = arith.constant 1 : i32
        %add3A_1095 = arith.addi %mul3A_1093, %add3A_1094 : i32
        %gather3A_1096 = arith.constant 0 : i32
        %gather3A_1097 = arith.constant 0 : i32
        %gather3A_1098 = tpu.memref_slice %arg9[%add3A_1095, %gather3A_1096, %gather3A_1097] : memref<16x16x16xf32, #tpu.memory_space<vmem>> -> memref<1x16x16xf32, #tpu.memory_space<vmem>>
        %gather3A_1099 = tpu.memref_squeeze %gather3A_1098 : memref<1x16x16xf32, #tpu.memory_space<vmem>> -> memref<16x16xf32, #tpu.memory_space<vmem>>
        %gather3A_1100 = tpu.vector_load_idx %gather3A_1099[%iota3A, %broadcast_in_dim3A_1064] : memref<16x16xf32, #tpu.memory_space<vmem>>[vector<16xi32>, vector<16xi32>], vector<16xf32>,
        %mul3A_1101 = arith.mulf %mul3A_711, %gather3A_1073 : vector<16xf32>
        %mul3A_1102 = arith.mulf %mul3A_699, %gather3A_1082 : vector<16xf32>
        %add3A_1103 = arith.addf %mul3A_1101, %mul3A_1102 : vector<16xf32>
        %mul3A_1104 = arith.mulf %mul3A_703, %gather3A_1091 : vector<16xf32>
        %add3A_1105 = arith.addf %add3A_1103, %mul3A_1104 : vector<16xf32>
        %mul3A_1106 = arith.mulf %mul3A_704, %gather3A_1100 : vector<16xf32>
        %add3A_1107 = arith.addf %add3A_1105, %mul3A_1106 : vector<16xf32>
        %pack3A_1108 = tpu.pack_subelements %add3A_1060, %add3A_1107 {pack_format = #tpu.pack_format<interleaved>, positions = array<i32: 0, 1>} : vector<16xf32>, vector<16xf32> -> vector<32xbf16>
        %bitcast3A_1109 = vector.bitcast %pack3A_1108 : vector<32xbf16> to vector<16xi32>
        %broadcast_in_dim3A_1110 = arith.constant 3 : i32
        %broadcast_in_dim3A_1111 = vector.broadcast %broadcast_in_dim3A_1110 : i32 to vector<16xi32>
        %scatter3A_1112 = arith.constant 0 : i32
        %scatter3A_1113 = arith.constant 0 : i32
        %scatter3A_1114 = tpu.memref_slice %arg8[%and3A_485, %scatter3A_1112, %scatter3A_1113] : memref<2x12x1024xi32, #tpu.memory_space<vmem>> -> memref<1x12x1024xi32, #tpu.memory_space<vmem>>
        %scatter3A_1115 = tpu.memref_squeeze %scatter3A_1114 : memref<1x12x1024xi32, #tpu.memory_space<vmem>> -> memref<12x1024xi32, #tpu.memory_space<vmem>>
        tpu.vector_store_idx %scatter3A_1115[%broadcast_in_dim3A_1111, %add3A_500], %bitcast3A_1109 : memref<12x1024xi32, #tpu.memory_space<vmem>>[vector<16xi32>, vector<16xi32>], vector<16xi32>,
        %add3A_1116 = arith.constant 0 : i32
        %add3A_1117 = vector.broadcast %add3A_1116 : i32 to vector<16xi32>
        %add3A_1118 = arith.addi %mul3A_551, %add3A_1117 : vector<16xi32>
        %gather3A_1119 = tpu.vector_load_idx %arg6[%add3A_1118] : memref<40800xf32, #tpu.memory_space<vmem>>[vector<16xi32>], vector<16xf32>,
        %add3A_1120 = arith.constant 8 : i32
        %add3A_1121 = vector.broadcast %add3A_1120 : i32 to vector<16xi32>
        %add3A_1122 = arith.addi %mul3A_551, %add3A_1121 : vector<16xi32>
        %gather3A_1123 = tpu.vector_load_idx %arg6[%add3A_1122] : memref<40800xf32, #tpu.memory_space<vmem>>[vector<16xi32>], vector<16xf32>,
        %add3A_1124 = arith.constant 408 : i32
        %add3A_1125 = vector.broadcast %add3A_1124 : i32 to vector<16xi32>
        %add3A_1126 = arith.addi %mul3A_551, %add3A_1125 : vector<16xi32>
        %gather3A_1127 = tpu.vector_load_idx %arg6[%add3A_1126] : memref<40800xf32, #tpu.memory_space<vmem>>[vector<16xi32>], vector<16xf32>,
        %add3A_1128 = arith.constant 416 : i32
        %add3A_1129 = vector.broadcast %add3A_1128 : i32 to vector<16xi32>
        %add3A_1130 = arith.addi %mul3A_551, %add3A_1129 : vector<16xi32>
        %gather3A_1131 = tpu.vector_load_idx %arg6[%add3A_1130] : memref<40800xf32, #tpu.memory_space<vmem>>[vector<16xi32>], vector<16xf32>,
        %mul3A_1132 = arith.mulf %mul3A_623, %gather3A_1119 : vector<16xf32>
        %mul3A_1133 = arith.mulf %mul3A_611, %gather3A_1123 : vector<16xf32>
        %add3A_1134 = arith.addf %mul3A_1132, %mul3A_1133 : vector<16xf32>
        %mul3A_1135 = arith.mulf %mul3A_615, %gather3A_1127 : vector<16xf32>
        %add3A_1136 = arith.addf %add3A_1134, %mul3A_1135 : vector<16xf32>
        %mul3A_1137 = arith.mulf %mul3A_616, %gather3A_1131 : vector<16xf32>
        %add3A_1138 = arith.addf %add3A_1136, %mul3A_1137 : vector<16xf32>
        %add3A_1139 = arith.constant 1 : i32
        %add3A_1140 = vector.broadcast %add3A_1139 : i32 to vector<16xi32>
        %add3A_1141 = arith.addi %mul3A_551, %add3A_1140 : vector<16xi32>
        %gather3A_1142 = tpu.vector_load_idx %arg6[%add3A_1141] : memref<40800xf32, #tpu.memory_space<vmem>>[vector<16xi32>], vector<16xf32>,
        %add3A_1143 = arith.constant 9 : i32
        %add3A_1144 = vector.broadcast %add3A_1143 : i32 to vector<16xi32>
        %add3A_1145 = arith.addi %mul3A_551, %add3A_1144 : vector<16xi32>
        %gather3A_1146 = tpu.vector_load_idx %arg6[%add3A_1145] : memref<40800xf32, #tpu.memory_space<vmem>>[vector<16xi32>], vector<16xf32>,
        %add3A_1147 = arith.constant 409 : i32
        %add3A_1148 = vector.broadcast %add3A_1147 : i32 to vector<16xi32>
        %add3A_1149 = arith.addi %mul3A_551, %add3A_1148 : vector<16xi32>
        %gather3A_1150 = tpu.vector_load_idx %arg6[%add3A_1149] : memref<40800xf32, #tpu.memory_space<vmem>>[vector<16xi32>], vector<16xf32>,
        %add3A_1151 = arith.constant 417 : i32
        %add3A_1152 = vector.broadcast %add3A_1151 : i32 to vector<16xi32>
        %add3A_1153 = arith.addi %mul3A_551, %add3A_1152 : vector<16xi32>
        %gather3A_1154 = tpu.vector_load_idx %arg6[%add3A_1153] : memref<40800xf32, #tpu.memory_space<vmem>>[vector<16xi32>], vector<16xf32>,
        %mul3A_1155 = arith.mulf %mul3A_623, %gather3A_1142 : vector<16xf32>
        %mul3A_1156 = arith.mulf %mul3A_611, %gather3A_1146 : vector<16xf32>
        %add3A_1157 = arith.addf %mul3A_1155, %mul3A_1156 : vector<16xf32>
        %mul3A_1158 = arith.mulf %mul3A_615, %gather3A_1150 : vector<16xf32>
        %add3A_1159 = arith.addf %add3A_1157, %mul3A_1158 : vector<16xf32>
        %mul3A_1160 = arith.mulf %mul3A_616, %gather3A_1154 : vector<16xf32>
        %add3A_1161 = arith.addf %add3A_1159, %mul3A_1160 : vector<16xf32>
        %pack3A_1162 = tpu.pack_subelements %add3A_1138, %add3A_1161 {pack_format = #tpu.pack_format<interleaved>, positions = array<i32: 0, 1>} : vector<16xf32>, vector<16xf32> -> vector<32xbf16>
        %bitcast3A_1163 = vector.bitcast %pack3A_1162 : vector<32xbf16> to vector<16xi32>
        %broadcast_in_dim3A_1164 = arith.constant 4 : i32
        %broadcast_in_dim3A_1165 = vector.broadcast %broadcast_in_dim3A_1164 : i32 to vector<16xi32>
        %scatter3A_1166 = arith.constant 0 : i32
        %scatter3A_1167 = arith.constant 0 : i32
        %scatter3A_1168 = tpu.memref_slice %arg8[%and3A_485, %scatter3A_1166, %scatter3A_1167] : memref<2x12x1024xi32, #tpu.memory_space<vmem>> -> memref<1x12x1024xi32, #tpu.memory_space<vmem>>
        %scatter3A_1169 = tpu.memref_squeeze %scatter3A_1168 : memref<1x12x1024xi32, #tpu.memory_space<vmem>> -> memref<12x1024xi32, #tpu.memory_space<vmem>>
        tpu.vector_store_idx %scatter3A_1169[%broadcast_in_dim3A_1165, %add3A_500], %bitcast3A_1163 : memref<12x1024xi32, #tpu.memory_space<vmem>>[vector<16xi32>, vector<16xi32>], vector<16xi32>,
        %add3A_1170 = arith.constant 2 : i32
        %add3A_1171 = vector.broadcast %add3A_1170 : i32 to vector<16xi32>
        %add3A_1172 = arith.addi %mul3A_551, %add3A_1171 : vector<16xi32>
        %gather3A_1173 = tpu.vector_load_idx %arg6[%add3A_1172] : memref<40800xf32, #tpu.memory_space<vmem>>[vector<16xi32>], vector<16xf32>,
        %add3A_1174 = arith.constant 10 : i32
        %add3A_1175 = vector.broadcast %add3A_1174 : i32 to vector<16xi32>
        %add3A_1176 = arith.addi %mul3A_551, %add3A_1175 : vector<16xi32>
        %gather3A_1177 = tpu.vector_load_idx %arg6[%add3A_1176] : memref<40800xf32, #tpu.memory_space<vmem>>[vector<16xi32>], vector<16xf32>,
        %add3A_1178 = arith.constant 410 : i32
        %add3A_1179 = vector.broadcast %add3A_1178 : i32 to vector<16xi32>
        %add3A_1180 = arith.addi %mul3A_551, %add3A_1179 : vector<16xi32>
        %gather3A_1181 = tpu.vector_load_idx %arg6[%add3A_1180] : memref<40800xf32, #tpu.memory_space<vmem>>[vector<16xi32>], vector<16xf32>,
        %add3A_1182 = arith.constant 418 : i32
        %add3A_1183 = vector.broadcast %add3A_1182 : i32 to vector<16xi32>
        %add3A_1184 = arith.addi %mul3A_551, %add3A_1183 : vector<16xi32>
        %gather3A_1185 = tpu.vector_load_idx %arg6[%add3A_1184] : memref<40800xf32, #tpu.memory_space<vmem>>[vector<16xi32>], vector<16xf32>,
        %mul3A_1186 = arith.mulf %mul3A_623, %gather3A_1173 : vector<16xf32>
        %mul3A_1187 = arith.mulf %mul3A_611, %gather3A_1177 : vector<16xf32>
        %add3A_1188 = arith.addf %mul3A_1186, %mul3A_1187 : vector<16xf32>
        %mul3A_1189 = arith.mulf %mul3A_615, %gather3A_1181 : vector<16xf32>
        %add3A_1190 = arith.addf %add3A_1188, %mul3A_1189 : vector<16xf32>
        %mul3A_1191 = arith.mulf %mul3A_616, %gather3A_1185 : vector<16xf32>
        %add3A_1192 = arith.addf %add3A_1190, %mul3A_1191 : vector<16xf32>
        %add3A_1193 = arith.constant 3 : i32
        %add3A_1194 = vector.broadcast %add3A_1193 : i32 to vector<16xi32>
        %add3A_1195 = arith.addi %mul3A_551, %add3A_1194 : vector<16xi32>
        %gather3A_1196 = tpu.vector_load_idx %arg6[%add3A_1195] : memref<40800xf32, #tpu.memory_space<vmem>>[vector<16xi32>], vector<16xf32>,
        %add3A_1197 = arith.constant 11 : i32
        %add3A_1198 = vector.broadcast %add3A_1197 : i32 to vector<16xi32>
        %add3A_1199 = arith.addi %mul3A_551, %add3A_1198 : vector<16xi32>
        %gather3A_1200 = tpu.vector_load_idx %arg6[%add3A_1199] : memref<40800xf32, #tpu.memory_space<vmem>>[vector<16xi32>], vector<16xf32>,
        %add3A_1201 = arith.constant 411 : i32
        %add3A_1202 = vector.broadcast %add3A_1201 : i32 to vector<16xi32>
        %add3A_1203 = arith.addi %mul3A_551, %add3A_1202 : vector<16xi32>
        %gather3A_1204 = tpu.vector_load_idx %arg6[%add3A_1203] : memref<40800xf32, #tpu.memory_space<vmem>>[vector<16xi32>], vector<16xf32>,
        %add3A_1205 = arith.constant 419 : i32
        %add3A_1206 = vector.broadcast %add3A_1205 : i32 to vector<16xi32>
        %add3A_1207 = arith.addi %mul3A_551, %add3A_1206 : vector<16xi32>
        %gather3A_1208 = tpu.vector_load_idx %arg6[%add3A_1207] : memref<40800xf32, #tpu.memory_space<vmem>>[vector<16xi32>], vector<16xf32>,
        %mul3A_1209 = arith.mulf %mul3A_623, %gather3A_1196 : vector<16xf32>
        %mul3A_1210 = arith.mulf %mul3A_611, %gather3A_1200 : vector<16xf32>
        %add3A_1211 = arith.addf %mul3A_1209, %mul3A_1210 : vector<16xf32>
        %mul3A_1212 = arith.mulf %mul3A_615, %gather3A_1204 : vector<16xf32>
        %add3A_1213 = arith.addf %add3A_1211, %mul3A_1212 : vector<16xf32>
        %mul3A_1214 = arith.mulf %mul3A_616, %gather3A_1208 : vector<16xf32>
        %add3A_1215 = arith.addf %add3A_1213, %mul3A_1214 : vector<16xf32>
        %pack3A_1216 = tpu.pack_subelements %add3A_1192, %add3A_1215 {pack_format = #tpu.pack_format<interleaved>, positions = array<i32: 0, 1>} : vector<16xf32>, vector<16xf32> -> vector<32xbf16>
        %bitcast3A_1217 = vector.bitcast %pack3A_1216 : vector<32xbf16> to vector<16xi32>
        %broadcast_in_dim3A_1218 = arith.constant 5 : i32
        %broadcast_in_dim3A_1219 = vector.broadcast %broadcast_in_dim3A_1218 : i32 to vector<16xi32>
        %scatter3A_1220 = arith.constant 0 : i32
        %scatter3A_1221 = arith.constant 0 : i32
        %scatter3A_1222 = tpu.memref_slice %arg8[%and3A_485, %scatter3A_1220, %scatter3A_1221] : memref<2x12x1024xi32, #tpu.memory_space<vmem>> -> memref<1x12x1024xi32, #tpu.memory_space<vmem>>
        %scatter3A_1223 = tpu.memref_squeeze %scatter3A_1222 : memref<1x12x1024xi32, #tpu.memory_space<vmem>> -> memref<12x1024xi32, #tpu.memory_space<vmem>>
        tpu.vector_store_idx %scatter3A_1223[%broadcast_in_dim3A_1219, %add3A_500], %bitcast3A_1217 : memref<12x1024xi32, #tpu.memory_space<vmem>>[vector<16xi32>, vector<16xi32>], vector<16xi32>,
        %add3A_1224 = arith.constant 4 : i32
        %add3A_1225 = vector.broadcast %add3A_1224 : i32 to vector<16xi32>
        %add3A_1226 = arith.addi %mul3A_551, %add3A_1225 : vector<16xi32>
        %gather3A_1227 = tpu.vector_load_idx %arg6[%add3A_1226] : memref<40800xf32, #tpu.memory_space<vmem>>[vector<16xi32>], vector<16xf32>,
        %add3A_1228 = arith.constant 12 : i32
        %add3A_1229 = vector.broadcast %add3A_1228 : i32 to vector<16xi32>
        %add3A_1230 = arith.addi %mul3A_551, %add3A_1229 : vector<16xi32>
        %gather3A_1231 = tpu.vector_load_idx %arg6[%add3A_1230] : memref<40800xf32, #tpu.memory_space<vmem>>[vector<16xi32>], vector<16xf32>,
        %add3A_1232 = arith.constant 412 : i32
        %add3A_1233 = vector.broadcast %add3A_1232 : i32 to vector<16xi32>
        %add3A_1234 = arith.addi %mul3A_551, %add3A_1233 : vector<16xi32>
        %gather3A_1235 = tpu.vector_load_idx %arg6[%add3A_1234] : memref<40800xf32, #tpu.memory_space<vmem>>[vector<16xi32>], vector<16xf32>,
        %add3A_1236 = arith.constant 420 : i32
        %add3A_1237 = vector.broadcast %add3A_1236 : i32 to vector<16xi32>
        %add3A_1238 = arith.addi %mul3A_551, %add3A_1237 : vector<16xi32>
        %gather3A_1239 = tpu.vector_load_idx %arg6[%add3A_1238] : memref<40800xf32, #tpu.memory_space<vmem>>[vector<16xi32>], vector<16xf32>,
        %mul3A_1240 = arith.mulf %mul3A_623, %gather3A_1227 : vector<16xf32>
        %mul3A_1241 = arith.mulf %mul3A_611, %gather3A_1231 : vector<16xf32>
        %add3A_1242 = arith.addf %mul3A_1240, %mul3A_1241 : vector<16xf32>
        %mul3A_1243 = arith.mulf %mul3A_615, %gather3A_1235 : vector<16xf32>
        %add3A_1244 = arith.addf %add3A_1242, %mul3A_1243 : vector<16xf32>
        %mul3A_1245 = arith.mulf %mul3A_616, %gather3A_1239 : vector<16xf32>
        %add3A_1246 = arith.addf %add3A_1244, %mul3A_1245 : vector<16xf32>
        %add3A_1247 = arith.constant 5 : i32
        %add3A_1248 = vector.broadcast %add3A_1247 : i32 to vector<16xi32>
        %add3A_1249 = arith.addi %mul3A_551, %add3A_1248 : vector<16xi32>
        %gather3A_1250 = tpu.vector_load_idx %arg6[%add3A_1249] : memref<40800xf32, #tpu.memory_space<vmem>>[vector<16xi32>], vector<16xf32>,
        %add3A_1251 = arith.constant 13 : i32
        %add3A_1252 = vector.broadcast %add3A_1251 : i32 to vector<16xi32>
        %add3A_1253 = arith.addi %mul3A_551, %add3A_1252 : vector<16xi32>
        %gather3A_1254 = tpu.vector_load_idx %arg6[%add3A_1253] : memref<40800xf32, #tpu.memory_space<vmem>>[vector<16xi32>], vector<16xf32>,
        %add3A_1255 = arith.constant 413 : i32
        %add3A_1256 = vector.broadcast %add3A_1255 : i32 to vector<16xi32>
        %add3A_1257 = arith.addi %mul3A_551, %add3A_1256 : vector<16xi32>
        %gather3A_1258 = tpu.vector_load_idx %arg6[%add3A_1257] : memref<40800xf32, #tpu.memory_space<vmem>>[vector<16xi32>], vector<16xf32>,
        %add3A_1259 = arith.constant 421 : i32
        %add3A_1260 = vector.broadcast %add3A_1259 : i32 to vector<16xi32>
        %add3A_1261 = arith.addi %mul3A_551, %add3A_1260 : vector<16xi32>
        %gather3A_1262 = tpu.vector_load_idx %arg6[%add3A_1261] : memref<40800xf32, #tpu.memory_space<vmem>>[vector<16xi32>], vector<16xf32>,
        %mul3A_1263 = arith.mulf %mul3A_623, %gather3A_1250 : vector<16xf32>
        %mul3A_1264 = arith.mulf %mul3A_611, %gather3A_1254 : vector<16xf32>
        %add3A_1265 = arith.addf %mul3A_1263, %mul3A_1264 : vector<16xf32>
        %mul3A_1266 = arith.mulf %mul3A_615, %gather3A_1258 : vector<16xf32>
        %add3A_1267 = arith.addf %add3A_1265, %mul3A_1266 : vector<16xf32>
        %mul3A_1268 = arith.mulf %mul3A_616, %gather3A_1262 : vector<16xf32>
        %add3A_1269 = arith.addf %add3A_1267, %mul3A_1268 : vector<16xf32>
        %pack3A_1270 = tpu.pack_subelements %add3A_1246, %add3A_1269 {pack_format = #tpu.pack_format<interleaved>, positions = array<i32: 0, 1>} : vector<16xf32>, vector<16xf32> -> vector<32xbf16>
        %bitcast3A_1271 = vector.bitcast %pack3A_1270 : vector<32xbf16> to vector<16xi32>
        %broadcast_in_dim3A_1272 = arith.constant 6 : i32
        %broadcast_in_dim3A_1273 = vector.broadcast %broadcast_in_dim3A_1272 : i32 to vector<16xi32>
        %scatter3A_1274 = arith.constant 0 : i32
        %scatter3A_1275 = arith.constant 0 : i32
        %scatter3A_1276 = tpu.memref_slice %arg8[%and3A_485, %scatter3A_1274, %scatter3A_1275] : memref<2x12x1024xi32, #tpu.memory_space<vmem>> -> memref<1x12x1024xi32, #tpu.memory_space<vmem>>
        %scatter3A_1277 = tpu.memref_squeeze %scatter3A_1276 : memref<1x12x1024xi32, #tpu.memory_space<vmem>> -> memref<12x1024xi32, #tpu.memory_space<vmem>>
        tpu.vector_store_idx %scatter3A_1277[%broadcast_in_dim3A_1273, %add3A_500], %bitcast3A_1271 : memref<12x1024xi32, #tpu.memory_space<vmem>>[vector<16xi32>, vector<16xi32>], vector<16xi32>,
        %add3A_1278 = arith.constant 6 : i32
        %add3A_1279 = vector.broadcast %add3A_1278 : i32 to vector<16xi32>
        %add3A_1280 = arith.addi %mul3A_551, %add3A_1279 : vector<16xi32>
        %gather3A_1281 = tpu.vector_load_idx %arg6[%add3A_1280] : memref<40800xf32, #tpu.memory_space<vmem>>[vector<16xi32>], vector<16xf32>,
        %add3A_1282 = arith.constant 14 : i32
        %add3A_1283 = vector.broadcast %add3A_1282 : i32 to vector<16xi32>
        %add3A_1284 = arith.addi %mul3A_551, %add3A_1283 : vector<16xi32>
        %gather3A_1285 = tpu.vector_load_idx %arg6[%add3A_1284] : memref<40800xf32, #tpu.memory_space<vmem>>[vector<16xi32>], vector<16xf32>,
        %add3A_1286 = arith.constant 414 : i32
        %add3A_1287 = vector.broadcast %add3A_1286 : i32 to vector<16xi32>
        %add3A_1288 = arith.addi %mul3A_551, %add3A_1287 : vector<16xi32>
        %gather3A_1289 = tpu.vector_load_idx %arg6[%add3A_1288] : memref<40800xf32, #tpu.memory_space<vmem>>[vector<16xi32>], vector<16xf32>,
        %add3A_1290 = arith.constant 422 : i32
        %add3A_1291 = vector.broadcast %add3A_1290 : i32 to vector<16xi32>
        %add3A_1292 = arith.addi %mul3A_551, %add3A_1291 : vector<16xi32>
        %gather3A_1293 = tpu.vector_load_idx %arg6[%add3A_1292] : memref<40800xf32, #tpu.memory_space<vmem>>[vector<16xi32>], vector<16xf32>,
        %mul3A_1294 = arith.mulf %mul3A_623, %gather3A_1281 : vector<16xf32>
        %mul3A_1295 = arith.mulf %mul3A_611, %gather3A_1285 : vector<16xf32>
        %add3A_1296 = arith.addf %mul3A_1294, %mul3A_1295 : vector<16xf32>
        %mul3A_1297 = arith.mulf %mul3A_615, %gather3A_1289 : vector<16xf32>
        %add3A_1298 = arith.addf %add3A_1296, %mul3A_1297 : vector<16xf32>
        %mul3A_1299 = arith.mulf %mul3A_616, %gather3A_1293 : vector<16xf32>
        %add3A_1300 = arith.addf %add3A_1298, %mul3A_1299 : vector<16xf32>
        %add3A_1301 = arith.constant 7 : i32
        %add3A_1302 = vector.broadcast %add3A_1301 : i32 to vector<16xi32>
        %add3A_1303 = arith.addi %mul3A_551, %add3A_1302 : vector<16xi32>
        %gather3A_1304 = tpu.vector_load_idx %arg6[%add3A_1303] : memref<40800xf32, #tpu.memory_space<vmem>>[vector<16xi32>], vector<16xf32>,
        %add3A_1305 = arith.constant 15 : i32
        %add3A_1306 = vector.broadcast %add3A_1305 : i32 to vector<16xi32>
        %add3A_1307 = arith.addi %mul3A_551, %add3A_1306 : vector<16xi32>
        %gather3A_1308 = tpu.vector_load_idx %arg6[%add3A_1307] : memref<40800xf32, #tpu.memory_space<vmem>>[vector<16xi32>], vector<16xf32>,
        %add3A_1309 = arith.constant 415 : i32
        %add3A_1310 = vector.broadcast %add3A_1309 : i32 to vector<16xi32>
        %add3A_1311 = arith.addi %mul3A_551, %add3A_1310 : vector<16xi32>
        %gather3A_1312 = tpu.vector_load_idx %arg6[%add3A_1311] : memref<40800xf32, #tpu.memory_space<vmem>>[vector<16xi32>], vector<16xf32>,
        %add3A_1313 = arith.constant 423 : i32
        %add3A_1314 = vector.broadcast %add3A_1313 : i32 to vector<16xi32>
        %add3A_1315 = arith.addi %mul3A_551, %add3A_1314 : vector<16xi32>
        %gather3A_1316 = tpu.vector_load_idx %arg6[%add3A_1315] : memref<40800xf32, #tpu.memory_space<vmem>>[vector<16xi32>], vector<16xf32>,
        %mul3A_1317 = arith.mulf %mul3A_623, %gather3A_1304 : vector<16xf32>
        %mul3A_1318 = arith.mulf %mul3A_611, %gather3A_1308 : vector<16xf32>
        %add3A_1319 = arith.addf %mul3A_1317, %mul3A_1318 : vector<16xf32>
        %mul3A_1320 = arith.mulf %mul3A_615, %gather3A_1312 : vector<16xf32>
        %add3A_1321 = arith.addf %add3A_1319, %mul3A_1320 : vector<16xf32>
        %mul3A_1322 = arith.mulf %mul3A_616, %gather3A_1316 : vector<16xf32>
        %add3A_1323 = arith.addf %add3A_1321, %mul3A_1322 : vector<16xf32>
        %pack3A_1324 = tpu.pack_subelements %add3A_1300, %add3A_1323 {pack_format = #tpu.pack_format<interleaved>, positions = array<i32: 0, 1>} : vector<16xf32>, vector<16xf32> -> vector<32xbf16>
        %bitcast3A_1325 = vector.bitcast %pack3A_1324 : vector<32xbf16> to vector<16xi32>
        %broadcast_in_dim3A_1326 = arith.constant 7 : i32
        %broadcast_in_dim3A_1327 = vector.broadcast %broadcast_in_dim3A_1326 : i32 to vector<16xi32>
        %scatter3A_1328 = arith.constant 0 : i32
        %scatter3A_1329 = arith.constant 0 : i32
        %scatter3A_1330 = tpu.memref_slice %arg8[%and3A_485, %scatter3A_1328, %scatter3A_1329] : memref<2x12x1024xi32, #tpu.memory_space<vmem>> -> memref<1x12x1024xi32, #tpu.memory_space<vmem>>
        %scatter3A_1331 = tpu.memref_squeeze %scatter3A_1330 : memref<1x12x1024xi32, #tpu.memory_space<vmem>> -> memref<12x1024xi32, #tpu.memory_space<vmem>>
        tpu.vector_store_idx %scatter3A_1331[%broadcast_in_dim3A_1327, %add3A_500], %bitcast3A_1325 : memref<12x1024xi32, #tpu.memory_space<vmem>>[vector<16xi32>, vector<16xi32>], vector<16xi32>,
        %add3A_1332 = arith.constant 0 : i32
        %add3A_1333 = vector.broadcast %add3A_1332 : i32 to vector<16xi32>
        %add3A_1334 = arith.addi %add3A_607, %add3A_1333 : vector<16xi32>
        %gather3A_1335 = tpu.vector_load_idx %arg6[%add3A_1334] : memref<40800xf32, #tpu.memory_space<vmem>>[vector<16xi32>], vector<16xf32>,
        %add3A_1336 = arith.constant 8 : i32
        %add3A_1337 = vector.broadcast %add3A_1336 : i32 to vector<16xi32>
        %add3A_1338 = arith.addi %add3A_607, %add3A_1337 : vector<16xi32>
        %gather3A_1339 = tpu.vector_load_idx %arg6[%add3A_1338] : memref<40800xf32, #tpu.memory_space<vmem>>[vector<16xi32>], vector<16xf32>,
        %add3A_1340 = arith.constant 408 : i32
        %add3A_1341 = vector.broadcast %add3A_1340 : i32 to vector<16xi32>
        %add3A_1342 = arith.addi %add3A_607, %add3A_1341 : vector<16xi32>
        %gather3A_1343 = tpu.vector_load_idx %arg6[%add3A_1342] : memref<40800xf32, #tpu.memory_space<vmem>>[vector<16xi32>], vector<16xf32>,
        %add3A_1344 = arith.constant 416 : i32
        %add3A_1345 = vector.broadcast %add3A_1344 : i32 to vector<16xi32>
        %add3A_1346 = arith.addi %add3A_607, %add3A_1345 : vector<16xi32>
        %gather3A_1347 = tpu.vector_load_idx %arg6[%add3A_1346] : memref<40800xf32, #tpu.memory_space<vmem>>[vector<16xi32>], vector<16xf32>,
        %mul3A_1348 = arith.mulf %mul3A_639, %gather3A_1335 : vector<16xf32>
        %mul3A_1349 = arith.mulf %mul3A_627, %gather3A_1339 : vector<16xf32>
        %add3A_1350 = arith.addf %mul3A_1348, %mul3A_1349 : vector<16xf32>
        %mul3A_1351 = arith.mulf %mul3A_631, %gather3A_1343 : vector<16xf32>
        %add3A_1352 = arith.addf %add3A_1350, %mul3A_1351 : vector<16xf32>
        %mul3A_1353 = arith.mulf %mul3A_632, %gather3A_1347 : vector<16xf32>
        %add3A_1354 = arith.addf %add3A_1352, %mul3A_1353 : vector<16xf32>
        %add3A_1355 = arith.constant 1 : i32
        %add3A_1356 = vector.broadcast %add3A_1355 : i32 to vector<16xi32>
        %add3A_1357 = arith.addi %add3A_607, %add3A_1356 : vector<16xi32>
        %gather3A_1358 = tpu.vector_load_idx %arg6[%add3A_1357] : memref<40800xf32, #tpu.memory_space<vmem>>[vector<16xi32>], vector<16xf32>,
        %add3A_1359 = arith.constant 9 : i32
        %add3A_1360 = vector.broadcast %add3A_1359 : i32 to vector<16xi32>
        %add3A_1361 = arith.addi %add3A_607, %add3A_1360 : vector<16xi32>
        %gather3A_1362 = tpu.vector_load_idx %arg6[%add3A_1361] : memref<40800xf32, #tpu.memory_space<vmem>>[vector<16xi32>], vector<16xf32>,
        %add3A_1363 = arith.constant 409 : i32
        %add3A_1364 = vector.broadcast %add3A_1363 : i32 to vector<16xi32>
        %add3A_1365 = arith.addi %add3A_607, %add3A_1364 : vector<16xi32>
        %gather3A_1366 = tpu.vector_load_idx %arg6[%add3A_1365] : memref<40800xf32, #tpu.memory_space<vmem>>[vector<16xi32>], vector<16xf32>,
        %add3A_1367 = arith.constant 417 : i32
        %add3A_1368 = vector.broadcast %add3A_1367 : i32 to vector<16xi32>
        %add3A_1369 = arith.addi %add3A_607, %add3A_1368 : vector<16xi32>
        %gather3A_1370 = tpu.vector_load_idx %arg6[%add3A_1369] : memref<40800xf32, #tpu.memory_space<vmem>>[vector<16xi32>], vector<16xf32>,
        %mul3A_1371 = arith.mulf %mul3A_639, %gather3A_1358 : vector<16xf32>
        %mul3A_1372 = arith.mulf %mul3A_627, %gather3A_1362 : vector<16xf32>
        %add3A_1373 = arith.addf %mul3A_1371, %mul3A_1372 : vector<16xf32>
        %mul3A_1374 = arith.mulf %mul3A_631, %gather3A_1366 : vector<16xf32>
        %add3A_1375 = arith.addf %add3A_1373, %mul3A_1374 : vector<16xf32>
        %mul3A_1376 = arith.mulf %mul3A_632, %gather3A_1370 : vector<16xf32>
        %add3A_1377 = arith.addf %add3A_1375, %mul3A_1376 : vector<16xf32>
        %pack3A_1378 = tpu.pack_subelements %add3A_1354, %add3A_1377 {pack_format = #tpu.pack_format<interleaved>, positions = array<i32: 0, 1>} : vector<16xf32>, vector<16xf32> -> vector<32xbf16>
        %bitcast3A_1379 = vector.bitcast %pack3A_1378 : vector<32xbf16> to vector<16xi32>
        %broadcast_in_dim3A_1380 = arith.constant 8 : i32
        %broadcast_in_dim3A_1381 = vector.broadcast %broadcast_in_dim3A_1380 : i32 to vector<16xi32>
        %scatter3A_1382 = arith.constant 0 : i32
        %scatter3A_1383 = arith.constant 0 : i32
        %scatter3A_1384 = tpu.memref_slice %arg8[%and3A_485, %scatter3A_1382, %scatter3A_1383] : memref<2x12x1024xi32, #tpu.memory_space<vmem>> -> memref<1x12x1024xi32, #tpu.memory_space<vmem>>
        %scatter3A_1385 = tpu.memref_squeeze %scatter3A_1384 : memref<1x12x1024xi32, #tpu.memory_space<vmem>> -> memref<12x1024xi32, #tpu.memory_space<vmem>>
        tpu.vector_store_idx %scatter3A_1385[%broadcast_in_dim3A_1381, %add3A_500], %bitcast3A_1379 : memref<12x1024xi32, #tpu.memory_space<vmem>>[vector<16xi32>, vector<16xi32>], vector<16xi32>,
        %add3A_1386 = arith.constant 2 : i32
        %add3A_1387 = vector.broadcast %add3A_1386 : i32 to vector<16xi32>
        %add3A_1388 = arith.addi %add3A_607, %add3A_1387 : vector<16xi32>
        %gather3A_1389 = tpu.vector_load_idx %arg6[%add3A_1388] : memref<40800xf32, #tpu.memory_space<vmem>>[vector<16xi32>], vector<16xf32>,
        %add3A_1390 = arith.constant 10 : i32
        %add3A_1391 = vector.broadcast %add3A_1390 : i32 to vector<16xi32>
        %add3A_1392 = arith.addi %add3A_607, %add3A_1391 : vector<16xi32>
        %gather3A_1393 = tpu.vector_load_idx %arg6[%add3A_1392] : memref<40800xf32, #tpu.memory_space<vmem>>[vector<16xi32>], vector<16xf32>,
        %add3A_1394 = arith.constant 410 : i32
        %add3A_1395 = vector.broadcast %add3A_1394 : i32 to vector<16xi32>
        %add3A_1396 = arith.addi %add3A_607, %add3A_1395 : vector<16xi32>
        %gather3A_1397 = tpu.vector_load_idx %arg6[%add3A_1396] : memref<40800xf32, #tpu.memory_space<vmem>>[vector<16xi32>], vector<16xf32>,
        %add3A_1398 = arith.constant 418 : i32
        %add3A_1399 = vector.broadcast %add3A_1398 : i32 to vector<16xi32>
        %add3A_1400 = arith.addi %add3A_607, %add3A_1399 : vector<16xi32>
        %gather3A_1401 = tpu.vector_load_idx %arg6[%add3A_1400] : memref<40800xf32, #tpu.memory_space<vmem>>[vector<16xi32>], vector<16xf32>,
        %mul3A_1402 = arith.mulf %mul3A_639, %gather3A_1389 : vector<16xf32>
        %mul3A_1403 = arith.mulf %mul3A_627, %gather3A_1393 : vector<16xf32>
        %add3A_1404 = arith.addf %mul3A_1402, %mul3A_1403 : vector<16xf32>
        %mul3A_1405 = arith.mulf %mul3A_631, %gather3A_1397 : vector<16xf32>
        %add3A_1406 = arith.addf %add3A_1404, %mul3A_1405 : vector<16xf32>
        %mul3A_1407 = arith.mulf %mul3A_632, %gather3A_1401 : vector<16xf32>
        %add3A_1408 = arith.addf %add3A_1406, %mul3A_1407 : vector<16xf32>
        %add3A_1409 = arith.constant 3 : i32
        %add3A_1410 = vector.broadcast %add3A_1409 : i32 to vector<16xi32>
        %add3A_1411 = arith.addi %add3A_607, %add3A_1410 : vector<16xi32>
        %gather3A_1412 = tpu.vector_load_idx %arg6[%add3A_1411] : memref<40800xf32, #tpu.memory_space<vmem>>[vector<16xi32>], vector<16xf32>,
        %add3A_1413 = arith.constant 11 : i32
        %add3A_1414 = vector.broadcast %add3A_1413 : i32 to vector<16xi32>
        %add3A_1415 = arith.addi %add3A_607, %add3A_1414 : vector<16xi32>
        %gather3A_1416 = tpu.vector_load_idx %arg6[%add3A_1415] : memref<40800xf32, #tpu.memory_space<vmem>>[vector<16xi32>], vector<16xf32>,
        %add3A_1417 = arith.constant 411 : i32
        %add3A_1418 = vector.broadcast %add3A_1417 : i32 to vector<16xi32>
        %add3A_1419 = arith.addi %add3A_607, %add3A_1418 : vector<16xi32>
        %gather3A_1420 = tpu.vector_load_idx %arg6[%add3A_1419] : memref<40800xf32, #tpu.memory_space<vmem>>[vector<16xi32>], vector<16xf32>,
        %add3A_1421 = arith.constant 419 : i32
        %add3A_1422 = vector.broadcast %add3A_1421 : i32 to vector<16xi32>
        %add3A_1423 = arith.addi %add3A_607, %add3A_1422 : vector<16xi32>
        %gather3A_1424 = tpu.vector_load_idx %arg6[%add3A_1423] : memref<40800xf32, #tpu.memory_space<vmem>>[vector<16xi32>], vector<16xf32>,
        %mul3A_1425 = arith.mulf %mul3A_639, %gather3A_1412 : vector<16xf32>
        %mul3A_1426 = arith.mulf %mul3A_627, %gather3A_1416 : vector<16xf32>
        %add3A_1427 = arith.addf %mul3A_1425, %mul3A_1426 : vector<16xf32>
        %mul3A_1428 = arith.mulf %mul3A_631, %gather3A_1420 : vector<16xf32>
        %add3A_1429 = arith.addf %add3A_1427, %mul3A_1428 : vector<16xf32>
        %mul3A_1430 = arith.mulf %mul3A_632, %gather3A_1424 : vector<16xf32>
        %add3A_1431 = arith.addf %add3A_1429, %mul3A_1430 : vector<16xf32>
        %pack3A_1432 = tpu.pack_subelements %add3A_1408, %add3A_1431 {pack_format = #tpu.pack_format<interleaved>, positions = array<i32: 0, 1>} : vector<16xf32>, vector<16xf32> -> vector<32xbf16>
        %bitcast3A_1433 = vector.bitcast %pack3A_1432 : vector<32xbf16> to vector<16xi32>
        %broadcast_in_dim3A_1434 = arith.constant 9 : i32
        %broadcast_in_dim3A_1435 = vector.broadcast %broadcast_in_dim3A_1434 : i32 to vector<16xi32>
        %scatter3A_1436 = arith.constant 0 : i32
        %scatter3A_1437 = arith.constant 0 : i32
        %scatter3A_1438 = tpu.memref_slice %arg8[%and3A_485, %scatter3A_1436, %scatter3A_1437] : memref<2x12x1024xi32, #tpu.memory_space<vmem>> -> memref<1x12x1024xi32, #tpu.memory_space<vmem>>
        %scatter3A_1439 = tpu.memref_squeeze %scatter3A_1438 : memref<1x12x1024xi32, #tpu.memory_space<vmem>> -> memref<12x1024xi32, #tpu.memory_space<vmem>>
        tpu.vector_store_idx %scatter3A_1439[%broadcast_in_dim3A_1435, %add3A_500], %bitcast3A_1433 : memref<12x1024xi32, #tpu.memory_space<vmem>>[vector<16xi32>, vector<16xi32>], vector<16xi32>,
        %add3A_1440 = arith.constant 4 : i32
        %add3A_1441 = vector.broadcast %add3A_1440 : i32 to vector<16xi32>
        %add3A_1442 = arith.addi %add3A_607, %add3A_1441 : vector<16xi32>
        %gather3A_1443 = tpu.vector_load_idx %arg6[%add3A_1442] : memref<40800xf32, #tpu.memory_space<vmem>>[vector<16xi32>], vector<16xf32>,
        %add3A_1444 = arith.constant 12 : i32
        %add3A_1445 = vector.broadcast %add3A_1444 : i32 to vector<16xi32>
        %add3A_1446 = arith.addi %add3A_607, %add3A_1445 : vector<16xi32>
        %gather3A_1447 = tpu.vector_load_idx %arg6[%add3A_1446] : memref<40800xf32, #tpu.memory_space<vmem>>[vector<16xi32>], vector<16xf32>,
        %add3A_1448 = arith.constant 412 : i32
        %add3A_1449 = vector.broadcast %add3A_1448 : i32 to vector<16xi32>
        %add3A_1450 = arith.addi %add3A_607, %add3A_1449 : vector<16xi32>
        %gather3A_1451 = tpu.vector_load_idx %arg6[%add3A_1450] : memref<40800xf32, #tpu.memory_space<vmem>>[vector<16xi32>], vector<16xf32>,
        %add3A_1452 = arith.constant 420 : i32
        %add3A_1453 = vector.broadcast %add3A_1452 : i32 to vector<16xi32>
        %add3A_1454 = arith.addi %add3A_607, %add3A_1453 : vector<16xi32>
        %gather3A_1455 = tpu.vector_load_idx %arg6[%add3A_1454] : memref<40800xf32, #tpu.memory_space<vmem>>[vector<16xi32>], vector<16xf32>,
        %mul3A_1456 = arith.mulf %mul3A_639, %gather3A_1443 : vector<16xf32>
        %mul3A_1457 = arith.mulf %mul3A_627, %gather3A_1447 : vector<16xf32>
        %add3A_1458 = arith.addf %mul3A_1456, %mul3A_1457 : vector<16xf32>
        %mul3A_1459 = arith.mulf %mul3A_631, %gather3A_1451 : vector<16xf32>
        %add3A_1460 = arith.addf %add3A_1458, %mul3A_1459 : vector<16xf32>
        %mul3A_1461 = arith.mulf %mul3A_632, %gather3A_1455 : vector<16xf32>
        %add3A_1462 = arith.addf %add3A_1460, %mul3A_1461 : vector<16xf32>
        %add3A_1463 = arith.constant 5 : i32
        %add3A_1464 = vector.broadcast %add3A_1463 : i32 to vector<16xi32>
        %add3A_1465 = arith.addi %add3A_607, %add3A_1464 : vector<16xi32>
        %gather3A_1466 = tpu.vector_load_idx %arg6[%add3A_1465] : memref<40800xf32, #tpu.memory_space<vmem>>[vector<16xi32>], vector<16xf32>,
        %add3A_1467 = arith.constant 13 : i32
        %add3A_1468 = vector.broadcast %add3A_1467 : i32 to vector<16xi32>
        %add3A_1469 = arith.addi %add3A_607, %add3A_1468 : vector<16xi32>
        %gather3A_1470 = tpu.vector_load_idx %arg6[%add3A_1469] : memref<40800xf32, #tpu.memory_space<vmem>>[vector<16xi32>], vector<16xf32>,
        %add3A_1471 = arith.constant 413 : i32
        %add3A_1472 = vector.broadcast %add3A_1471 : i32 to vector<16xi32>
        %add3A_1473 = arith.addi %add3A_607, %add3A_1472 : vector<16xi32>
        %gather3A_1474 = tpu.vector_load_idx %arg6[%add3A_1473] : memref<40800xf32, #tpu.memory_space<vmem>>[vector<16xi32>], vector<16xf32>,
        %add3A_1475 = arith.constant 421 : i32
        %add3A_1476 = vector.broadcast %add3A_1475 : i32 to vector<16xi32>
        %add3A_1477 = arith.addi %add3A_607, %add3A_1476 : vector<16xi32>
        %gather3A_1478 = tpu.vector_load_idx %arg6[%add3A_1477] : memref<40800xf32, #tpu.memory_space<vmem>>[vector<16xi32>], vector<16xf32>,
        %mul3A_1479 = arith.mulf %mul3A_639, %gather3A_1466 : vector<16xf32>
        %mul3A_1480 = arith.mulf %mul3A_627, %gather3A_1470 : vector<16xf32>
        %add3A_1481 = arith.addf %mul3A_1479, %mul3A_1480 : vector<16xf32>
        %mul3A_1482 = arith.mulf %mul3A_631, %gather3A_1474 : vector<16xf32>
        %add3A_1483 = arith.addf %add3A_1481, %mul3A_1482 : vector<16xf32>
        %mul3A_1484 = arith.mulf %mul3A_632, %gather3A_1478 : vector<16xf32>
        %add3A_1485 = arith.addf %add3A_1483, %mul3A_1484 : vector<16xf32>
        %pack3A_1486 = tpu.pack_subelements %add3A_1462, %add3A_1485 {pack_format = #tpu.pack_format<interleaved>, positions = array<i32: 0, 1>} : vector<16xf32>, vector<16xf32> -> vector<32xbf16>
        %bitcast3A_1487 = vector.bitcast %pack3A_1486 : vector<32xbf16> to vector<16xi32>
        %broadcast_in_dim3A_1488 = arith.constant 10 : i32
        %broadcast_in_dim3A_1489 = vector.broadcast %broadcast_in_dim3A_1488 : i32 to vector<16xi32>
        %scatter3A_1490 = arith.constant 0 : i32
        %scatter3A_1491 = arith.constant 0 : i32
        %scatter3A_1492 = tpu.memref_slice %arg8[%and3A_485, %scatter3A_1490, %scatter3A_1491] : memref<2x12x1024xi32, #tpu.memory_space<vmem>> -> memref<1x12x1024xi32, #tpu.memory_space<vmem>>
        %scatter3A_1493 = tpu.memref_squeeze %scatter3A_1492 : memref<1x12x1024xi32, #tpu.memory_space<vmem>> -> memref<12x1024xi32, #tpu.memory_space<vmem>>
        tpu.vector_store_idx %scatter3A_1493[%broadcast_in_dim3A_1489, %add3A_500], %bitcast3A_1487 : memref<12x1024xi32, #tpu.memory_space<vmem>>[vector<16xi32>, vector<16xi32>], vector<16xi32>,
        %add3A_1494 = arith.constant 6 : i32
        %add3A_1495 = vector.broadcast %add3A_1494 : i32 to vector<16xi32>
        %add3A_1496 = arith.addi %add3A_607, %add3A_1495 : vector<16xi32>
        %gather3A_1497 = tpu.vector_load_idx %arg6[%add3A_1496] : memref<40800xf32, #tpu.memory_space<vmem>>[vector<16xi32>], vector<16xf32>,
        %add3A_1498 = arith.constant 14 : i32
        %add3A_1499 = vector.broadcast %add3A_1498 : i32 to vector<16xi32>
        %add3A_1500 = arith.addi %add3A_607, %add3A_1499 : vector<16xi32>
        %gather3A_1501 = tpu.vector_load_idx %arg6[%add3A_1500] : memref<40800xf32, #tpu.memory_space<vmem>>[vector<16xi32>], vector<16xf32>,
        %add3A_1502 = arith.constant 414 : i32
        %add3A_1503 = vector.broadcast %add3A_1502 : i32 to vector<16xi32>
        %add3A_1504 = arith.addi %add3A_607, %add3A_1503 : vector<16xi32>
        %gather3A_1505 = tpu.vector_load_idx %arg6[%add3A_1504] : memref<40800xf32, #tpu.memory_space<vmem>>[vector<16xi32>], vector<16xf32>,
        %add3A_1506 = arith.constant 422 : i32
        %add3A_1507 = vector.broadcast %add3A_1506 : i32 to vector<16xi32>
        %add3A_1508 = arith.addi %add3A_607, %add3A_1507 : vector<16xi32>
        %gather3A_1509 = tpu.vector_load_idx %arg6[%add3A_1508] : memref<40800xf32, #tpu.memory_space<vmem>>[vector<16xi32>], vector<16xf32>,
        %mul3A_1510 = arith.mulf %mul3A_639, %gather3A_1497 : vector<16xf32>
        %mul3A_1511 = arith.mulf %mul3A_627, %gather3A_1501 : vector<16xf32>
        %add3A_1512 = arith.addf %mul3A_1510, %mul3A_1511 : vector<16xf32>
        %mul3A_1513 = arith.mulf %mul3A_631, %gather3A_1505 : vector<16xf32>
        %add3A_1514 = arith.addf %add3A_1512, %mul3A_1513 : vector<16xf32>
        %mul3A_1515 = arith.mulf %mul3A_632, %gather3A_1509 : vector<16xf32>
        %add3A_1516 = arith.addf %add3A_1514, %mul3A_1515 : vector<16xf32>
        %add3A_1517 = arith.constant 7 : i32
        %add3A_1518 = vector.broadcast %add3A_1517 : i32 to vector<16xi32>
        %add3A_1519 = arith.addi %add3A_607, %add3A_1518 : vector<16xi32>
        %gather3A_1520 = tpu.vector_load_idx %arg6[%add3A_1519] : memref<40800xf32, #tpu.memory_space<vmem>>[vector<16xi32>], vector<16xf32>,
        %add3A_1521 = arith.constant 15 : i32
        %add3A_1522 = vector.broadcast %add3A_1521 : i32 to vector<16xi32>
        %add3A_1523 = arith.addi %add3A_607, %add3A_1522 : vector<16xi32>
        %gather3A_1524 = tpu.vector_load_idx %arg6[%add3A_1523] : memref<40800xf32, #tpu.memory_space<vmem>>[vector<16xi32>], vector<16xf32>,
        %add3A_1525 = arith.constant 415 : i32
        %add3A_1526 = vector.broadcast %add3A_1525 : i32 to vector<16xi32>
        %add3A_1527 = arith.addi %add3A_607, %add3A_1526 : vector<16xi32>
        %gather3A_1528 = tpu.vector_load_idx %arg6[%add3A_1527] : memref<40800xf32, #tpu.memory_space<vmem>>[vector<16xi32>], vector<16xf32>,
        %add3A_1529 = arith.constant 423 : i32
        %add3A_1530 = vector.broadcast %add3A_1529 : i32 to vector<16xi32>
        %add3A_1531 = arith.addi %add3A_607, %add3A_1530 : vector<16xi32>
        %gather3A_1532 = tpu.vector_load_idx %arg6[%add3A_1531] : memref<40800xf32, #tpu.memory_space<vmem>>[vector<16xi32>], vector<16xf32>,
        %mul3A_1533 = arith.mulf %mul3A_639, %gather3A_1520 : vector<16xf32>
        %mul3A_1534 = arith.mulf %mul3A_627, %gather3A_1524 : vector<16xf32>
        %add3A_1535 = arith.addf %mul3A_1533, %mul3A_1534 : vector<16xf32>
        %mul3A_1536 = arith.mulf %mul3A_631, %gather3A_1528 : vector<16xf32>
        %add3A_1537 = arith.addf %add3A_1535, %mul3A_1536 : vector<16xf32>
        %mul3A_1538 = arith.mulf %mul3A_632, %gather3A_1532 : vector<16xf32>
        %add3A_1539 = arith.addf %add3A_1537, %mul3A_1538 : vector<16xf32>
        %pack3A_1540 = tpu.pack_subelements %add3A_1516, %add3A_1539 {pack_format = #tpu.pack_format<interleaved>, positions = array<i32: 0, 1>} : vector<16xf32>, vector<16xf32> -> vector<32xbf16>
        %bitcast3A_1541 = vector.bitcast %pack3A_1540 : vector<32xbf16> to vector<16xi32>
        %broadcast_in_dim3A_1542 = arith.constant 11 : i32
        %broadcast_in_dim3A_1543 = vector.broadcast %broadcast_in_dim3A_1542 : i32 to vector<16xi32>
        %scatter3A_1544 = arith.constant 0 : i32
        %scatter3A_1545 = arith.constant 0 : i32
        %scatter3A_1546 = tpu.memref_slice %arg8[%and3A_485, %scatter3A_1544, %scatter3A_1545] : memref<2x12x1024xi32, #tpu.memory_space<vmem>> -> memref<1x12x1024xi32, #tpu.memory_space<vmem>>
        %scatter3A_1547 = tpu.memref_squeeze %scatter3A_1546 : memref<1x12x1024xi32, #tpu.memory_space<vmem>> -> memref<12x1024xi32, #tpu.memory_space<vmem>>
        tpu.vector_store_idx %scatter3A_1547[%broadcast_in_dim3A_1543, %add3A_500], %bitcast3A_1541 : memref<12x1024xi32, #tpu.memory_space<vmem>>[vector<16xi32>, vector<16xi32>], vector<16xi32>,
        %eq3A_1548 = arith.constant 63 : i32
        %eq3A_1549 = arith.cmpi eq, %and3A_483, %eq3A_1548 : i32
        %convert_element_type3A_1550 = arith.extui %eq3A_1549 : i1 to i32
        %cond3A_1551 = arith.constant 0 : i32
        %cond3A_1552 = arith.cmpi ne, %convert_element_type3A_1550, %cond3A_1551 : i32
        scf.if %cond3A_1552 {
          %mul3A_1553 = arith.constant 1024 : i32
          %mul3A_1554 = arith.muli %shift_right_arithmetic3A_481, %mul3A_1553 : i32
          %add3A_1555 = arith.addi %mul3A_2, %mul3A_1554 : i32
          %dma_start3A_1556 = arith.constant 0 : i32
          %dma_start3A_1557 = arith.constant 0 : i32
          %dma_start3A_1558 = arith.constant 0 : i32
          %dma_start3A_1559 = tpu.memref_slice %arg8[%and3A_485, %dma_start3A_1556, %dma_start3A_1558] : memref<2x12x1024xi32, #tpu.memory_space<vmem>> -> memref<1x1x1024xi32, #tpu.memory_space<vmem>>
          %dma_start3A_1560 = tpu.memref_squeeze %dma_start3A_1559 : memref<1x1x1024xi32, #tpu.memory_space<vmem>> -> memref<1024xi32, #tpu.memory_space<vmem>>
          %dma_start3A_1561 = tpu.memref_slice %arg5[%dma_start3A_1557, %add3A_1555] : memref<12x524288xi32, #tpu.memory_space<hbm>> -> memref<1x1024xi32, #tpu.memory_space<hbm>>
          %dma_start3A_1562 = tpu.memref_squeeze %dma_start3A_1561 : memref<1x1024xi32, #tpu.memory_space<hbm>> -> memref<1024xi32, #tpu.memory_space<hbm>>
          %dma_start3A_1563 = tpu.memref_slice %arg14[%and3A_485] : memref<2x!tpu.dma_semaphore, #tpu.memory_space<semaphore_mem>> -> memref<1x!tpu.dma_semaphore, #tpu.memory_space<semaphore_mem>>
          %dma_start3A_1564 = tpu.memref_squeeze %dma_start3A_1563 : memref<1x!tpu.dma_semaphore, #tpu.memory_space<semaphore_mem>> -> memref<!tpu.dma_semaphore, #tpu.memory_space<semaphore_mem>>
          %dma_start3A_1565 = tpu.memref_slice %arg5[%dma_start3A_1557, %add3A_1555] : memref<12x524288xi32, #tpu.memory_space<hbm>> -> memref<1x1024xi32, #tpu.memory_space<hbm>>
          %dma_start3A_1566 = tpu.memref_squeeze %dma_start3A_1565 : memref<1x1024xi32, #tpu.memory_space<hbm>> -> memref<1024xi32, #tpu.memory_space<hbm>>
          %dma_start3A_1567 = arith.constant 0 : i32
          %dma_start3A_1568 = tpu.memref_slice %arg8[%and3A_485, %dma_start3A_1556, %dma_start3A_1567] : memref<2x12x1024xi32, #tpu.memory_space<vmem>> -> memref<1x1x1024xi32, #tpu.memory_space<vmem>>
          %dma_start3A_1569 = tpu.memref_squeeze %dma_start3A_1568 : memref<1x1x1024xi32, #tpu.memory_space<vmem>> -> memref<1024xi32, #tpu.memory_space<vmem>>
          tpu.enqueue_dma source(%dma_start3A_1569 : memref<1024xi32, #tpu.memory_space<vmem>>) target(%dma_start3A_1566 : memref<1024xi32, #tpu.memory_space<hbm>>) target_semaphore(%dma_start3A_1564 : memref<!tpu.dma_semaphore, #tpu.memory_space<semaphore_mem>>)
          %mul3A_1570 = arith.constant 1024 : i32
          %mul3A_1571 = arith.muli %shift_right_arithmetic3A_481, %mul3A_1570 : i32
          %add3A_1572 = arith.addi %mul3A_2, %mul3A_1571 : i32
          %dma_start3A_1573 = arith.constant 1 : i32
          %dma_start3A_1574 = arith.constant 1 : i32
          %dma_start3A_1575 = arith.constant 0 : i32
          %dma_start3A_1576 = tpu.memref_slice %arg8[%and3A_485, %dma_start3A_1573, %dma_start3A_1575] : memref<2x12x1024xi32, #tpu.memory_space<vmem>> -> memref<1x1x1024xi32, #tpu.memory_space<vmem>>
          %dma_start3A_1577 = tpu.memref_squeeze %dma_start3A_1576 : memref<1x1x1024xi32, #tpu.memory_space<vmem>> -> memref<1024xi32, #tpu.memory_space<vmem>>
          %dma_start3A_1578 = tpu.memref_slice %arg5[%dma_start3A_1574, %add3A_1572] : memref<12x524288xi32, #tpu.memory_space<hbm>> -> memref<1x1024xi32, #tpu.memory_space<hbm>>
          %dma_start3A_1579 = tpu.memref_squeeze %dma_start3A_1578 : memref<1x1024xi32, #tpu.memory_space<hbm>> -> memref<1024xi32, #tpu.memory_space<hbm>>
          %dma_start3A_1580 = tpu.memref_slice %arg14[%and3A_485] : memref<2x!tpu.dma_semaphore, #tpu.memory_space<semaphore_mem>> -> memref<1x!tpu.dma_semaphore, #tpu.memory_space<semaphore_mem>>
          %dma_start3A_1581 = tpu.memref_squeeze %dma_start3A_1580 : memref<1x!tpu.dma_semaphore, #tpu.memory_space<semaphore_mem>> -> memref<!tpu.dma_semaphore, #tpu.memory_space<semaphore_mem>>
          %dma_start3A_1582 = tpu.memref_slice %arg5[%dma_start3A_1574, %add3A_1572] : memref<12x524288xi32, #tpu.memory_space<hbm>> -> memref<1x1024xi32, #tpu.memory_space<hbm>>
          %dma_start3A_1583 = tpu.memref_squeeze %dma_start3A_1582 : memref<1x1024xi32, #tpu.memory_space<hbm>> -> memref<1024xi32, #tpu.memory_space<hbm>>
          %dma_start3A_1584 = arith.constant 0 : i32
          %dma_start3A_1585 = tpu.memref_slice %arg8[%and3A_485, %dma_start3A_1573, %dma_start3A_1584] : memref<2x12x1024xi32, #tpu.memory_space<vmem>> -> memref<1x1x1024xi32, #tpu.memory_space<vmem>>
          %dma_start3A_1586 = tpu.memref_squeeze %dma_start3A_1585 : memref<1x1x1024xi32, #tpu.memory_space<vmem>> -> memref<1024xi32, #tpu.memory_space<vmem>>
          tpu.enqueue_dma source(%dma_start3A_1586 : memref<1024xi32, #tpu.memory_space<vmem>>) target(%dma_start3A_1583 : memref<1024xi32, #tpu.memory_space<hbm>>) target_semaphore(%dma_start3A_1581 : memref<!tpu.dma_semaphore, #tpu.memory_space<semaphore_mem>>)
          %mul3A_1587 = arith.constant 1024 : i32
          %mul3A_1588 = arith.muli %shift_right_arithmetic3A_481, %mul3A_1587 : i32
          %add3A_1589 = arith.addi %mul3A_2, %mul3A_1588 : i32
          %dma_start3A_1590 = arith.constant 2 : i32
          %dma_start3A_1591 = arith.constant 2 : i32
          %dma_start3A_1592 = arith.constant 0 : i32
          %dma_start3A_1593 = tpu.memref_slice %arg8[%and3A_485, %dma_start3A_1590, %dma_start3A_1592] : memref<2x12x1024xi32, #tpu.memory_space<vmem>> -> memref<1x1x1024xi32, #tpu.memory_space<vmem>>
          %dma_start3A_1594 = tpu.memref_squeeze %dma_start3A_1593 : memref<1x1x1024xi32, #tpu.memory_space<vmem>> -> memref<1024xi32, #tpu.memory_space<vmem>>
          %dma_start3A_1595 = tpu.memref_slice %arg5[%dma_start3A_1591, %add3A_1589] : memref<12x524288xi32, #tpu.memory_space<hbm>> -> memref<1x1024xi32, #tpu.memory_space<hbm>>
          %dma_start3A_1596 = tpu.memref_squeeze %dma_start3A_1595 : memref<1x1024xi32, #tpu.memory_space<hbm>> -> memref<1024xi32, #tpu.memory_space<hbm>>
          %dma_start3A_1597 = tpu.memref_slice %arg14[%and3A_485] : memref<2x!tpu.dma_semaphore, #tpu.memory_space<semaphore_mem>> -> memref<1x!tpu.dma_semaphore, #tpu.memory_space<semaphore_mem>>
          %dma_start3A_1598 = tpu.memref_squeeze %dma_start3A_1597 : memref<1x!tpu.dma_semaphore, #tpu.memory_space<semaphore_mem>> -> memref<!tpu.dma_semaphore, #tpu.memory_space<semaphore_mem>>
          %dma_start3A_1599 = tpu.memref_slice %arg5[%dma_start3A_1591, %add3A_1589] : memref<12x524288xi32, #tpu.memory_space<hbm>> -> memref<1x1024xi32, #tpu.memory_space<hbm>>
          %dma_start3A_1600 = tpu.memref_squeeze %dma_start3A_1599 : memref<1x1024xi32, #tpu.memory_space<hbm>> -> memref<1024xi32, #tpu.memory_space<hbm>>
          %dma_start3A_1601 = arith.constant 0 : i32
          %dma_start3A_1602 = tpu.memref_slice %arg8[%and3A_485, %dma_start3A_1590, %dma_start3A_1601] : memref<2x12x1024xi32, #tpu.memory_space<vmem>> -> memref<1x1x1024xi32, #tpu.memory_space<vmem>>
          %dma_start3A_1603 = tpu.memref_squeeze %dma_start3A_1602 : memref<1x1x1024xi32, #tpu.memory_space<vmem>> -> memref<1024xi32, #tpu.memory_space<vmem>>
          tpu.enqueue_dma source(%dma_start3A_1603 : memref<1024xi32, #tpu.memory_space<vmem>>) target(%dma_start3A_1600 : memref<1024xi32, #tpu.memory_space<hbm>>) target_semaphore(%dma_start3A_1598 : memref<!tpu.dma_semaphore, #tpu.memory_space<semaphore_mem>>)
          %mul3A_1604 = arith.constant 1024 : i32
          %mul3A_1605 = arith.muli %shift_right_arithmetic3A_481, %mul3A_1604 : i32
          %add3A_1606 = arith.addi %mul3A_2, %mul3A_1605 : i32
          %dma_start3A_1607 = arith.constant 3 : i32
          %dma_start3A_1608 = arith.constant 3 : i32
          %dma_start3A_1609 = arith.constant 0 : i32
          %dma_start3A_1610 = tpu.memref_slice %arg8[%and3A_485, %dma_start3A_1607, %dma_start3A_1609] : memref<2x12x1024xi32, #tpu.memory_space<vmem>> -> memref<1x1x1024xi32, #tpu.memory_space<vmem>>
          %dma_start3A_1611 = tpu.memref_squeeze %dma_start3A_1610 : memref<1x1x1024xi32, #tpu.memory_space<vmem>> -> memref<1024xi32, #tpu.memory_space<vmem>>
          %dma_start3A_1612 = tpu.memref_slice %arg5[%dma_start3A_1608, %add3A_1606] : memref<12x524288xi32, #tpu.memory_space<hbm>> -> memref<1x1024xi32, #tpu.memory_space<hbm>>
          %dma_start3A_1613 = tpu.memref_squeeze %dma_start3A_1612 : memref<1x1024xi32, #tpu.memory_space<hbm>> -> memref<1024xi32, #tpu.memory_space<hbm>>
          %dma_start3A_1614 = tpu.memref_slice %arg14[%and3A_485] : memref<2x!tpu.dma_semaphore, #tpu.memory_space<semaphore_mem>> -> memref<1x!tpu.dma_semaphore, #tpu.memory_space<semaphore_mem>>
          %dma_start3A_1615 = tpu.memref_squeeze %dma_start3A_1614 : memref<1x!tpu.dma_semaphore, #tpu.memory_space<semaphore_mem>> -> memref<!tpu.dma_semaphore, #tpu.memory_space<semaphore_mem>>
          %dma_start3A_1616 = tpu.memref_slice %arg5[%dma_start3A_1608, %add3A_1606] : memref<12x524288xi32, #tpu.memory_space<hbm>> -> memref<1x1024xi32, #tpu.memory_space<hbm>>
          %dma_start3A_1617 = tpu.memref_squeeze %dma_start3A_1616 : memref<1x1024xi32, #tpu.memory_space<hbm>> -> memref<1024xi32, #tpu.memory_space<hbm>>
          %dma_start3A_1618 = arith.constant 0 : i32
          %dma_start3A_1619 = tpu.memref_slice %arg8[%and3A_485, %dma_start3A_1607, %dma_start3A_1618] : memref<2x12x1024xi32, #tpu.memory_space<vmem>> -> memref<1x1x1024xi32, #tpu.memory_space<vmem>>
          %dma_start3A_1620 = tpu.memref_squeeze %dma_start3A_1619 : memref<1x1x1024xi32, #tpu.memory_space<vmem>> -> memref<1024xi32, #tpu.memory_space<vmem>>
          tpu.enqueue_dma source(%dma_start3A_1620 : memref<1024xi32, #tpu.memory_space<vmem>>) target(%dma_start3A_1617 : memref<1024xi32, #tpu.memory_space<hbm>>) target_semaphore(%dma_start3A_1615 : memref<!tpu.dma_semaphore, #tpu.memory_space<semaphore_mem>>)
          %mul3A_1621 = arith.constant 1024 : i32
          %mul3A_1622 = arith.muli %shift_right_arithmetic3A_481, %mul3A_1621 : i32
          %add3A_1623 = arith.addi %mul3A_2, %mul3A_1622 : i32
          %dma_start3A_1624 = arith.constant 4 : i32
          %dma_start3A_1625 = arith.constant 4 : i32
          %dma_start3A_1626 = arith.constant 0 : i32
          %dma_start3A_1627 = tpu.memref_slice %arg8[%and3A_485, %dma_start3A_1624, %dma_start3A_1626] : memref<2x12x1024xi32, #tpu.memory_space<vmem>> -> memref<1x1x1024xi32, #tpu.memory_space<vmem>>
          %dma_start3A_1628 = tpu.memref_squeeze %dma_start3A_1627 : memref<1x1x1024xi32, #tpu.memory_space<vmem>> -> memref<1024xi32, #tpu.memory_space<vmem>>
          %dma_start3A_1629 = tpu.memref_slice %arg5[%dma_start3A_1625, %add3A_1623] : memref<12x524288xi32, #tpu.memory_space<hbm>> -> memref<1x1024xi32, #tpu.memory_space<hbm>>
          %dma_start3A_1630 = tpu.memref_squeeze %dma_start3A_1629 : memref<1x1024xi32, #tpu.memory_space<hbm>> -> memref<1024xi32, #tpu.memory_space<hbm>>
          %dma_start3A_1631 = tpu.memref_slice %arg14[%and3A_485] : memref<2x!tpu.dma_semaphore, #tpu.memory_space<semaphore_mem>> -> memref<1x!tpu.dma_semaphore, #tpu.memory_space<semaphore_mem>>
          %dma_start3A_1632 = tpu.memref_squeeze %dma_start3A_1631 : memref<1x!tpu.dma_semaphore, #tpu.memory_space<semaphore_mem>> -> memref<!tpu.dma_semaphore, #tpu.memory_space<semaphore_mem>>
          %dma_start3A_1633 = tpu.memref_slice %arg5[%dma_start3A_1625, %add3A_1623] : memref<12x524288xi32, #tpu.memory_space<hbm>> -> memref<1x1024xi32, #tpu.memory_space<hbm>>
          %dma_start3A_1634 = tpu.memref_squeeze %dma_start3A_1633 : memref<1x1024xi32, #tpu.memory_space<hbm>> -> memref<1024xi32, #tpu.memory_space<hbm>>
          %dma_start3A_1635 = arith.constant 0 : i32
          %dma_start3A_1636 = tpu.memref_slice %arg8[%and3A_485, %dma_start3A_1624, %dma_start3A_1635] : memref<2x12x1024xi32, #tpu.memory_space<vmem>> -> memref<1x1x1024xi32, #tpu.memory_space<vmem>>
          %dma_start3A_1637 = tpu.memref_squeeze %dma_start3A_1636 : memref<1x1x1024xi32, #tpu.memory_space<vmem>> -> memref<1024xi32, #tpu.memory_space<vmem>>
          tpu.enqueue_dma source(%dma_start3A_1637 : memref<1024xi32, #tpu.memory_space<vmem>>) target(%dma_start3A_1634 : memref<1024xi32, #tpu.memory_space<hbm>>) target_semaphore(%dma_start3A_1632 : memref<!tpu.dma_semaphore, #tpu.memory_space<semaphore_mem>>)
          %mul3A_1638 = arith.constant 1024 : i32
          %mul3A_1639 = arith.muli %shift_right_arithmetic3A_481, %mul3A_1638 : i32
          %add3A_1640 = arith.addi %mul3A_2, %mul3A_1639 : i32
          %dma_start3A_1641 = arith.constant 5 : i32
          %dma_start3A_1642 = arith.constant 5 : i32
          %dma_start3A_1643 = arith.constant 0 : i32
          %dma_start3A_1644 = tpu.memref_slice %arg8[%and3A_485, %dma_start3A_1641, %dma_start3A_1643] : memref<2x12x1024xi32, #tpu.memory_space<vmem>> -> memref<1x1x1024xi32, #tpu.memory_space<vmem>>
          %dma_start3A_1645 = tpu.memref_squeeze %dma_start3A_1644 : memref<1x1x1024xi32, #tpu.memory_space<vmem>> -> memref<1024xi32, #tpu.memory_space<vmem>>
          %dma_start3A_1646 = tpu.memref_slice %arg5[%dma_start3A_1642, %add3A_1640] : memref<12x524288xi32, #tpu.memory_space<hbm>> -> memref<1x1024xi32, #tpu.memory_space<hbm>>
          %dma_start3A_1647 = tpu.memref_squeeze %dma_start3A_1646 : memref<1x1024xi32, #tpu.memory_space<hbm>> -> memref<1024xi32, #tpu.memory_space<hbm>>
          %dma_start3A_1648 = tpu.memref_slice %arg14[%and3A_485] : memref<2x!tpu.dma_semaphore, #tpu.memory_space<semaphore_mem>> -> memref<1x!tpu.dma_semaphore, #tpu.memory_space<semaphore_mem>>
          %dma_start3A_1649 = tpu.memref_squeeze %dma_start3A_1648 : memref<1x!tpu.dma_semaphore, #tpu.memory_space<semaphore_mem>> -> memref<!tpu.dma_semaphore, #tpu.memory_space<semaphore_mem>>
          %dma_start3A_1650 = tpu.memref_slice %arg5[%dma_start3A_1642, %add3A_1640] : memref<12x524288xi32, #tpu.memory_space<hbm>> -> memref<1x1024xi32, #tpu.memory_space<hbm>>
          %dma_start3A_1651 = tpu.memref_squeeze %dma_start3A_1650 : memref<1x1024xi32, #tpu.memory_space<hbm>> -> memref<1024xi32, #tpu.memory_space<hbm>>
          %dma_start3A_1652 = arith.constant 0 : i32
          %dma_start3A_1653 = tpu.memref_slice %arg8[%and3A_485, %dma_start3A_1641, %dma_start3A_1652] : memref<2x12x1024xi32, #tpu.memory_space<vmem>> -> memref<1x1x1024xi32, #tpu.memory_space<vmem>>
          %dma_start3A_1654 = tpu.memref_squeeze %dma_start3A_1653 : memref<1x1x1024xi32, #tpu.memory_space<vmem>> -> memref<1024xi32, #tpu.memory_space<vmem>>
          tpu.enqueue_dma source(%dma_start3A_1654 : memref<1024xi32, #tpu.memory_space<vmem>>) target(%dma_start3A_1651 : memref<1024xi32, #tpu.memory_space<hbm>>) target_semaphore(%dma_start3A_1649 : memref<!tpu.dma_semaphore, #tpu.memory_space<semaphore_mem>>)
          %mul3A_1655 = arith.constant 1024 : i32
          %mul3A_1656 = arith.muli %shift_right_arithmetic3A_481, %mul3A_1655 : i32
          %add3A_1657 = arith.addi %mul3A_2, %mul3A_1656 : i32
          %dma_start3A_1658 = arith.constant 6 : i32
          %dma_start3A_1659 = arith.constant 6 : i32
          %dma_start3A_1660 = arith.constant 0 : i32
          %dma_start3A_1661 = tpu.memref_slice %arg8[%and3A_485, %dma_start3A_1658, %dma_start3A_1660] : memref<2x12x1024xi32, #tpu.memory_space<vmem>> -> memref<1x1x1024xi32, #tpu.memory_space<vmem>>
          %dma_start3A_1662 = tpu.memref_squeeze %dma_start3A_1661 : memref<1x1x1024xi32, #tpu.memory_space<vmem>> -> memref<1024xi32, #tpu.memory_space<vmem>>
          %dma_start3A_1663 = tpu.memref_slice %arg5[%dma_start3A_1659, %add3A_1657] : memref<12x524288xi32, #tpu.memory_space<hbm>> -> memref<1x1024xi32, #tpu.memory_space<hbm>>
          %dma_start3A_1664 = tpu.memref_squeeze %dma_start3A_1663 : memref<1x1024xi32, #tpu.memory_space<hbm>> -> memref<1024xi32, #tpu.memory_space<hbm>>
          %dma_start3A_1665 = tpu.memref_slice %arg14[%and3A_485] : memref<2x!tpu.dma_semaphore, #tpu.memory_space<semaphore_mem>> -> memref<1x!tpu.dma_semaphore, #tpu.memory_space<semaphore_mem>>
          %dma_start3A_1666 = tpu.memref_squeeze %dma_start3A_1665 : memref<1x!tpu.dma_semaphore, #tpu.memory_space<semaphore_mem>> -> memref<!tpu.dma_semaphore, #tpu.memory_space<semaphore_mem>>
          %dma_start3A_1667 = tpu.memref_slice %arg5[%dma_start3A_1659, %add3A_1657] : memref<12x524288xi32, #tpu.memory_space<hbm>> -> memref<1x1024xi32, #tpu.memory_space<hbm>>
          %dma_start3A_1668 = tpu.memref_squeeze %dma_start3A_1667 : memref<1x1024xi32, #tpu.memory_space<hbm>> -> memref<1024xi32, #tpu.memory_space<hbm>>
          %dma_start3A_1669 = arith.constant 0 : i32
          %dma_start3A_1670 = tpu.memref_slice %arg8[%and3A_485, %dma_start3A_1658, %dma_start3A_1669] : memref<2x12x1024xi32, #tpu.memory_space<vmem>> -> memref<1x1x1024xi32, #tpu.memory_space<vmem>>
          %dma_start3A_1671 = tpu.memref_squeeze %dma_start3A_1670 : memref<1x1x1024xi32, #tpu.memory_space<vmem>> -> memref<1024xi32, #tpu.memory_space<vmem>>
          tpu.enqueue_dma source(%dma_start3A_1671 : memref<1024xi32, #tpu.memory_space<vmem>>) target(%dma_start3A_1668 : memref<1024xi32, #tpu.memory_space<hbm>>) target_semaphore(%dma_start3A_1666 : memref<!tpu.dma_semaphore, #tpu.memory_space<semaphore_mem>>)
          %mul3A_1672 = arith.constant 1024 : i32
          %mul3A_1673 = arith.muli %shift_right_arithmetic3A_481, %mul3A_1672 : i32
          %add3A_1674 = arith.addi %mul3A_2, %mul3A_1673 : i32
          %dma_start3A_1675 = arith.constant 7 : i32
          %dma_start3A_1676 = arith.constant 7 : i32
          %dma_start3A_1677 = arith.constant 0 : i32
          %dma_start3A_1678 = tpu.memref_slice %arg8[%and3A_485, %dma_start3A_1675, %dma_start3A_1677] : memref<2x12x1024xi32, #tpu.memory_space<vmem>> -> memref<1x1x1024xi32, #tpu.memory_space<vmem>>
          %dma_start3A_1679 = tpu.memref_squeeze %dma_start3A_1678 : memref<1x1x1024xi32, #tpu.memory_space<vmem>> -> memref<1024xi32, #tpu.memory_space<vmem>>
          %dma_start3A_1680 = tpu.memref_slice %arg5[%dma_start3A_1676, %add3A_1674] : memref<12x524288xi32, #tpu.memory_space<hbm>> -> memref<1x1024xi32, #tpu.memory_space<hbm>>
          %dma_start3A_1681 = tpu.memref_squeeze %dma_start3A_1680 : memref<1x1024xi32, #tpu.memory_space<hbm>> -> memref<1024xi32, #tpu.memory_space<hbm>>
          %dma_start3A_1682 = tpu.memref_slice %arg14[%and3A_485] : memref<2x!tpu.dma_semaphore, #tpu.memory_space<semaphore_mem>> -> memref<1x!tpu.dma_semaphore, #tpu.memory_space<semaphore_mem>>
          %dma_start3A_1683 = tpu.memref_squeeze %dma_start3A_1682 : memref<1x!tpu.dma_semaphore, #tpu.memory_space<semaphore_mem>> -> memref<!tpu.dma_semaphore, #tpu.memory_space<semaphore_mem>>
          %dma_start3A_1684 = tpu.memref_slice %arg5[%dma_start3A_1676, %add3A_1674] : memref<12x524288xi32, #tpu.memory_space<hbm>> -> memref<1x1024xi32, #tpu.memory_space<hbm>>
          %dma_start3A_1685 = tpu.memref_squeeze %dma_start3A_1684 : memref<1x1024xi32, #tpu.memory_space<hbm>> -> memref<1024xi32, #tpu.memory_space<hbm>>
          %dma_start3A_1686 = arith.constant 0 : i32
          %dma_start3A_1687 = tpu.memref_slice %arg8[%and3A_485, %dma_start3A_1675, %dma_start3A_1686] : memref<2x12x1024xi32, #tpu.memory_space<vmem>> -> memref<1x1x1024xi32, #tpu.memory_space<vmem>>
          %dma_start3A_1688 = tpu.memref_squeeze %dma_start3A_1687 : memref<1x1x1024xi32, #tpu.memory_space<vmem>> -> memref<1024xi32, #tpu.memory_space<vmem>>
          tpu.enqueue_dma source(%dma_start3A_1688 : memref<1024xi32, #tpu.memory_space<vmem>>) target(%dma_start3A_1685 : memref<1024xi32, #tpu.memory_space<hbm>>) target_semaphore(%dma_start3A_1683 : memref<!tpu.dma_semaphore, #tpu.memory_space<semaphore_mem>>)
          %mul3A_1689 = arith.constant 1024 : i32
          %mul3A_1690 = arith.muli %shift_right_arithmetic3A_481, %mul3A_1689 : i32
          %add3A_1691 = arith.addi %mul3A_2, %mul3A_1690 : i32
          %dma_start3A_1692 = arith.constant 8 : i32
          %dma_start3A_1693 = arith.constant 8 : i32
          %dma_start3A_1694 = arith.constant 0 : i32
          %dma_start3A_1695 = tpu.memref_slice %arg8[%and3A_485, %dma_start3A_1692, %dma_start3A_1694] : memref<2x12x1024xi32, #tpu.memory_space<vmem>> -> memref<1x1x1024xi32, #tpu.memory_space<vmem>>
          %dma_start3A_1696 = tpu.memref_squeeze %dma_start3A_1695 : memref<1x1x1024xi32, #tpu.memory_space<vmem>> -> memref<1024xi32, #tpu.memory_space<vmem>>
          %dma_start3A_1697 = tpu.memref_slice %arg5[%dma_start3A_1693, %add3A_1691] : memref<12x524288xi32, #tpu.memory_space<hbm>> -> memref<1x1024xi32, #tpu.memory_space<hbm>>
          %dma_start3A_1698 = tpu.memref_squeeze %dma_start3A_1697 : memref<1x1024xi32, #tpu.memory_space<hbm>> -> memref<1024xi32, #tpu.memory_space<hbm>>
          %dma_start3A_1699 = tpu.memref_slice %arg14[%and3A_485] : memref<2x!tpu.dma_semaphore, #tpu.memory_space<semaphore_mem>> -> memref<1x!tpu.dma_semaphore, #tpu.memory_space<semaphore_mem>>
          %dma_start3A_1700 = tpu.memref_squeeze %dma_start3A_1699 : memref<1x!tpu.dma_semaphore, #tpu.memory_space<semaphore_mem>> -> memref<!tpu.dma_semaphore, #tpu.memory_space<semaphore_mem>>
          %dma_start3A_1701 = tpu.memref_slice %arg5[%dma_start3A_1693, %add3A_1691] : memref<12x524288xi32, #tpu.memory_space<hbm>> -> memref<1x1024xi32, #tpu.memory_space<hbm>>
          %dma_start3A_1702 = tpu.memref_squeeze %dma_start3A_1701 : memref<1x1024xi32, #tpu.memory_space<hbm>> -> memref<1024xi32, #tpu.memory_space<hbm>>
          %dma_start3A_1703 = arith.constant 0 : i32
          %dma_start3A_1704 = tpu.memref_slice %arg8[%and3A_485, %dma_start3A_1692, %dma_start3A_1703] : memref<2x12x1024xi32, #tpu.memory_space<vmem>> -> memref<1x1x1024xi32, #tpu.memory_space<vmem>>
          %dma_start3A_1705 = tpu.memref_squeeze %dma_start3A_1704 : memref<1x1x1024xi32, #tpu.memory_space<vmem>> -> memref<1024xi32, #tpu.memory_space<vmem>>
          tpu.enqueue_dma source(%dma_start3A_1705 : memref<1024xi32, #tpu.memory_space<vmem>>) target(%dma_start3A_1702 : memref<1024xi32, #tpu.memory_space<hbm>>) target_semaphore(%dma_start3A_1700 : memref<!tpu.dma_semaphore, #tpu.memory_space<semaphore_mem>>)
          %mul3A_1706 = arith.constant 1024 : i32
          %mul3A_1707 = arith.muli %shift_right_arithmetic3A_481, %mul3A_1706 : i32
          %add3A_1708 = arith.addi %mul3A_2, %mul3A_1707 : i32
          %dma_start3A_1709 = arith.constant 9 : i32
          %dma_start3A_1710 = arith.constant 9 : i32
          %dma_start3A_1711 = arith.constant 0 : i32
          %dma_start3A_1712 = tpu.memref_slice %arg8[%and3A_485, %dma_start3A_1709, %dma_start3A_1711] : memref<2x12x1024xi32, #tpu.memory_space<vmem>> -> memref<1x1x1024xi32, #tpu.memory_space<vmem>>
          %dma_start3A_1713 = tpu.memref_squeeze %dma_start3A_1712 : memref<1x1x1024xi32, #tpu.memory_space<vmem>> -> memref<1024xi32, #tpu.memory_space<vmem>>
          %dma_start3A_1714 = tpu.memref_slice %arg5[%dma_start3A_1710, %add3A_1708] : memref<12x524288xi32, #tpu.memory_space<hbm>> -> memref<1x1024xi32, #tpu.memory_space<hbm>>
          %dma_start3A_1715 = tpu.memref_squeeze %dma_start3A_1714 : memref<1x1024xi32, #tpu.memory_space<hbm>> -> memref<1024xi32, #tpu.memory_space<hbm>>
          %dma_start3A_1716 = tpu.memref_slice %arg14[%and3A_485] : memref<2x!tpu.dma_semaphore, #tpu.memory_space<semaphore_mem>> -> memref<1x!tpu.dma_semaphore, #tpu.memory_space<semaphore_mem>>
          %dma_start3A_1717 = tpu.memref_squeeze %dma_start3A_1716 : memref<1x!tpu.dma_semaphore, #tpu.memory_space<semaphore_mem>> -> memref<!tpu.dma_semaphore, #tpu.memory_space<semaphore_mem>>
          %dma_start3A_1718 = tpu.memref_slice %arg5[%dma_start3A_1710, %add3A_1708] : memref<12x524288xi32, #tpu.memory_space<hbm>> -> memref<1x1024xi32, #tpu.memory_space<hbm>>
          %dma_start3A_1719 = tpu.memref_squeeze %dma_start3A_1718 : memref<1x1024xi32, #tpu.memory_space<hbm>> -> memref<1024xi32, #tpu.memory_space<hbm>>
          %dma_start3A_1720 = arith.constant 0 : i32
          %dma_start3A_1721 = tpu.memref_slice %arg8[%and3A_485, %dma_start3A_1709, %dma_start3A_1720] : memref<2x12x1024xi32, #tpu.memory_space<vmem>> -> memref<1x1x1024xi32, #tpu.memory_space<vmem>>
          %dma_start3A_1722 = tpu.memref_squeeze %dma_start3A_1721 : memref<1x1x1024xi32, #tpu.memory_space<vmem>> -> memref<1024xi32, #tpu.memory_space<vmem>>
          tpu.enqueue_dma source(%dma_start3A_1722 : memref<1024xi32, #tpu.memory_space<vmem>>) target(%dma_start3A_1719 : memref<1024xi32, #tpu.memory_space<hbm>>) target_semaphore(%dma_start3A_1717 : memref<!tpu.dma_semaphore, #tpu.memory_space<semaphore_mem>>)
          %mul3A_1723 = arith.constant 1024 : i32
          %mul3A_1724 = arith.muli %shift_right_arithmetic3A_481, %mul3A_1723 : i32
          %add3A_1725 = arith.addi %mul3A_2, %mul3A_1724 : i32
          %dma_start3A_1726 = arith.constant 10 : i32
          %dma_start3A_1727 = arith.constant 10 : i32
          %dma_start3A_1728 = arith.constant 0 : i32
          %dma_start3A_1729 = tpu.memref_slice %arg8[%and3A_485, %dma_start3A_1726, %dma_start3A_1728] : memref<2x12x1024xi32, #tpu.memory_space<vmem>> -> memref<1x1x1024xi32, #tpu.memory_space<vmem>>
          %dma_start3A_1730 = tpu.memref_squeeze %dma_start3A_1729 : memref<1x1x1024xi32, #tpu.memory_space<vmem>> -> memref<1024xi32, #tpu.memory_space<vmem>>
          %dma_start3A_1731 = tpu.memref_slice %arg5[%dma_start3A_1727, %add3A_1725] : memref<12x524288xi32, #tpu.memory_space<hbm>> -> memref<1x1024xi32, #tpu.memory_space<hbm>>
          %dma_start3A_1732 = tpu.memref_squeeze %dma_start3A_1731 : memref<1x1024xi32, #tpu.memory_space<hbm>> -> memref<1024xi32, #tpu.memory_space<hbm>>
          %dma_start3A_1733 = tpu.memref_slice %arg14[%and3A_485] : memref<2x!tpu.dma_semaphore, #tpu.memory_space<semaphore_mem>> -> memref<1x!tpu.dma_semaphore, #tpu.memory_space<semaphore_mem>>
          %dma_start3A_1734 = tpu.memref_squeeze %dma_start3A_1733 : memref<1x!tpu.dma_semaphore, #tpu.memory_space<semaphore_mem>> -> memref<!tpu.dma_semaphore, #tpu.memory_space<semaphore_mem>>
          %dma_start3A_1735 = tpu.memref_slice %arg5[%dma_start3A_1727, %add3A_1725] : memref<12x524288xi32, #tpu.memory_space<hbm>> -> memref<1x1024xi32, #tpu.memory_space<hbm>>
          %dma_start3A_1736 = tpu.memref_squeeze %dma_start3A_1735 : memref<1x1024xi32, #tpu.memory_space<hbm>> -> memref<1024xi32, #tpu.memory_space<hbm>>
          %dma_start3A_1737 = arith.constant 0 : i32
          %dma_start3A_1738 = tpu.memref_slice %arg8[%and3A_485, %dma_start3A_1726, %dma_start3A_1737] : memref<2x12x1024xi32, #tpu.memory_space<vmem>> -> memref<1x1x1024xi32, #tpu.memory_space<vmem>>
          %dma_start3A_1739 = tpu.memref_squeeze %dma_start3A_1738 : memref<1x1x1024xi32, #tpu.memory_space<vmem>> -> memref<1024xi32, #tpu.memory_space<vmem>>
          tpu.enqueue_dma source(%dma_start3A_1739 : memref<1024xi32, #tpu.memory_space<vmem>>) target(%dma_start3A_1736 : memref<1024xi32, #tpu.memory_space<hbm>>) target_semaphore(%dma_start3A_1734 : memref<!tpu.dma_semaphore, #tpu.memory_space<semaphore_mem>>)
          %mul3A_1740 = arith.constant 1024 : i32
          %mul3A_1741 = arith.muli %shift_right_arithmetic3A_481, %mul3A_1740 : i32
          %add3A_1742 = arith.addi %mul3A_2, %mul3A_1741 : i32
          %dma_start3A_1743 = arith.constant 11 : i32
          %dma_start3A_1744 = arith.constant 11 : i32
          %dma_start3A_1745 = arith.constant 0 : i32
          %dma_start3A_1746 = tpu.memref_slice %arg8[%and3A_485, %dma_start3A_1743, %dma_start3A_1745] : memref<2x12x1024xi32, #tpu.memory_space<vmem>> -> memref<1x1x1024xi32, #tpu.memory_space<vmem>>
          %dma_start3A_1747 = tpu.memref_squeeze %dma_start3A_1746 : memref<1x1x1024xi32, #tpu.memory_space<vmem>> -> memref<1024xi32, #tpu.memory_space<vmem>>
          %dma_start3A_1748 = tpu.memref_slice %arg5[%dma_start3A_1744, %add3A_1742] : memref<12x524288xi32, #tpu.memory_space<hbm>> -> memref<1x1024xi32, #tpu.memory_space<hbm>>
          %dma_start3A_1749 = tpu.memref_squeeze %dma_start3A_1748 : memref<1x1024xi32, #tpu.memory_space<hbm>> -> memref<1024xi32, #tpu.memory_space<hbm>>
          %dma_start3A_1750 = tpu.memref_slice %arg14[%and3A_485] : memref<2x!tpu.dma_semaphore, #tpu.memory_space<semaphore_mem>> -> memref<1x!tpu.dma_semaphore, #tpu.memory_space<semaphore_mem>>
          %dma_start3A_1751 = tpu.memref_squeeze %dma_start3A_1750 : memref<1x!tpu.dma_semaphore, #tpu.memory_space<semaphore_mem>> -> memref<!tpu.dma_semaphore, #tpu.memory_space<semaphore_mem>>
          %dma_start3A_1752 = tpu.memref_slice %arg5[%dma_start3A_1744, %add3A_1742] : memref<12x524288xi32, #tpu.memory_space<hbm>> -> memref<1x1024xi32, #tpu.memory_space<hbm>>
          %dma_start3A_1753 = tpu.memref_squeeze %dma_start3A_1752 : memref<1x1024xi32, #tpu.memory_space<hbm>> -> memref<1024xi32, #tpu.memory_space<hbm>>
          %dma_start3A_1754 = arith.constant 0 : i32
          %dma_start3A_1755 = tpu.memref_slice %arg8[%and3A_485, %dma_start3A_1743, %dma_start3A_1754] : memref<2x12x1024xi32, #tpu.memory_space<vmem>> -> memref<1x1x1024xi32, #tpu.memory_space<vmem>>
          %dma_start3A_1756 = tpu.memref_squeeze %dma_start3A_1755 : memref<1x1x1024xi32, #tpu.memory_space<vmem>> -> memref<1024xi32, #tpu.memory_space<vmem>>
          tpu.enqueue_dma source(%dma_start3A_1756 : memref<1024xi32, #tpu.memory_space<vmem>>) target(%dma_start3A_1753 : memref<1024xi32, #tpu.memory_space<hbm>>) target_semaphore(%dma_start3A_1751 : memref<!tpu.dma_semaphore, #tpu.memory_space<semaphore_mem>>)
        } else {
        }
      } else {
      }
      %mul3A_459 = arith.constant 2 : i32
      %mul3A_460 = arith.muli %scan3A_446, %mul3A_459 : i32
      %add3A_461 = arith.constant 1 : i32
      %add3A_462 = arith.addi %mul3A_460, %add3A_461 : i32
      %shift_right_arithmetic3A_463 = arith.constant 6 : i32
      %shift_right_arithmetic3A_464 = arith.shrsi %add3A_462, %shift_right_arithmetic3A_463 : i32
      %and3A_465 = arith.constant 63 : i32
      %and3A_466 = arith.andi %add3A_462, %and3A_465 : i32
      %and3A_467 = arith.constant 1 : i32
      %and3A_468 = arith.andi %shift_right_arithmetic3A_464, %and3A_467 : i32
      %lt3A_469 = arith.constant 1024 : i32
      %lt3A_470 = arith.cmpi slt, %add3A_462, %lt3A_469 : i32
      %convert_element_type3A_471 = arith.extui %lt3A_470 : i1 to i32
      %cond3A_472 = arith.constant 0 : i32
      %cond3A_473 = arith.cmpi ne, %convert_element_type3A_471, %cond3A_472 : i32
      scf.if %cond3A_473 {
        %eq3A = arith.constant 0 : i32
        %eq3A_479 = arith.cmpi eq, %and3A_466, %eq3A : i32
        %convert_element_type3A_480 = arith.extui %eq3A_479 : i1 to i32
        %cond3A_481 = arith.constant 0 : i32
        %cond3A_482 = arith.cmpi ne, %convert_element_type3A_480, %cond3A_481 : i32
        scf.if %cond3A_482 {
          %mul3A_606 = arith.constant 1024 : i32
          %mul3A_607 = arith.muli %shift_right_arithmetic3A_464, %mul3A_606 : i32
          %add3A_608 = arith.addi %mul3A_2, %mul3A_607 : i32
          %mul3A_609 = arith.constant 6 : i32
          %mul3A_610 = arith.muli %add3A_608, %mul3A_609 : i32
          %mul3A_611 = arith.constant 6144 : i32
          %mul3A_612 = arith.muli %and3A_468, %mul3A_611 : i32
          %dma_wait3A_613 = tpu.memref_slice %arg7[%mul3A_612] : memref<12288xf32, #tpu.memory_space<vmem>> -> memref<6144xf32, #tpu.memory_space<vmem>>
          %dma_wait3A_614 = tpu.memref_slice %arg2[%mul3A_610] : memref<3145728xf32, #tpu.memory_space<hbm>> -> memref<6144xf32, #tpu.memory_space<hbm>>
          %dma_wait3A_615 = tpu.memref_slice %arg7[%mul3A_612] : memref<12288xf32, #tpu.memory_space<vmem>> -> memref<6144xf32, #tpu.memory_space<vmem>>
          %dma_wait3A_616 = tpu.memref_slice %arg2[%mul3A_610] : memref<3145728xf32, #tpu.memory_space<hbm>> -> memref<6144xf32, #tpu.memory_space<hbm>>
          tpu.wait_dma2 semaphore(%arg12 : memref<!tpu.dma_semaphore, #tpu.memory_space<semaphore_mem>>) src(%dma_wait3A_616 : memref<6144xf32, #tpu.memory_space<hbm>>) dst(%dma_wait3A_615 : memref<6144xf32, #tpu.memory_space<vmem>>)
        } else {
        }
        %mul3A_483 = arith.constant 16 : i32
        %mul3A_484 = arith.muli %and3A_466, %mul3A_483 : i32
        %add3A_485 = vector.broadcast %mul3A_484 : i32 to vector<16xi32>
        %add3A_486 = arith.addi %add3A_485, %iota3A : vector<16xi32>
        %mul3A_487 = arith.constant 6 : i32
        %mul3A_488 = vector.broadcast %mul3A_487 : i32 to vector<16xi32>
        %mul3A_489 = arith.muli %add3A_486, %mul3A_488 : vector<16xi32>
        %mul3A_490 = arith.constant 6144 : i32
        %mul3A_491 = arith.muli %and3A_468, %mul3A_490 : i32
        %add3A_492 = arith.constant 0 : i32
        %add3A_493 = arith.addi %mul3A_491, %add3A_492 : i32
        %add3A_494 = vector.broadcast %add3A_493 : i32 to vector<16xi32>
        %add3A_495 = arith.addi %mul3A_489, %add3A_494 : vector<16xi32>
        %gather3A = tpu.vector_load_idx %arg7[%add3A_495] : memref<12288xf32, #tpu.memory_space<vmem>>[vector<16xi32>], vector<16xf32>,
        %mul3A_496 = arith.constant 16 : i32
        %mul3A_497 = arith.muli %and3A_466, %mul3A_496 : i32
        %add3A_498 = vector.broadcast %mul3A_497 : i32 to vector<16xi32>
        %add3A_499 = arith.addi %add3A_498, %iota3A : vector<16xi32>
        %mul3A_500 = arith.constant 6 : i32
        %mul3A_501 = vector.broadcast %mul3A_500 : i32 to vector<16xi32>
        %mul3A_502 = arith.muli %add3A_499, %mul3A_501 : vector<16xi32>
        %mul3A_503 = arith.constant 6144 : i32
        %mul3A_504 = arith.muli %and3A_468, %mul3A_503 : i32
        %add3A_505 = arith.constant 1 : i32
        %add3A_506 = arith.addi %mul3A_504, %add3A_505 : i32
        %add3A_507 = vector.broadcast %add3A_506 : i32 to vector<16xi32>
        %add3A_508 = arith.addi %mul3A_502, %add3A_507 : vector<16xi32>
        %gather3A_509 = tpu.vector_load_idx %arg7[%add3A_508] : memref<12288xf32, #tpu.memory_space<vmem>>[vector<16xi32>], vector<16xf32>,
        %mul3A_510 = arith.constant 3.990000e+02 : f32
        %mul3A_511 = vector.broadcast %mul3A_510 : f32 to vector<16xf32>
        %mul3A_512 = arith.mulf %gather3A, %mul3A_511 : vector<16xf32>
        %mul3A_513 = arith.constant 3.990000e+02 : f32
        %mul3A_514 = vector.broadcast %mul3A_513 : f32 to vector<16xf32>
        %mul3A_515 = arith.mulf %gather3A_509, %mul3A_514 : vector<16xf32>
        %convert_element_type3A_516 = arith.fptosi %mul3A_512 : vector<16xf32> to vector<16xi32>
        %min3A = arith.constant 399 : i32
        %min3A_517 = vector.broadcast %min3A : i32 to vector<16xi32>
        %min3A_518 = arith.minsi %convert_element_type3A_516, %min3A_517 : vector<16xi32>
        %convert_element_type3A_519 = arith.fptosi %mul3A_515 : vector<16xf32> to vector<16xi32>
        %min3A_520 = arith.constant 399 : i32
        %min3A_521 = vector.broadcast %min3A_520 : i32 to vector<16xi32>
        %min3A_522 = arith.minsi %convert_element_type3A_519, %min3A_521 : vector<16xi32>
        %convert_element_type3A_523 = arith.sitofp %min3A_518 : vector<16xi32> to vector<16xf32>
        %sub3A = arith.subf %mul3A_512, %convert_element_type3A_523 : vector<16xf32>
        %convert_element_type3A_524 = arith.sitofp %min3A_522 : vector<16xi32> to vector<16xf32>
        %sub3A_525 = arith.subf %mul3A_515, %convert_element_type3A_524 : vector<16xf32>
        %and3A_526 = arith.constant 7 : i32
        %and3A_527 = arith.andi %add3A_462, %and3A_526 : i32
        %mul3A_528 = arith.constant 32 : i32
        %mul3A_529 = arith.muli %and3A_527, %mul3A_528 : i32
        %mul3A_530 = arith.constant 400 : i32
        %mul3A_531 = vector.broadcast %mul3A_530 : i32 to vector<16xi32>
        %mul3A_532 = arith.muli %min3A_522, %mul3A_531 : vector<16xi32>
        %add3A_533 = arith.addi %mul3A_532, %min3A_518 : vector<16xi32>
        %add3A_534 = arith.constant 1 : i32
        %add3A_535 = vector.broadcast %add3A_534 : i32 to vector<16xi32>
        %add3A_536 = arith.addi %min3A_522, %add3A_535 : vector<16xi32>
        %min3A_537 = arith.constant 399 : i32
        %min3A_538 = vector.broadcast %min3A_537 : i32 to vector<16xi32>
        %min3A_539 = arith.minsi %add3A_536, %min3A_538 : vector<16xi32>
        %mul3A_540 = arith.constant 400 : i32
        %mul3A_541 = vector.broadcast %mul3A_540 : i32 to vector<16xi32>
        %mul3A_542 = arith.muli %min3A_539, %mul3A_541 : vector<16xi32>
        %add3A_543 = arith.addi %mul3A_542, %min3A_518 : vector<16xi32>
        %add3A_544 = arith.constant 0 : i32
        %add3A_545 = arith.addi %mul3A_529, %add3A_544 : i32
        %add3A_546 = vector.broadcast %add3A_545 : i32 to vector<16xi32>
        %add3A_547 = arith.addi %iota3A, %add3A_546 : vector<16xi32>
        tpu.vector_store_idx %arg10[%add3A_547], %add3A_533 : memref<256xi32, #tpu.memory_space<vmem>>[vector<16xi32>], vector<16xi32>,
        %mul3A_548 = arith.constant 2 : i32
        %mul3A_549 = arith.muli %mul3A_548, %and3A_527 : i32
        %add3A_550 = arith.constant 0 : i32
        %add3A_551 = arith.addi %mul3A_549, %add3A_550 : i32
        %mul3A_552 = arith.constant 2 : i32
        %mul3A_553 = arith.muli %mul3A_552, %and3A_527 : i32
        %add3A_554 = arith.constant 0 : i32
        %add3A_555 = arith.addi %mul3A_553, %add3A_554 : i32
        %dma_start3A_556 = arith.constant 0 : i32
        %dma_start3A_557 = arith.constant 0 : i32
        %dma_start3A_558 = tpu.memref_slice %arg9[%add3A_551, %dma_start3A_556, %dma_start3A_557] : memref<16x16x16xf32, #tpu.memory_space<vmem>> -> memref<1x16x16xf32, #tpu.memory_space<vmem>>
        %dma_start3A_559 = tpu.memref_squeeze %dma_start3A_558 : memref<1x16x16xf32, #tpu.memory_space<vmem>> -> memref<16x16xf32, #tpu.memory_space<vmem>>
        %dma_start3A_560 = arith.constant 0 : i32
        %dma_start3A_561 = arith.constant 0 : i32
        %dma_start3A_562 = tpu.memref_slice %arg3[%dma_start3A_560, %dma_start3A_561] : memref<160000x16xf32, #tpu.memory_space<hbm>> -> memref<160000x16xf32, #tpu.memory_space<hbm>>
        %dma_start3A_563 = tpu.memref_slice %arg13[%add3A_555] : memref<16x!tpu.dma_semaphore, #tpu.memory_space<semaphore_mem>> -> memref<1x!tpu.dma_semaphore, #tpu.memory_space<semaphore_mem>>
        %dma_start3A_564 = tpu.memref_squeeze %dma_start3A_563 : memref<1x!tpu.dma_semaphore, #tpu.memory_space<semaphore_mem>> -> memref<!tpu.dma_semaphore, #tpu.memory_space<semaphore_mem>>
        tpu.enqueue_indirect_dma source(%dma_start3A_562 : memref<160000x16xf32, #tpu.memory_space<hbm>>) target(%dma_start3A_559 : memref<16x16xf32, #tpu.memory_space<vmem>>) offsets(%add3A_533 : vector<16xi32>) semaphore(%dma_start3A_564 : memref<!tpu.dma_semaphore, #tpu.memory_space<semaphore_mem>>)
        %add3A_565 = arith.constant 16 : i32
        %add3A_566 = arith.addi %mul3A_529, %add3A_565 : i32
        %add3A_567 = vector.broadcast %add3A_566 : i32 to vector<16xi32>
        %add3A_568 = arith.addi %iota3A, %add3A_567 : vector<16xi32>
        tpu.vector_store_idx %arg10[%add3A_568], %add3A_543 : memref<256xi32, #tpu.memory_space<vmem>>[vector<16xi32>], vector<16xi32>,
        %mul3A_569 = arith.constant 2 : i32
        %mul3A_570 = arith.muli %mul3A_569, %and3A_527 : i32
        %add3A_571 = arith.constant 1 : i32
        %add3A_572 = arith.addi %mul3A_570, %add3A_571 : i32
        %mul3A_573 = arith.constant 2 : i32
        %mul3A_574 = arith.muli %mul3A_573, %and3A_527 : i32
        %add3A_575 = arith.constant 1 : i32
        %add3A_576 = arith.addi %mul3A_574, %add3A_575 : i32
        %dma_start3A_577 = arith.constant 0 : i32
        %dma_start3A_578 = arith.constant 0 : i32
        %dma_start3A_579 = tpu.memref_slice %arg9[%add3A_572, %dma_start3A_577, %dma_start3A_578] : memref<16x16x16xf32, #tpu.memory_space<vmem>> -> memref<1x16x16xf32, #tpu.memory_space<vmem>>
        %dma_start3A_580 = tpu.memref_squeeze %dma_start3A_579 : memref<1x16x16xf32, #tpu.memory_space<vmem>> -> memref<16x16xf32, #tpu.memory_space<vmem>>
        %dma_start3A_581 = arith.constant 0 : i32
        %dma_start3A_582 = arith.constant 0 : i32
        %dma_start3A_583 = tpu.memref_slice %arg3[%dma_start3A_581, %dma_start3A_582] : memref<160000x16xf32, #tpu.memory_space<hbm>> -> memref<160000x16xf32, #tpu.memory_space<hbm>>
        %dma_start3A_584 = tpu.memref_slice %arg13[%add3A_576] : memref<16x!tpu.dma_semaphore, #tpu.memory_space<semaphore_mem>> -> memref<1x!tpu.dma_semaphore, #tpu.memory_space<semaphore_mem>>
        %dma_start3A_585 = tpu.memref_squeeze %dma_start3A_584 : memref<1x!tpu.dma_semaphore, #tpu.memory_space<semaphore_mem>> -> memref<!tpu.dma_semaphore, #tpu.memory_space<semaphore_mem>>
        tpu.enqueue_indirect_dma source(%dma_start3A_583 : memref<160000x16xf32, #tpu.memory_space<hbm>>) target(%dma_start3A_580 : memref<16x16xf32, #tpu.memory_space<vmem>>) offsets(%add3A_543 : vector<16xi32>) semaphore(%dma_start3A_585 : memref<!tpu.dma_semaphore, #tpu.memory_space<semaphore_mem>>)
        %mul3A_586 = arith.constant 32 : i32
        %mul3A_587 = arith.muli %and3A_527, %mul3A_586 : i32
        %add3A_588 = vector.broadcast %mul3A_587 : i32 to vector<16xi32>
        %add3A_589 = arith.addi %iota3A, %add3A_588 : vector<16xi32>
        tpu.vector_store_idx %arg11[%add3A_589], %sub3A : memref<256xf32, #tpu.memory_space<vmem>>[vector<16xi32>], vector<16xf32>,
        %mul3A_590 = arith.constant 32 : i32
        %mul3A_591 = arith.muli %and3A_527, %mul3A_590 : i32
        %add3A_592 = arith.constant 16 : i32
        %add3A_593 = arith.addi %mul3A_591, %add3A_592 : i32
        %add3A_594 = vector.broadcast %add3A_593 : i32 to vector<16xi32>
        %add3A_595 = arith.addi %iota3A, %add3A_594 : vector<16xi32>
        tpu.vector_store_idx %arg11[%add3A_595], %sub3A_525 : memref<256xf32, #tpu.memory_space<vmem>>[vector<16xi32>], vector<16xf32>,
        %eq3A_596 = arith.constant 4 : i32
        %eq3A_597 = arith.cmpi eq, %and3A_466, %eq3A_596 : i32
        %add3A_598 = arith.constant 1 : i32
        %add3A_599 = arith.addi %shift_right_arithmetic3A_464, %add3A_598 : i32
        %lt3A_600 = arith.constant 16 : i32
        %lt3A_601 = arith.cmpi slt, %add3A_599, %lt3A_600 : i32
        %and3A_602 = arith.andi %eq3A_597, %lt3A_601 : i1
        %convert_element_type3A_603 = arith.extui %and3A_602 : i1 to i32
        %cond3A_604 = arith.constant 0 : i32
        %cond3A_605 = arith.cmpi ne, %convert_element_type3A_603, %cond3A_604 : i32
        scf.if %cond3A_605 {
          %add3A_606 = arith.constant 1 : i32
          %add3A_607 = arith.addi %shift_right_arithmetic3A_464, %add3A_606 : i32
          %mul3A_608 = arith.constant 1024 : i32
          %mul3A_609 = arith.muli %add3A_607, %mul3A_608 : i32
          %add3A_610 = arith.addi %mul3A_2, %mul3A_609 : i32
          %mul3A_611 = arith.constant 6 : i32
          %mul3A_612 = arith.muli %add3A_610, %mul3A_611 : i32
          %sub3A_613 = arith.constant 1 : i32
          %sub3A_614 = arith.subi %sub3A_613, %and3A_468 : i32
          %mul3A_615 = arith.constant 6144 : i32
          %mul3A_616 = arith.muli %sub3A_614, %mul3A_615 : i32
          %dma_start3A_617 = tpu.memref_slice %arg7[%mul3A_616] : memref<12288xf32, #tpu.memory_space<vmem>> -> memref<6144xf32, #tpu.memory_space<vmem>>
          %dma_start3A_618 = tpu.memref_slice %arg2[%mul3A_612] : memref<3145728xf32, #tpu.memory_space<hbm>> -> memref<6144xf32, #tpu.memory_space<hbm>>
          %dma_start3A_619 = tpu.memref_slice %arg7[%mul3A_616] : memref<12288xf32, #tpu.memory_space<vmem>> -> memref<6144xf32, #tpu.memory_space<vmem>>
          %dma_start3A_620 = tpu.memref_slice %arg2[%mul3A_612] : memref<3145728xf32, #tpu.memory_space<hbm>> -> memref<6144xf32, #tpu.memory_space<hbm>>
          tpu.enqueue_dma source(%dma_start3A_620 : memref<6144xf32, #tpu.memory_space<hbm>>) target(%dma_start3A_619 : memref<6144xf32, #tpu.memory_space<vmem>>) target_semaphore(%arg12 : memref<!tpu.dma_semaphore, #tpu.memory_space<semaphore_mem>>)
        } else {
        }
      } else {
      }
      %ge3A_474 = arith.constant 4 : i32
      %ge3A_475 = arith.cmpi sge, %add3A_462, %ge3A_474 : i32
      %convert_element_type3A_476 = arith.extui %ge3A_475 : i1 to i32
      %cond3A_477 = arith.constant 0 : i32
      %cond3A_478 = arith.cmpi ne, %convert_element_type3A_476, %cond3A_477 : i32
      scf.if %cond3A_478 {
        %sub3A = arith.constant 4 : i32
        %sub3A_479 = arith.subi %add3A_462, %sub3A : i32
        %shift_right_arithmetic3A_480 = arith.constant 6 : i32
        %shift_right_arithmetic3A_481 = arith.shrsi %sub3A_479, %shift_right_arithmetic3A_480 : i32
        %and3A_482 = arith.constant 63 : i32
        %and3A_483 = arith.andi %sub3A_479, %and3A_482 : i32
        %and3A_484 = arith.constant 1 : i32
        %and3A_485 = arith.andi %shift_right_arithmetic3A_481, %and3A_484 : i32
        %and3A_486 = arith.constant 7 : i32
        %and3A_487 = arith.andi %sub3A_479, %and3A_486 : i32
        %mul3A_488 = arith.constant 32 : i32
        %mul3A_489 = arith.muli %and3A_487, %mul3A_488 : i32
        %eq3A = arith.constant 0 : i32
        %eq3A_490 = arith.cmpi eq, %and3A_483, %eq3A : i32
        %ge3A_491 = arith.constant 2 : i32
        %ge3A_492 = arith.cmpi sge, %shift_right_arithmetic3A_481, %ge3A_491 : i32
        %and3A_493 = arith.andi %eq3A_490, %ge3A_492 : i1
        %convert_element_type3A_494 = arith.extui %and3A_493 : i1 to i32
        %cond3A_495 = arith.constant 0 : i32
        %cond3A_496 = arith.cmpi ne, %convert_element_type3A_494, %cond3A_495 : i32
        scf.if %cond3A_496 {
          %sub3A_1553 = arith.constant 2 : i32
          %sub3A_1554 = arith.subi %shift_right_arithmetic3A_481, %sub3A_1553 : i32
          %mul3A_1555 = arith.constant 1024 : i32
          %mul3A_1556 = arith.muli %sub3A_1554, %mul3A_1555 : i32
          %add3A_1557 = arith.addi %mul3A_2, %mul3A_1556 : i32
          %dma_wait3A_1558 = arith.constant 0 : i32
          %dma_wait3A_1559 = arith.constant 0 : i32
          %dma_wait3A_1560 = arith.constant 0 : i32
          %dma_wait3A_1561 = tpu.memref_slice %arg8[%and3A_485, %dma_wait3A_1558, %dma_wait3A_1560] : memref<2x12x1024xi32, #tpu.memory_space<vmem>> -> memref<1x1x1024xi32, #tpu.memory_space<vmem>>
          %dma_wait3A_1562 = tpu.memref_squeeze %dma_wait3A_1561 : memref<1x1x1024xi32, #tpu.memory_space<vmem>> -> memref<1024xi32, #tpu.memory_space<vmem>>
          %dma_wait3A_1563 = tpu.memref_slice %arg5[%dma_wait3A_1559, %add3A_1557] : memref<12x524288xi32, #tpu.memory_space<hbm>> -> memref<1x1024xi32, #tpu.memory_space<hbm>>
          %dma_wait3A_1564 = tpu.memref_squeeze %dma_wait3A_1563 : memref<1x1024xi32, #tpu.memory_space<hbm>> -> memref<1024xi32, #tpu.memory_space<hbm>>
          %dma_wait3A_1565 = tpu.memref_slice %arg14[%and3A_485] : memref<2x!tpu.dma_semaphore, #tpu.memory_space<semaphore_mem>> -> memref<1x!tpu.dma_semaphore, #tpu.memory_space<semaphore_mem>>
          %dma_wait3A_1566 = tpu.memref_squeeze %dma_wait3A_1565 : memref<1x!tpu.dma_semaphore, #tpu.memory_space<semaphore_mem>> -> memref<!tpu.dma_semaphore, #tpu.memory_space<semaphore_mem>>
          %dma_wait3A_1567 = tpu.memref_slice %arg5[%dma_wait3A_1559, %add3A_1557] : memref<12x524288xi32, #tpu.memory_space<hbm>> -> memref<1x1024xi32, #tpu.memory_space<hbm>>
          %dma_wait3A_1568 = tpu.memref_squeeze %dma_wait3A_1567 : memref<1x1024xi32, #tpu.memory_space<hbm>> -> memref<1024xi32, #tpu.memory_space<hbm>>
          %dma_wait3A_1569 = arith.constant 0 : i32
          %dma_wait3A_1570 = tpu.memref_slice %arg8[%and3A_485, %dma_wait3A_1558, %dma_wait3A_1569] : memref<2x12x1024xi32, #tpu.memory_space<vmem>> -> memref<1x1x1024xi32, #tpu.memory_space<vmem>>
          %dma_wait3A_1571 = tpu.memref_squeeze %dma_wait3A_1570 : memref<1x1x1024xi32, #tpu.memory_space<vmem>> -> memref<1024xi32, #tpu.memory_space<vmem>>
          tpu.wait_dma2 semaphore(%dma_wait3A_1566 : memref<!tpu.dma_semaphore, #tpu.memory_space<semaphore_mem>>) src(%dma_wait3A_1571 : memref<1024xi32, #tpu.memory_space<vmem>>) dst(%dma_wait3A_1568 : memref<1024xi32, #tpu.memory_space<hbm>>)
          %sub3A_1572 = arith.constant 2 : i32
          %sub3A_1573 = arith.subi %shift_right_arithmetic3A_481, %sub3A_1572 : i32
          %mul3A_1574 = arith.constant 1024 : i32
          %mul3A_1575 = arith.muli %sub3A_1573, %mul3A_1574 : i32
          %add3A_1576 = arith.addi %mul3A_2, %mul3A_1575 : i32
          %dma_wait3A_1577 = arith.constant 1 : i32
          %dma_wait3A_1578 = arith.constant 1 : i32
          %dma_wait3A_1579 = arith.constant 0 : i32
          %dma_wait3A_1580 = tpu.memref_slice %arg8[%and3A_485, %dma_wait3A_1577, %dma_wait3A_1579] : memref<2x12x1024xi32, #tpu.memory_space<vmem>> -> memref<1x1x1024xi32, #tpu.memory_space<vmem>>
          %dma_wait3A_1581 = tpu.memref_squeeze %dma_wait3A_1580 : memref<1x1x1024xi32, #tpu.memory_space<vmem>> -> memref<1024xi32, #tpu.memory_space<vmem>>
          %dma_wait3A_1582 = tpu.memref_slice %arg5[%dma_wait3A_1578, %add3A_1576] : memref<12x524288xi32, #tpu.memory_space<hbm>> -> memref<1x1024xi32, #tpu.memory_space<hbm>>
          %dma_wait3A_1583 = tpu.memref_squeeze %dma_wait3A_1582 : memref<1x1024xi32, #tpu.memory_space<hbm>> -> memref<1024xi32, #tpu.memory_space<hbm>>
          %dma_wait3A_1584 = tpu.memref_slice %arg14[%and3A_485] : memref<2x!tpu.dma_semaphore, #tpu.memory_space<semaphore_mem>> -> memref<1x!tpu.dma_semaphore, #tpu.memory_space<semaphore_mem>>
          %dma_wait3A_1585 = tpu.memref_squeeze %dma_wait3A_1584 : memref<1x!tpu.dma_semaphore, #tpu.memory_space<semaphore_mem>> -> memref<!tpu.dma_semaphore, #tpu.memory_space<semaphore_mem>>
          %dma_wait3A_1586 = tpu.memref_slice %arg5[%dma_wait3A_1578, %add3A_1576] : memref<12x524288xi32, #tpu.memory_space<hbm>> -> memref<1x1024xi32, #tpu.memory_space<hbm>>
          %dma_wait3A_1587 = tpu.memref_squeeze %dma_wait3A_1586 : memref<1x1024xi32, #tpu.memory_space<hbm>> -> memref<1024xi32, #tpu.memory_space<hbm>>
          %dma_wait3A_1588 = arith.constant 0 : i32
          %dma_wait3A_1589 = tpu.memref_slice %arg8[%and3A_485, %dma_wait3A_1577, %dma_wait3A_1588] : memref<2x12x1024xi32, #tpu.memory_space<vmem>> -> memref<1x1x1024xi32, #tpu.memory_space<vmem>>
          %dma_wait3A_1590 = tpu.memref_squeeze %dma_wait3A_1589 : memref<1x1x1024xi32, #tpu.memory_space<vmem>> -> memref<1024xi32, #tpu.memory_space<vmem>>
          tpu.wait_dma2 semaphore(%dma_wait3A_1585 : memref<!tpu.dma_semaphore, #tpu.memory_space<semaphore_mem>>) src(%dma_wait3A_1590 : memref<1024xi32, #tpu.memory_space<vmem>>) dst(%dma_wait3A_1587 : memref<1024xi32, #tpu.memory_space<hbm>>)
          %sub3A_1591 = arith.constant 2 : i32
          %sub3A_1592 = arith.subi %shift_right_arithmetic3A_481, %sub3A_1591 : i32
          %mul3A_1593 = arith.constant 1024 : i32
          %mul3A_1594 = arith.muli %sub3A_1592, %mul3A_1593 : i32
          %add3A_1595 = arith.addi %mul3A_2, %mul3A_1594 : i32
          %dma_wait3A_1596 = arith.constant 2 : i32
          %dma_wait3A_1597 = arith.constant 2 : i32
          %dma_wait3A_1598 = arith.constant 0 : i32
          %dma_wait3A_1599 = tpu.memref_slice %arg8[%and3A_485, %dma_wait3A_1596, %dma_wait3A_1598] : memref<2x12x1024xi32, #tpu.memory_space<vmem>> -> memref<1x1x1024xi32, #tpu.memory_space<vmem>>
          %dma_wait3A_1600 = tpu.memref_squeeze %dma_wait3A_1599 : memref<1x1x1024xi32, #tpu.memory_space<vmem>> -> memref<1024xi32, #tpu.memory_space<vmem>>
          %dma_wait3A_1601 = tpu.memref_slice %arg5[%dma_wait3A_1597, %add3A_1595] : memref<12x524288xi32, #tpu.memory_space<hbm>> -> memref<1x1024xi32, #tpu.memory_space<hbm>>
          %dma_wait3A_1602 = tpu.memref_squeeze %dma_wait3A_1601 : memref<1x1024xi32, #tpu.memory_space<hbm>> -> memref<1024xi32, #tpu.memory_space<hbm>>
          %dma_wait3A_1603 = tpu.memref_slice %arg14[%and3A_485] : memref<2x!tpu.dma_semaphore, #tpu.memory_space<semaphore_mem>> -> memref<1x!tpu.dma_semaphore, #tpu.memory_space<semaphore_mem>>
          %dma_wait3A_1604 = tpu.memref_squeeze %dma_wait3A_1603 : memref<1x!tpu.dma_semaphore, #tpu.memory_space<semaphore_mem>> -> memref<!tpu.dma_semaphore, #tpu.memory_space<semaphore_mem>>
          %dma_wait3A_1605 = tpu.memref_slice %arg5[%dma_wait3A_1597, %add3A_1595] : memref<12x524288xi32, #tpu.memory_space<hbm>> -> memref<1x1024xi32, #tpu.memory_space<hbm>>
          %dma_wait3A_1606 = tpu.memref_squeeze %dma_wait3A_1605 : memref<1x1024xi32, #tpu.memory_space<hbm>> -> memref<1024xi32, #tpu.memory_space<hbm>>
          %dma_wait3A_1607 = arith.constant 0 : i32
          %dma_wait3A_1608 = tpu.memref_slice %arg8[%and3A_485, %dma_wait3A_1596, %dma_wait3A_1607] : memref<2x12x1024xi32, #tpu.memory_space<vmem>> -> memref<1x1x1024xi32, #tpu.memory_space<vmem>>
          %dma_wait3A_1609 = tpu.memref_squeeze %dma_wait3A_1608 : memref<1x1x1024xi32, #tpu.memory_space<vmem>> -> memref<1024xi32, #tpu.memory_space<vmem>>
          tpu.wait_dma2 semaphore(%dma_wait3A_1604 : memref<!tpu.dma_semaphore, #tpu.memory_space<semaphore_mem>>) src(%dma_wait3A_1609 : memref<1024xi32, #tpu.memory_space<vmem>>) dst(%dma_wait3A_1606 : memref<1024xi32, #tpu.memory_space<hbm>>)
          %sub3A_1610 = arith.constant 2 : i32
          %sub3A_1611 = arith.subi %shift_right_arithmetic3A_481, %sub3A_1610 : i32
          %mul3A_1612 = arith.constant 1024 : i32
          %mul3A_1613 = arith.muli %sub3A_1611, %mul3A_1612 : i32
          %add3A_1614 = arith.addi %mul3A_2, %mul3A_1613 : i32
          %dma_wait3A_1615 = arith.constant 3 : i32
          %dma_wait3A_1616 = arith.constant 3 : i32
          %dma_wait3A_1617 = arith.constant 0 : i32
          %dma_wait3A_1618 = tpu.memref_slice %arg8[%and3A_485, %dma_wait3A_1615, %dma_wait3A_1617] : memref<2x12x1024xi32, #tpu.memory_space<vmem>> -> memref<1x1x1024xi32, #tpu.memory_space<vmem>>
          %dma_wait3A_1619 = tpu.memref_squeeze %dma_wait3A_1618 : memref<1x1x1024xi32, #tpu.memory_space<vmem>> -> memref<1024xi32, #tpu.memory_space<vmem>>
          %dma_wait3A_1620 = tpu.memref_slice %arg5[%dma_wait3A_1616, %add3A_1614] : memref<12x524288xi32, #tpu.memory_space<hbm>> -> memref<1x1024xi32, #tpu.memory_space<hbm>>
          %dma_wait3A_1621 = tpu.memref_squeeze %dma_wait3A_1620 : memref<1x1024xi32, #tpu.memory_space<hbm>> -> memref<1024xi32, #tpu.memory_space<hbm>>
          %dma_wait3A_1622 = tpu.memref_slice %arg14[%and3A_485] : memref<2x!tpu.dma_semaphore, #tpu.memory_space<semaphore_mem>> -> memref<1x!tpu.dma_semaphore, #tpu.memory_space<semaphore_mem>>
          %dma_wait3A_1623 = tpu.memref_squeeze %dma_wait3A_1622 : memref<1x!tpu.dma_semaphore, #tpu.memory_space<semaphore_mem>> -> memref<!tpu.dma_semaphore, #tpu.memory_space<semaphore_mem>>
          %dma_wait3A_1624 = tpu.memref_slice %arg5[%dma_wait3A_1616, %add3A_1614] : memref<12x524288xi32, #tpu.memory_space<hbm>> -> memref<1x1024xi32, #tpu.memory_space<hbm>>
          %dma_wait3A_1625 = tpu.memref_squeeze %dma_wait3A_1624 : memref<1x1024xi32, #tpu.memory_space<hbm>> -> memref<1024xi32, #tpu.memory_space<hbm>>
          %dma_wait3A_1626 = arith.constant 0 : i32
          %dma_wait3A_1627 = tpu.memref_slice %arg8[%and3A_485, %dma_wait3A_1615, %dma_wait3A_1626] : memref<2x12x1024xi32, #tpu.memory_space<vmem>> -> memref<1x1x1024xi32, #tpu.memory_space<vmem>>
          %dma_wait3A_1628 = tpu.memref_squeeze %dma_wait3A_1627 : memref<1x1x1024xi32, #tpu.memory_space<vmem>> -> memref<1024xi32, #tpu.memory_space<vmem>>
          tpu.wait_dma2 semaphore(%dma_wait3A_1623 : memref<!tpu.dma_semaphore, #tpu.memory_space<semaphore_mem>>) src(%dma_wait3A_1628 : memref<1024xi32, #tpu.memory_space<vmem>>) dst(%dma_wait3A_1625 : memref<1024xi32, #tpu.memory_space<hbm>>)
          %sub3A_1629 = arith.constant 2 : i32
          %sub3A_1630 = arith.subi %shift_right_arithmetic3A_481, %sub3A_1629 : i32
          %mul3A_1631 = arith.constant 1024 : i32
          %mul3A_1632 = arith.muli %sub3A_1630, %mul3A_1631 : i32
          %add3A_1633 = arith.addi %mul3A_2, %mul3A_1632 : i32
          %dma_wait3A_1634 = arith.constant 4 : i32
          %dma_wait3A_1635 = arith.constant 4 : i32
          %dma_wait3A_1636 = arith.constant 0 : i32
          %dma_wait3A_1637 = tpu.memref_slice %arg8[%and3A_485, %dma_wait3A_1634, %dma_wait3A_1636] : memref<2x12x1024xi32, #tpu.memory_space<vmem>> -> memref<1x1x1024xi32, #tpu.memory_space<vmem>>
          %dma_wait3A_1638 = tpu.memref_squeeze %dma_wait3A_1637 : memref<1x1x1024xi32, #tpu.memory_space<vmem>> -> memref<1024xi32, #tpu.memory_space<vmem>>
          %dma_wait3A_1639 = tpu.memref_slice %arg5[%dma_wait3A_1635, %add3A_1633] : memref<12x524288xi32, #tpu.memory_space<hbm>> -> memref<1x1024xi32, #tpu.memory_space<hbm>>
          %dma_wait3A_1640 = tpu.memref_squeeze %dma_wait3A_1639 : memref<1x1024xi32, #tpu.memory_space<hbm>> -> memref<1024xi32, #tpu.memory_space<hbm>>
          %dma_wait3A_1641 = tpu.memref_slice %arg14[%and3A_485] : memref<2x!tpu.dma_semaphore, #tpu.memory_space<semaphore_mem>> -> memref<1x!tpu.dma_semaphore, #tpu.memory_space<semaphore_mem>>
          %dma_wait3A_1642 = tpu.memref_squeeze %dma_wait3A_1641 : memref<1x!tpu.dma_semaphore, #tpu.memory_space<semaphore_mem>> -> memref<!tpu.dma_semaphore, #tpu.memory_space<semaphore_mem>>
          %dma_wait3A_1643 = tpu.memref_slice %arg5[%dma_wait3A_1635, %add3A_1633] : memref<12x524288xi32, #tpu.memory_space<hbm>> -> memref<1x1024xi32, #tpu.memory_space<hbm>>
          %dma_wait3A_1644 = tpu.memref_squeeze %dma_wait3A_1643 : memref<1x1024xi32, #tpu.memory_space<hbm>> -> memref<1024xi32, #tpu.memory_space<hbm>>
          %dma_wait3A_1645 = arith.constant 0 : i32
          %dma_wait3A_1646 = tpu.memref_slice %arg8[%and3A_485, %dma_wait3A_1634, %dma_wait3A_1645] : memref<2x12x1024xi32, #tpu.memory_space<vmem>> -> memref<1x1x1024xi32, #tpu.memory_space<vmem>>
          %dma_wait3A_1647 = tpu.memref_squeeze %dma_wait3A_1646 : memref<1x1x1024xi32, #tpu.memory_space<vmem>> -> memref<1024xi32, #tpu.memory_space<vmem>>
          tpu.wait_dma2 semaphore(%dma_wait3A_1642 : memref<!tpu.dma_semaphore, #tpu.memory_space<semaphore_mem>>) src(%dma_wait3A_1647 : memref<1024xi32, #tpu.memory_space<vmem>>) dst(%dma_wait3A_1644 : memref<1024xi32, #tpu.memory_space<hbm>>)
          %sub3A_1648 = arith.constant 2 : i32
          %sub3A_1649 = arith.subi %shift_right_arithmetic3A_481, %sub3A_1648 : i32
          %mul3A_1650 = arith.constant 1024 : i32
          %mul3A_1651 = arith.muli %sub3A_1649, %mul3A_1650 : i32
          %add3A_1652 = arith.addi %mul3A_2, %mul3A_1651 : i32
          %dma_wait3A_1653 = arith.constant 5 : i32
          %dma_wait3A_1654 = arith.constant 5 : i32
          %dma_wait3A_1655 = arith.constant 0 : i32
          %dma_wait3A_1656 = tpu.memref_slice %arg8[%and3A_485, %dma_wait3A_1653, %dma_wait3A_1655] : memref<2x12x1024xi32, #tpu.memory_space<vmem>> -> memref<1x1x1024xi32, #tpu.memory_space<vmem>>
          %dma_wait3A_1657 = tpu.memref_squeeze %dma_wait3A_1656 : memref<1x1x1024xi32, #tpu.memory_space<vmem>> -> memref<1024xi32, #tpu.memory_space<vmem>>
          %dma_wait3A_1658 = tpu.memref_slice %arg5[%dma_wait3A_1654, %add3A_1652] : memref<12x524288xi32, #tpu.memory_space<hbm>> -> memref<1x1024xi32, #tpu.memory_space<hbm>>
          %dma_wait3A_1659 = tpu.memref_squeeze %dma_wait3A_1658 : memref<1x1024xi32, #tpu.memory_space<hbm>> -> memref<1024xi32, #tpu.memory_space<hbm>>
          %dma_wait3A_1660 = tpu.memref_slice %arg14[%and3A_485] : memref<2x!tpu.dma_semaphore, #tpu.memory_space<semaphore_mem>> -> memref<1x!tpu.dma_semaphore, #tpu.memory_space<semaphore_mem>>
          %dma_wait3A_1661 = tpu.memref_squeeze %dma_wait3A_1660 : memref<1x!tpu.dma_semaphore, #tpu.memory_space<semaphore_mem>> -> memref<!tpu.dma_semaphore, #tpu.memory_space<semaphore_mem>>
          %dma_wait3A_1662 = tpu.memref_slice %arg5[%dma_wait3A_1654, %add3A_1652] : memref<12x524288xi32, #tpu.memory_space<hbm>> -> memref<1x1024xi32, #tpu.memory_space<hbm>>
          %dma_wait3A_1663 = tpu.memref_squeeze %dma_wait3A_1662 : memref<1x1024xi32, #tpu.memory_space<hbm>> -> memref<1024xi32, #tpu.memory_space<hbm>>
          %dma_wait3A_1664 = arith.constant 0 : i32
          %dma_wait3A_1665 = tpu.memref_slice %arg8[%and3A_485, %dma_wait3A_1653, %dma_wait3A_1664] : memref<2x12x1024xi32, #tpu.memory_space<vmem>> -> memref<1x1x1024xi32, #tpu.memory_space<vmem>>
          %dma_wait3A_1666 = tpu.memref_squeeze %dma_wait3A_1665 : memref<1x1x1024xi32, #tpu.memory_space<vmem>> -> memref<1024xi32, #tpu.memory_space<vmem>>
          tpu.wait_dma2 semaphore(%dma_wait3A_1661 : memref<!tpu.dma_semaphore, #tpu.memory_space<semaphore_mem>>) src(%dma_wait3A_1666 : memref<1024xi32, #tpu.memory_space<vmem>>) dst(%dma_wait3A_1663 : memref<1024xi32, #tpu.memory_space<hbm>>)
          %sub3A_1667 = arith.constant 2 : i32
          %sub3A_1668 = arith.subi %shift_right_arithmetic3A_481, %sub3A_1667 : i32
          %mul3A_1669 = arith.constant 1024 : i32
          %mul3A_1670 = arith.muli %sub3A_1668, %mul3A_1669 : i32
          %add3A_1671 = arith.addi %mul3A_2, %mul3A_1670 : i32
          %dma_wait3A_1672 = arith.constant 6 : i32
          %dma_wait3A_1673 = arith.constant 6 : i32
          %dma_wait3A_1674 = arith.constant 0 : i32
          %dma_wait3A_1675 = tpu.memref_slice %arg8[%and3A_485, %dma_wait3A_1672, %dma_wait3A_1674] : memref<2x12x1024xi32, #tpu.memory_space<vmem>> -> memref<1x1x1024xi32, #tpu.memory_space<vmem>>
          %dma_wait3A_1676 = tpu.memref_squeeze %dma_wait3A_1675 : memref<1x1x1024xi32, #tpu.memory_space<vmem>> -> memref<1024xi32, #tpu.memory_space<vmem>>
          %dma_wait3A_1677 = tpu.memref_slice %arg5[%dma_wait3A_1673, %add3A_1671] : memref<12x524288xi32, #tpu.memory_space<hbm>> -> memref<1x1024xi32, #tpu.memory_space<hbm>>
          %dma_wait3A_1678 = tpu.memref_squeeze %dma_wait3A_1677 : memref<1x1024xi32, #tpu.memory_space<hbm>> -> memref<1024xi32, #tpu.memory_space<hbm>>
          %dma_wait3A_1679 = tpu.memref_slice %arg14[%and3A_485] : memref<2x!tpu.dma_semaphore, #tpu.memory_space<semaphore_mem>> -> memref<1x!tpu.dma_semaphore, #tpu.memory_space<semaphore_mem>>
          %dma_wait3A_1680 = tpu.memref_squeeze %dma_wait3A_1679 : memref<1x!tpu.dma_semaphore, #tpu.memory_space<semaphore_mem>> -> memref<!tpu.dma_semaphore, #tpu.memory_space<semaphore_mem>>
          %dma_wait3A_1681 = tpu.memref_slice %arg5[%dma_wait3A_1673, %add3A_1671] : memref<12x524288xi32, #tpu.memory_space<hbm>> -> memref<1x1024xi32, #tpu.memory_space<hbm>>
          %dma_wait3A_1682 = tpu.memref_squeeze %dma_wait3A_1681 : memref<1x1024xi32, #tpu.memory_space<hbm>> -> memref<1024xi32, #tpu.memory_space<hbm>>
          %dma_wait3A_1683 = arith.constant 0 : i32
          %dma_wait3A_1684 = tpu.memref_slice %arg8[%and3A_485, %dma_wait3A_1672, %dma_wait3A_1683] : memref<2x12x1024xi32, #tpu.memory_space<vmem>> -> memref<1x1x1024xi32, #tpu.memory_space<vmem>>
          %dma_wait3A_1685 = tpu.memref_squeeze %dma_wait3A_1684 : memref<1x1x1024xi32, #tpu.memory_space<vmem>> -> memref<1024xi32, #tpu.memory_space<vmem>>
          tpu.wait_dma2 semaphore(%dma_wait3A_1680 : memref<!tpu.dma_semaphore, #tpu.memory_space<semaphore_mem>>) src(%dma_wait3A_1685 : memref<1024xi32, #tpu.memory_space<vmem>>) dst(%dma_wait3A_1682 : memref<1024xi32, #tpu.memory_space<hbm>>)
          %sub3A_1686 = arith.constant 2 : i32
          %sub3A_1687 = arith.subi %shift_right_arithmetic3A_481, %sub3A_1686 : i32
          %mul3A_1688 = arith.constant 1024 : i32
          %mul3A_1689 = arith.muli %sub3A_1687, %mul3A_1688 : i32
          %add3A_1690 = arith.addi %mul3A_2, %mul3A_1689 : i32
          %dma_wait3A_1691 = arith.constant 7 : i32
          %dma_wait3A_1692 = arith.constant 7 : i32
          %dma_wait3A_1693 = arith.constant 0 : i32
          %dma_wait3A_1694 = tpu.memref_slice %arg8[%and3A_485, %dma_wait3A_1691, %dma_wait3A_1693] : memref<2x12x1024xi32, #tpu.memory_space<vmem>> -> memref<1x1x1024xi32, #tpu.memory_space<vmem>>
          %dma_wait3A_1695 = tpu.memref_squeeze %dma_wait3A_1694 : memref<1x1x1024xi32, #tpu.memory_space<vmem>> -> memref<1024xi32, #tpu.memory_space<vmem>>
          %dma_wait3A_1696 = tpu.memref_slice %arg5[%dma_wait3A_1692, %add3A_1690] : memref<12x524288xi32, #tpu.memory_space<hbm>> -> memref<1x1024xi32, #tpu.memory_space<hbm>>
          %dma_wait3A_1697 = tpu.memref_squeeze %dma_wait3A_1696 : memref<1x1024xi32, #tpu.memory_space<hbm>> -> memref<1024xi32, #tpu.memory_space<hbm>>
          %dma_wait3A_1698 = tpu.memref_slice %arg14[%and3A_485] : memref<2x!tpu.dma_semaphore, #tpu.memory_space<semaphore_mem>> -> memref<1x!tpu.dma_semaphore, #tpu.memory_space<semaphore_mem>>
          %dma_wait3A_1699 = tpu.memref_squeeze %dma_wait3A_1698 : memref<1x!tpu.dma_semaphore, #tpu.memory_space<semaphore_mem>> -> memref<!tpu.dma_semaphore, #tpu.memory_space<semaphore_mem>>
          %dma_wait3A_1700 = tpu.memref_slice %arg5[%dma_wait3A_1692, %add3A_1690] : memref<12x524288xi32, #tpu.memory_space<hbm>> -> memref<1x1024xi32, #tpu.memory_space<hbm>>
          %dma_wait3A_1701 = tpu.memref_squeeze %dma_wait3A_1700 : memref<1x1024xi32, #tpu.memory_space<hbm>> -> memref<1024xi32, #tpu.memory_space<hbm>>
          %dma_wait3A_1702 = arith.constant 0 : i32
          %dma_wait3A_1703 = tpu.memref_slice %arg8[%and3A_485, %dma_wait3A_1691, %dma_wait3A_1702] : memref<2x12x1024xi32, #tpu.memory_space<vmem>> -> memref<1x1x1024xi32, #tpu.memory_space<vmem>>
          %dma_wait3A_1704 = tpu.memref_squeeze %dma_wait3A_1703 : memref<1x1x1024xi32, #tpu.memory_space<vmem>> -> memref<1024xi32, #tpu.memory_space<vmem>>
          tpu.wait_dma2 semaphore(%dma_wait3A_1699 : memref<!tpu.dma_semaphore, #tpu.memory_space<semaphore_mem>>) src(%dma_wait3A_1704 : memref<1024xi32, #tpu.memory_space<vmem>>) dst(%dma_wait3A_1701 : memref<1024xi32, #tpu.memory_space<hbm>>)
          %sub3A_1705 = arith.constant 2 : i32
          %sub3A_1706 = arith.subi %shift_right_arithmetic3A_481, %sub3A_1705 : i32
          %mul3A_1707 = arith.constant 1024 : i32
          %mul3A_1708 = arith.muli %sub3A_1706, %mul3A_1707 : i32
          %add3A_1709 = arith.addi %mul3A_2, %mul3A_1708 : i32
          %dma_wait3A_1710 = arith.constant 8 : i32
          %dma_wait3A_1711 = arith.constant 8 : i32
          %dma_wait3A_1712 = arith.constant 0 : i32
          %dma_wait3A_1713 = tpu.memref_slice %arg8[%and3A_485, %dma_wait3A_1710, %dma_wait3A_1712] : memref<2x12x1024xi32, #tpu.memory_space<vmem>> -> memref<1x1x1024xi32, #tpu.memory_space<vmem>>
          %dma_wait3A_1714 = tpu.memref_squeeze %dma_wait3A_1713 : memref<1x1x1024xi32, #tpu.memory_space<vmem>> -> memref<1024xi32, #tpu.memory_space<vmem>>
          %dma_wait3A_1715 = tpu.memref_slice %arg5[%dma_wait3A_1711, %add3A_1709] : memref<12x524288xi32, #tpu.memory_space<hbm>> -> memref<1x1024xi32, #tpu.memory_space<hbm>>
          %dma_wait3A_1716 = tpu.memref_squeeze %dma_wait3A_1715 : memref<1x1024xi32, #tpu.memory_space<hbm>> -> memref<1024xi32, #tpu.memory_space<hbm>>
          %dma_wait3A_1717 = tpu.memref_slice %arg14[%and3A_485] : memref<2x!tpu.dma_semaphore, #tpu.memory_space<semaphore_mem>> -> memref<1x!tpu.dma_semaphore, #tpu.memory_space<semaphore_mem>>
          %dma_wait3A_1718 = tpu.memref_squeeze %dma_wait3A_1717 : memref<1x!tpu.dma_semaphore, #tpu.memory_space<semaphore_mem>> -> memref<!tpu.dma_semaphore, #tpu.memory_space<semaphore_mem>>
          %dma_wait3A_1719 = tpu.memref_slice %arg5[%dma_wait3A_1711, %add3A_1709] : memref<12x524288xi32, #tpu.memory_space<hbm>> -> memref<1x1024xi32, #tpu.memory_space<hbm>>
          %dma_wait3A_1720 = tpu.memref_squeeze %dma_wait3A_1719 : memref<1x1024xi32, #tpu.memory_space<hbm>> -> memref<1024xi32, #tpu.memory_space<hbm>>
          %dma_wait3A_1721 = arith.constant 0 : i32
          %dma_wait3A_1722 = tpu.memref_slice %arg8[%and3A_485, %dma_wait3A_1710, %dma_wait3A_1721] : memref<2x12x1024xi32, #tpu.memory_space<vmem>> -> memref<1x1x1024xi32, #tpu.memory_space<vmem>>
          %dma_wait3A_1723 = tpu.memref_squeeze %dma_wait3A_1722 : memref<1x1x1024xi32, #tpu.memory_space<vmem>> -> memref<1024xi32, #tpu.memory_space<vmem>>
          tpu.wait_dma2 semaphore(%dma_wait3A_1718 : memref<!tpu.dma_semaphore, #tpu.memory_space<semaphore_mem>>) src(%dma_wait3A_1723 : memref<1024xi32, #tpu.memory_space<vmem>>) dst(%dma_wait3A_1720 : memref<1024xi32, #tpu.memory_space<hbm>>)
          %sub3A_1724 = arith.constant 2 : i32
          %sub3A_1725 = arith.subi %shift_right_arithmetic3A_481, %sub3A_1724 : i32
          %mul3A_1726 = arith.constant 1024 : i32
          %mul3A_1727 = arith.muli %sub3A_1725, %mul3A_1726 : i32
          %add3A_1728 = arith.addi %mul3A_2, %mul3A_1727 : i32
          %dma_wait3A_1729 = arith.constant 9 : i32
          %dma_wait3A_1730 = arith.constant 9 : i32
          %dma_wait3A_1731 = arith.constant 0 : i32
          %dma_wait3A_1732 = tpu.memref_slice %arg8[%and3A_485, %dma_wait3A_1729, %dma_wait3A_1731] : memref<2x12x1024xi32, #tpu.memory_space<vmem>> -> memref<1x1x1024xi32, #tpu.memory_space<vmem>>
          %dma_wait3A_1733 = tpu.memref_squeeze %dma_wait3A_1732 : memref<1x1x1024xi32, #tpu.memory_space<vmem>> -> memref<1024xi32, #tpu.memory_space<vmem>>
          %dma_wait3A_1734 = tpu.memref_slice %arg5[%dma_wait3A_1730, %add3A_1728] : memref<12x524288xi32, #tpu.memory_space<hbm>> -> memref<1x1024xi32, #tpu.memory_space<hbm>>
          %dma_wait3A_1735 = tpu.memref_squeeze %dma_wait3A_1734 : memref<1x1024xi32, #tpu.memory_space<hbm>> -> memref<1024xi32, #tpu.memory_space<hbm>>
          %dma_wait3A_1736 = tpu.memref_slice %arg14[%and3A_485] : memref<2x!tpu.dma_semaphore, #tpu.memory_space<semaphore_mem>> -> memref<1x!tpu.dma_semaphore, #tpu.memory_space<semaphore_mem>>
          %dma_wait3A_1737 = tpu.memref_squeeze %dma_wait3A_1736 : memref<1x!tpu.dma_semaphore, #tpu.memory_space<semaphore_mem>> -> memref<!tpu.dma_semaphore, #tpu.memory_space<semaphore_mem>>
          %dma_wait3A_1738 = tpu.memref_slice %arg5[%dma_wait3A_1730, %add3A_1728] : memref<12x524288xi32, #tpu.memory_space<hbm>> -> memref<1x1024xi32, #tpu.memory_space<hbm>>
          %dma_wait3A_1739 = tpu.memref_squeeze %dma_wait3A_1738 : memref<1x1024xi32, #tpu.memory_space<hbm>> -> memref<1024xi32, #tpu.memory_space<hbm>>
          %dma_wait3A_1740 = arith.constant 0 : i32
          %dma_wait3A_1741 = tpu.memref_slice %arg8[%and3A_485, %dma_wait3A_1729, %dma_wait3A_1740] : memref<2x12x1024xi32, #tpu.memory_space<vmem>> -> memref<1x1x1024xi32, #tpu.memory_space<vmem>>
          %dma_wait3A_1742 = tpu.memref_squeeze %dma_wait3A_1741 : memref<1x1x1024xi32, #tpu.memory_space<vmem>> -> memref<1024xi32, #tpu.memory_space<vmem>>
          tpu.wait_dma2 semaphore(%dma_wait3A_1737 : memref<!tpu.dma_semaphore, #tpu.memory_space<semaphore_mem>>) src(%dma_wait3A_1742 : memref<1024xi32, #tpu.memory_space<vmem>>) dst(%dma_wait3A_1739 : memref<1024xi32, #tpu.memory_space<hbm>>)
          %sub3A_1743 = arith.constant 2 : i32
          %sub3A_1744 = arith.subi %shift_right_arithmetic3A_481, %sub3A_1743 : i32
          %mul3A_1745 = arith.constant 1024 : i32
          %mul3A_1746 = arith.muli %sub3A_1744, %mul3A_1745 : i32
          %add3A_1747 = arith.addi %mul3A_2, %mul3A_1746 : i32
          %dma_wait3A_1748 = arith.constant 10 : i32
          %dma_wait3A_1749 = arith.constant 10 : i32
          %dma_wait3A_1750 = arith.constant 0 : i32
          %dma_wait3A_1751 = tpu.memref_slice %arg8[%and3A_485, %dma_wait3A_1748, %dma_wait3A_1750] : memref<2x12x1024xi32, #tpu.memory_space<vmem>> -> memref<1x1x1024xi32, #tpu.memory_space<vmem>>
          %dma_wait3A_1752 = tpu.memref_squeeze %dma_wait3A_1751 : memref<1x1x1024xi32, #tpu.memory_space<vmem>> -> memref<1024xi32, #tpu.memory_space<vmem>>
          %dma_wait3A_1753 = tpu.memref_slice %arg5[%dma_wait3A_1749, %add3A_1747] : memref<12x524288xi32, #tpu.memory_space<hbm>> -> memref<1x1024xi32, #tpu.memory_space<hbm>>
          %dma_wait3A_1754 = tpu.memref_squeeze %dma_wait3A_1753 : memref<1x1024xi32, #tpu.memory_space<hbm>> -> memref<1024xi32, #tpu.memory_space<hbm>>
          %dma_wait3A_1755 = tpu.memref_slice %arg14[%and3A_485] : memref<2x!tpu.dma_semaphore, #tpu.memory_space<semaphore_mem>> -> memref<1x!tpu.dma_semaphore, #tpu.memory_space<semaphore_mem>>
          %dma_wait3A_1756 = tpu.memref_squeeze %dma_wait3A_1755 : memref<1x!tpu.dma_semaphore, #tpu.memory_space<semaphore_mem>> -> memref<!tpu.dma_semaphore, #tpu.memory_space<semaphore_mem>>
          %dma_wait3A_1757 = tpu.memref_slice %arg5[%dma_wait3A_1749, %add3A_1747] : memref<12x524288xi32, #tpu.memory_space<hbm>> -> memref<1x1024xi32, #tpu.memory_space<hbm>>
          %dma_wait3A_1758 = tpu.memref_squeeze %dma_wait3A_1757 : memref<1x1024xi32, #tpu.memory_space<hbm>> -> memref<1024xi32, #tpu.memory_space<hbm>>
          %dma_wait3A_1759 = arith.constant 0 : i32
          %dma_wait3A_1760 = tpu.memref_slice %arg8[%and3A_485, %dma_wait3A_1748, %dma_wait3A_1759] : memref<2x12x1024xi32, #tpu.memory_space<vmem>> -> memref<1x1x1024xi32, #tpu.memory_space<vmem>>
          %dma_wait3A_1761 = tpu.memref_squeeze %dma_wait3A_1760 : memref<1x1x1024xi32, #tpu.memory_space<vmem>> -> memref<1024xi32, #tpu.memory_space<vmem>>
          tpu.wait_dma2 semaphore(%dma_wait3A_1756 : memref<!tpu.dma_semaphore, #tpu.memory_space<semaphore_mem>>) src(%dma_wait3A_1761 : memref<1024xi32, #tpu.memory_space<vmem>>) dst(%dma_wait3A_1758 : memref<1024xi32, #tpu.memory_space<hbm>>)
          %sub3A_1762 = arith.constant 2 : i32
          %sub3A_1763 = arith.subi %shift_right_arithmetic3A_481, %sub3A_1762 : i32
          %mul3A_1764 = arith.constant 1024 : i32
          %mul3A_1765 = arith.muli %sub3A_1763, %mul3A_1764 : i32
          %add3A_1766 = arith.addi %mul3A_2, %mul3A_1765 : i32
          %dma_wait3A_1767 = arith.constant 11 : i32
          %dma_wait3A_1768 = arith.constant 11 : i32
          %dma_wait3A_1769 = arith.constant 0 : i32
          %dma_wait3A_1770 = tpu.memref_slice %arg8[%and3A_485, %dma_wait3A_1767, %dma_wait3A_1769] : memref<2x12x1024xi32, #tpu.memory_space<vmem>> -> memref<1x1x1024xi32, #tpu.memory_space<vmem>>
          %dma_wait3A_1771 = tpu.memref_squeeze %dma_wait3A_1770 : memref<1x1x1024xi32, #tpu.memory_space<vmem>> -> memref<1024xi32, #tpu.memory_space<vmem>>
          %dma_wait3A_1772 = tpu.memref_slice %arg5[%dma_wait3A_1768, %add3A_1766] : memref<12x524288xi32, #tpu.memory_space<hbm>> -> memref<1x1024xi32, #tpu.memory_space<hbm>>
          %dma_wait3A_1773 = tpu.memref_squeeze %dma_wait3A_1772 : memref<1x1024xi32, #tpu.memory_space<hbm>> -> memref<1024xi32, #tpu.memory_space<hbm>>
          %dma_wait3A_1774 = tpu.memref_slice %arg14[%and3A_485] : memref<2x!tpu.dma_semaphore, #tpu.memory_space<semaphore_mem>> -> memref<1x!tpu.dma_semaphore, #tpu.memory_space<semaphore_mem>>
          %dma_wait3A_1775 = tpu.memref_squeeze %dma_wait3A_1774 : memref<1x!tpu.dma_semaphore, #tpu.memory_space<semaphore_mem>> -> memref<!tpu.dma_semaphore, #tpu.memory_space<semaphore_mem>>
          %dma_wait3A_1776 = tpu.memref_slice %arg5[%dma_wait3A_1768, %add3A_1766] : memref<12x524288xi32, #tpu.memory_space<hbm>> -> memref<1x1024xi32, #tpu.memory_space<hbm>>
          %dma_wait3A_1777 = tpu.memref_squeeze %dma_wait3A_1776 : memref<1x1024xi32, #tpu.memory_space<hbm>> -> memref<1024xi32, #tpu.memory_space<hbm>>
          %dma_wait3A_1778 = arith.constant 0 : i32
          %dma_wait3A_1779 = tpu.memref_slice %arg8[%and3A_485, %dma_wait3A_1767, %dma_wait3A_1778] : memref<2x12x1024xi32, #tpu.memory_space<vmem>> -> memref<1x1x1024xi32, #tpu.memory_space<vmem>>
          %dma_wait3A_1780 = tpu.memref_squeeze %dma_wait3A_1779 : memref<1x1x1024xi32, #tpu.memory_space<vmem>> -> memref<1024xi32, #tpu.memory_space<vmem>>
          tpu.wait_dma2 semaphore(%dma_wait3A_1775 : memref<!tpu.dma_semaphore, #tpu.memory_space<semaphore_mem>>) src(%dma_wait3A_1780 : memref<1024xi32, #tpu.memory_space<vmem>>) dst(%dma_wait3A_1777 : memref<1024xi32, #tpu.memory_space<hbm>>)
        } else {
        }
        %mul3A_497 = arith.constant 16 : i32
        %mul3A_498 = arith.muli %and3A_483, %mul3A_497 : i32
        %add3A_499 = vector.broadcast %mul3A_498 : i32 to vector<16xi32>
        %add3A_500 = arith.addi %add3A_499, %iota3A : vector<16xi32>
        %mul3A_501 = arith.constant 16 : i32
        %mul3A_502 = arith.muli %and3A_483, %mul3A_501 : i32
        %add3A_503 = vector.broadcast %mul3A_502 : i32 to vector<16xi32>
        %add3A_504 = arith.addi %add3A_503, %iota3A : vector<16xi32>
        %mul3A_505 = arith.constant 6 : i32
        %mul3A_506 = vector.broadcast %mul3A_505 : i32 to vector<16xi32>
        %mul3A_507 = arith.muli %add3A_504, %mul3A_506 : vector<16xi32>
        %mul3A_508 = arith.constant 6144 : i32
        %mul3A_509 = arith.muli %and3A_485, %mul3A_508 : i32
        %add3A_510 = arith.constant 3 : i32
        %add3A_511 = arith.addi %mul3A_509, %add3A_510 : i32
        %add3A_512 = vector.broadcast %add3A_511 : i32 to vector<16xi32>
        %add3A_513 = arith.addi %mul3A_507, %add3A_512 : vector<16xi32>
        %gather3A = tpu.vector_load_idx %arg7[%add3A_513] : memref<12288xf32, #tpu.memory_space<vmem>>[vector<16xi32>], vector<16xf32>,
        %mul3A_514 = arith.constant 16 : i32
        %mul3A_515 = arith.muli %and3A_483, %mul3A_514 : i32
        %add3A_516 = vector.broadcast %mul3A_515 : i32 to vector<16xi32>
        %add3A_517 = arith.addi %add3A_516, %iota3A : vector<16xi32>
        %mul3A_518 = arith.constant 6 : i32
        %mul3A_519 = vector.broadcast %mul3A_518 : i32 to vector<16xi32>
        %mul3A_520 = arith.muli %add3A_517, %mul3A_519 : vector<16xi32>
        %mul3A_521 = arith.constant 6144 : i32
        %mul3A_522 = arith.muli %and3A_485, %mul3A_521 : i32
        %add3A_523 = arith.constant 2 : i32
        %add3A_524 = arith.addi %mul3A_522, %add3A_523 : i32
        %add3A_525 = vector.broadcast %add3A_524 : i32 to vector<16xi32>
        %add3A_526 = arith.addi %mul3A_520, %add3A_525 : vector<16xi32>
        %gather3A_527 = tpu.vector_load_idx %arg7[%add3A_526] : memref<12288xf32, #tpu.memory_space<vmem>>[vector<16xi32>], vector<16xf32>,
        %mul3A_528 = arith.constant 5.000000e+01 : f32
        %mul3A_529 = vector.broadcast %mul3A_528 : f32 to vector<16xf32>
        %mul3A_530 = arith.mulf %gather3A, %mul3A_529 : vector<16xf32>
        %mul3A_531 = arith.constant 4.900000e+01 : f32
        %mul3A_532 = vector.broadcast %mul3A_531 : f32 to vector<16xf32>
        %mul3A_533 = arith.mulf %gather3A_527, %mul3A_532 : vector<16xf32>
        %convert_element_type3A_534 = arith.fptosi %mul3A_530 : vector<16xf32> to vector<16xi32>
        %min3A = arith.constant 49 : i32
        %min3A_535 = vector.broadcast %min3A : i32 to vector<16xi32>
        %min3A_536 = arith.minsi %convert_element_type3A_534, %min3A_535 : vector<16xi32>
        %convert_element_type3A_537 = arith.fptosi %mul3A_533 : vector<16xf32> to vector<16xi32>
        %min3A_538 = arith.constant 48 : i32
        %min3A_539 = vector.broadcast %min3A_538 : i32 to vector<16xi32>
        %min3A_540 = arith.minsi %convert_element_type3A_537, %min3A_539 : vector<16xi32>
        %convert_element_type3A_541 = arith.sitofp %min3A_536 : vector<16xi32> to vector<16xf32>
        %sub3A_542 = arith.subf %mul3A_530, %convert_element_type3A_541 : vector<16xf32>
        %convert_element_type3A_543 = arith.sitofp %min3A_540 : vector<16xi32> to vector<16xf32>
        %sub3A_544 = arith.subf %mul3A_533, %convert_element_type3A_543 : vector<16xf32>
        %mul3A_545 = arith.constant 51 : i32
        %mul3A_546 = vector.broadcast %mul3A_545 : i32 to vector<16xi32>
        %mul3A_547 = arith.muli %min3A_540, %mul3A_546 : vector<16xi32>
        %add3A_548 = arith.addi %mul3A_547, %min3A_536 : vector<16xi32>
        %mul3A_549 = arith.constant 8 : i32
        %mul3A_550 = vector.broadcast %mul3A_549 : i32 to vector<16xi32>
        %mul3A_551 = arith.muli %add3A_548, %mul3A_550 : vector<16xi32>
        %mul3A_552 = arith.constant 16 : i32
        %mul3A_553 = arith.muli %and3A_483, %mul3A_552 : i32
        %add3A_554 = vector.broadcast %mul3A_553 : i32 to vector<16xi32>
        %add3A_555 = arith.addi %add3A_554, %iota3A : vector<16xi32>
        %mul3A_556 = arith.constant 6 : i32
        %mul3A_557 = vector.broadcast %mul3A_556 : i32 to vector<16xi32>
        %mul3A_558 = arith.muli %add3A_555, %mul3A_557 : vector<16xi32>
        %mul3A_559 = arith.constant 6144 : i32
        %mul3A_560 = arith.muli %and3A_485, %mul3A_559 : i32
        %add3A_561 = arith.constant 5 : i32
        %add3A_562 = arith.addi %mul3A_560, %add3A_561 : i32
        %add3A_563 = vector.broadcast %add3A_562 : i32 to vector<16xi32>
        %add3A_564 = arith.addi %mul3A_558, %add3A_563 : vector<16xi32>
        %gather3A_565 = tpu.vector_load_idx %arg7[%add3A_564] : memref<12288xf32, #tpu.memory_space<vmem>>[vector<16xi32>], vector<16xf32>,
        %mul3A_566 = arith.constant 16 : i32
        %mul3A_567 = arith.muli %and3A_483, %mul3A_566 : i32
        %add3A_568 = vector.broadcast %mul3A_567 : i32 to vector<16xi32>
        %add3A_569 = arith.addi %add3A_568, %iota3A : vector<16xi32>
        %mul3A_570 = arith.constant 6 : i32
        %mul3A_571 = vector.broadcast %mul3A_570 : i32 to vector<16xi32>
        %mul3A_572 = arith.muli %add3A_569, %mul3A_571 : vector<16xi32>
        %mul3A_573 = arith.constant 6144 : i32
        %mul3A_574 = arith.muli %and3A_485, %mul3A_573 : i32
        %add3A_575 = arith.constant 4 : i32
        %add3A_576 = arith.addi %mul3A_574, %add3A_575 : i32
        %add3A_577 = vector.broadcast %add3A_576 : i32 to vector<16xi32>
        %add3A_578 = arith.addi %mul3A_572, %add3A_577 : vector<16xi32>
        %gather3A_579 = tpu.vector_load_idx %arg7[%add3A_578] : memref<12288xf32, #tpu.memory_space<vmem>>[vector<16xi32>], vector<16xf32>,
        %mul3A_580 = arith.constant 5.000000e+01 : f32
        %mul3A_581 = vector.broadcast %mul3A_580 : f32 to vector<16xf32>
        %mul3A_582 = arith.mulf %gather3A_565, %mul3A_581 : vector<16xf32>
        %mul3A_583 = arith.constant 4.900000e+01 : f32
        %mul3A_584 = vector.broadcast %mul3A_583 : f32 to vector<16xf32>
        %mul3A_585 = arith.mulf %gather3A_579, %mul3A_584 : vector<16xf32>
        %convert_element_type3A_586 = arith.fptosi %mul3A_582 : vector<16xf32> to vector<16xi32>
        %min3A_587 = arith.constant 49 : i32
        %min3A_588 = vector.broadcast %min3A_587 : i32 to vector<16xi32>
        %min3A_589 = arith.minsi %convert_element_type3A_586, %min3A_588 : vector<16xi32>
        %convert_element_type3A_590 = arith.fptosi %mul3A_585 : vector<16xf32> to vector<16xi32>
        %min3A_591 = arith.constant 48 : i32
        %min3A_592 = vector.broadcast %min3A_591 : i32 to vector<16xi32>
        %min3A_593 = arith.minsi %convert_element_type3A_590, %min3A_592 : vector<16xi32>
        %convert_element_type3A_594 = arith.sitofp %min3A_589 : vector<16xi32> to vector<16xf32>
        %sub3A_595 = arith.subf %mul3A_582, %convert_element_type3A_594 : vector<16xf32>
        %convert_element_type3A_596 = arith.sitofp %min3A_593 : vector<16xi32> to vector<16xf32>
        %sub3A_597 = arith.subf %mul3A_585, %convert_element_type3A_596 : vector<16xf32>
        %mul3A_598 = arith.constant 51 : i32
        %mul3A_599 = vector.broadcast %mul3A_598 : i32 to vector<16xi32>
        %mul3A_600 = arith.muli %min3A_593, %mul3A_599 : vector<16xi32>
        %add3A_601 = arith.addi %mul3A_600, %min3A_589 : vector<16xi32>
        %mul3A_602 = arith.constant 8 : i32
        %mul3A_603 = vector.broadcast %mul3A_602 : i32 to vector<16xi32>
        %mul3A_604 = arith.muli %add3A_601, %mul3A_603 : vector<16xi32>
        %add3A_605 = arith.constant 20400 : i32
        %add3A_606 = vector.broadcast %add3A_605 : i32 to vector<16xi32>
        %add3A_607 = arith.addi %mul3A_604, %add3A_606 : vector<16xi32>
        %sub3A_608 = arith.constant 1.000000e+00 : f32
        %sub3A_609 = vector.broadcast %sub3A_608 : f32 to vector<16xf32>
        %sub3A_610 = arith.subf %sub3A_609, %sub3A_544 : vector<16xf32>
        %mul3A_611 = arith.mulf %sub3A_542, %sub3A_610 : vector<16xf32>
        %sub3A_612 = arith.constant 1.000000e+00 : f32
        %sub3A_613 = vector.broadcast %sub3A_612 : f32 to vector<16xf32>
        %sub3A_614 = arith.subf %sub3A_613, %sub3A_542 : vector<16xf32>
        %mul3A_615 = arith.mulf %sub3A_614, %sub3A_544 : vector<16xf32>
        %mul3A_616 = arith.mulf %sub3A_542, %sub3A_544 : vector<16xf32>
        %sub3A_617 = arith.constant 1.000000e+00 : f32
        %sub3A_618 = vector.broadcast %sub3A_617 : f32 to vector<16xf32>
        %sub3A_619 = arith.subf %sub3A_618, %sub3A_542 : vector<16xf32>
        %sub3A_620 = arith.constant 1.000000e+00 : f32
        %sub3A_621 = vector.broadcast %sub3A_620 : f32 to vector<16xf32>
        %sub3A_622 = arith.subf %sub3A_621, %sub3A_544 : vector<16xf32>
        %mul3A_623 = arith.mulf %sub3A_619, %sub3A_622 : vector<16xf32>
        %sub3A_624 = arith.constant 1.000000e+00 : f32
        %sub3A_625 = vector.broadcast %sub3A_624 : f32 to vector<16xf32>
        %sub3A_626 = arith.subf %sub3A_625, %sub3A_597 : vector<16xf32>
        %mul3A_627 = arith.mulf %sub3A_595, %sub3A_626 : vector<16xf32>
        %sub3A_628 = arith.constant 1.000000e+00 : f32
        %sub3A_629 = vector.broadcast %sub3A_628 : f32 to vector<16xf32>
        %sub3A_630 = arith.subf %sub3A_629, %sub3A_595 : vector<16xf32>
        %mul3A_631 = arith.mulf %sub3A_630, %sub3A_597 : vector<16xf32>
        %mul3A_632 = arith.mulf %sub3A_595, %sub3A_597 : vector<16xf32>
        %sub3A_633 = arith.constant 1.000000e+00 : f32
        %sub3A_634 = vector.broadcast %sub3A_633 : f32 to vector<16xf32>
        %sub3A_635 = arith.subf %sub3A_634, %sub3A_595 : vector<16xf32>
        %sub3A_636 = arith.constant 1.000000e+00 : f32
        %sub3A_637 = vector.broadcast %sub3A_636 : f32 to vector<16xf32>
        %sub3A_638 = arith.subf %sub3A_637, %sub3A_597 : vector<16xf32>
        %mul3A_639 = arith.mulf %sub3A_635, %sub3A_638 : vector<16xf32>
        %add3A_640 = arith.constant 0 : i32
        %add3A_641 = arith.addi %mul3A_489, %add3A_640 : i32
        %add3A_642 = vector.broadcast %add3A_641 : i32 to vector<16xi32>
        %add3A_643 = arith.addi %iota3A, %add3A_642 : vector<16xi32>
        %gather3A_644 = tpu.vector_load_idx %arg10[%add3A_643] : memref<256xi32, #tpu.memory_space<vmem>>[vector<16xi32>], vector<16xi32>,
        %add3A_645 = arith.constant 16 : i32
        %add3A_646 = arith.addi %mul3A_489, %add3A_645 : i32
        %add3A_647 = vector.broadcast %add3A_646 : i32 to vector<16xi32>
        %add3A_648 = arith.addi %iota3A, %add3A_647 : vector<16xi32>
        %gather3A_649 = tpu.vector_load_idx %arg10[%add3A_648] : memref<256xi32, #tpu.memory_space<vmem>>[vector<16xi32>], vector<16xi32>,
        %mul3A_650 = arith.constant 32 : i32
        %mul3A_651 = arith.muli %and3A_487, %mul3A_650 : i32
        %add3A_652 = vector.broadcast %mul3A_651 : i32 to vector<16xi32>
        %add3A_653 = arith.addi %iota3A, %add3A_652 : vector<16xi32>
        %gather3A_654 = tpu.vector_load_idx %arg11[%add3A_653] : memref<256xf32, #tpu.memory_space<vmem>>[vector<16xi32>], vector<16xf32>,
        %mul3A_655 = arith.constant 32 : i32
        %mul3A_656 = arith.muli %and3A_487, %mul3A_655 : i32
        %add3A_657 = arith.constant 16 : i32
        %add3A_658 = arith.addi %mul3A_656, %add3A_657 : i32
        %add3A_659 = vector.broadcast %add3A_658 : i32 to vector<16xi32>
        %add3A_660 = arith.addi %iota3A, %add3A_659 : vector<16xi32>
        %gather3A_661 = tpu.vector_load_idx %arg11[%add3A_660] : memref<256xf32, #tpu.memory_space<vmem>>[vector<16xi32>], vector<16xf32>,
        %mul3A_662 = arith.constant 2 : i32
        %mul3A_663 = arith.muli %mul3A_662, %and3A_487 : i32
        %add3A_664 = arith.constant 0 : i32
        %add3A_665 = arith.addi %mul3A_663, %add3A_664 : i32
        %mul3A_666 = arith.constant 2 : i32
        %mul3A_667 = arith.muli %mul3A_666, %and3A_487 : i32
        %add3A_668 = arith.constant 0 : i32
        %add3A_669 = arith.addi %mul3A_667, %add3A_668 : i32
        %dma_wait3A_670 = arith.constant 0 : i32
        %dma_wait3A_671 = arith.constant 0 : i32
        %dma_wait3A_672 = tpu.memref_slice %arg9[%add3A_665, %dma_wait3A_670, %dma_wait3A_671] : memref<16x16x16xf32, #tpu.memory_space<vmem>> -> memref<1x16x16xf32, #tpu.memory_space<vmem>>
        %dma_wait3A_673 = tpu.memref_squeeze %dma_wait3A_672 : memref<1x16x16xf32, #tpu.memory_space<vmem>> -> memref<16x16xf32, #tpu.memory_space<vmem>>
        %dma_wait3A_674 = arith.constant 0 : i32
        %dma_wait3A_675 = arith.constant 0 : i32
        %dma_wait3A_676 = tpu.memref_slice %arg3[%dma_wait3A_674, %dma_wait3A_675] : memref<160000x16xf32, #tpu.memory_space<hbm>> -> memref<160000x16xf32, #tpu.memory_space<hbm>>
        %dma_wait3A_677 = tpu.memref_slice %arg13[%add3A_669] : memref<16x!tpu.dma_semaphore, #tpu.memory_space<semaphore_mem>> -> memref<1x!tpu.dma_semaphore, #tpu.memory_space<semaphore_mem>>
        %dma_wait3A_678 = tpu.memref_squeeze %dma_wait3A_677 : memref<1x!tpu.dma_semaphore, #tpu.memory_space<semaphore_mem>> -> memref<!tpu.dma_semaphore, #tpu.memory_space<semaphore_mem>>
        tpu.wait_indirect_dma semaphore(%dma_wait3A_678 : memref<!tpu.dma_semaphore, #tpu.memory_space<semaphore_mem>>) src(%dma_wait3A_676 : memref<160000x16xf32, #tpu.memory_space<hbm>>) dst(%dma_wait3A_673 : memref<16x16xf32, #tpu.memory_space<vmem>>)
        %mul3A_679 = arith.constant 2 : i32
        %mul3A_680 = arith.muli %mul3A_679, %and3A_487 : i32
        %add3A_681 = arith.constant 1 : i32
        %add3A_682 = arith.addi %mul3A_680, %add3A_681 : i32
        %mul3A_683 = arith.constant 2 : i32
        %mul3A_684 = arith.muli %mul3A_683, %and3A_487 : i32
        %add3A_685 = arith.constant 1 : i32
        %add3A_686 = arith.addi %mul3A_684, %add3A_685 : i32
        %dma_wait3A_687 = arith.constant 0 : i32
        %dma_wait3A_688 = arith.constant 0 : i32
        %dma_wait3A_689 = tpu.memref_slice %arg9[%add3A_682, %dma_wait3A_687, %dma_wait3A_688] : memref<16x16x16xf32, #tpu.memory_space<vmem>> -> memref<1x16x16xf32, #tpu.memory_space<vmem>>
        %dma_wait3A_690 = tpu.memref_squeeze %dma_wait3A_689 : memref<1x16x16xf32, #tpu.memory_space<vmem>> -> memref<16x16xf32, #tpu.memory_space<vmem>>
        %dma_wait3A_691 = arith.constant 0 : i32
        %dma_wait3A_692 = arith.constant 0 : i32
        %dma_wait3A_693 = tpu.memref_slice %arg3[%dma_wait3A_691, %dma_wait3A_692] : memref<160000x16xf32, #tpu.memory_space<hbm>> -> memref<160000x16xf32, #tpu.memory_space<hbm>>
        %dma_wait3A_694 = tpu.memref_slice %arg13[%add3A_686] : memref<16x!tpu.dma_semaphore, #tpu.memory_space<semaphore_mem>> -> memref<1x!tpu.dma_semaphore, #tpu.memory_space<semaphore_mem>>
        %dma_wait3A_695 = tpu.memref_squeeze %dma_wait3A_694 : memref<1x!tpu.dma_semaphore, #tpu.memory_space<semaphore_mem>> -> memref<!tpu.dma_semaphore, #tpu.memory_space<semaphore_mem>>
        tpu.wait_indirect_dma semaphore(%dma_wait3A_695 : memref<!tpu.dma_semaphore, #tpu.memory_space<semaphore_mem>>) src(%dma_wait3A_693 : memref<160000x16xf32, #tpu.memory_space<hbm>>) dst(%dma_wait3A_690 : memref<16x16xf32, #tpu.memory_space<vmem>>)
        %sub3A_696 = arith.constant 1.000000e+00 : f32
        %sub3A_697 = vector.broadcast %sub3A_696 : f32 to vector<16xf32>
        %sub3A_698 = arith.subf %sub3A_697, %gather3A_661 : vector<16xf32>
        %mul3A_699 = arith.mulf %gather3A_654, %sub3A_698 : vector<16xf32>
        %sub3A_700 = arith.constant 1.000000e+00 : f32
        %sub3A_701 = vector.broadcast %sub3A_700 : f32 to vector<16xf32>
        %sub3A_702 = arith.subf %sub3A_701, %gather3A_654 : vector<16xf32>
        %mul3A_703 = arith.mulf %sub3A_702, %gather3A_661 : vector<16xf32>
        %mul3A_704 = arith.mulf %gather3A_654, %gather3A_661 : vector<16xf32>
        %sub3A_705 = arith.constant 1.000000e+00 : f32
        %sub3A_706 = vector.broadcast %sub3A_705 : f32 to vector<16xf32>
        %sub3A_707 = arith.subf %sub3A_706, %gather3A_654 : vector<16xf32>
        %sub3A_708 = arith.constant 1.000000e+00 : f32
        %sub3A_709 = vector.broadcast %sub3A_708 : f32 to vector<16xf32>
        %sub3A_710 = arith.subf %sub3A_709, %gather3A_661 : vector<16xf32>
        %mul3A_711 = arith.mulf %sub3A_707, %sub3A_710 : vector<16xf32>
        %broadcast_in_dim3A = arith.constant 0 : i32
        %broadcast_in_dim3A_712 = vector.broadcast %broadcast_in_dim3A : i32 to vector<16xi32>
        %broadcast_in_dim3A_713 = arith.constant 8 : i32
        %broadcast_in_dim3A_714 = vector.broadcast %broadcast_in_dim3A_713 : i32 to vector<16xi32>
        %mul3A_715 = arith.constant 2 : i32
        %mul3A_716 = arith.muli %mul3A_715, %and3A_487 : i32
        %add3A_717 = arith.constant 0 : i32
        %add3A_718 = arith.addi %mul3A_716, %add3A_717 : i32
        %gather3A_719 = arith.constant 0 : i32
        %gather3A_720 = arith.constant 0 : i32
        %gather3A_721 = tpu.memref_slice %arg9[%add3A_718, %gather3A_719, %gather3A_720] : memref<16x16x16xf32, #tpu.memory_space<vmem>> -> memref<1x16x16xf32, #tpu.memory_space<vmem>>
        %gather3A_722 = tpu.memref_squeeze %gather3A_721 : memref<1x16x16xf32, #tpu.memory_space<vmem>> -> memref<16x16xf32, #tpu.memory_space<vmem>>
        %gather3A_723 = tpu.vector_load_idx %gather3A_722[%iota3A, %broadcast_in_dim3A_712] : memref<16x16xf32, #tpu.memory_space<vmem>>[vector<16xi32>, vector<16xi32>], vector<16xf32>,
        %mul3A_724 = arith.constant 2 : i32
        %mul3A_725 = arith.muli %mul3A_724, %and3A_487 : i32
        %add3A_726 = arith.constant 0 : i32
        %add3A_727 = arith.addi %mul3A_725, %add3A_726 : i32
        %gather3A_728 = arith.constant 0 : i32
        %gather3A_729 = arith.constant 0 : i32
        %gather3A_730 = tpu.memref_slice %arg9[%add3A_727, %gather3A_728, %gather3A_729] : memref<16x16x16xf32, #tpu.memory_space<vmem>> -> memref<1x16x16xf32, #tpu.memory_space<vmem>>
        %gather3A_731 = tpu.memref_squeeze %gather3A_730 : memref<1x16x16xf32, #tpu.memory_space<vmem>> -> memref<16x16xf32, #tpu.memory_space<vmem>>
        %gather3A_732 = tpu.vector_load_idx %gather3A_731[%iota3A, %broadcast_in_dim3A_714] : memref<16x16xf32, #tpu.memory_space<vmem>>[vector<16xi32>, vector<16xi32>], vector<16xf32>,
        %mul3A_733 = arith.constant 2 : i32
        %mul3A_734 = arith.muli %mul3A_733, %and3A_487 : i32
        %add3A_735 = arith.constant 1 : i32
        %add3A_736 = arith.addi %mul3A_734, %add3A_735 : i32
        %gather3A_737 = arith.constant 0 : i32
        %gather3A_738 = arith.constant 0 : i32
        %gather3A_739 = tpu.memref_slice %arg9[%add3A_736, %gather3A_737, %gather3A_738] : memref<16x16x16xf32, #tpu.memory_space<vmem>> -> memref<1x16x16xf32, #tpu.memory_space<vmem>>
        %gather3A_740 = tpu.memref_squeeze %gather3A_739 : memref<1x16x16xf32, #tpu.memory_space<vmem>> -> memref<16x16xf32, #tpu.memory_space<vmem>>
        %gather3A_741 = tpu.vector_load_idx %gather3A_740[%iota3A, %broadcast_in_dim3A_712] : memref<16x16xf32, #tpu.memory_space<vmem>>[vector<16xi32>, vector<16xi32>], vector<16xf32>,
        %mul3A_742 = arith.constant 2 : i32
        %mul3A_743 = arith.muli %mul3A_742, %and3A_487 : i32
        %add3A_744 = arith.constant 1 : i32
        %add3A_745 = arith.addi %mul3A_743, %add3A_744 : i32
        %gather3A_746 = arith.constant 0 : i32
        %gather3A_747 = arith.constant 0 : i32
        %gather3A_748 = tpu.memref_slice %arg9[%add3A_745, %gather3A_746, %gather3A_747] : memref<16x16x16xf32, #tpu.memory_space<vmem>> -> memref<1x16x16xf32, #tpu.memory_space<vmem>>
        %gather3A_749 = tpu.memref_squeeze %gather3A_748 : memref<1x16x16xf32, #tpu.memory_space<vmem>> -> memref<16x16xf32, #tpu.memory_space<vmem>>
        %gather3A_750 = tpu.vector_load_idx %gather3A_749[%iota3A, %broadcast_in_dim3A_714] : memref<16x16xf32, #tpu.memory_space<vmem>>[vector<16xi32>, vector<16xi32>], vector<16xf32>,
        %mul3A_751 = arith.mulf %mul3A_711, %gather3A_723 : vector<16xf32>
        %mul3A_752 = arith.mulf %mul3A_699, %gather3A_732 : vector<16xf32>
        %add3A_753 = arith.addf %mul3A_751, %mul3A_752 : vector<16xf32>
        %mul3A_754 = arith.mulf %mul3A_703, %gather3A_741 : vector<16xf32>
        %add3A_755 = arith.addf %add3A_753, %mul3A_754 : vector<16xf32>
        %mul3A_756 = arith.mulf %mul3A_704, %gather3A_750 : vector<16xf32>
        %add3A_757 = arith.addf %add3A_755, %mul3A_756 : vector<16xf32>
        %broadcast_in_dim3A_758 = arith.constant 1 : i32
        %broadcast_in_dim3A_759 = vector.broadcast %broadcast_in_dim3A_758 : i32 to vector<16xi32>
        %broadcast_in_dim3A_760 = arith.constant 9 : i32
        %broadcast_in_dim3A_761 = vector.broadcast %broadcast_in_dim3A_760 : i32 to vector<16xi32>
        %mul3A_762 = arith.constant 2 : i32
        %mul3A_763 = arith.muli %mul3A_762, %and3A_487 : i32
        %add3A_764 = arith.constant 0 : i32
        %add3A_765 = arith.addi %mul3A_763, %add3A_764 : i32
        %gather3A_766 = arith.constant 0 : i32
        %gather3A_767 = arith.constant 0 : i32
        %gather3A_768 = tpu.memref_slice %arg9[%add3A_765, %gather3A_766, %gather3A_767] : memref<16x16x16xf32, #tpu.memory_space<vmem>> -> memref<1x16x16xf32, #tpu.memory_space<vmem>>
        %gather3A_769 = tpu.memref_squeeze %gather3A_768 : memref<1x16x16xf32, #tpu.memory_space<vmem>> -> memref<16x16xf32, #tpu.memory_space<vmem>>
        %gather3A_770 = tpu.vector_load_idx %gather3A_769[%iota3A, %broadcast_in_dim3A_759] : memref<16x16xf32, #tpu.memory_space<vmem>>[vector<16xi32>, vector<16xi32>], vector<16xf32>,
        %mul3A_771 = arith.constant 2 : i32
        %mul3A_772 = arith.muli %mul3A_771, %and3A_487 : i32
        %add3A_773 = arith.constant 0 : i32
        %add3A_774 = arith.addi %mul3A_772, %add3A_773 : i32
        %gather3A_775 = arith.constant 0 : i32
        %gather3A_776 = arith.constant 0 : i32
        %gather3A_777 = tpu.memref_slice %arg9[%add3A_774, %gather3A_775, %gather3A_776] : memref<16x16x16xf32, #tpu.memory_space<vmem>> -> memref<1x16x16xf32, #tpu.memory_space<vmem>>
        %gather3A_778 = tpu.memref_squeeze %gather3A_777 : memref<1x16x16xf32, #tpu.memory_space<vmem>> -> memref<16x16xf32, #tpu.memory_space<vmem>>
        %gather3A_779 = tpu.vector_load_idx %gather3A_778[%iota3A, %broadcast_in_dim3A_761] : memref<16x16xf32, #tpu.memory_space<vmem>>[vector<16xi32>, vector<16xi32>], vector<16xf32>,
        %mul3A_780 = arith.constant 2 : i32
        %mul3A_781 = arith.muli %mul3A_780, %and3A_487 : i32
        %add3A_782 = arith.constant 1 : i32
        %add3A_783 = arith.addi %mul3A_781, %add3A_782 : i32
        %gather3A_784 = arith.constant 0 : i32
        %gather3A_785 = arith.constant 0 : i32
        %gather3A_786 = tpu.memref_slice %arg9[%add3A_783, %gather3A_784, %gather3A_785] : memref<16x16x16xf32, #tpu.memory_space<vmem>> -> memref<1x16x16xf32, #tpu.memory_space<vmem>>
        %gather3A_787 = tpu.memref_squeeze %gather3A_786 : memref<1x16x16xf32, #tpu.memory_space<vmem>> -> memref<16x16xf32, #tpu.memory_space<vmem>>
        %gather3A_788 = tpu.vector_load_idx %gather3A_787[%iota3A, %broadcast_in_dim3A_759] : memref<16x16xf32, #tpu.memory_space<vmem>>[vector<16xi32>, vector<16xi32>], vector<16xf32>,
        %mul3A_789 = arith.constant 2 : i32
        %mul3A_790 = arith.muli %mul3A_789, %and3A_487 : i32
        %add3A_791 = arith.constant 1 : i32
        %add3A_792 = arith.addi %mul3A_790, %add3A_791 : i32
        %gather3A_793 = arith.constant 0 : i32
        %gather3A_794 = arith.constant 0 : i32
        %gather3A_795 = tpu.memref_slice %arg9[%add3A_792, %gather3A_793, %gather3A_794] : memref<16x16x16xf32, #tpu.memory_space<vmem>> -> memref<1x16x16xf32, #tpu.memory_space<vmem>>
        %gather3A_796 = tpu.memref_squeeze %gather3A_795 : memref<1x16x16xf32, #tpu.memory_space<vmem>> -> memref<16x16xf32, #tpu.memory_space<vmem>>
        %gather3A_797 = tpu.vector_load_idx %gather3A_796[%iota3A, %broadcast_in_dim3A_761] : memref<16x16xf32, #tpu.memory_space<vmem>>[vector<16xi32>, vector<16xi32>], vector<16xf32>,
        %mul3A_798 = arith.mulf %mul3A_711, %gather3A_770 : vector<16xf32>
        %mul3A_799 = arith.mulf %mul3A_699, %gather3A_779 : vector<16xf32>
        %add3A_800 = arith.addf %mul3A_798, %mul3A_799 : vector<16xf32>
        %mul3A_801 = arith.mulf %mul3A_703, %gather3A_788 : vector<16xf32>
        %add3A_802 = arith.addf %add3A_800, %mul3A_801 : vector<16xf32>
        %mul3A_803 = arith.mulf %mul3A_704, %gather3A_797 : vector<16xf32>
        %add3A_804 = arith.addf %add3A_802, %mul3A_803 : vector<16xf32>
        %pack3A = tpu.pack_subelements %add3A_757, %add3A_804 {pack_format = #tpu.pack_format<interleaved>, positions = array<i32: 0, 1>} : vector<16xf32>, vector<16xf32> -> vector<32xbf16>
        %bitcast3A = vector.bitcast %pack3A : vector<32xbf16> to vector<16xi32>
        %broadcast_in_dim3A_805 = arith.constant 0 : i32
        %broadcast_in_dim3A_806 = vector.broadcast %broadcast_in_dim3A_805 : i32 to vector<16xi32>
        %scatter3A = arith.constant 0 : i32
        %scatter3A_807 = arith.constant 0 : i32
        %scatter3A_808 = tpu.memref_slice %arg8[%and3A_485, %scatter3A, %scatter3A_807] : memref<2x12x1024xi32, #tpu.memory_space<vmem>> -> memref<1x12x1024xi32, #tpu.memory_space<vmem>>
        %scatter3A_809 = tpu.memref_squeeze %scatter3A_808 : memref<1x12x1024xi32, #tpu.memory_space<vmem>> -> memref<12x1024xi32, #tpu.memory_space<vmem>>
        tpu.vector_store_idx %scatter3A_809[%broadcast_in_dim3A_806, %add3A_500], %bitcast3A : memref<12x1024xi32, #tpu.memory_space<vmem>>[vector<16xi32>, vector<16xi32>], vector<16xi32>,
        %broadcast_in_dim3A_810 = arith.constant 2 : i32
        %broadcast_in_dim3A_811 = vector.broadcast %broadcast_in_dim3A_810 : i32 to vector<16xi32>
        %broadcast_in_dim3A_812 = arith.constant 10 : i32
        %broadcast_in_dim3A_813 = vector.broadcast %broadcast_in_dim3A_812 : i32 to vector<16xi32>
        %mul3A_814 = arith.constant 2 : i32
        %mul3A_815 = arith.muli %mul3A_814, %and3A_487 : i32
        %add3A_816 = arith.constant 0 : i32
        %add3A_817 = arith.addi %mul3A_815, %add3A_816 : i32
        %gather3A_818 = arith.constant 0 : i32
        %gather3A_819 = arith.constant 0 : i32
        %gather3A_820 = tpu.memref_slice %arg9[%add3A_817, %gather3A_818, %gather3A_819] : memref<16x16x16xf32, #tpu.memory_space<vmem>> -> memref<1x16x16xf32, #tpu.memory_space<vmem>>
        %gather3A_821 = tpu.memref_squeeze %gather3A_820 : memref<1x16x16xf32, #tpu.memory_space<vmem>> -> memref<16x16xf32, #tpu.memory_space<vmem>>
        %gather3A_822 = tpu.vector_load_idx %gather3A_821[%iota3A, %broadcast_in_dim3A_811] : memref<16x16xf32, #tpu.memory_space<vmem>>[vector<16xi32>, vector<16xi32>], vector<16xf32>,
        %mul3A_823 = arith.constant 2 : i32
        %mul3A_824 = arith.muli %mul3A_823, %and3A_487 : i32
        %add3A_825 = arith.constant 0 : i32
        %add3A_826 = arith.addi %mul3A_824, %add3A_825 : i32
        %gather3A_827 = arith.constant 0 : i32
        %gather3A_828 = arith.constant 0 : i32
        %gather3A_829 = tpu.memref_slice %arg9[%add3A_826, %gather3A_827, %gather3A_828] : memref<16x16x16xf32, #tpu.memory_space<vmem>> -> memref<1x16x16xf32, #tpu.memory_space<vmem>>
        %gather3A_830 = tpu.memref_squeeze %gather3A_829 : memref<1x16x16xf32, #tpu.memory_space<vmem>> -> memref<16x16xf32, #tpu.memory_space<vmem>>
        %gather3A_831 = tpu.vector_load_idx %gather3A_830[%iota3A, %broadcast_in_dim3A_813] : memref<16x16xf32, #tpu.memory_space<vmem>>[vector<16xi32>, vector<16xi32>], vector<16xf32>,
        %mul3A_832 = arith.constant 2 : i32
        %mul3A_833 = arith.muli %mul3A_832, %and3A_487 : i32
        %add3A_834 = arith.constant 1 : i32
        %add3A_835 = arith.addi %mul3A_833, %add3A_834 : i32
        %gather3A_836 = arith.constant 0 : i32
        %gather3A_837 = arith.constant 0 : i32
        %gather3A_838 = tpu.memref_slice %arg9[%add3A_835, %gather3A_836, %gather3A_837] : memref<16x16x16xf32, #tpu.memory_space<vmem>> -> memref<1x16x16xf32, #tpu.memory_space<vmem>>
        %gather3A_839 = tpu.memref_squeeze %gather3A_838 : memref<1x16x16xf32, #tpu.memory_space<vmem>> -> memref<16x16xf32, #tpu.memory_space<vmem>>
        %gather3A_840 = tpu.vector_load_idx %gather3A_839[%iota3A, %broadcast_in_dim3A_811] : memref<16x16xf32, #tpu.memory_space<vmem>>[vector<16xi32>, vector<16xi32>], vector<16xf32>,
        %mul3A_841 = arith.constant 2 : i32
        %mul3A_842 = arith.muli %mul3A_841, %and3A_487 : i32
        %add3A_843 = arith.constant 1 : i32
        %add3A_844 = arith.addi %mul3A_842, %add3A_843 : i32
        %gather3A_845 = arith.constant 0 : i32
        %gather3A_846 = arith.constant 0 : i32
        %gather3A_847 = tpu.memref_slice %arg9[%add3A_844, %gather3A_845, %gather3A_846] : memref<16x16x16xf32, #tpu.memory_space<vmem>> -> memref<1x16x16xf32, #tpu.memory_space<vmem>>
        %gather3A_848 = tpu.memref_squeeze %gather3A_847 : memref<1x16x16xf32, #tpu.memory_space<vmem>> -> memref<16x16xf32, #tpu.memory_space<vmem>>
        %gather3A_849 = tpu.vector_load_idx %gather3A_848[%iota3A, %broadcast_in_dim3A_813] : memref<16x16xf32, #tpu.memory_space<vmem>>[vector<16xi32>, vector<16xi32>], vector<16xf32>,
        %mul3A_850 = arith.mulf %mul3A_711, %gather3A_822 : vector<16xf32>
        %mul3A_851 = arith.mulf %mul3A_699, %gather3A_831 : vector<16xf32>
        %add3A_852 = arith.addf %mul3A_850, %mul3A_851 : vector<16xf32>
        %mul3A_853 = arith.mulf %mul3A_703, %gather3A_840 : vector<16xf32>
        %add3A_854 = arith.addf %add3A_852, %mul3A_853 : vector<16xf32>
        %mul3A_855 = arith.mulf %mul3A_704, %gather3A_849 : vector<16xf32>
        %add3A_856 = arith.addf %add3A_854, %mul3A_855 : vector<16xf32>
        %broadcast_in_dim3A_857 = arith.constant 3 : i32
        %broadcast_in_dim3A_858 = vector.broadcast %broadcast_in_dim3A_857 : i32 to vector<16xi32>
        %broadcast_in_dim3A_859 = arith.constant 11 : i32
        %broadcast_in_dim3A_860 = vector.broadcast %broadcast_in_dim3A_859 : i32 to vector<16xi32>
        %mul3A_861 = arith.constant 2 : i32
        %mul3A_862 = arith.muli %mul3A_861, %and3A_487 : i32
        %add3A_863 = arith.constant 0 : i32
        %add3A_864 = arith.addi %mul3A_862, %add3A_863 : i32
        %gather3A_865 = arith.constant 0 : i32
        %gather3A_866 = arith.constant 0 : i32
        %gather3A_867 = tpu.memref_slice %arg9[%add3A_864, %gather3A_865, %gather3A_866] : memref<16x16x16xf32, #tpu.memory_space<vmem>> -> memref<1x16x16xf32, #tpu.memory_space<vmem>>
        %gather3A_868 = tpu.memref_squeeze %gather3A_867 : memref<1x16x16xf32, #tpu.memory_space<vmem>> -> memref<16x16xf32, #tpu.memory_space<vmem>>
        %gather3A_869 = tpu.vector_load_idx %gather3A_868[%iota3A, %broadcast_in_dim3A_858] : memref<16x16xf32, #tpu.memory_space<vmem>>[vector<16xi32>, vector<16xi32>], vector<16xf32>,
        %mul3A_870 = arith.constant 2 : i32
        %mul3A_871 = arith.muli %mul3A_870, %and3A_487 : i32
        %add3A_872 = arith.constant 0 : i32
        %add3A_873 = arith.addi %mul3A_871, %add3A_872 : i32
        %gather3A_874 = arith.constant 0 : i32
        %gather3A_875 = arith.constant 0 : i32
        %gather3A_876 = tpu.memref_slice %arg9[%add3A_873, %gather3A_874, %gather3A_875] : memref<16x16x16xf32, #tpu.memory_space<vmem>> -> memref<1x16x16xf32, #tpu.memory_space<vmem>>
        %gather3A_877 = tpu.memref_squeeze %gather3A_876 : memref<1x16x16xf32, #tpu.memory_space<vmem>> -> memref<16x16xf32, #tpu.memory_space<vmem>>
        %gather3A_878 = tpu.vector_load_idx %gather3A_877[%iota3A, %broadcast_in_dim3A_860] : memref<16x16xf32, #tpu.memory_space<vmem>>[vector<16xi32>, vector<16xi32>], vector<16xf32>,
        %mul3A_879 = arith.constant 2 : i32
        %mul3A_880 = arith.muli %mul3A_879, %and3A_487 : i32
        %add3A_881 = arith.constant 1 : i32
        %add3A_882 = arith.addi %mul3A_880, %add3A_881 : i32
        %gather3A_883 = arith.constant 0 : i32
        %gather3A_884 = arith.constant 0 : i32
        %gather3A_885 = tpu.memref_slice %arg9[%add3A_882, %gather3A_883, %gather3A_884] : memref<16x16x16xf32, #tpu.memory_space<vmem>> -> memref<1x16x16xf32, #tpu.memory_space<vmem>>
        %gather3A_886 = tpu.memref_squeeze %gather3A_885 : memref<1x16x16xf32, #tpu.memory_space<vmem>> -> memref<16x16xf32, #tpu.memory_space<vmem>>
        %gather3A_887 = tpu.vector_load_idx %gather3A_886[%iota3A, %broadcast_in_dim3A_858] : memref<16x16xf32, #tpu.memory_space<vmem>>[vector<16xi32>, vector<16xi32>], vector<16xf32>,
        %mul3A_888 = arith.constant 2 : i32
        %mul3A_889 = arith.muli %mul3A_888, %and3A_487 : i32
        %add3A_890 = arith.constant 1 : i32
        %add3A_891 = arith.addi %mul3A_889, %add3A_890 : i32
        %gather3A_892 = arith.constant 0 : i32
        %gather3A_893 = arith.constant 0 : i32
        %gather3A_894 = tpu.memref_slice %arg9[%add3A_891, %gather3A_892, %gather3A_893] : memref<16x16x16xf32, #tpu.memory_space<vmem>> -> memref<1x16x16xf32, #tpu.memory_space<vmem>>
        %gather3A_895 = tpu.memref_squeeze %gather3A_894 : memref<1x16x16xf32, #tpu.memory_space<vmem>> -> memref<16x16xf32, #tpu.memory_space<vmem>>
        %gather3A_896 = tpu.vector_load_idx %gather3A_895[%iota3A, %broadcast_in_dim3A_860] : memref<16x16xf32, #tpu.memory_space<vmem>>[vector<16xi32>, vector<16xi32>], vector<16xf32>,
        %mul3A_897 = arith.mulf %mul3A_711, %gather3A_869 : vector<16xf32>
        %mul3A_898 = arith.mulf %mul3A_699, %gather3A_878 : vector<16xf32>
        %add3A_899 = arith.addf %mul3A_897, %mul3A_898 : vector<16xf32>
        %mul3A_900 = arith.mulf %mul3A_703, %gather3A_887 : vector<16xf32>
        %add3A_901 = arith.addf %add3A_899, %mul3A_900 : vector<16xf32>
        %mul3A_902 = arith.mulf %mul3A_704, %gather3A_896 : vector<16xf32>
        %add3A_903 = arith.addf %add3A_901, %mul3A_902 : vector<16xf32>
        %pack3A_904 = tpu.pack_subelements %add3A_856, %add3A_903 {pack_format = #tpu.pack_format<interleaved>, positions = array<i32: 0, 1>} : vector<16xf32>, vector<16xf32> -> vector<32xbf16>
        %bitcast3A_905 = vector.bitcast %pack3A_904 : vector<32xbf16> to vector<16xi32>
        %broadcast_in_dim3A_906 = arith.constant 1 : i32
        %broadcast_in_dim3A_907 = vector.broadcast %broadcast_in_dim3A_906 : i32 to vector<16xi32>
        %scatter3A_908 = arith.constant 0 : i32
        %scatter3A_909 = arith.constant 0 : i32
        %scatter3A_910 = tpu.memref_slice %arg8[%and3A_485, %scatter3A_908, %scatter3A_909] : memref<2x12x1024xi32, #tpu.memory_space<vmem>> -> memref<1x12x1024xi32, #tpu.memory_space<vmem>>
        %scatter3A_911 = tpu.memref_squeeze %scatter3A_910 : memref<1x12x1024xi32, #tpu.memory_space<vmem>> -> memref<12x1024xi32, #tpu.memory_space<vmem>>
        tpu.vector_store_idx %scatter3A_911[%broadcast_in_dim3A_907, %add3A_500], %bitcast3A_905 : memref<12x1024xi32, #tpu.memory_space<vmem>>[vector<16xi32>, vector<16xi32>], vector<16xi32>,
        %broadcast_in_dim3A_912 = arith.constant 4 : i32
        %broadcast_in_dim3A_913 = vector.broadcast %broadcast_in_dim3A_912 : i32 to vector<16xi32>
        %broadcast_in_dim3A_914 = arith.constant 12 : i32
        %broadcast_in_dim3A_915 = vector.broadcast %broadcast_in_dim3A_914 : i32 to vector<16xi32>
        %mul3A_916 = arith.constant 2 : i32
        %mul3A_917 = arith.muli %mul3A_916, %and3A_487 : i32
        %add3A_918 = arith.constant 0 : i32
        %add3A_919 = arith.addi %mul3A_917, %add3A_918 : i32
        %gather3A_920 = arith.constant 0 : i32
        %gather3A_921 = arith.constant 0 : i32
        %gather3A_922 = tpu.memref_slice %arg9[%add3A_919, %gather3A_920, %gather3A_921] : memref<16x16x16xf32, #tpu.memory_space<vmem>> -> memref<1x16x16xf32, #tpu.memory_space<vmem>>
        %gather3A_923 = tpu.memref_squeeze %gather3A_922 : memref<1x16x16xf32, #tpu.memory_space<vmem>> -> memref<16x16xf32, #tpu.memory_space<vmem>>
        %gather3A_924 = tpu.vector_load_idx %gather3A_923[%iota3A, %broadcast_in_dim3A_913] : memref<16x16xf32, #tpu.memory_space<vmem>>[vector<16xi32>, vector<16xi32>], vector<16xf32>,
        %mul3A_925 = arith.constant 2 : i32
        %mul3A_926 = arith.muli %mul3A_925, %and3A_487 : i32
        %add3A_927 = arith.constant 0 : i32
        %add3A_928 = arith.addi %mul3A_926, %add3A_927 : i32
        %gather3A_929 = arith.constant 0 : i32
        %gather3A_930 = arith.constant 0 : i32
        %gather3A_931 = tpu.memref_slice %arg9[%add3A_928, %gather3A_929, %gather3A_930] : memref<16x16x16xf32, #tpu.memory_space<vmem>> -> memref<1x16x16xf32, #tpu.memory_space<vmem>>
        %gather3A_932 = tpu.memref_squeeze %gather3A_931 : memref<1x16x16xf32, #tpu.memory_space<vmem>> -> memref<16x16xf32, #tpu.memory_space<vmem>>
        %gather3A_933 = tpu.vector_load_idx %gather3A_932[%iota3A, %broadcast_in_dim3A_915] : memref<16x16xf32, #tpu.memory_space<vmem>>[vector<16xi32>, vector<16xi32>], vector<16xf32>,
        %mul3A_934 = arith.constant 2 : i32
        %mul3A_935 = arith.muli %mul3A_934, %and3A_487 : i32
        %add3A_936 = arith.constant 1 : i32
        %add3A_937 = arith.addi %mul3A_935, %add3A_936 : i32
        %gather3A_938 = arith.constant 0 : i32
        %gather3A_939 = arith.constant 0 : i32
        %gather3A_940 = tpu.memref_slice %arg9[%add3A_937, %gather3A_938, %gather3A_939] : memref<16x16x16xf32, #tpu.memory_space<vmem>> -> memref<1x16x16xf32, #tpu.memory_space<vmem>>
        %gather3A_941 = tpu.memref_squeeze %gather3A_940 : memref<1x16x16xf32, #tpu.memory_space<vmem>> -> memref<16x16xf32, #tpu.memory_space<vmem>>
        %gather3A_942 = tpu.vector_load_idx %gather3A_941[%iota3A, %broadcast_in_dim3A_913] : memref<16x16xf32, #tpu.memory_space<vmem>>[vector<16xi32>, vector<16xi32>], vector<16xf32>,
        %mul3A_943 = arith.constant 2 : i32
        %mul3A_944 = arith.muli %mul3A_943, %and3A_487 : i32
        %add3A_945 = arith.constant 1 : i32
        %add3A_946 = arith.addi %mul3A_944, %add3A_945 : i32
        %gather3A_947 = arith.constant 0 : i32
        %gather3A_948 = arith.constant 0 : i32
        %gather3A_949 = tpu.memref_slice %arg9[%add3A_946, %gather3A_947, %gather3A_948] : memref<16x16x16xf32, #tpu.memory_space<vmem>> -> memref<1x16x16xf32, #tpu.memory_space<vmem>>
        %gather3A_950 = tpu.memref_squeeze %gather3A_949 : memref<1x16x16xf32, #tpu.memory_space<vmem>> -> memref<16x16xf32, #tpu.memory_space<vmem>>
        %gather3A_951 = tpu.vector_load_idx %gather3A_950[%iota3A, %broadcast_in_dim3A_915] : memref<16x16xf32, #tpu.memory_space<vmem>>[vector<16xi32>, vector<16xi32>], vector<16xf32>,
        %mul3A_952 = arith.mulf %mul3A_711, %gather3A_924 : vector<16xf32>
        %mul3A_953 = arith.mulf %mul3A_699, %gather3A_933 : vector<16xf32>
        %add3A_954 = arith.addf %mul3A_952, %mul3A_953 : vector<16xf32>
        %mul3A_955 = arith.mulf %mul3A_703, %gather3A_942 : vector<16xf32>
        %add3A_956 = arith.addf %add3A_954, %mul3A_955 : vector<16xf32>
        %mul3A_957 = arith.mulf %mul3A_704, %gather3A_951 : vector<16xf32>
        %add3A_958 = arith.addf %add3A_956, %mul3A_957 : vector<16xf32>
        %broadcast_in_dim3A_959 = arith.constant 5 : i32
        %broadcast_in_dim3A_960 = vector.broadcast %broadcast_in_dim3A_959 : i32 to vector<16xi32>
        %broadcast_in_dim3A_961 = arith.constant 13 : i32
        %broadcast_in_dim3A_962 = vector.broadcast %broadcast_in_dim3A_961 : i32 to vector<16xi32>
        %mul3A_963 = arith.constant 2 : i32
        %mul3A_964 = arith.muli %mul3A_963, %and3A_487 : i32
        %add3A_965 = arith.constant 0 : i32
        %add3A_966 = arith.addi %mul3A_964, %add3A_965 : i32
        %gather3A_967 = arith.constant 0 : i32
        %gather3A_968 = arith.constant 0 : i32
        %gather3A_969 = tpu.memref_slice %arg9[%add3A_966, %gather3A_967, %gather3A_968] : memref<16x16x16xf32, #tpu.memory_space<vmem>> -> memref<1x16x16xf32, #tpu.memory_space<vmem>>
        %gather3A_970 = tpu.memref_squeeze %gather3A_969 : memref<1x16x16xf32, #tpu.memory_space<vmem>> -> memref<16x16xf32, #tpu.memory_space<vmem>>
        %gather3A_971 = tpu.vector_load_idx %gather3A_970[%iota3A, %broadcast_in_dim3A_960] : memref<16x16xf32, #tpu.memory_space<vmem>>[vector<16xi32>, vector<16xi32>], vector<16xf32>,
        %mul3A_972 = arith.constant 2 : i32
        %mul3A_973 = arith.muli %mul3A_972, %and3A_487 : i32
        %add3A_974 = arith.constant 0 : i32
        %add3A_975 = arith.addi %mul3A_973, %add3A_974 : i32
        %gather3A_976 = arith.constant 0 : i32
        %gather3A_977 = arith.constant 0 : i32
        %gather3A_978 = tpu.memref_slice %arg9[%add3A_975, %gather3A_976, %gather3A_977] : memref<16x16x16xf32, #tpu.memory_space<vmem>> -> memref<1x16x16xf32, #tpu.memory_space<vmem>>
        %gather3A_979 = tpu.memref_squeeze %gather3A_978 : memref<1x16x16xf32, #tpu.memory_space<vmem>> -> memref<16x16xf32, #tpu.memory_space<vmem>>
        %gather3A_980 = tpu.vector_load_idx %gather3A_979[%iota3A, %broadcast_in_dim3A_962] : memref<16x16xf32, #tpu.memory_space<vmem>>[vector<16xi32>, vector<16xi32>], vector<16xf32>,
        %mul3A_981 = arith.constant 2 : i32
        %mul3A_982 = arith.muli %mul3A_981, %and3A_487 : i32
        %add3A_983 = arith.constant 1 : i32
        %add3A_984 = arith.addi %mul3A_982, %add3A_983 : i32
        %gather3A_985 = arith.constant 0 : i32
        %gather3A_986 = arith.constant 0 : i32
        %gather3A_987 = tpu.memref_slice %arg9[%add3A_984, %gather3A_985, %gather3A_986] : memref<16x16x16xf32, #tpu.memory_space<vmem>> -> memref<1x16x16xf32, #tpu.memory_space<vmem>>
        %gather3A_988 = tpu.memref_squeeze %gather3A_987 : memref<1x16x16xf32, #tpu.memory_space<vmem>> -> memref<16x16xf32, #tpu.memory_space<vmem>>
        %gather3A_989 = tpu.vector_load_idx %gather3A_988[%iota3A, %broadcast_in_dim3A_960] : memref<16x16xf32, #tpu.memory_space<vmem>>[vector<16xi32>, vector<16xi32>], vector<16xf32>,
        %mul3A_990 = arith.constant 2 : i32
        %mul3A_991 = arith.muli %mul3A_990, %and3A_487 : i32
        %add3A_992 = arith.constant 1 : i32
        %add3A_993 = arith.addi %mul3A_991, %add3A_992 : i32
        %gather3A_994 = arith.constant 0 : i32
        %gather3A_995 = arith.constant 0 : i32
        %gather3A_996 = tpu.memref_slice %arg9[%add3A_993, %gather3A_994, %gather3A_995] : memref<16x16x16xf32, #tpu.memory_space<vmem>> -> memref<1x16x16xf32, #tpu.memory_space<vmem>>
        %gather3A_997 = tpu.memref_squeeze %gather3A_996 : memref<1x16x16xf32, #tpu.memory_space<vmem>> -> memref<16x16xf32, #tpu.memory_space<vmem>>
        %gather3A_998 = tpu.vector_load_idx %gather3A_997[%iota3A, %broadcast_in_dim3A_962] : memref<16x16xf32, #tpu.memory_space<vmem>>[vector<16xi32>, vector<16xi32>], vector<16xf32>,
        %mul3A_999 = arith.mulf %mul3A_711, %gather3A_971 : vector<16xf32>
        %mul3A_1000 = arith.mulf %mul3A_699, %gather3A_980 : vector<16xf32>
        %add3A_1001 = arith.addf %mul3A_999, %mul3A_1000 : vector<16xf32>
        %mul3A_1002 = arith.mulf %mul3A_703, %gather3A_989 : vector<16xf32>
        %add3A_1003 = arith.addf %add3A_1001, %mul3A_1002 : vector<16xf32>
        %mul3A_1004 = arith.mulf %mul3A_704, %gather3A_998 : vector<16xf32>
        %add3A_1005 = arith.addf %add3A_1003, %mul3A_1004 : vector<16xf32>
        %pack3A_1006 = tpu.pack_subelements %add3A_958, %add3A_1005 {pack_format = #tpu.pack_format<interleaved>, positions = array<i32: 0, 1>} : vector<16xf32>, vector<16xf32> -> vector<32xbf16>
        %bitcast3A_1007 = vector.bitcast %pack3A_1006 : vector<32xbf16> to vector<16xi32>
        %broadcast_in_dim3A_1008 = arith.constant 2 : i32
        %broadcast_in_dim3A_1009 = vector.broadcast %broadcast_in_dim3A_1008 : i32 to vector<16xi32>
        %scatter3A_1010 = arith.constant 0 : i32
        %scatter3A_1011 = arith.constant 0 : i32
        %scatter3A_1012 = tpu.memref_slice %arg8[%and3A_485, %scatter3A_1010, %scatter3A_1011] : memref<2x12x1024xi32, #tpu.memory_space<vmem>> -> memref<1x12x1024xi32, #tpu.memory_space<vmem>>
        %scatter3A_1013 = tpu.memref_squeeze %scatter3A_1012 : memref<1x12x1024xi32, #tpu.memory_space<vmem>> -> memref<12x1024xi32, #tpu.memory_space<vmem>>
        tpu.vector_store_idx %scatter3A_1013[%broadcast_in_dim3A_1009, %add3A_500], %bitcast3A_1007 : memref<12x1024xi32, #tpu.memory_space<vmem>>[vector<16xi32>, vector<16xi32>], vector<16xi32>,
        %broadcast_in_dim3A_1014 = arith.constant 6 : i32
        %broadcast_in_dim3A_1015 = vector.broadcast %broadcast_in_dim3A_1014 : i32 to vector<16xi32>
        %broadcast_in_dim3A_1016 = arith.constant 14 : i32
        %broadcast_in_dim3A_1017 = vector.broadcast %broadcast_in_dim3A_1016 : i32 to vector<16xi32>
        %mul3A_1018 = arith.constant 2 : i32
        %mul3A_1019 = arith.muli %mul3A_1018, %and3A_487 : i32
        %add3A_1020 = arith.constant 0 : i32
        %add3A_1021 = arith.addi %mul3A_1019, %add3A_1020 : i32
        %gather3A_1022 = arith.constant 0 : i32
        %gather3A_1023 = arith.constant 0 : i32
        %gather3A_1024 = tpu.memref_slice %arg9[%add3A_1021, %gather3A_1022, %gather3A_1023] : memref<16x16x16xf32, #tpu.memory_space<vmem>> -> memref<1x16x16xf32, #tpu.memory_space<vmem>>
        %gather3A_1025 = tpu.memref_squeeze %gather3A_1024 : memref<1x16x16xf32, #tpu.memory_space<vmem>> -> memref<16x16xf32, #tpu.memory_space<vmem>>
        %gather3A_1026 = tpu.vector_load_idx %gather3A_1025[%iota3A, %broadcast_in_dim3A_1015] : memref<16x16xf32, #tpu.memory_space<vmem>>[vector<16xi32>, vector<16xi32>], vector<16xf32>,
        %mul3A_1027 = arith.constant 2 : i32
        %mul3A_1028 = arith.muli %mul3A_1027, %and3A_487 : i32
        %add3A_1029 = arith.constant 0 : i32
        %add3A_1030 = arith.addi %mul3A_1028, %add3A_1029 : i32
        %gather3A_1031 = arith.constant 0 : i32
        %gather3A_1032 = arith.constant 0 : i32
        %gather3A_1033 = tpu.memref_slice %arg9[%add3A_1030, %gather3A_1031, %gather3A_1032] : memref<16x16x16xf32, #tpu.memory_space<vmem>> -> memref<1x16x16xf32, #tpu.memory_space<vmem>>
        %gather3A_1034 = tpu.memref_squeeze %gather3A_1033 : memref<1x16x16xf32, #tpu.memory_space<vmem>> -> memref<16x16xf32, #tpu.memory_space<vmem>>
        %gather3A_1035 = tpu.vector_load_idx %gather3A_1034[%iota3A, %broadcast_in_dim3A_1017] : memref<16x16xf32, #tpu.memory_space<vmem>>[vector<16xi32>, vector<16xi32>], vector<16xf32>,
        %mul3A_1036 = arith.constant 2 : i32
        %mul3A_1037 = arith.muli %mul3A_1036, %and3A_487 : i32
        %add3A_1038 = arith.constant 1 : i32
        %add3A_1039 = arith.addi %mul3A_1037, %add3A_1038 : i32
        %gather3A_1040 = arith.constant 0 : i32
        %gather3A_1041 = arith.constant 0 : i32
        %gather3A_1042 = tpu.memref_slice %arg9[%add3A_1039, %gather3A_1040, %gather3A_1041] : memref<16x16x16xf32, #tpu.memory_space<vmem>> -> memref<1x16x16xf32, #tpu.memory_space<vmem>>
        %gather3A_1043 = tpu.memref_squeeze %gather3A_1042 : memref<1x16x16xf32, #tpu.memory_space<vmem>> -> memref<16x16xf32, #tpu.memory_space<vmem>>
        %gather3A_1044 = tpu.vector_load_idx %gather3A_1043[%iota3A, %broadcast_in_dim3A_1015] : memref<16x16xf32, #tpu.memory_space<vmem>>[vector<16xi32>, vector<16xi32>], vector<16xf32>,
        %mul3A_1045 = arith.constant 2 : i32
        %mul3A_1046 = arith.muli %mul3A_1045, %and3A_487 : i32
        %add3A_1047 = arith.constant 1 : i32
        %add3A_1048 = arith.addi %mul3A_1046, %add3A_1047 : i32
        %gather3A_1049 = arith.constant 0 : i32
        %gather3A_1050 = arith.constant 0 : i32
        %gather3A_1051 = tpu.memref_slice %arg9[%add3A_1048, %gather3A_1049, %gather3A_1050] : memref<16x16x16xf32, #tpu.memory_space<vmem>> -> memref<1x16x16xf32, #tpu.memory_space<vmem>>
        %gather3A_1052 = tpu.memref_squeeze %gather3A_1051 : memref<1x16x16xf32, #tpu.memory_space<vmem>> -> memref<16x16xf32, #tpu.memory_space<vmem>>
        %gather3A_1053 = tpu.vector_load_idx %gather3A_1052[%iota3A, %broadcast_in_dim3A_1017] : memref<16x16xf32, #tpu.memory_space<vmem>>[vector<16xi32>, vector<16xi32>], vector<16xf32>,
        %mul3A_1054 = arith.mulf %mul3A_711, %gather3A_1026 : vector<16xf32>
        %mul3A_1055 = arith.mulf %mul3A_699, %gather3A_1035 : vector<16xf32>
        %add3A_1056 = arith.addf %mul3A_1054, %mul3A_1055 : vector<16xf32>
        %mul3A_1057 = arith.mulf %mul3A_703, %gather3A_1044 : vector<16xf32>
        %add3A_1058 = arith.addf %add3A_1056, %mul3A_1057 : vector<16xf32>
        %mul3A_1059 = arith.mulf %mul3A_704, %gather3A_1053 : vector<16xf32>
        %add3A_1060 = arith.addf %add3A_1058, %mul3A_1059 : vector<16xf32>
        %broadcast_in_dim3A_1061 = arith.constant 7 : i32
        %broadcast_in_dim3A_1062 = vector.broadcast %broadcast_in_dim3A_1061 : i32 to vector<16xi32>
        %broadcast_in_dim3A_1063 = arith.constant 15 : i32
        %broadcast_in_dim3A_1064 = vector.broadcast %broadcast_in_dim3A_1063 : i32 to vector<16xi32>
        %mul3A_1065 = arith.constant 2 : i32
        %mul3A_1066 = arith.muli %mul3A_1065, %and3A_487 : i32
        %add3A_1067 = arith.constant 0 : i32
        %add3A_1068 = arith.addi %mul3A_1066, %add3A_1067 : i32
        %gather3A_1069 = arith.constant 0 : i32
        %gather3A_1070 = arith.constant 0 : i32
        %gather3A_1071 = tpu.memref_slice %arg9[%add3A_1068, %gather3A_1069, %gather3A_1070] : memref<16x16x16xf32, #tpu.memory_space<vmem>> -> memref<1x16x16xf32, #tpu.memory_space<vmem>>
        %gather3A_1072 = tpu.memref_squeeze %gather3A_1071 : memref<1x16x16xf32, #tpu.memory_space<vmem>> -> memref<16x16xf32, #tpu.memory_space<vmem>>
        %gather3A_1073 = tpu.vector_load_idx %gather3A_1072[%iota3A, %broadcast_in_dim3A_1062] : memref<16x16xf32, #tpu.memory_space<vmem>>[vector<16xi32>, vector<16xi32>], vector<16xf32>,
        %mul3A_1074 = arith.constant 2 : i32
        %mul3A_1075 = arith.muli %mul3A_1074, %and3A_487 : i32
        %add3A_1076 = arith.constant 0 : i32
        %add3A_1077 = arith.addi %mul3A_1075, %add3A_1076 : i32
        %gather3A_1078 = arith.constant 0 : i32
        %gather3A_1079 = arith.constant 0 : i32
        %gather3A_1080 = tpu.memref_slice %arg9[%add3A_1077, %gather3A_1078, %gather3A_1079] : memref<16x16x16xf32, #tpu.memory_space<vmem>> -> memref<1x16x16xf32, #tpu.memory_space<vmem>>
        %gather3A_1081 = tpu.memref_squeeze %gather3A_1080 : memref<1x16x16xf32, #tpu.memory_space<vmem>> -> memref<16x16xf32, #tpu.memory_space<vmem>>
        %gather3A_1082 = tpu.vector_load_idx %gather3A_1081[%iota3A, %broadcast_in_dim3A_1064] : memref<16x16xf32, #tpu.memory_space<vmem>>[vector<16xi32>, vector<16xi32>], vector<16xf32>,
        %mul3A_1083 = arith.constant 2 : i32
        %mul3A_1084 = arith.muli %mul3A_1083, %and3A_487 : i32
        %add3A_1085 = arith.constant 1 : i32
        %add3A_1086 = arith.addi %mul3A_1084, %add3A_1085 : i32
        %gather3A_1087 = arith.constant 0 : i32
        %gather3A_1088 = arith.constant 0 : i32
        %gather3A_1089 = tpu.memref_slice %arg9[%add3A_1086, %gather3A_1087, %gather3A_1088] : memref<16x16x16xf32, #tpu.memory_space<vmem>> -> memref<1x16x16xf32, #tpu.memory_space<vmem>>
        %gather3A_1090 = tpu.memref_squeeze %gather3A_1089 : memref<1x16x16xf32, #tpu.memory_space<vmem>> -> memref<16x16xf32, #tpu.memory_space<vmem>>
        %gather3A_1091 = tpu.vector_load_idx %gather3A_1090[%iota3A, %broadcast_in_dim3A_1062] : memref<16x16xf32, #tpu.memory_space<vmem>>[vector<16xi32>, vector<16xi32>], vector<16xf32>,
        %mul3A_1092 = arith.constant 2 : i32
        %mul3A_1093 = arith.muli %mul3A_1092, %and3A_487 : i32
        %add3A_1094 = arith.constant 1 : i32
        %add3A_1095 = arith.addi %mul3A_1093, %add3A_1094 : i32
        %gather3A_1096 = arith.constant 0 : i32
        %gather3A_1097 = arith.constant 0 : i32
        %gather3A_1098 = tpu.memref_slice %arg9[%add3A_1095, %gather3A_1096, %gather3A_1097] : memref<16x16x16xf32, #tpu.memory_space<vmem>> -> memref<1x16x16xf32, #tpu.memory_space<vmem>>
        %gather3A_1099 = tpu.memref_squeeze %gather3A_1098 : memref<1x16x16xf32, #tpu.memory_space<vmem>> -> memref<16x16xf32, #tpu.memory_space<vmem>>
        %gather3A_1100 = tpu.vector_load_idx %gather3A_1099[%iota3A, %broadcast_in_dim3A_1064] : memref<16x16xf32, #tpu.memory_space<vmem>>[vector<16xi32>, vector<16xi32>], vector<16xf32>,
        %mul3A_1101 = arith.mulf %mul3A_711, %gather3A_1073 : vector<16xf32>
        %mul3A_1102 = arith.mulf %mul3A_699, %gather3A_1082 : vector<16xf32>
        %add3A_1103 = arith.addf %mul3A_1101, %mul3A_1102 : vector<16xf32>
        %mul3A_1104 = arith.mulf %mul3A_703, %gather3A_1091 : vector<16xf32>
        %add3A_1105 = arith.addf %add3A_1103, %mul3A_1104 : vector<16xf32>
        %mul3A_1106 = arith.mulf %mul3A_704, %gather3A_1100 : vector<16xf32>
        %add3A_1107 = arith.addf %add3A_1105, %mul3A_1106 : vector<16xf32>
        %pack3A_1108 = tpu.pack_subelements %add3A_1060, %add3A_1107 {pack_format = #tpu.pack_format<interleaved>, positions = array<i32: 0, 1>} : vector<16xf32>, vector<16xf32> -> vector<32xbf16>
        %bitcast3A_1109 = vector.bitcast %pack3A_1108 : vector<32xbf16> to vector<16xi32>
        %broadcast_in_dim3A_1110 = arith.constant 3 : i32
        %broadcast_in_dim3A_1111 = vector.broadcast %broadcast_in_dim3A_1110 : i32 to vector<16xi32>
        %scatter3A_1112 = arith.constant 0 : i32
        %scatter3A_1113 = arith.constant 0 : i32
        %scatter3A_1114 = tpu.memref_slice %arg8[%and3A_485, %scatter3A_1112, %scatter3A_1113] : memref<2x12x1024xi32, #tpu.memory_space<vmem>> -> memref<1x12x1024xi32, #tpu.memory_space<vmem>>
        %scatter3A_1115 = tpu.memref_squeeze %scatter3A_1114 : memref<1x12x1024xi32, #tpu.memory_space<vmem>> -> memref<12x1024xi32, #tpu.memory_space<vmem>>
        tpu.vector_store_idx %scatter3A_1115[%broadcast_in_dim3A_1111, %add3A_500], %bitcast3A_1109 : memref<12x1024xi32, #tpu.memory_space<vmem>>[vector<16xi32>, vector<16xi32>], vector<16xi32>,
        %add3A_1116 = arith.constant 0 : i32
        %add3A_1117 = vector.broadcast %add3A_1116 : i32 to vector<16xi32>
        %add3A_1118 = arith.addi %mul3A_551, %add3A_1117 : vector<16xi32>
        %gather3A_1119 = tpu.vector_load_idx %arg6[%add3A_1118] : memref<40800xf32, #tpu.memory_space<vmem>>[vector<16xi32>], vector<16xf32>,
        %add3A_1120 = arith.constant 8 : i32
        %add3A_1121 = vector.broadcast %add3A_1120 : i32 to vector<16xi32>
        %add3A_1122 = arith.addi %mul3A_551, %add3A_1121 : vector<16xi32>
        %gather3A_1123 = tpu.vector_load_idx %arg6[%add3A_1122] : memref<40800xf32, #tpu.memory_space<vmem>>[vector<16xi32>], vector<16xf32>,
        %add3A_1124 = arith.constant 408 : i32
        %add3A_1125 = vector.broadcast %add3A_1124 : i32 to vector<16xi32>
        %add3A_1126 = arith.addi %mul3A_551, %add3A_1125 : vector<16xi32>
        %gather3A_1127 = tpu.vector_load_idx %arg6[%add3A_1126] : memref<40800xf32, #tpu.memory_space<vmem>>[vector<16xi32>], vector<16xf32>,
        %add3A_1128 = arith.constant 416 : i32
        %add3A_1129 = vector.broadcast %add3A_1128 : i32 to vector<16xi32>
        %add3A_1130 = arith.addi %mul3A_551, %add3A_1129 : vector<16xi32>
        %gather3A_1131 = tpu.vector_load_idx %arg6[%add3A_1130] : memref<40800xf32, #tpu.memory_space<vmem>>[vector<16xi32>], vector<16xf32>,
        %mul3A_1132 = arith.mulf %mul3A_623, %gather3A_1119 : vector<16xf32>
        %mul3A_1133 = arith.mulf %mul3A_611, %gather3A_1123 : vector<16xf32>
        %add3A_1134 = arith.addf %mul3A_1132, %mul3A_1133 : vector<16xf32>
        %mul3A_1135 = arith.mulf %mul3A_615, %gather3A_1127 : vector<16xf32>
        %add3A_1136 = arith.addf %add3A_1134, %mul3A_1135 : vector<16xf32>
        %mul3A_1137 = arith.mulf %mul3A_616, %gather3A_1131 : vector<16xf32>
        %add3A_1138 = arith.addf %add3A_1136, %mul3A_1137 : vector<16xf32>
        %add3A_1139 = arith.constant 1 : i32
        %add3A_1140 = vector.broadcast %add3A_1139 : i32 to vector<16xi32>
        %add3A_1141 = arith.addi %mul3A_551, %add3A_1140 : vector<16xi32>
        %gather3A_1142 = tpu.vector_load_idx %arg6[%add3A_1141] : memref<40800xf32, #tpu.memory_space<vmem>>[vector<16xi32>], vector<16xf32>,
        %add3A_1143 = arith.constant 9 : i32
        %add3A_1144 = vector.broadcast %add3A_1143 : i32 to vector<16xi32>
        %add3A_1145 = arith.addi %mul3A_551, %add3A_1144 : vector<16xi32>
        %gather3A_1146 = tpu.vector_load_idx %arg6[%add3A_1145] : memref<40800xf32, #tpu.memory_space<vmem>>[vector<16xi32>], vector<16xf32>,
        %add3A_1147 = arith.constant 409 : i32
        %add3A_1148 = vector.broadcast %add3A_1147 : i32 to vector<16xi32>
        %add3A_1149 = arith.addi %mul3A_551, %add3A_1148 : vector<16xi32>
        %gather3A_1150 = tpu.vector_load_idx %arg6[%add3A_1149] : memref<40800xf32, #tpu.memory_space<vmem>>[vector<16xi32>], vector<16xf32>,
        %add3A_1151 = arith.constant 417 : i32
        %add3A_1152 = vector.broadcast %add3A_1151 : i32 to vector<16xi32>
        %add3A_1153 = arith.addi %mul3A_551, %add3A_1152 : vector<16xi32>
        %gather3A_1154 = tpu.vector_load_idx %arg6[%add3A_1153] : memref<40800xf32, #tpu.memory_space<vmem>>[vector<16xi32>], vector<16xf32>,
        %mul3A_1155 = arith.mulf %mul3A_623, %gather3A_1142 : vector<16xf32>
        %mul3A_1156 = arith.mulf %mul3A_611, %gather3A_1146 : vector<16xf32>
        %add3A_1157 = arith.addf %mul3A_1155, %mul3A_1156 : vector<16xf32>
        %mul3A_1158 = arith.mulf %mul3A_615, %gather3A_1150 : vector<16xf32>
        %add3A_1159 = arith.addf %add3A_1157, %mul3A_1158 : vector<16xf32>
        %mul3A_1160 = arith.mulf %mul3A_616, %gather3A_1154 : vector<16xf32>
        %add3A_1161 = arith.addf %add3A_1159, %mul3A_1160 : vector<16xf32>
        %pack3A_1162 = tpu.pack_subelements %add3A_1138, %add3A_1161 {pack_format = #tpu.pack_format<interleaved>, positions = array<i32: 0, 1>} : vector<16xf32>, vector<16xf32> -> vector<32xbf16>
        %bitcast3A_1163 = vector.bitcast %pack3A_1162 : vector<32xbf16> to vector<16xi32>
        %broadcast_in_dim3A_1164 = arith.constant 4 : i32
        %broadcast_in_dim3A_1165 = vector.broadcast %broadcast_in_dim3A_1164 : i32 to vector<16xi32>
        %scatter3A_1166 = arith.constant 0 : i32
        %scatter3A_1167 = arith.constant 0 : i32
        %scatter3A_1168 = tpu.memref_slice %arg8[%and3A_485, %scatter3A_1166, %scatter3A_1167] : memref<2x12x1024xi32, #tpu.memory_space<vmem>> -> memref<1x12x1024xi32, #tpu.memory_space<vmem>>
        %scatter3A_1169 = tpu.memref_squeeze %scatter3A_1168 : memref<1x12x1024xi32, #tpu.memory_space<vmem>> -> memref<12x1024xi32, #tpu.memory_space<vmem>>
        tpu.vector_store_idx %scatter3A_1169[%broadcast_in_dim3A_1165, %add3A_500], %bitcast3A_1163 : memref<12x1024xi32, #tpu.memory_space<vmem>>[vector<16xi32>, vector<16xi32>], vector<16xi32>,
        %add3A_1170 = arith.constant 2 : i32
        %add3A_1171 = vector.broadcast %add3A_1170 : i32 to vector<16xi32>
        %add3A_1172 = arith.addi %mul3A_551, %add3A_1171 : vector<16xi32>
        %gather3A_1173 = tpu.vector_load_idx %arg6[%add3A_1172] : memref<40800xf32, #tpu.memory_space<vmem>>[vector<16xi32>], vector<16xf32>,
        %add3A_1174 = arith.constant 10 : i32
        %add3A_1175 = vector.broadcast %add3A_1174 : i32 to vector<16xi32>
        %add3A_1176 = arith.addi %mul3A_551, %add3A_1175 : vector<16xi32>
        %gather3A_1177 = tpu.vector_load_idx %arg6[%add3A_1176] : memref<40800xf32, #tpu.memory_space<vmem>>[vector<16xi32>], vector<16xf32>,
        %add3A_1178 = arith.constant 410 : i32
        %add3A_1179 = vector.broadcast %add3A_1178 : i32 to vector<16xi32>
        %add3A_1180 = arith.addi %mul3A_551, %add3A_1179 : vector<16xi32>
        %gather3A_1181 = tpu.vector_load_idx %arg6[%add3A_1180] : memref<40800xf32, #tpu.memory_space<vmem>>[vector<16xi32>], vector<16xf32>,
        %add3A_1182 = arith.constant 418 : i32
        %add3A_1183 = vector.broadcast %add3A_1182 : i32 to vector<16xi32>
        %add3A_1184 = arith.addi %mul3A_551, %add3A_1183 : vector<16xi32>
        %gather3A_1185 = tpu.vector_load_idx %arg6[%add3A_1184] : memref<40800xf32, #tpu.memory_space<vmem>>[vector<16xi32>], vector<16xf32>,
        %mul3A_1186 = arith.mulf %mul3A_623, %gather3A_1173 : vector<16xf32>
        %mul3A_1187 = arith.mulf %mul3A_611, %gather3A_1177 : vector<16xf32>
        %add3A_1188 = arith.addf %mul3A_1186, %mul3A_1187 : vector<16xf32>
        %mul3A_1189 = arith.mulf %mul3A_615, %gather3A_1181 : vector<16xf32>
        %add3A_1190 = arith.addf %add3A_1188, %mul3A_1189 : vector<16xf32>
        %mul3A_1191 = arith.mulf %mul3A_616, %gather3A_1185 : vector<16xf32>
        %add3A_1192 = arith.addf %add3A_1190, %mul3A_1191 : vector<16xf32>
        %add3A_1193 = arith.constant 3 : i32
        %add3A_1194 = vector.broadcast %add3A_1193 : i32 to vector<16xi32>
        %add3A_1195 = arith.addi %mul3A_551, %add3A_1194 : vector<16xi32>
        %gather3A_1196 = tpu.vector_load_idx %arg6[%add3A_1195] : memref<40800xf32, #tpu.memory_space<vmem>>[vector<16xi32>], vector<16xf32>,
        %add3A_1197 = arith.constant 11 : i32
        %add3A_1198 = vector.broadcast %add3A_1197 : i32 to vector<16xi32>
        %add3A_1199 = arith.addi %mul3A_551, %add3A_1198 : vector<16xi32>
        %gather3A_1200 = tpu.vector_load_idx %arg6[%add3A_1199] : memref<40800xf32, #tpu.memory_space<vmem>>[vector<16xi32>], vector<16xf32>,
        %add3A_1201 = arith.constant 411 : i32
        %add3A_1202 = vector.broadcast %add3A_1201 : i32 to vector<16xi32>
        %add3A_1203 = arith.addi %mul3A_551, %add3A_1202 : vector<16xi32>
        %gather3A_1204 = tpu.vector_load_idx %arg6[%add3A_1203] : memref<40800xf32, #tpu.memory_space<vmem>>[vector<16xi32>], vector<16xf32>,
        %add3A_1205 = arith.constant 419 : i32
        %add3A_1206 = vector.broadcast %add3A_1205 : i32 to vector<16xi32>
        %add3A_1207 = arith.addi %mul3A_551, %add3A_1206 : vector<16xi32>
        %gather3A_1208 = tpu.vector_load_idx %arg6[%add3A_1207] : memref<40800xf32, #tpu.memory_space<vmem>>[vector<16xi32>], vector<16xf32>,
        %mul3A_1209 = arith.mulf %mul3A_623, %gather3A_1196 : vector<16xf32>
        %mul3A_1210 = arith.mulf %mul3A_611, %gather3A_1200 : vector<16xf32>
        %add3A_1211 = arith.addf %mul3A_1209, %mul3A_1210 : vector<16xf32>
        %mul3A_1212 = arith.mulf %mul3A_615, %gather3A_1204 : vector<16xf32>
        %add3A_1213 = arith.addf %add3A_1211, %mul3A_1212 : vector<16xf32>
        %mul3A_1214 = arith.mulf %mul3A_616, %gather3A_1208 : vector<16xf32>
        %add3A_1215 = arith.addf %add3A_1213, %mul3A_1214 : vector<16xf32>
        %pack3A_1216 = tpu.pack_subelements %add3A_1192, %add3A_1215 {pack_format = #tpu.pack_format<interleaved>, positions = array<i32: 0, 1>} : vector<16xf32>, vector<16xf32> -> vector<32xbf16>
        %bitcast3A_1217 = vector.bitcast %pack3A_1216 : vector<32xbf16> to vector<16xi32>
        %broadcast_in_dim3A_1218 = arith.constant 5 : i32
        %broadcast_in_dim3A_1219 = vector.broadcast %broadcast_in_dim3A_1218 : i32 to vector<16xi32>
        %scatter3A_1220 = arith.constant 0 : i32
        %scatter3A_1221 = arith.constant 0 : i32
        %scatter3A_1222 = tpu.memref_slice %arg8[%and3A_485, %scatter3A_1220, %scatter3A_1221] : memref<2x12x1024xi32, #tpu.memory_space<vmem>> -> memref<1x12x1024xi32, #tpu.memory_space<vmem>>
        %scatter3A_1223 = tpu.memref_squeeze %scatter3A_1222 : memref<1x12x1024xi32, #tpu.memory_space<vmem>> -> memref<12x1024xi32, #tpu.memory_space<vmem>>
        tpu.vector_store_idx %scatter3A_1223[%broadcast_in_dim3A_1219, %add3A_500], %bitcast3A_1217 : memref<12x1024xi32, #tpu.memory_space<vmem>>[vector<16xi32>, vector<16xi32>], vector<16xi32>,
        %add3A_1224 = arith.constant 4 : i32
        %add3A_1225 = vector.broadcast %add3A_1224 : i32 to vector<16xi32>
        %add3A_1226 = arith.addi %mul3A_551, %add3A_1225 : vector<16xi32>
        %gather3A_1227 = tpu.vector_load_idx %arg6[%add3A_1226] : memref<40800xf32, #tpu.memory_space<vmem>>[vector<16xi32>], vector<16xf32>,
        %add3A_1228 = arith.constant 12 : i32
        %add3A_1229 = vector.broadcast %add3A_1228 : i32 to vector<16xi32>
        %add3A_1230 = arith.addi %mul3A_551, %add3A_1229 : vector<16xi32>
        %gather3A_1231 = tpu.vector_load_idx %arg6[%add3A_1230] : memref<40800xf32, #tpu.memory_space<vmem>>[vector<16xi32>], vector<16xf32>,
        %add3A_1232 = arith.constant 412 : i32
        %add3A_1233 = vector.broadcast %add3A_1232 : i32 to vector<16xi32>
        %add3A_1234 = arith.addi %mul3A_551, %add3A_1233 : vector<16xi32>
        %gather3A_1235 = tpu.vector_load_idx %arg6[%add3A_1234] : memref<40800xf32, #tpu.memory_space<vmem>>[vector<16xi32>], vector<16xf32>,
        %add3A_1236 = arith.constant 420 : i32
        %add3A_1237 = vector.broadcast %add3A_1236 : i32 to vector<16xi32>
        %add3A_1238 = arith.addi %mul3A_551, %add3A_1237 : vector<16xi32>
        %gather3A_1239 = tpu.vector_load_idx %arg6[%add3A_1238] : memref<40800xf32, #tpu.memory_space<vmem>>[vector<16xi32>], vector<16xf32>,
        %mul3A_1240 = arith.mulf %mul3A_623, %gather3A_1227 : vector<16xf32>
        %mul3A_1241 = arith.mulf %mul3A_611, %gather3A_1231 : vector<16xf32>
        %add3A_1242 = arith.addf %mul3A_1240, %mul3A_1241 : vector<16xf32>
        %mul3A_1243 = arith.mulf %mul3A_615, %gather3A_1235 : vector<16xf32>
        %add3A_1244 = arith.addf %add3A_1242, %mul3A_1243 : vector<16xf32>
        %mul3A_1245 = arith.mulf %mul3A_616, %gather3A_1239 : vector<16xf32>
        %add3A_1246 = arith.addf %add3A_1244, %mul3A_1245 : vector<16xf32>
        %add3A_1247 = arith.constant 5 : i32
        %add3A_1248 = vector.broadcast %add3A_1247 : i32 to vector<16xi32>
        %add3A_1249 = arith.addi %mul3A_551, %add3A_1248 : vector<16xi32>
        %gather3A_1250 = tpu.vector_load_idx %arg6[%add3A_1249] : memref<40800xf32, #tpu.memory_space<vmem>>[vector<16xi32>], vector<16xf32>,
        %add3A_1251 = arith.constant 13 : i32
        %add3A_1252 = vector.broadcast %add3A_1251 : i32 to vector<16xi32>
        %add3A_1253 = arith.addi %mul3A_551, %add3A_1252 : vector<16xi32>
        %gather3A_1254 = tpu.vector_load_idx %arg6[%add3A_1253] : memref<40800xf32, #tpu.memory_space<vmem>>[vector<16xi32>], vector<16xf32>,
        %add3A_1255 = arith.constant 413 : i32
        %add3A_1256 = vector.broadcast %add3A_1255 : i32 to vector<16xi32>
        %add3A_1257 = arith.addi %mul3A_551, %add3A_1256 : vector<16xi32>
        %gather3A_1258 = tpu.vector_load_idx %arg6[%add3A_1257] : memref<40800xf32, #tpu.memory_space<vmem>>[vector<16xi32>], vector<16xf32>,
        %add3A_1259 = arith.constant 421 : i32
        %add3A_1260 = vector.broadcast %add3A_1259 : i32 to vector<16xi32>
        %add3A_1261 = arith.addi %mul3A_551, %add3A_1260 : vector<16xi32>
        %gather3A_1262 = tpu.vector_load_idx %arg6[%add3A_1261] : memref<40800xf32, #tpu.memory_space<vmem>>[vector<16xi32>], vector<16xf32>,
        %mul3A_1263 = arith.mulf %mul3A_623, %gather3A_1250 : vector<16xf32>
        %mul3A_1264 = arith.mulf %mul3A_611, %gather3A_1254 : vector<16xf32>
        %add3A_1265 = arith.addf %mul3A_1263, %mul3A_1264 : vector<16xf32>
        %mul3A_1266 = arith.mulf %mul3A_615, %gather3A_1258 : vector<16xf32>
        %add3A_1267 = arith.addf %add3A_1265, %mul3A_1266 : vector<16xf32>
        %mul3A_1268 = arith.mulf %mul3A_616, %gather3A_1262 : vector<16xf32>
        %add3A_1269 = arith.addf %add3A_1267, %mul3A_1268 : vector<16xf32>
        %pack3A_1270 = tpu.pack_subelements %add3A_1246, %add3A_1269 {pack_format = #tpu.pack_format<interleaved>, positions = array<i32: 0, 1>} : vector<16xf32>, vector<16xf32> -> vector<32xbf16>
        %bitcast3A_1271 = vector.bitcast %pack3A_1270 : vector<32xbf16> to vector<16xi32>
        %broadcast_in_dim3A_1272 = arith.constant 6 : i32
        %broadcast_in_dim3A_1273 = vector.broadcast %broadcast_in_dim3A_1272 : i32 to vector<16xi32>
        %scatter3A_1274 = arith.constant 0 : i32
        %scatter3A_1275 = arith.constant 0 : i32
        %scatter3A_1276 = tpu.memref_slice %arg8[%and3A_485, %scatter3A_1274, %scatter3A_1275] : memref<2x12x1024xi32, #tpu.memory_space<vmem>> -> memref<1x12x1024xi32, #tpu.memory_space<vmem>>
        %scatter3A_1277 = tpu.memref_squeeze %scatter3A_1276 : memref<1x12x1024xi32, #tpu.memory_space<vmem>> -> memref<12x1024xi32, #tpu.memory_space<vmem>>
        tpu.vector_store_idx %scatter3A_1277[%broadcast_in_dim3A_1273, %add3A_500], %bitcast3A_1271 : memref<12x1024xi32, #tpu.memory_space<vmem>>[vector<16xi32>, vector<16xi32>], vector<16xi32>,
        %add3A_1278 = arith.constant 6 : i32
        %add3A_1279 = vector.broadcast %add3A_1278 : i32 to vector<16xi32>
        %add3A_1280 = arith.addi %mul3A_551, %add3A_1279 : vector<16xi32>
        %gather3A_1281 = tpu.vector_load_idx %arg6[%add3A_1280] : memref<40800xf32, #tpu.memory_space<vmem>>[vector<16xi32>], vector<16xf32>,
        %add3A_1282 = arith.constant 14 : i32
        %add3A_1283 = vector.broadcast %add3A_1282 : i32 to vector<16xi32>
        %add3A_1284 = arith.addi %mul3A_551, %add3A_1283 : vector<16xi32>
        %gather3A_1285 = tpu.vector_load_idx %arg6[%add3A_1284] : memref<40800xf32, #tpu.memory_space<vmem>>[vector<16xi32>], vector<16xf32>,
        %add3A_1286 = arith.constant 414 : i32
        %add3A_1287 = vector.broadcast %add3A_1286 : i32 to vector<16xi32>
        %add3A_1288 = arith.addi %mul3A_551, %add3A_1287 : vector<16xi32>
        %gather3A_1289 = tpu.vector_load_idx %arg6[%add3A_1288] : memref<40800xf32, #tpu.memory_space<vmem>>[vector<16xi32>], vector<16xf32>,
        %add3A_1290 = arith.constant 422 : i32
        %add3A_1291 = vector.broadcast %add3A_1290 : i32 to vector<16xi32>
        %add3A_1292 = arith.addi %mul3A_551, %add3A_1291 : vector<16xi32>
        %gather3A_1293 = tpu.vector_load_idx %arg6[%add3A_1292] : memref<40800xf32, #tpu.memory_space<vmem>>[vector<16xi32>], vector<16xf32>,
        %mul3A_1294 = arith.mulf %mul3A_623, %gather3A_1281 : vector<16xf32>
        %mul3A_1295 = arith.mulf %mul3A_611, %gather3A_1285 : vector<16xf32>
        %add3A_1296 = arith.addf %mul3A_1294, %mul3A_1295 : vector<16xf32>
        %mul3A_1297 = arith.mulf %mul3A_615, %gather3A_1289 : vector<16xf32>
        %add3A_1298 = arith.addf %add3A_1296, %mul3A_1297 : vector<16xf32>
        %mul3A_1299 = arith.mulf %mul3A_616, %gather3A_1293 : vector<16xf32>
        %add3A_1300 = arith.addf %add3A_1298, %mul3A_1299 : vector<16xf32>
        %add3A_1301 = arith.constant 7 : i32
        %add3A_1302 = vector.broadcast %add3A_1301 : i32 to vector<16xi32>
        %add3A_1303 = arith.addi %mul3A_551, %add3A_1302 : vector<16xi32>
        %gather3A_1304 = tpu.vector_load_idx %arg6[%add3A_1303] : memref<40800xf32, #tpu.memory_space<vmem>>[vector<16xi32>], vector<16xf32>,
        %add3A_1305 = arith.constant 15 : i32
        %add3A_1306 = vector.broadcast %add3A_1305 : i32 to vector<16xi32>
        %add3A_1307 = arith.addi %mul3A_551, %add3A_1306 : vector<16xi32>
        %gather3A_1308 = tpu.vector_load_idx %arg6[%add3A_1307] : memref<40800xf32, #tpu.memory_space<vmem>>[vector<16xi32>], vector<16xf32>,
        %add3A_1309 = arith.constant 415 : i32
        %add3A_1310 = vector.broadcast %add3A_1309 : i32 to vector<16xi32>
        %add3A_1311 = arith.addi %mul3A_551, %add3A_1310 : vector<16xi32>
        %gather3A_1312 = tpu.vector_load_idx %arg6[%add3A_1311] : memref<40800xf32, #tpu.memory_space<vmem>>[vector<16xi32>], vector<16xf32>,
        %add3A_1313 = arith.constant 423 : i32
        %add3A_1314 = vector.broadcast %add3A_1313 : i32 to vector<16xi32>
        %add3A_1315 = arith.addi %mul3A_551, %add3A_1314 : vector<16xi32>
        %gather3A_1316 = tpu.vector_load_idx %arg6[%add3A_1315] : memref<40800xf32, #tpu.memory_space<vmem>>[vector<16xi32>], vector<16xf32>,
        %mul3A_1317 = arith.mulf %mul3A_623, %gather3A_1304 : vector<16xf32>
        %mul3A_1318 = arith.mulf %mul3A_611, %gather3A_1308 : vector<16xf32>
        %add3A_1319 = arith.addf %mul3A_1317, %mul3A_1318 : vector<16xf32>
        %mul3A_1320 = arith.mulf %mul3A_615, %gather3A_1312 : vector<16xf32>
        %add3A_1321 = arith.addf %add3A_1319, %mul3A_1320 : vector<16xf32>
        %mul3A_1322 = arith.mulf %mul3A_616, %gather3A_1316 : vector<16xf32>
        %add3A_1323 = arith.addf %add3A_1321, %mul3A_1322 : vector<16xf32>
        %pack3A_1324 = tpu.pack_subelements %add3A_1300, %add3A_1323 {pack_format = #tpu.pack_format<interleaved>, positions = array<i32: 0, 1>} : vector<16xf32>, vector<16xf32> -> vector<32xbf16>
        %bitcast3A_1325 = vector.bitcast %pack3A_1324 : vector<32xbf16> to vector<16xi32>
        %broadcast_in_dim3A_1326 = arith.constant 7 : i32
        %broadcast_in_dim3A_1327 = vector.broadcast %broadcast_in_dim3A_1326 : i32 to vector<16xi32>
        %scatter3A_1328 = arith.constant 0 : i32
        %scatter3A_1329 = arith.constant 0 : i32
        %scatter3A_1330 = tpu.memref_slice %arg8[%and3A_485, %scatter3A_1328, %scatter3A_1329] : memref<2x12x1024xi32, #tpu.memory_space<vmem>> -> memref<1x12x1024xi32, #tpu.memory_space<vmem>>
        %scatter3A_1331 = tpu.memref_squeeze %scatter3A_1330 : memref<1x12x1024xi32, #tpu.memory_space<vmem>> -> memref<12x1024xi32, #tpu.memory_space<vmem>>
        tpu.vector_store_idx %scatter3A_1331[%broadcast_in_dim3A_1327, %add3A_500], %bitcast3A_1325 : memref<12x1024xi32, #tpu.memory_space<vmem>>[vector<16xi32>, vector<16xi32>], vector<16xi32>,
        %add3A_1332 = arith.constant 0 : i32
        %add3A_1333 = vector.broadcast %add3A_1332 : i32 to vector<16xi32>
        %add3A_1334 = arith.addi %add3A_607, %add3A_1333 : vector<16xi32>
        %gather3A_1335 = tpu.vector_load_idx %arg6[%add3A_1334] : memref<40800xf32, #tpu.memory_space<vmem>>[vector<16xi32>], vector<16xf32>,
        %add3A_1336 = arith.constant 8 : i32
        %add3A_1337 = vector.broadcast %add3A_1336 : i32 to vector<16xi32>
        %add3A_1338 = arith.addi %add3A_607, %add3A_1337 : vector<16xi32>
        %gather3A_1339 = tpu.vector_load_idx %arg6[%add3A_1338] : memref<40800xf32, #tpu.memory_space<vmem>>[vector<16xi32>], vector<16xf32>,
        %add3A_1340 = arith.constant 408 : i32
        %add3A_1341 = vector.broadcast %add3A_1340 : i32 to vector<16xi32>
        %add3A_1342 = arith.addi %add3A_607, %add3A_1341 : vector<16xi32>
        %gather3A_1343 = tpu.vector_load_idx %arg6[%add3A_1342] : memref<40800xf32, #tpu.memory_space<vmem>>[vector<16xi32>], vector<16xf32>,
        %add3A_1344 = arith.constant 416 : i32
        %add3A_1345 = vector.broadcast %add3A_1344 : i32 to vector<16xi32>
        %add3A_1346 = arith.addi %add3A_607, %add3A_1345 : vector<16xi32>
        %gather3A_1347 = tpu.vector_load_idx %arg6[%add3A_1346] : memref<40800xf32, #tpu.memory_space<vmem>>[vector<16xi32>], vector<16xf32>,
        %mul3A_1348 = arith.mulf %mul3A_639, %gather3A_1335 : vector<16xf32>
        %mul3A_1349 = arith.mulf %mul3A_627, %gather3A_1339 : vector<16xf32>
        %add3A_1350 = arith.addf %mul3A_1348, %mul3A_1349 : vector<16xf32>
        %mul3A_1351 = arith.mulf %mul3A_631, %gather3A_1343 : vector<16xf32>
        %add3A_1352 = arith.addf %add3A_1350, %mul3A_1351 : vector<16xf32>
        %mul3A_1353 = arith.mulf %mul3A_632, %gather3A_1347 : vector<16xf32>
        %add3A_1354 = arith.addf %add3A_1352, %mul3A_1353 : vector<16xf32>
        %add3A_1355 = arith.constant 1 : i32
        %add3A_1356 = vector.broadcast %add3A_1355 : i32 to vector<16xi32>
        %add3A_1357 = arith.addi %add3A_607, %add3A_1356 : vector<16xi32>
        %gather3A_1358 = tpu.vector_load_idx %arg6[%add3A_1357] : memref<40800xf32, #tpu.memory_space<vmem>>[vector<16xi32>], vector<16xf32>,
        %add3A_1359 = arith.constant 9 : i32
        %add3A_1360 = vector.broadcast %add3A_1359 : i32 to vector<16xi32>
        %add3A_1361 = arith.addi %add3A_607, %add3A_1360 : vector<16xi32>
        %gather3A_1362 = tpu.vector_load_idx %arg6[%add3A_1361] : memref<40800xf32, #tpu.memory_space<vmem>>[vector<16xi32>], vector<16xf32>,
        %add3A_1363 = arith.constant 409 : i32
        %add3A_1364 = vector.broadcast %add3A_1363 : i32 to vector<16xi32>
        %add3A_1365 = arith.addi %add3A_607, %add3A_1364 : vector<16xi32>
        %gather3A_1366 = tpu.vector_load_idx %arg6[%add3A_1365] : memref<40800xf32, #tpu.memory_space<vmem>>[vector<16xi32>], vector<16xf32>,
        %add3A_1367 = arith.constant 417 : i32
        %add3A_1368 = vector.broadcast %add3A_1367 : i32 to vector<16xi32>
        %add3A_1369 = arith.addi %add3A_607, %add3A_1368 : vector<16xi32>
        %gather3A_1370 = tpu.vector_load_idx %arg6[%add3A_1369] : memref<40800xf32, #tpu.memory_space<vmem>>[vector<16xi32>], vector<16xf32>,
        %mul3A_1371 = arith.mulf %mul3A_639, %gather3A_1358 : vector<16xf32>
        %mul3A_1372 = arith.mulf %mul3A_627, %gather3A_1362 : vector<16xf32>
        %add3A_1373 = arith.addf %mul3A_1371, %mul3A_1372 : vector<16xf32>
        %mul3A_1374 = arith.mulf %mul3A_631, %gather3A_1366 : vector<16xf32>
        %add3A_1375 = arith.addf %add3A_1373, %mul3A_1374 : vector<16xf32>
        %mul3A_1376 = arith.mulf %mul3A_632, %gather3A_1370 : vector<16xf32>
        %add3A_1377 = arith.addf %add3A_1375, %mul3A_1376 : vector<16xf32>
        %pack3A_1378 = tpu.pack_subelements %add3A_1354, %add3A_1377 {pack_format = #tpu.pack_format<interleaved>, positions = array<i32: 0, 1>} : vector<16xf32>, vector<16xf32> -> vector<32xbf16>
        %bitcast3A_1379 = vector.bitcast %pack3A_1378 : vector<32xbf16> to vector<16xi32>
        %broadcast_in_dim3A_1380 = arith.constant 8 : i32
        %broadcast_in_dim3A_1381 = vector.broadcast %broadcast_in_dim3A_1380 : i32 to vector<16xi32>
        %scatter3A_1382 = arith.constant 0 : i32
        %scatter3A_1383 = arith.constant 0 : i32
        %scatter3A_1384 = tpu.memref_slice %arg8[%and3A_485, %scatter3A_1382, %scatter3A_1383] : memref<2x12x1024xi32, #tpu.memory_space<vmem>> -> memref<1x12x1024xi32, #tpu.memory_space<vmem>>
        %scatter3A_1385 = tpu.memref_squeeze %scatter3A_1384 : memref<1x12x1024xi32, #tpu.memory_space<vmem>> -> memref<12x1024xi32, #tpu.memory_space<vmem>>
        tpu.vector_store_idx %scatter3A_1385[%broadcast_in_dim3A_1381, %add3A_500], %bitcast3A_1379 : memref<12x1024xi32, #tpu.memory_space<vmem>>[vector<16xi32>, vector<16xi32>], vector<16xi32>,
        %add3A_1386 = arith.constant 2 : i32
        %add3A_1387 = vector.broadcast %add3A_1386 : i32 to vector<16xi32>
        %add3A_1388 = arith.addi %add3A_607, %add3A_1387 : vector<16xi32>
        %gather3A_1389 = tpu.vector_load_idx %arg6[%add3A_1388] : memref<40800xf32, #tpu.memory_space<vmem>>[vector<16xi32>], vector<16xf32>,
        %add3A_1390 = arith.constant 10 : i32
        %add3A_1391 = vector.broadcast %add3A_1390 : i32 to vector<16xi32>
        %add3A_1392 = arith.addi %add3A_607, %add3A_1391 : vector<16xi32>
        %gather3A_1393 = tpu.vector_load_idx %arg6[%add3A_1392] : memref<40800xf32, #tpu.memory_space<vmem>>[vector<16xi32>], vector<16xf32>,
        %add3A_1394 = arith.constant 410 : i32
        %add3A_1395 = vector.broadcast %add3A_1394 : i32 to vector<16xi32>
        %add3A_1396 = arith.addi %add3A_607, %add3A_1395 : vector<16xi32>
        %gather3A_1397 = tpu.vector_load_idx %arg6[%add3A_1396] : memref<40800xf32, #tpu.memory_space<vmem>>[vector<16xi32>], vector<16xf32>,
        %add3A_1398 = arith.constant 418 : i32
        %add3A_1399 = vector.broadcast %add3A_1398 : i32 to vector<16xi32>
        %add3A_1400 = arith.addi %add3A_607, %add3A_1399 : vector<16xi32>
        %gather3A_1401 = tpu.vector_load_idx %arg6[%add3A_1400] : memref<40800xf32, #tpu.memory_space<vmem>>[vector<16xi32>], vector<16xf32>,
        %mul3A_1402 = arith.mulf %mul3A_639, %gather3A_1389 : vector<16xf32>
        %mul3A_1403 = arith.mulf %mul3A_627, %gather3A_1393 : vector<16xf32>
        %add3A_1404 = arith.addf %mul3A_1402, %mul3A_1403 : vector<16xf32>
        %mul3A_1405 = arith.mulf %mul3A_631, %gather3A_1397 : vector<16xf32>
        %add3A_1406 = arith.addf %add3A_1404, %mul3A_1405 : vector<16xf32>
        %mul3A_1407 = arith.mulf %mul3A_632, %gather3A_1401 : vector<16xf32>
        %add3A_1408 = arith.addf %add3A_1406, %mul3A_1407 : vector<16xf32>
        %add3A_1409 = arith.constant 3 : i32
        %add3A_1410 = vector.broadcast %add3A_1409 : i32 to vector<16xi32>
        %add3A_1411 = arith.addi %add3A_607, %add3A_1410 : vector<16xi32>
        %gather3A_1412 = tpu.vector_load_idx %arg6[%add3A_1411] : memref<40800xf32, #tpu.memory_space<vmem>>[vector<16xi32>], vector<16xf32>,
        %add3A_1413 = arith.constant 11 : i32
        %add3A_1414 = vector.broadcast %add3A_1413 : i32 to vector<16xi32>
        %add3A_1415 = arith.addi %add3A_607, %add3A_1414 : vector<16xi32>
        %gather3A_1416 = tpu.vector_load_idx %arg6[%add3A_1415] : memref<40800xf32, #tpu.memory_space<vmem>>[vector<16xi32>], vector<16xf32>,
        %add3A_1417 = arith.constant 411 : i32
        %add3A_1418 = vector.broadcast %add3A_1417 : i32 to vector<16xi32>
        %add3A_1419 = arith.addi %add3A_607, %add3A_1418 : vector<16xi32>
        %gather3A_1420 = tpu.vector_load_idx %arg6[%add3A_1419] : memref<40800xf32, #tpu.memory_space<vmem>>[vector<16xi32>], vector<16xf32>,
        %add3A_1421 = arith.constant 419 : i32
        %add3A_1422 = vector.broadcast %add3A_1421 : i32 to vector<16xi32>
        %add3A_1423 = arith.addi %add3A_607, %add3A_1422 : vector<16xi32>
        %gather3A_1424 = tpu.vector_load_idx %arg6[%add3A_1423] : memref<40800xf32, #tpu.memory_space<vmem>>[vector<16xi32>], vector<16xf32>,
        %mul3A_1425 = arith.mulf %mul3A_639, %gather3A_1412 : vector<16xf32>
        %mul3A_1426 = arith.mulf %mul3A_627, %gather3A_1416 : vector<16xf32>
        %add3A_1427 = arith.addf %mul3A_1425, %mul3A_1426 : vector<16xf32>
        %mul3A_1428 = arith.mulf %mul3A_631, %gather3A_1420 : vector<16xf32>
        %add3A_1429 = arith.addf %add3A_1427, %mul3A_1428 : vector<16xf32>
        %mul3A_1430 = arith.mulf %mul3A_632, %gather3A_1424 : vector<16xf32>
        %add3A_1431 = arith.addf %add3A_1429, %mul3A_1430 : vector<16xf32>
        %pack3A_1432 = tpu.pack_subelements %add3A_1408, %add3A_1431 {pack_format = #tpu.pack_format<interleaved>, positions = array<i32: 0, 1>} : vector<16xf32>, vector<16xf32> -> vector<32xbf16>
        %bitcast3A_1433 = vector.bitcast %pack3A_1432 : vector<32xbf16> to vector<16xi32>
        %broadcast_in_dim3A_1434 = arith.constant 9 : i32
        %broadcast_in_dim3A_1435 = vector.broadcast %broadcast_in_dim3A_1434 : i32 to vector<16xi32>
        %scatter3A_1436 = arith.constant 0 : i32
        %scatter3A_1437 = arith.constant 0 : i32
        %scatter3A_1438 = tpu.memref_slice %arg8[%and3A_485, %scatter3A_1436, %scatter3A_1437] : memref<2x12x1024xi32, #tpu.memory_space<vmem>> -> memref<1x12x1024xi32, #tpu.memory_space<vmem>>
        %scatter3A_1439 = tpu.memref_squeeze %scatter3A_1438 : memref<1x12x1024xi32, #tpu.memory_space<vmem>> -> memref<12x1024xi32, #tpu.memory_space<vmem>>
        tpu.vector_store_idx %scatter3A_1439[%broadcast_in_dim3A_1435, %add3A_500], %bitcast3A_1433 : memref<12x1024xi32, #tpu.memory_space<vmem>>[vector<16xi32>, vector<16xi32>], vector<16xi32>,
        %add3A_1440 = arith.constant 4 : i32
        %add3A_1441 = vector.broadcast %add3A_1440 : i32 to vector<16xi32>
        %add3A_1442 = arith.addi %add3A_607, %add3A_1441 : vector<16xi32>
        %gather3A_1443 = tpu.vector_load_idx %arg6[%add3A_1442] : memref<40800xf32, #tpu.memory_space<vmem>>[vector<16xi32>], vector<16xf32>,
        %add3A_1444 = arith.constant 12 : i32
        %add3A_1445 = vector.broadcast %add3A_1444 : i32 to vector<16xi32>
        %add3A_1446 = arith.addi %add3A_607, %add3A_1445 : vector<16xi32>
        %gather3A_1447 = tpu.vector_load_idx %arg6[%add3A_1446] : memref<40800xf32, #tpu.memory_space<vmem>>[vector<16xi32>], vector<16xf32>,
        %add3A_1448 = arith.constant 412 : i32
        %add3A_1449 = vector.broadcast %add3A_1448 : i32 to vector<16xi32>
        %add3A_1450 = arith.addi %add3A_607, %add3A_1449 : vector<16xi32>
        %gather3A_1451 = tpu.vector_load_idx %arg6[%add3A_1450] : memref<40800xf32, #tpu.memory_space<vmem>>[vector<16xi32>], vector<16xf32>,
        %add3A_1452 = arith.constant 420 : i32
        %add3A_1453 = vector.broadcast %add3A_1452 : i32 to vector<16xi32>
        %add3A_1454 = arith.addi %add3A_607, %add3A_1453 : vector<16xi32>
        %gather3A_1455 = tpu.vector_load_idx %arg6[%add3A_1454] : memref<40800xf32, #tpu.memory_space<vmem>>[vector<16xi32>], vector<16xf32>,
        %mul3A_1456 = arith.mulf %mul3A_639, %gather3A_1443 : vector<16xf32>
        %mul3A_1457 = arith.mulf %mul3A_627, %gather3A_1447 : vector<16xf32>
        %add3A_1458 = arith.addf %mul3A_1456, %mul3A_1457 : vector<16xf32>
        %mul3A_1459 = arith.mulf %mul3A_631, %gather3A_1451 : vector<16xf32>
        %add3A_1460 = arith.addf %add3A_1458, %mul3A_1459 : vector<16xf32>
        %mul3A_1461 = arith.mulf %mul3A_632, %gather3A_1455 : vector<16xf32>
        %add3A_1462 = arith.addf %add3A_1460, %mul3A_1461 : vector<16xf32>
        %add3A_1463 = arith.constant 5 : i32
        %add3A_1464 = vector.broadcast %add3A_1463 : i32 to vector<16xi32>
        %add3A_1465 = arith.addi %add3A_607, %add3A_1464 : vector<16xi32>
        %gather3A_1466 = tpu.vector_load_idx %arg6[%add3A_1465] : memref<40800xf32, #tpu.memory_space<vmem>>[vector<16xi32>], vector<16xf32>,
        %add3A_1467 = arith.constant 13 : i32
        %add3A_1468 = vector.broadcast %add3A_1467 : i32 to vector<16xi32>
        %add3A_1469 = arith.addi %add3A_607, %add3A_1468 : vector<16xi32>
        %gather3A_1470 = tpu.vector_load_idx %arg6[%add3A_1469] : memref<40800xf32, #tpu.memory_space<vmem>>[vector<16xi32>], vector<16xf32>,
        %add3A_1471 = arith.constant 413 : i32
        %add3A_1472 = vector.broadcast %add3A_1471 : i32 to vector<16xi32>
        %add3A_1473 = arith.addi %add3A_607, %add3A_1472 : vector<16xi32>
        %gather3A_1474 = tpu.vector_load_idx %arg6[%add3A_1473] : memref<40800xf32, #tpu.memory_space<vmem>>[vector<16xi32>], vector<16xf32>,
        %add3A_1475 = arith.constant 421 : i32
        %add3A_1476 = vector.broadcast %add3A_1475 : i32 to vector<16xi32>
        %add3A_1477 = arith.addi %add3A_607, %add3A_1476 : vector<16xi32>
        %gather3A_1478 = tpu.vector_load_idx %arg6[%add3A_1477] : memref<40800xf32, #tpu.memory_space<vmem>>[vector<16xi32>], vector<16xf32>,
        %mul3A_1479 = arith.mulf %mul3A_639, %gather3A_1466 : vector<16xf32>
        %mul3A_1480 = arith.mulf %mul3A_627, %gather3A_1470 : vector<16xf32>
        %add3A_1481 = arith.addf %mul3A_1479, %mul3A_1480 : vector<16xf32>
        %mul3A_1482 = arith.mulf %mul3A_631, %gather3A_1474 : vector<16xf32>
        %add3A_1483 = arith.addf %add3A_1481, %mul3A_1482 : vector<16xf32>
        %mul3A_1484 = arith.mulf %mul3A_632, %gather3A_1478 : vector<16xf32>
        %add3A_1485 = arith.addf %add3A_1483, %mul3A_1484 : vector<16xf32>
        %pack3A_1486 = tpu.pack_subelements %add3A_1462, %add3A_1485 {pack_format = #tpu.pack_format<interleaved>, positions = array<i32: 0, 1>} : vector<16xf32>, vector<16xf32> -> vector<32xbf16>
        %bitcast3A_1487 = vector.bitcast %pack3A_1486 : vector<32xbf16> to vector<16xi32>
        %broadcast_in_dim3A_1488 = arith.constant 10 : i32
        %broadcast_in_dim3A_1489 = vector.broadcast %broadcast_in_dim3A_1488 : i32 to vector<16xi32>
        %scatter3A_1490 = arith.constant 0 : i32
        %scatter3A_1491 = arith.constant 0 : i32
        %scatter3A_1492 = tpu.memref_slice %arg8[%and3A_485, %scatter3A_1490, %scatter3A_1491] : memref<2x12x1024xi32, #tpu.memory_space<vmem>> -> memref<1x12x1024xi32, #tpu.memory_space<vmem>>
        %scatter3A_1493 = tpu.memref_squeeze %scatter3A_1492 : memref<1x12x1024xi32, #tpu.memory_space<vmem>> -> memref<12x1024xi32, #tpu.memory_space<vmem>>
        tpu.vector_store_idx %scatter3A_1493[%broadcast_in_dim3A_1489, %add3A_500], %bitcast3A_1487 : memref<12x1024xi32, #tpu.memory_space<vmem>>[vector<16xi32>, vector<16xi32>], vector<16xi32>,
        %add3A_1494 = arith.constant 6 : i32
        %add3A_1495 = vector.broadcast %add3A_1494 : i32 to vector<16xi32>
        %add3A_1496 = arith.addi %add3A_607, %add3A_1495 : vector<16xi32>
        %gather3A_1497 = tpu.vector_load_idx %arg6[%add3A_1496] : memref<40800xf32, #tpu.memory_space<vmem>>[vector<16xi32>], vector<16xf32>,
        %add3A_1498 = arith.constant 14 : i32
        %add3A_1499 = vector.broadcast %add3A_1498 : i32 to vector<16xi32>
        %add3A_1500 = arith.addi %add3A_607, %add3A_1499 : vector<16xi32>
        %gather3A_1501 = tpu.vector_load_idx %arg6[%add3A_1500] : memref<40800xf32, #tpu.memory_space<vmem>>[vector<16xi32>], vector<16xf32>,
        %add3A_1502 = arith.constant 414 : i32
        %add3A_1503 = vector.broadcast %add3A_1502 : i32 to vector<16xi32>
        %add3A_1504 = arith.addi %add3A_607, %add3A_1503 : vector<16xi32>
        %gather3A_1505 = tpu.vector_load_idx %arg6[%add3A_1504] : memref<40800xf32, #tpu.memory_space<vmem>>[vector<16xi32>], vector<16xf32>,
        %add3A_1506 = arith.constant 422 : i32
        %add3A_1507 = vector.broadcast %add3A_1506 : i32 to vector<16xi32>
        %add3A_1508 = arith.addi %add3A_607, %add3A_1507 : vector<16xi32>
        %gather3A_1509 = tpu.vector_load_idx %arg6[%add3A_1508] : memref<40800xf32, #tpu.memory_space<vmem>>[vector<16xi32>], vector<16xf32>,
        %mul3A_1510 = arith.mulf %mul3A_639, %gather3A_1497 : vector<16xf32>
        %mul3A_1511 = arith.mulf %mul3A_627, %gather3A_1501 : vector<16xf32>
        %add3A_1512 = arith.addf %mul3A_1510, %mul3A_1511 : vector<16xf32>
        %mul3A_1513 = arith.mulf %mul3A_631, %gather3A_1505 : vector<16xf32>
        %add3A_1514 = arith.addf %add3A_1512, %mul3A_1513 : vector<16xf32>
        %mul3A_1515 = arith.mulf %mul3A_632, %gather3A_1509 : vector<16xf32>
        %add3A_1516 = arith.addf %add3A_1514, %mul3A_1515 : vector<16xf32>
        %add3A_1517 = arith.constant 7 : i32
        %add3A_1518 = vector.broadcast %add3A_1517 : i32 to vector<16xi32>
        %add3A_1519 = arith.addi %add3A_607, %add3A_1518 : vector<16xi32>
        %gather3A_1520 = tpu.vector_load_idx %arg6[%add3A_1519] : memref<40800xf32, #tpu.memory_space<vmem>>[vector<16xi32>], vector<16xf32>,
        %add3A_1521 = arith.constant 15 : i32
        %add3A_1522 = vector.broadcast %add3A_1521 : i32 to vector<16xi32>
        %add3A_1523 = arith.addi %add3A_607, %add3A_1522 : vector<16xi32>
        %gather3A_1524 = tpu.vector_load_idx %arg6[%add3A_1523] : memref<40800xf32, #tpu.memory_space<vmem>>[vector<16xi32>], vector<16xf32>,
        %add3A_1525 = arith.constant 415 : i32
        %add3A_1526 = vector.broadcast %add3A_1525 : i32 to vector<16xi32>
        %add3A_1527 = arith.addi %add3A_607, %add3A_1526 : vector<16xi32>
        %gather3A_1528 = tpu.vector_load_idx %arg6[%add3A_1527] : memref<40800xf32, #tpu.memory_space<vmem>>[vector<16xi32>], vector<16xf32>,
        %add3A_1529 = arith.constant 423 : i32
        %add3A_1530 = vector.broadcast %add3A_1529 : i32 to vector<16xi32>
        %add3A_1531 = arith.addi %add3A_607, %add3A_1530 : vector<16xi32>
        %gather3A_1532 = tpu.vector_load_idx %arg6[%add3A_1531] : memref<40800xf32, #tpu.memory_space<vmem>>[vector<16xi32>], vector<16xf32>,
        %mul3A_1533 = arith.mulf %mul3A_639, %gather3A_1520 : vector<16xf32>
        %mul3A_1534 = arith.mulf %mul3A_627, %gather3A_1524 : vector<16xf32>
        %add3A_1535 = arith.addf %mul3A_1533, %mul3A_1534 : vector<16xf32>
        %mul3A_1536 = arith.mulf %mul3A_631, %gather3A_1528 : vector<16xf32>
        %add3A_1537 = arith.addf %add3A_1535, %mul3A_1536 : vector<16xf32>
        %mul3A_1538 = arith.mulf %mul3A_632, %gather3A_1532 : vector<16xf32>
        %add3A_1539 = arith.addf %add3A_1537, %mul3A_1538 : vector<16xf32>
        %pack3A_1540 = tpu.pack_subelements %add3A_1516, %add3A_1539 {pack_format = #tpu.pack_format<interleaved>, positions = array<i32: 0, 1>} : vector<16xf32>, vector<16xf32> -> vector<32xbf16>
        %bitcast3A_1541 = vector.bitcast %pack3A_1540 : vector<32xbf16> to vector<16xi32>
        %broadcast_in_dim3A_1542 = arith.constant 11 : i32
        %broadcast_in_dim3A_1543 = vector.broadcast %broadcast_in_dim3A_1542 : i32 to vector<16xi32>
        %scatter3A_1544 = arith.constant 0 : i32
        %scatter3A_1545 = arith.constant 0 : i32
        %scatter3A_1546 = tpu.memref_slice %arg8[%and3A_485, %scatter3A_1544, %scatter3A_1545] : memref<2x12x1024xi32, #tpu.memory_space<vmem>> -> memref<1x12x1024xi32, #tpu.memory_space<vmem>>
        %scatter3A_1547 = tpu.memref_squeeze %scatter3A_1546 : memref<1x12x1024xi32, #tpu.memory_space<vmem>> -> memref<12x1024xi32, #tpu.memory_space<vmem>>
        tpu.vector_store_idx %scatter3A_1547[%broadcast_in_dim3A_1543, %add3A_500], %bitcast3A_1541 : memref<12x1024xi32, #tpu.memory_space<vmem>>[vector<16xi32>, vector<16xi32>], vector<16xi32>,
        %eq3A_1548 = arith.constant 63 : i32
        %eq3A_1549 = arith.cmpi eq, %and3A_483, %eq3A_1548 : i32
        %convert_element_type3A_1550 = arith.extui %eq3A_1549 : i1 to i32
        %cond3A_1551 = arith.constant 0 : i32
        %cond3A_1552 = arith.cmpi ne, %convert_element_type3A_1550, %cond3A_1551 : i32
        scf.if %cond3A_1552 {
          %mul3A_1553 = arith.constant 1024 : i32
          %mul3A_1554 = arith.muli %shift_right_arithmetic3A_481, %mul3A_1553 : i32
          %add3A_1555 = arith.addi %mul3A_2, %mul3A_1554 : i32
          %dma_start3A_1556 = arith.constant 0 : i32
          %dma_start3A_1557 = arith.constant 0 : i32
          %dma_start3A_1558 = arith.constant 0 : i32
          %dma_start3A_1559 = tpu.memref_slice %arg8[%and3A_485, %dma_start3A_1556, %dma_start3A_1558] : memref<2x12x1024xi32, #tpu.memory_space<vmem>> -> memref<1x1x1024xi32, #tpu.memory_space<vmem>>
          %dma_start3A_1560 = tpu.memref_squeeze %dma_start3A_1559 : memref<1x1x1024xi32, #tpu.memory_space<vmem>> -> memref<1024xi32, #tpu.memory_space<vmem>>
          %dma_start3A_1561 = tpu.memref_slice %arg5[%dma_start3A_1557, %add3A_1555] : memref<12x524288xi32, #tpu.memory_space<hbm>> -> memref<1x1024xi32, #tpu.memory_space<hbm>>
          %dma_start3A_1562 = tpu.memref_squeeze %dma_start3A_1561 : memref<1x1024xi32, #tpu.memory_space<hbm>> -> memref<1024xi32, #tpu.memory_space<hbm>>
          %dma_start3A_1563 = tpu.memref_slice %arg14[%and3A_485] : memref<2x!tpu.dma_semaphore, #tpu.memory_space<semaphore_mem>> -> memref<1x!tpu.dma_semaphore, #tpu.memory_space<semaphore_mem>>
          %dma_start3A_1564 = tpu.memref_squeeze %dma_start3A_1563 : memref<1x!tpu.dma_semaphore, #tpu.memory_space<semaphore_mem>> -> memref<!tpu.dma_semaphore, #tpu.memory_space<semaphore_mem>>
          %dma_start3A_1565 = tpu.memref_slice %arg5[%dma_start3A_1557, %add3A_1555] : memref<12x524288xi32, #tpu.memory_space<hbm>> -> memref<1x1024xi32, #tpu.memory_space<hbm>>
          %dma_start3A_1566 = tpu.memref_squeeze %dma_start3A_1565 : memref<1x1024xi32, #tpu.memory_space<hbm>> -> memref<1024xi32, #tpu.memory_space<hbm>>
          %dma_start3A_1567 = arith.constant 0 : i32
          %dma_start3A_1568 = tpu.memref_slice %arg8[%and3A_485, %dma_start3A_1556, %dma_start3A_1567] : memref<2x12x1024xi32, #tpu.memory_space<vmem>> -> memref<1x1x1024xi32, #tpu.memory_space<vmem>>
          %dma_start3A_1569 = tpu.memref_squeeze %dma_start3A_1568 : memref<1x1x1024xi32, #tpu.memory_space<vmem>> -> memref<1024xi32, #tpu.memory_space<vmem>>
          tpu.enqueue_dma source(%dma_start3A_1569 : memref<1024xi32, #tpu.memory_space<vmem>>) target(%dma_start3A_1566 : memref<1024xi32, #tpu.memory_space<hbm>>) target_semaphore(%dma_start3A_1564 : memref<!tpu.dma_semaphore, #tpu.memory_space<semaphore_mem>>)
          %mul3A_1570 = arith.constant 1024 : i32
          %mul3A_1571 = arith.muli %shift_right_arithmetic3A_481, %mul3A_1570 : i32
          %add3A_1572 = arith.addi %mul3A_2, %mul3A_1571 : i32
          %dma_start3A_1573 = arith.constant 1 : i32
          %dma_start3A_1574 = arith.constant 1 : i32
          %dma_start3A_1575 = arith.constant 0 : i32
          %dma_start3A_1576 = tpu.memref_slice %arg8[%and3A_485, %dma_start3A_1573, %dma_start3A_1575] : memref<2x12x1024xi32, #tpu.memory_space<vmem>> -> memref<1x1x1024xi32, #tpu.memory_space<vmem>>
          %dma_start3A_1577 = tpu.memref_squeeze %dma_start3A_1576 : memref<1x1x1024xi32, #tpu.memory_space<vmem>> -> memref<1024xi32, #tpu.memory_space<vmem>>
          %dma_start3A_1578 = tpu.memref_slice %arg5[%dma_start3A_1574, %add3A_1572] : memref<12x524288xi32, #tpu.memory_space<hbm>> -> memref<1x1024xi32, #tpu.memory_space<hbm>>
          %dma_start3A_1579 = tpu.memref_squeeze %dma_start3A_1578 : memref<1x1024xi32, #tpu.memory_space<hbm>> -> memref<1024xi32, #tpu.memory_space<hbm>>
          %dma_start3A_1580 = tpu.memref_slice %arg14[%and3A_485] : memref<2x!tpu.dma_semaphore, #tpu.memory_space<semaphore_mem>> -> memref<1x!tpu.dma_semaphore, #tpu.memory_space<semaphore_mem>>
          %dma_start3A_1581 = tpu.memref_squeeze %dma_start3A_1580 : memref<1x!tpu.dma_semaphore, #tpu.memory_space<semaphore_mem>> -> memref<!tpu.dma_semaphore, #tpu.memory_space<semaphore_mem>>
          %dma_start3A_1582 = tpu.memref_slice %arg5[%dma_start3A_1574, %add3A_1572] : memref<12x524288xi32, #tpu.memory_space<hbm>> -> memref<1x1024xi32, #tpu.memory_space<hbm>>
          %dma_start3A_1583 = tpu.memref_squeeze %dma_start3A_1582 : memref<1x1024xi32, #tpu.memory_space<hbm>> -> memref<1024xi32, #tpu.memory_space<hbm>>
          %dma_start3A_1584 = arith.constant 0 : i32
          %dma_start3A_1585 = tpu.memref_slice %arg8[%and3A_485, %dma_start3A_1573, %dma_start3A_1584] : memref<2x12x1024xi32, #tpu.memory_space<vmem>> -> memref<1x1x1024xi32, #tpu.memory_space<vmem>>
          %dma_start3A_1586 = tpu.memref_squeeze %dma_start3A_1585 : memref<1x1x1024xi32, #tpu.memory_space<vmem>> -> memref<1024xi32, #tpu.memory_space<vmem>>
          tpu.enqueue_dma source(%dma_start3A_1586 : memref<1024xi32, #tpu.memory_space<vmem>>) target(%dma_start3A_1583 : memref<1024xi32, #tpu.memory_space<hbm>>) target_semaphore(%dma_start3A_1581 : memref<!tpu.dma_semaphore, #tpu.memory_space<semaphore_mem>>)
          %mul3A_1587 = arith.constant 1024 : i32
          %mul3A_1588 = arith.muli %shift_right_arithmetic3A_481, %mul3A_1587 : i32
          %add3A_1589 = arith.addi %mul3A_2, %mul3A_1588 : i32
          %dma_start3A_1590 = arith.constant 2 : i32
          %dma_start3A_1591 = arith.constant 2 : i32
          %dma_start3A_1592 = arith.constant 0 : i32
          %dma_start3A_1593 = tpu.memref_slice %arg8[%and3A_485, %dma_start3A_1590, %dma_start3A_1592] : memref<2x12x1024xi32, #tpu.memory_space<vmem>> -> memref<1x1x1024xi32, #tpu.memory_space<vmem>>
          %dma_start3A_1594 = tpu.memref_squeeze %dma_start3A_1593 : memref<1x1x1024xi32, #tpu.memory_space<vmem>> -> memref<1024xi32, #tpu.memory_space<vmem>>
          %dma_start3A_1595 = tpu.memref_slice %arg5[%dma_start3A_1591, %add3A_1589] : memref<12x524288xi32, #tpu.memory_space<hbm>> -> memref<1x1024xi32, #tpu.memory_space<hbm>>
          %dma_start3A_1596 = tpu.memref_squeeze %dma_start3A_1595 : memref<1x1024xi32, #tpu.memory_space<hbm>> -> memref<1024xi32, #tpu.memory_space<hbm>>
          %dma_start3A_1597 = tpu.memref_slice %arg14[%and3A_485] : memref<2x!tpu.dma_semaphore, #tpu.memory_space<semaphore_mem>> -> memref<1x!tpu.dma_semaphore, #tpu.memory_space<semaphore_mem>>
          %dma_start3A_1598 = tpu.memref_squeeze %dma_start3A_1597 : memref<1x!tpu.dma_semaphore, #tpu.memory_space<semaphore_mem>> -> memref<!tpu.dma_semaphore, #tpu.memory_space<semaphore_mem>>
          %dma_start3A_1599 = tpu.memref_slice %arg5[%dma_start3A_1591, %add3A_1589] : memref<12x524288xi32, #tpu.memory_space<hbm>> -> memref<1x1024xi32, #tpu.memory_space<hbm>>
          %dma_start3A_1600 = tpu.memref_squeeze %dma_start3A_1599 : memref<1x1024xi32, #tpu.memory_space<hbm>> -> memref<1024xi32, #tpu.memory_space<hbm>>
          %dma_start3A_1601 = arith.constant 0 : i32
          %dma_start3A_1602 = tpu.memref_slice %arg8[%and3A_485, %dma_start3A_1590, %dma_start3A_1601] : memref<2x12x1024xi32, #tpu.memory_space<vmem>> -> memref<1x1x1024xi32, #tpu.memory_space<vmem>>
          %dma_start3A_1603 = tpu.memref_squeeze %dma_start3A_1602 : memref<1x1x1024xi32, #tpu.memory_space<vmem>> -> memref<1024xi32, #tpu.memory_space<vmem>>
          tpu.enqueue_dma source(%dma_start3A_1603 : memref<1024xi32, #tpu.memory_space<vmem>>) target(%dma_start3A_1600 : memref<1024xi32, #tpu.memory_space<hbm>>) target_semaphore(%dma_start3A_1598 : memref<!tpu.dma_semaphore, #tpu.memory_space<semaphore_mem>>)
          %mul3A_1604 = arith.constant 1024 : i32
          %mul3A_1605 = arith.muli %shift_right_arithmetic3A_481, %mul3A_1604 : i32
          %add3A_1606 = arith.addi %mul3A_2, %mul3A_1605 : i32
          %dma_start3A_1607 = arith.constant 3 : i32
          %dma_start3A_1608 = arith.constant 3 : i32
          %dma_start3A_1609 = arith.constant 0 : i32
          %dma_start3A_1610 = tpu.memref_slice %arg8[%and3A_485, %dma_start3A_1607, %dma_start3A_1609] : memref<2x12x1024xi32, #tpu.memory_space<vmem>> -> memref<1x1x1024xi32, #tpu.memory_space<vmem>>
          %dma_start3A_1611 = tpu.memref_squeeze %dma_start3A_1610 : memref<1x1x1024xi32, #tpu.memory_space<vmem>> -> memref<1024xi32, #tpu.memory_space<vmem>>
          %dma_start3A_1612 = tpu.memref_slice %arg5[%dma_start3A_1608, %add3A_1606] : memref<12x524288xi32, #tpu.memory_space<hbm>> -> memref<1x1024xi32, #tpu.memory_space<hbm>>
          %dma_start3A_1613 = tpu.memref_squeeze %dma_start3A_1612 : memref<1x1024xi32, #tpu.memory_space<hbm>> -> memref<1024xi32, #tpu.memory_space<hbm>>
          %dma_start3A_1614 = tpu.memref_slice %arg14[%and3A_485] : memref<2x!tpu.dma_semaphore, #tpu.memory_space<semaphore_mem>> -> memref<1x!tpu.dma_semaphore, #tpu.memory_space<semaphore_mem>>
          %dma_start3A_1615 = tpu.memref_squeeze %dma_start3A_1614 : memref<1x!tpu.dma_semaphore, #tpu.memory_space<semaphore_mem>> -> memref<!tpu.dma_semaphore, #tpu.memory_space<semaphore_mem>>
          %dma_start3A_1616 = tpu.memref_slice %arg5[%dma_start3A_1608, %add3A_1606] : memref<12x524288xi32, #tpu.memory_space<hbm>> -> memref<1x1024xi32, #tpu.memory_space<hbm>>
          %dma_start3A_1617 = tpu.memref_squeeze %dma_start3A_1616 : memref<1x1024xi32, #tpu.memory_space<hbm>> -> memref<1024xi32, #tpu.memory_space<hbm>>
          %dma_start3A_1618 = arith.constant 0 : i32
          %dma_start3A_1619 = tpu.memref_slice %arg8[%and3A_485, %dma_start3A_1607, %dma_start3A_1618] : memref<2x12x1024xi32, #tpu.memory_space<vmem>> -> memref<1x1x1024xi32, #tpu.memory_space<vmem>>
          %dma_start3A_1620 = tpu.memref_squeeze %dma_start3A_1619 : memref<1x1x1024xi32, #tpu.memory_space<vmem>> -> memref<1024xi32, #tpu.memory_space<vmem>>
          tpu.enqueue_dma source(%dma_start3A_1620 : memref<1024xi32, #tpu.memory_space<vmem>>) target(%dma_start3A_1617 : memref<1024xi32, #tpu.memory_space<hbm>>) target_semaphore(%dma_start3A_1615 : memref<!tpu.dma_semaphore, #tpu.memory_space<semaphore_mem>>)
          %mul3A_1621 = arith.constant 1024 : i32
          %mul3A_1622 = arith.muli %shift_right_arithmetic3A_481, %mul3A_1621 : i32
          %add3A_1623 = arith.addi %mul3A_2, %mul3A_1622 : i32
          %dma_start3A_1624 = arith.constant 4 : i32
          %dma_start3A_1625 = arith.constant 4 : i32
          %dma_start3A_1626 = arith.constant 0 : i32
          %dma_start3A_1627 = tpu.memref_slice %arg8[%and3A_485, %dma_start3A_1624, %dma_start3A_1626] : memref<2x12x1024xi32, #tpu.memory_space<vmem>> -> memref<1x1x1024xi32, #tpu.memory_space<vmem>>
          %dma_start3A_1628 = tpu.memref_squeeze %dma_start3A_1627 : memref<1x1x1024xi32, #tpu.memory_space<vmem>> -> memref<1024xi32, #tpu.memory_space<vmem>>
          %dma_start3A_1629 = tpu.memref_slice %arg5[%dma_start3A_1625, %add3A_1623] : memref<12x524288xi32, #tpu.memory_space<hbm>> -> memref<1x1024xi32, #tpu.memory_space<hbm>>
          %dma_start3A_1630 = tpu.memref_squeeze %dma_start3A_1629 : memref<1x1024xi32, #tpu.memory_space<hbm>> -> memref<1024xi32, #tpu.memory_space<hbm>>
          %dma_start3A_1631 = tpu.memref_slice %arg14[%and3A_485] : memref<2x!tpu.dma_semaphore, #tpu.memory_space<semaphore_mem>> -> memref<1x!tpu.dma_semaphore, #tpu.memory_space<semaphore_mem>>
          %dma_start3A_1632 = tpu.memref_squeeze %dma_start3A_1631 : memref<1x!tpu.dma_semaphore, #tpu.memory_space<semaphore_mem>> -> memref<!tpu.dma_semaphore, #tpu.memory_space<semaphore_mem>>
          %dma_start3A_1633 = tpu.memref_slice %arg5[%dma_start3A_1625, %add3A_1623] : memref<12x524288xi32, #tpu.memory_space<hbm>> -> memref<1x1024xi32, #tpu.memory_space<hbm>>
          %dma_start3A_1634 = tpu.memref_squeeze %dma_start3A_1633 : memref<1x1024xi32, #tpu.memory_space<hbm>> -> memref<1024xi32, #tpu.memory_space<hbm>>
          %dma_start3A_1635 = arith.constant 0 : i32
          %dma_start3A_1636 = tpu.memref_slice %arg8[%and3A_485, %dma_start3A_1624, %dma_start3A_1635] : memref<2x12x1024xi32, #tpu.memory_space<vmem>> -> memref<1x1x1024xi32, #tpu.memory_space<vmem>>
          %dma_start3A_1637 = tpu.memref_squeeze %dma_start3A_1636 : memref<1x1x1024xi32, #tpu.memory_space<vmem>> -> memref<1024xi32, #tpu.memory_space<vmem>>
          tpu.enqueue_dma source(%dma_start3A_1637 : memref<1024xi32, #tpu.memory_space<vmem>>) target(%dma_start3A_1634 : memref<1024xi32, #tpu.memory_space<hbm>>) target_semaphore(%dma_start3A_1632 : memref<!tpu.dma_semaphore, #tpu.memory_space<semaphore_mem>>)
          %mul3A_1638 = arith.constant 1024 : i32
          %mul3A_1639 = arith.muli %shift_right_arithmetic3A_481, %mul3A_1638 : i32
          %add3A_1640 = arith.addi %mul3A_2, %mul3A_1639 : i32
          %dma_start3A_1641 = arith.constant 5 : i32
          %dma_start3A_1642 = arith.constant 5 : i32
          %dma_start3A_1643 = arith.constant 0 : i32
          %dma_start3A_1644 = tpu.memref_slice %arg8[%and3A_485, %dma_start3A_1641, %dma_start3A_1643] : memref<2x12x1024xi32, #tpu.memory_space<vmem>> -> memref<1x1x1024xi32, #tpu.memory_space<vmem>>
          %dma_start3A_1645 = tpu.memref_squeeze %dma_start3A_1644 : memref<1x1x1024xi32, #tpu.memory_space<vmem>> -> memref<1024xi32, #tpu.memory_space<vmem>>
          %dma_start3A_1646 = tpu.memref_slice %arg5[%dma_start3A_1642, %add3A_1640] : memref<12x524288xi32, #tpu.memory_space<hbm>> -> memref<1x1024xi32, #tpu.memory_space<hbm>>
          %dma_start3A_1647 = tpu.memref_squeeze %dma_start3A_1646 : memref<1x1024xi32, #tpu.memory_space<hbm>> -> memref<1024xi32, #tpu.memory_space<hbm>>
          %dma_start3A_1648 = tpu.memref_slice %arg14[%and3A_485] : memref<2x!tpu.dma_semaphore, #tpu.memory_space<semaphore_mem>> -> memref<1x!tpu.dma_semaphore, #tpu.memory_space<semaphore_mem>>
          %dma_start3A_1649 = tpu.memref_squeeze %dma_start3A_1648 : memref<1x!tpu.dma_semaphore, #tpu.memory_space<semaphore_mem>> -> memref<!tpu.dma_semaphore, #tpu.memory_space<semaphore_mem>>
          %dma_start3A_1650 = tpu.memref_slice %arg5[%dma_start3A_1642, %add3A_1640] : memref<12x524288xi32, #tpu.memory_space<hbm>> -> memref<1x1024xi32, #tpu.memory_space<hbm>>
          %dma_start3A_1651 = tpu.memref_squeeze %dma_start3A_1650 : memref<1x1024xi32, #tpu.memory_space<hbm>> -> memref<1024xi32, #tpu.memory_space<hbm>>
          %dma_start3A_1652 = arith.constant 0 : i32
          %dma_start3A_1653 = tpu.memref_slice %arg8[%and3A_485, %dma_start3A_1641, %dma_start3A_1652] : memref<2x12x1024xi32, #tpu.memory_space<vmem>> -> memref<1x1x1024xi32, #tpu.memory_space<vmem>>
          %dma_start3A_1654 = tpu.memref_squeeze %dma_start3A_1653 : memref<1x1x1024xi32, #tpu.memory_space<vmem>> -> memref<1024xi32, #tpu.memory_space<vmem>>
          tpu.enqueue_dma source(%dma_start3A_1654 : memref<1024xi32, #tpu.memory_space<vmem>>) target(%dma_start3A_1651 : memref<1024xi32, #tpu.memory_space<hbm>>) target_semaphore(%dma_start3A_1649 : memref<!tpu.dma_semaphore, #tpu.memory_space<semaphore_mem>>)
          %mul3A_1655 = arith.constant 1024 : i32
          %mul3A_1656 = arith.muli %shift_right_arithmetic3A_481, %mul3A_1655 : i32
          %add3A_1657 = arith.addi %mul3A_2, %mul3A_1656 : i32
          %dma_start3A_1658 = arith.constant 6 : i32
          %dma_start3A_1659 = arith.constant 6 : i32
          %dma_start3A_1660 = arith.constant 0 : i32
          %dma_start3A_1661 = tpu.memref_slice %arg8[%and3A_485, %dma_start3A_1658, %dma_start3A_1660] : memref<2x12x1024xi32, #tpu.memory_space<vmem>> -> memref<1x1x1024xi32, #tpu.memory_space<vmem>>
          %dma_start3A_1662 = tpu.memref_squeeze %dma_start3A_1661 : memref<1x1x1024xi32, #tpu.memory_space<vmem>> -> memref<1024xi32, #tpu.memory_space<vmem>>
          %dma_start3A_1663 = tpu.memref_slice %arg5[%dma_start3A_1659, %add3A_1657] : memref<12x524288xi32, #tpu.memory_space<hbm>> -> memref<1x1024xi32, #tpu.memory_space<hbm>>
          %dma_start3A_1664 = tpu.memref_squeeze %dma_start3A_1663 : memref<1x1024xi32, #tpu.memory_space<hbm>> -> memref<1024xi32, #tpu.memory_space<hbm>>
          %dma_start3A_1665 = tpu.memref_slice %arg14[%and3A_485] : memref<2x!tpu.dma_semaphore, #tpu.memory_space<semaphore_mem>> -> memref<1x!tpu.dma_semaphore, #tpu.memory_space<semaphore_mem>>
          %dma_start3A_1666 = tpu.memref_squeeze %dma_start3A_1665 : memref<1x!tpu.dma_semaphore, #tpu.memory_space<semaphore_mem>> -> memref<!tpu.dma_semaphore, #tpu.memory_space<semaphore_mem>>
          %dma_start3A_1667 = tpu.memref_slice %arg5[%dma_start3A_1659, %add3A_1657] : memref<12x524288xi32, #tpu.memory_space<hbm>> -> memref<1x1024xi32, #tpu.memory_space<hbm>>
          %dma_start3A_1668 = tpu.memref_squeeze %dma_start3A_1667 : memref<1x1024xi32, #tpu.memory_space<hbm>> -> memref<1024xi32, #tpu.memory_space<hbm>>
          %dma_start3A_1669 = arith.constant 0 : i32
          %dma_start3A_1670 = tpu.memref_slice %arg8[%and3A_485, %dma_start3A_1658, %dma_start3A_1669] : memref<2x12x1024xi32, #tpu.memory_space<vmem>> -> memref<1x1x1024xi32, #tpu.memory_space<vmem>>
          %dma_start3A_1671 = tpu.memref_squeeze %dma_start3A_1670 : memref<1x1x1024xi32, #tpu.memory_space<vmem>> -> memref<1024xi32, #tpu.memory_space<vmem>>
          tpu.enqueue_dma source(%dma_start3A_1671 : memref<1024xi32, #tpu.memory_space<vmem>>) target(%dma_start3A_1668 : memref<1024xi32, #tpu.memory_space<hbm>>) target_semaphore(%dma_start3A_1666 : memref<!tpu.dma_semaphore, #tpu.memory_space<semaphore_mem>>)
          %mul3A_1672 = arith.constant 1024 : i32
          %mul3A_1673 = arith.muli %shift_right_arithmetic3A_481, %mul3A_1672 : i32
          %add3A_1674 = arith.addi %mul3A_2, %mul3A_1673 : i32
          %dma_start3A_1675 = arith.constant 7 : i32
          %dma_start3A_1676 = arith.constant 7 : i32
          %dma_start3A_1677 = arith.constant 0 : i32
          %dma_start3A_1678 = tpu.memref_slice %arg8[%and3A_485, %dma_start3A_1675, %dma_start3A_1677] : memref<2x12x1024xi32, #tpu.memory_space<vmem>> -> memref<1x1x1024xi32, #tpu.memory_space<vmem>>
          %dma_start3A_1679 = tpu.memref_squeeze %dma_start3A_1678 : memref<1x1x1024xi32, #tpu.memory_space<vmem>> -> memref<1024xi32, #tpu.memory_space<vmem>>
          %dma_start3A_1680 = tpu.memref_slice %arg5[%dma_start3A_1676, %add3A_1674] : memref<12x524288xi32, #tpu.memory_space<hbm>> -> memref<1x1024xi32, #tpu.memory_space<hbm>>
          %dma_start3A_1681 = tpu.memref_squeeze %dma_start3A_1680 : memref<1x1024xi32, #tpu.memory_space<hbm>> -> memref<1024xi32, #tpu.memory_space<hbm>>
          %dma_start3A_1682 = tpu.memref_slice %arg14[%and3A_485] : memref<2x!tpu.dma_semaphore, #tpu.memory_space<semaphore_mem>> -> memref<1x!tpu.dma_semaphore, #tpu.memory_space<semaphore_mem>>
          %dma_start3A_1683 = tpu.memref_squeeze %dma_start3A_1682 : memref<1x!tpu.dma_semaphore, #tpu.memory_space<semaphore_mem>> -> memref<!tpu.dma_semaphore, #tpu.memory_space<semaphore_mem>>
          %dma_start3A_1684 = tpu.memref_slice %arg5[%dma_start3A_1676, %add3A_1674] : memref<12x524288xi32, #tpu.memory_space<hbm>> -> memref<1x1024xi32, #tpu.memory_space<hbm>>
          %dma_start3A_1685 = tpu.memref_squeeze %dma_start3A_1684 : memref<1x1024xi32, #tpu.memory_space<hbm>> -> memref<1024xi32, #tpu.memory_space<hbm>>
          %dma_start3A_1686 = arith.constant 0 : i32
          %dma_start3A_1687 = tpu.memref_slice %arg8[%and3A_485, %dma_start3A_1675, %dma_start3A_1686] : memref<2x12x1024xi32, #tpu.memory_space<vmem>> -> memref<1x1x1024xi32, #tpu.memory_space<vmem>>
          %dma_start3A_1688 = tpu.memref_squeeze %dma_start3A_1687 : memref<1x1x1024xi32, #tpu.memory_space<vmem>> -> memref<1024xi32, #tpu.memory_space<vmem>>
          tpu.enqueue_dma source(%dma_start3A_1688 : memref<1024xi32, #tpu.memory_space<vmem>>) target(%dma_start3A_1685 : memref<1024xi32, #tpu.memory_space<hbm>>) target_semaphore(%dma_start3A_1683 : memref<!tpu.dma_semaphore, #tpu.memory_space<semaphore_mem>>)
          %mul3A_1689 = arith.constant 1024 : i32
          %mul3A_1690 = arith.muli %shift_right_arithmetic3A_481, %mul3A_1689 : i32
          %add3A_1691 = arith.addi %mul3A_2, %mul3A_1690 : i32
          %dma_start3A_1692 = arith.constant 8 : i32
          %dma_start3A_1693 = arith.constant 8 : i32
          %dma_start3A_1694 = arith.constant 0 : i32
          %dma_start3A_1695 = tpu.memref_slice %arg8[%and3A_485, %dma_start3A_1692, %dma_start3A_1694] : memref<2x12x1024xi32, #tpu.memory_space<vmem>> -> memref<1x1x1024xi32, #tpu.memory_space<vmem>>
          %dma_start3A_1696 = tpu.memref_squeeze %dma_start3A_1695 : memref<1x1x1024xi32, #tpu.memory_space<vmem>> -> memref<1024xi32, #tpu.memory_space<vmem>>
          %dma_start3A_1697 = tpu.memref_slice %arg5[%dma_start3A_1693, %add3A_1691] : memref<12x524288xi32, #tpu.memory_space<hbm>> -> memref<1x1024xi32, #tpu.memory_space<hbm>>
          %dma_start3A_1698 = tpu.memref_squeeze %dma_start3A_1697 : memref<1x1024xi32, #tpu.memory_space<hbm>> -> memref<1024xi32, #tpu.memory_space<hbm>>
          %dma_start3A_1699 = tpu.memref_slice %arg14[%and3A_485] : memref<2x!tpu.dma_semaphore, #tpu.memory_space<semaphore_mem>> -> memref<1x!tpu.dma_semaphore, #tpu.memory_space<semaphore_mem>>
          %dma_start3A_1700 = tpu.memref_squeeze %dma_start3A_1699 : memref<1x!tpu.dma_semaphore, #tpu.memory_space<semaphore_mem>> -> memref<!tpu.dma_semaphore, #tpu.memory_space<semaphore_mem>>
          %dma_start3A_1701 = tpu.memref_slice %arg5[%dma_start3A_1693, %add3A_1691] : memref<12x524288xi32, #tpu.memory_space<hbm>> -> memref<1x1024xi32, #tpu.memory_space<hbm>>
          %dma_start3A_1702 = tpu.memref_squeeze %dma_start3A_1701 : memref<1x1024xi32, #tpu.memory_space<hbm>> -> memref<1024xi32, #tpu.memory_space<hbm>>
          %dma_start3A_1703 = arith.constant 0 : i32
          %dma_start3A_1704 = tpu.memref_slice %arg8[%and3A_485, %dma_start3A_1692, %dma_start3A_1703] : memref<2x12x1024xi32, #tpu.memory_space<vmem>> -> memref<1x1x1024xi32, #tpu.memory_space<vmem>>
          %dma_start3A_1705 = tpu.memref_squeeze %dma_start3A_1704 : memref<1x1x1024xi32, #tpu.memory_space<vmem>> -> memref<1024xi32, #tpu.memory_space<vmem>>
          tpu.enqueue_dma source(%dma_start3A_1705 : memref<1024xi32, #tpu.memory_space<vmem>>) target(%dma_start3A_1702 : memref<1024xi32, #tpu.memory_space<hbm>>) target_semaphore(%dma_start3A_1700 : memref<!tpu.dma_semaphore, #tpu.memory_space<semaphore_mem>>)
          %mul3A_1706 = arith.constant 1024 : i32
          %mul3A_1707 = arith.muli %shift_right_arithmetic3A_481, %mul3A_1706 : i32
          %add3A_1708 = arith.addi %mul3A_2, %mul3A_1707 : i32
          %dma_start3A_1709 = arith.constant 9 : i32
          %dma_start3A_1710 = arith.constant 9 : i32
          %dma_start3A_1711 = arith.constant 0 : i32
          %dma_start3A_1712 = tpu.memref_slice %arg8[%and3A_485, %dma_start3A_1709, %dma_start3A_1711] : memref<2x12x1024xi32, #tpu.memory_space<vmem>> -> memref<1x1x1024xi32, #tpu.memory_space<vmem>>
          %dma_start3A_1713 = tpu.memref_squeeze %dma_start3A_1712 : memref<1x1x1024xi32, #tpu.memory_space<vmem>> -> memref<1024xi32, #tpu.memory_space<vmem>>
          %dma_start3A_1714 = tpu.memref_slice %arg5[%dma_start3A_1710, %add3A_1708] : memref<12x524288xi32, #tpu.memory_space<hbm>> -> memref<1x1024xi32, #tpu.memory_space<hbm>>
          %dma_start3A_1715 = tpu.memref_squeeze %dma_start3A_1714 : memref<1x1024xi32, #tpu.memory_space<hbm>> -> memref<1024xi32, #tpu.memory_space<hbm>>
          %dma_start3A_1716 = tpu.memref_slice %arg14[%and3A_485] : memref<2x!tpu.dma_semaphore, #tpu.memory_space<semaphore_mem>> -> memref<1x!tpu.dma_semaphore, #tpu.memory_space<semaphore_mem>>
          %dma_start3A_1717 = tpu.memref_squeeze %dma_start3A_1716 : memref<1x!tpu.dma_semaphore, #tpu.memory_space<semaphore_mem>> -> memref<!tpu.dma_semaphore, #tpu.memory_space<semaphore_mem>>
          %dma_start3A_1718 = tpu.memref_slice %arg5[%dma_start3A_1710, %add3A_1708] : memref<12x524288xi32, #tpu.memory_space<hbm>> -> memref<1x1024xi32, #tpu.memory_space<hbm>>
          %dma_start3A_1719 = tpu.memref_squeeze %dma_start3A_1718 : memref<1x1024xi32, #tpu.memory_space<hbm>> -> memref<1024xi32, #tpu.memory_space<hbm>>
          %dma_start3A_1720 = arith.constant 0 : i32
          %dma_start3A_1721 = tpu.memref_slice %arg8[%and3A_485, %dma_start3A_1709, %dma_start3A_1720] : memref<2x12x1024xi32, #tpu.memory_space<vmem>> -> memref<1x1x1024xi32, #tpu.memory_space<vmem>>
          %dma_start3A_1722 = tpu.memref_squeeze %dma_start3A_1721 : memref<1x1x1024xi32, #tpu.memory_space<vmem>> -> memref<1024xi32, #tpu.memory_space<vmem>>
          tpu.enqueue_dma source(%dma_start3A_1722 : memref<1024xi32, #tpu.memory_space<vmem>>) target(%dma_start3A_1719 : memref<1024xi32, #tpu.memory_space<hbm>>) target_semaphore(%dma_start3A_1717 : memref<!tpu.dma_semaphore, #tpu.memory_space<semaphore_mem>>)
          %mul3A_1723 = arith.constant 1024 : i32
          %mul3A_1724 = arith.muli %shift_right_arithmetic3A_481, %mul3A_1723 : i32
          %add3A_1725 = arith.addi %mul3A_2, %mul3A_1724 : i32
          %dma_start3A_1726 = arith.constant 10 : i32
          %dma_start3A_1727 = arith.constant 10 : i32
          %dma_start3A_1728 = arith.constant 0 : i32
          %dma_start3A_1729 = tpu.memref_slice %arg8[%and3A_485, %dma_start3A_1726, %dma_start3A_1728] : memref<2x12x1024xi32, #tpu.memory_space<vmem>> -> memref<1x1x1024xi32, #tpu.memory_space<vmem>>
          %dma_start3A_1730 = tpu.memref_squeeze %dma_start3A_1729 : memref<1x1x1024xi32, #tpu.memory_space<vmem>> -> memref<1024xi32, #tpu.memory_space<vmem>>
          %dma_start3A_1731 = tpu.memref_slice %arg5[%dma_start3A_1727, %add3A_1725] : memref<12x524288xi32, #tpu.memory_space<hbm>> -> memref<1x1024xi32, #tpu.memory_space<hbm>>
          %dma_start3A_1732 = tpu.memref_squeeze %dma_start3A_1731 : memref<1x1024xi32, #tpu.memory_space<hbm>> -> memref<1024xi32, #tpu.memory_space<hbm>>
          %dma_start3A_1733 = tpu.memref_slice %arg14[%and3A_485] : memref<2x!tpu.dma_semaphore, #tpu.memory_space<semaphore_mem>> -> memref<1x!tpu.dma_semaphore, #tpu.memory_space<semaphore_mem>>
          %dma_start3A_1734 = tpu.memref_squeeze %dma_start3A_1733 : memref<1x!tpu.dma_semaphore, #tpu.memory_space<semaphore_mem>> -> memref<!tpu.dma_semaphore, #tpu.memory_space<semaphore_mem>>
          %dma_start3A_1735 = tpu.memref_slice %arg5[%dma_start3A_1727, %add3A_1725] : memref<12x524288xi32, #tpu.memory_space<hbm>> -> memref<1x1024xi32, #tpu.memory_space<hbm>>
          %dma_start3A_1736 = tpu.memref_squeeze %dma_start3A_1735 : memref<1x1024xi32, #tpu.memory_space<hbm>> -> memref<1024xi32, #tpu.memory_space<hbm>>
          %dma_start3A_1737 = arith.constant 0 : i32
          %dma_start3A_1738 = tpu.memref_slice %arg8[%and3A_485, %dma_start3A_1726, %dma_start3A_1737] : memref<2x12x1024xi32, #tpu.memory_space<vmem>> -> memref<1x1x1024xi32, #tpu.memory_space<vmem>>
          %dma_start3A_1739 = tpu.memref_squeeze %dma_start3A_1738 : memref<1x1x1024xi32, #tpu.memory_space<vmem>> -> memref<1024xi32, #tpu.memory_space<vmem>>
          tpu.enqueue_dma source(%dma_start3A_1739 : memref<1024xi32, #tpu.memory_space<vmem>>) target(%dma_start3A_1736 : memref<1024xi32, #tpu.memory_space<hbm>>) target_semaphore(%dma_start3A_1734 : memref<!tpu.dma_semaphore, #tpu.memory_space<semaphore_mem>>)
          %mul3A_1740 = arith.constant 1024 : i32
          %mul3A_1741 = arith.muli %shift_right_arithmetic3A_481, %mul3A_1740 : i32
          %add3A_1742 = arith.addi %mul3A_2, %mul3A_1741 : i32
          %dma_start3A_1743 = arith.constant 11 : i32
          %dma_start3A_1744 = arith.constant 11 : i32
          %dma_start3A_1745 = arith.constant 0 : i32
          %dma_start3A_1746 = tpu.memref_slice %arg8[%and3A_485, %dma_start3A_1743, %dma_start3A_1745] : memref<2x12x1024xi32, #tpu.memory_space<vmem>> -> memref<1x1x1024xi32, #tpu.memory_space<vmem>>
          %dma_start3A_1747 = tpu.memref_squeeze %dma_start3A_1746 : memref<1x1x1024xi32, #tpu.memory_space<vmem>> -> memref<1024xi32, #tpu.memory_space<vmem>>
          %dma_start3A_1748 = tpu.memref_slice %arg5[%dma_start3A_1744, %add3A_1742] : memref<12x524288xi32, #tpu.memory_space<hbm>> -> memref<1x1024xi32, #tpu.memory_space<hbm>>
          %dma_start3A_1749 = tpu.memref_squeeze %dma_start3A_1748 : memref<1x1024xi32, #tpu.memory_space<hbm>> -> memref<1024xi32, #tpu.memory_space<hbm>>
          %dma_start3A_1750 = tpu.memref_slice %arg14[%and3A_485] : memref<2x!tpu.dma_semaphore, #tpu.memory_space<semaphore_mem>> -> memref<1x!tpu.dma_semaphore, #tpu.memory_space<semaphore_mem>>
          %dma_start3A_1751 = tpu.memref_squeeze %dma_start3A_1750 : memref<1x!tpu.dma_semaphore, #tpu.memory_space<semaphore_mem>> -> memref<!tpu.dma_semaphore, #tpu.memory_space<semaphore_mem>>
          %dma_start3A_1752 = tpu.memref_slice %arg5[%dma_start3A_1744, %add3A_1742] : memref<12x524288xi32, #tpu.memory_space<hbm>> -> memref<1x1024xi32, #tpu.memory_space<hbm>>
          %dma_start3A_1753 = tpu.memref_squeeze %dma_start3A_1752 : memref<1x1024xi32, #tpu.memory_space<hbm>> -> memref<1024xi32, #tpu.memory_space<hbm>>
          %dma_start3A_1754 = arith.constant 0 : i32
          %dma_start3A_1755 = tpu.memref_slice %arg8[%and3A_485, %dma_start3A_1743, %dma_start3A_1754] : memref<2x12x1024xi32, #tpu.memory_space<vmem>> -> memref<1x1x1024xi32, #tpu.memory_space<vmem>>
          %dma_start3A_1756 = tpu.memref_squeeze %dma_start3A_1755 : memref<1x1x1024xi32, #tpu.memory_space<vmem>> -> memref<1024xi32, #tpu.memory_space<vmem>>
          tpu.enqueue_dma source(%dma_start3A_1756 : memref<1024xi32, #tpu.memory_space<vmem>>) target(%dma_start3A_1753 : memref<1024xi32, #tpu.memory_space<hbm>>) target_semaphore(%dma_start3A_1751 : memref<!tpu.dma_semaphore, #tpu.memory_space<semaphore_mem>>)
        } else {
        }
      } else {
      }
    }
    %scan3A_14 = arith.constant 514 : i32
    %add3A_15 = arith.constant 14336 : i32
    %add3A_16 = arith.addi %mul3A_2, %add3A_15 : i32
    %dma_wait3A = arith.constant 0 : i32
    %dma_wait3A_17 = arith.constant 0 : i32
    %dma_wait3A_18 = arith.constant 0 : i32
    %dma_wait3A_19 = arith.constant 0 : i32
    %dma_wait3A_20 = arith.constant 0 : i32
    %dma_wait3A_21 = tpu.memref_slice %arg8[%dma_wait3A, %dma_wait3A_17, %dma_wait3A_20] : memref<2x12x1024xi32, #tpu.memory_space<vmem>> -> memref<1x1x1024xi32, #tpu.memory_space<vmem>>
    %dma_wait3A_22 = tpu.memref_squeeze %dma_wait3A_21 : memref<1x1x1024xi32, #tpu.memory_space<vmem>> -> memref<1024xi32, #tpu.memory_space<vmem>>
    %dma_wait3A_23 = tpu.memref_slice %arg5[%dma_wait3A_18, %add3A_16] : memref<12x524288xi32, #tpu.memory_space<hbm>> -> memref<1x1024xi32, #tpu.memory_space<hbm>>
    %dma_wait3A_24 = tpu.memref_squeeze %dma_wait3A_23 : memref<1x1024xi32, #tpu.memory_space<hbm>> -> memref<1024xi32, #tpu.memory_space<hbm>>
    %dma_wait3A_25 = tpu.memref_slice %arg14[%dma_wait3A_19] : memref<2x!tpu.dma_semaphore, #tpu.memory_space<semaphore_mem>> -> memref<1x!tpu.dma_semaphore, #tpu.memory_space<semaphore_mem>>
    %dma_wait3A_26 = tpu.memref_squeeze %dma_wait3A_25 : memref<1x!tpu.dma_semaphore, #tpu.memory_space<semaphore_mem>> -> memref<!tpu.dma_semaphore, #tpu.memory_space<semaphore_mem>>
    %dma_wait3A_27 = tpu.memref_slice %arg5[%dma_wait3A_18, %add3A_16] : memref<12x524288xi32, #tpu.memory_space<hbm>> -> memref<1x1024xi32, #tpu.memory_space<hbm>>
    %dma_wait3A_28 = tpu.memref_squeeze %dma_wait3A_27 : memref<1x1024xi32, #tpu.memory_space<hbm>> -> memref<1024xi32, #tpu.memory_space<hbm>>
    %dma_wait3A_29 = arith.constant 0 : i32
    %dma_wait3A_30 = tpu.memref_slice %arg8[%dma_wait3A, %dma_wait3A_17, %dma_wait3A_29] : memref<2x12x1024xi32, #tpu.memory_space<vmem>> -> memref<1x1x1024xi32, #tpu.memory_space<vmem>>
    %dma_wait3A_31 = tpu.memref_squeeze %dma_wait3A_30 : memref<1x1x1024xi32, #tpu.memory_space<vmem>> -> memref<1024xi32, #tpu.memory_space<vmem>>
    tpu.wait_dma2 semaphore(%dma_wait3A_26 : memref<!tpu.dma_semaphore, #tpu.memory_space<semaphore_mem>>) src(%dma_wait3A_31 : memref<1024xi32, #tpu.memory_space<vmem>>) dst(%dma_wait3A_28 : memref<1024xi32, #tpu.memory_space<hbm>>)
    %add3A_32 = arith.constant 14336 : i32
    %add3A_33 = arith.addi %mul3A_2, %add3A_32 : i32
    %dma_wait3A_34 = arith.constant 0 : i32
    %dma_wait3A_35 = arith.constant 1 : i32
    %dma_wait3A_36 = arith.constant 1 : i32
    %dma_wait3A_37 = arith.constant 0 : i32
    %dma_wait3A_38 = arith.constant 0 : i32
    %dma_wait3A_39 = tpu.memref_slice %arg8[%dma_wait3A_34, %dma_wait3A_35, %dma_wait3A_38] : memref<2x12x1024xi32, #tpu.memory_space<vmem>> -> memref<1x1x1024xi32, #tpu.memory_space<vmem>>
    %dma_wait3A_40 = tpu.memref_squeeze %dma_wait3A_39 : memref<1x1x1024xi32, #tpu.memory_space<vmem>> -> memref<1024xi32, #tpu.memory_space<vmem>>
    %dma_wait3A_41 = tpu.memref_slice %arg5[%dma_wait3A_36, %add3A_33] : memref<12x524288xi32, #tpu.memory_space<hbm>> -> memref<1x1024xi32, #tpu.memory_space<hbm>>
    %dma_wait3A_42 = tpu.memref_squeeze %dma_wait3A_41 : memref<1x1024xi32, #tpu.memory_space<hbm>> -> memref<1024xi32, #tpu.memory_space<hbm>>
    %dma_wait3A_43 = tpu.memref_slice %arg14[%dma_wait3A_37] : memref<2x!tpu.dma_semaphore, #tpu.memory_space<semaphore_mem>> -> memref<1x!tpu.dma_semaphore, #tpu.memory_space<semaphore_mem>>
    %dma_wait3A_44 = tpu.memref_squeeze %dma_wait3A_43 : memref<1x!tpu.dma_semaphore, #tpu.memory_space<semaphore_mem>> -> memref<!tpu.dma_semaphore, #tpu.memory_space<semaphore_mem>>
    %dma_wait3A_45 = tpu.memref_slice %arg5[%dma_wait3A_36, %add3A_33] : memref<12x524288xi32, #tpu.memory_space<hbm>> -> memref<1x1024xi32, #tpu.memory_space<hbm>>
    %dma_wait3A_46 = tpu.memref_squeeze %dma_wait3A_45 : memref<1x1024xi32, #tpu.memory_space<hbm>> -> memref<1024xi32, #tpu.memory_space<hbm>>
    %dma_wait3A_47 = arith.constant 0 : i32
    %dma_wait3A_48 = tpu.memref_slice %arg8[%dma_wait3A_34, %dma_wait3A_35, %dma_wait3A_47] : memref<2x12x1024xi32, #tpu.memory_space<vmem>> -> memref<1x1x1024xi32, #tpu.memory_space<vmem>>
    %dma_wait3A_49 = tpu.memref_squeeze %dma_wait3A_48 : memref<1x1x1024xi32, #tpu.memory_space<vmem>> -> memref<1024xi32, #tpu.memory_space<vmem>>
    tpu.wait_dma2 semaphore(%dma_wait3A_44 : memref<!tpu.dma_semaphore, #tpu.memory_space<semaphore_mem>>) src(%dma_wait3A_49 : memref<1024xi32, #tpu.memory_space<vmem>>) dst(%dma_wait3A_46 : memref<1024xi32, #tpu.memory_space<hbm>>)
    %add3A_50 = arith.constant 14336 : i32
    %add3A_51 = arith.addi %mul3A_2, %add3A_50 : i32
    %dma_wait3A_52 = arith.constant 0 : i32
    %dma_wait3A_53 = arith.constant 2 : i32
    %dma_wait3A_54 = arith.constant 2 : i32
    %dma_wait3A_55 = arith.constant 0 : i32
    %dma_wait3A_56 = arith.constant 0 : i32
    %dma_wait3A_57 = tpu.memref_slice %arg8[%dma_wait3A_52, %dma_wait3A_53, %dma_wait3A_56] : memref<2x12x1024xi32, #tpu.memory_space<vmem>> -> memref<1x1x1024xi32, #tpu.memory_space<vmem>>
    %dma_wait3A_58 = tpu.memref_squeeze %dma_wait3A_57 : memref<1x1x1024xi32, #tpu.memory_space<vmem>> -> memref<1024xi32, #tpu.memory_space<vmem>>
    %dma_wait3A_59 = tpu.memref_slice %arg5[%dma_wait3A_54, %add3A_51] : memref<12x524288xi32, #tpu.memory_space<hbm>> -> memref<1x1024xi32, #tpu.memory_space<hbm>>
    %dma_wait3A_60 = tpu.memref_squeeze %dma_wait3A_59 : memref<1x1024xi32, #tpu.memory_space<hbm>> -> memref<1024xi32, #tpu.memory_space<hbm>>
    %dma_wait3A_61 = tpu.memref_slice %arg14[%dma_wait3A_55] : memref<2x!tpu.dma_semaphore, #tpu.memory_space<semaphore_mem>> -> memref<1x!tpu.dma_semaphore, #tpu.memory_space<semaphore_mem>>
    %dma_wait3A_62 = tpu.memref_squeeze %dma_wait3A_61 : memref<1x!tpu.dma_semaphore, #tpu.memory_space<semaphore_mem>> -> memref<!tpu.dma_semaphore, #tpu.memory_space<semaphore_mem>>
    %dma_wait3A_63 = tpu.memref_slice %arg5[%dma_wait3A_54, %add3A_51] : memref<12x524288xi32, #tpu.memory_space<hbm>> -> memref<1x1024xi32, #tpu.memory_space<hbm>>
    %dma_wait3A_64 = tpu.memref_squeeze %dma_wait3A_63 : memref<1x1024xi32, #tpu.memory_space<hbm>> -> memref<1024xi32, #tpu.memory_space<hbm>>
    %dma_wait3A_65 = arith.constant 0 : i32
    %dma_wait3A_66 = tpu.memref_slice %arg8[%dma_wait3A_52, %dma_wait3A_53, %dma_wait3A_65] : memref<2x12x1024xi32, #tpu.memory_space<vmem>> -> memref<1x1x1024xi32, #tpu.memory_space<vmem>>
    %dma_wait3A_67 = tpu.memref_squeeze %dma_wait3A_66 : memref<1x1x1024xi32, #tpu.memory_space<vmem>> -> memref<1024xi32, #tpu.memory_space<vmem>>
    tpu.wait_dma2 semaphore(%dma_wait3A_62 : memref<!tpu.dma_semaphore, #tpu.memory_space<semaphore_mem>>) src(%dma_wait3A_67 : memref<1024xi32, #tpu.memory_space<vmem>>) dst(%dma_wait3A_64 : memref<1024xi32, #tpu.memory_space<hbm>>)
    %add3A_68 = arith.constant 14336 : i32
    %add3A_69 = arith.addi %mul3A_2, %add3A_68 : i32
    %dma_wait3A_70 = arith.constant 0 : i32
    %dma_wait3A_71 = arith.constant 3 : i32
    %dma_wait3A_72 = arith.constant 3 : i32
    %dma_wait3A_73 = arith.constant 0 : i32
    %dma_wait3A_74 = arith.constant 0 : i32
    %dma_wait3A_75 = tpu.memref_slice %arg8[%dma_wait3A_70, %dma_wait3A_71, %dma_wait3A_74] : memref<2x12x1024xi32, #tpu.memory_space<vmem>> -> memref<1x1x1024xi32, #tpu.memory_space<vmem>>
    %dma_wait3A_76 = tpu.memref_squeeze %dma_wait3A_75 : memref<1x1x1024xi32, #tpu.memory_space<vmem>> -> memref<1024xi32, #tpu.memory_space<vmem>>
    %dma_wait3A_77 = tpu.memref_slice %arg5[%dma_wait3A_72, %add3A_69] : memref<12x524288xi32, #tpu.memory_space<hbm>> -> memref<1x1024xi32, #tpu.memory_space<hbm>>
    %dma_wait3A_78 = tpu.memref_squeeze %dma_wait3A_77 : memref<1x1024xi32, #tpu.memory_space<hbm>> -> memref<1024xi32, #tpu.memory_space<hbm>>
    %dma_wait3A_79 = tpu.memref_slice %arg14[%dma_wait3A_73] : memref<2x!tpu.dma_semaphore, #tpu.memory_space<semaphore_mem>> -> memref<1x!tpu.dma_semaphore, #tpu.memory_space<semaphore_mem>>
    %dma_wait3A_80 = tpu.memref_squeeze %dma_wait3A_79 : memref<1x!tpu.dma_semaphore, #tpu.memory_space<semaphore_mem>> -> memref<!tpu.dma_semaphore, #tpu.memory_space<semaphore_mem>>
    %dma_wait3A_81 = tpu.memref_slice %arg5[%dma_wait3A_72, %add3A_69] : memref<12x524288xi32, #tpu.memory_space<hbm>> -> memref<1x1024xi32, #tpu.memory_space<hbm>>
    %dma_wait3A_82 = tpu.memref_squeeze %dma_wait3A_81 : memref<1x1024xi32, #tpu.memory_space<hbm>> -> memref<1024xi32, #tpu.memory_space<hbm>>
    %dma_wait3A_83 = arith.constant 0 : i32
    %dma_wait3A_84 = tpu.memref_slice %arg8[%dma_wait3A_70, %dma_wait3A_71, %dma_wait3A_83] : memref<2x12x1024xi32, #tpu.memory_space<vmem>> -> memref<1x1x1024xi32, #tpu.memory_space<vmem>>
    %dma_wait3A_85 = tpu.memref_squeeze %dma_wait3A_84 : memref<1x1x1024xi32, #tpu.memory_space<vmem>> -> memref<1024xi32, #tpu.memory_space<vmem>>
    tpu.wait_dma2 semaphore(%dma_wait3A_80 : memref<!tpu.dma_semaphore, #tpu.memory_space<semaphore_mem>>) src(%dma_wait3A_85 : memref<1024xi32, #tpu.memory_space<vmem>>) dst(%dma_wait3A_82 : memref<1024xi32, #tpu.memory_space<hbm>>)
    %add3A_86 = arith.constant 14336 : i32
    %add3A_87 = arith.addi %mul3A_2, %add3A_86 : i32
    %dma_wait3A_88 = arith.constant 0 : i32
    %dma_wait3A_89 = arith.constant 4 : i32
    %dma_wait3A_90 = arith.constant 4 : i32
    %dma_wait3A_91 = arith.constant 0 : i32
    %dma_wait3A_92 = arith.constant 0 : i32
    %dma_wait3A_93 = tpu.memref_slice %arg8[%dma_wait3A_88, %dma_wait3A_89, %dma_wait3A_92] : memref<2x12x1024xi32, #tpu.memory_space<vmem>> -> memref<1x1x1024xi32, #tpu.memory_space<vmem>>
    %dma_wait3A_94 = tpu.memref_squeeze %dma_wait3A_93 : memref<1x1x1024xi32, #tpu.memory_space<vmem>> -> memref<1024xi32, #tpu.memory_space<vmem>>
    %dma_wait3A_95 = tpu.memref_slice %arg5[%dma_wait3A_90, %add3A_87] : memref<12x524288xi32, #tpu.memory_space<hbm>> -> memref<1x1024xi32, #tpu.memory_space<hbm>>
    %dma_wait3A_96 = tpu.memref_squeeze %dma_wait3A_95 : memref<1x1024xi32, #tpu.memory_space<hbm>> -> memref<1024xi32, #tpu.memory_space<hbm>>
    %dma_wait3A_97 = tpu.memref_slice %arg14[%dma_wait3A_91] : memref<2x!tpu.dma_semaphore, #tpu.memory_space<semaphore_mem>> -> memref<1x!tpu.dma_semaphore, #tpu.memory_space<semaphore_mem>>
    %dma_wait3A_98 = tpu.memref_squeeze %dma_wait3A_97 : memref<1x!tpu.dma_semaphore, #tpu.memory_space<semaphore_mem>> -> memref<!tpu.dma_semaphore, #tpu.memory_space<semaphore_mem>>
    %dma_wait3A_99 = tpu.memref_slice %arg5[%dma_wait3A_90, %add3A_87] : memref<12x524288xi32, #tpu.memory_space<hbm>> -> memref<1x1024xi32, #tpu.memory_space<hbm>>
    %dma_wait3A_100 = tpu.memref_squeeze %dma_wait3A_99 : memref<1x1024xi32, #tpu.memory_space<hbm>> -> memref<1024xi32, #tpu.memory_space<hbm>>
    %dma_wait3A_101 = arith.constant 0 : i32
    %dma_wait3A_102 = tpu.memref_slice %arg8[%dma_wait3A_88, %dma_wait3A_89, %dma_wait3A_101] : memref<2x12x1024xi32, #tpu.memory_space<vmem>> -> memref<1x1x1024xi32, #tpu.memory_space<vmem>>
    %dma_wait3A_103 = tpu.memref_squeeze %dma_wait3A_102 : memref<1x1x1024xi32, #tpu.memory_space<vmem>> -> memref<1024xi32, #tpu.memory_space<vmem>>
    tpu.wait_dma2 semaphore(%dma_wait3A_98 : memref<!tpu.dma_semaphore, #tpu.memory_space<semaphore_mem>>) src(%dma_wait3A_103 : memref<1024xi32, #tpu.memory_space<vmem>>) dst(%dma_wait3A_100 : memref<1024xi32, #tpu.memory_space<hbm>>)
    %add3A_104 = arith.constant 14336 : i32
    %add3A_105 = arith.addi %mul3A_2, %add3A_104 : i32
    %dma_wait3A_106 = arith.constant 0 : i32
    %dma_wait3A_107 = arith.constant 5 : i32
    %dma_wait3A_108 = arith.constant 5 : i32
    %dma_wait3A_109 = arith.constant 0 : i32
    %dma_wait3A_110 = arith.constant 0 : i32
    %dma_wait3A_111 = tpu.memref_slice %arg8[%dma_wait3A_106, %dma_wait3A_107, %dma_wait3A_110] : memref<2x12x1024xi32, #tpu.memory_space<vmem>> -> memref<1x1x1024xi32, #tpu.memory_space<vmem>>
    %dma_wait3A_112 = tpu.memref_squeeze %dma_wait3A_111 : memref<1x1x1024xi32, #tpu.memory_space<vmem>> -> memref<1024xi32, #tpu.memory_space<vmem>>
    %dma_wait3A_113 = tpu.memref_slice %arg5[%dma_wait3A_108, %add3A_105] : memref<12x524288xi32, #tpu.memory_space<hbm>> -> memref<1x1024xi32, #tpu.memory_space<hbm>>
    %dma_wait3A_114 = tpu.memref_squeeze %dma_wait3A_113 : memref<1x1024xi32, #tpu.memory_space<hbm>> -> memref<1024xi32, #tpu.memory_space<hbm>>
    %dma_wait3A_115 = tpu.memref_slice %arg14[%dma_wait3A_109] : memref<2x!tpu.dma_semaphore, #tpu.memory_space<semaphore_mem>> -> memref<1x!tpu.dma_semaphore, #tpu.memory_space<semaphore_mem>>
    %dma_wait3A_116 = tpu.memref_squeeze %dma_wait3A_115 : memref<1x!tpu.dma_semaphore, #tpu.memory_space<semaphore_mem>> -> memref<!tpu.dma_semaphore, #tpu.memory_space<semaphore_mem>>
    %dma_wait3A_117 = tpu.memref_slice %arg5[%dma_wait3A_108, %add3A_105] : memref<12x524288xi32, #tpu.memory_space<hbm>> -> memref<1x1024xi32, #tpu.memory_space<hbm>>
    %dma_wait3A_118 = tpu.memref_squeeze %dma_wait3A_117 : memref<1x1024xi32, #tpu.memory_space<hbm>> -> memref<1024xi32, #tpu.memory_space<hbm>>
    %dma_wait3A_119 = arith.constant 0 : i32
    %dma_wait3A_120 = tpu.memref_slice %arg8[%dma_wait3A_106, %dma_wait3A_107, %dma_wait3A_119] : memref<2x12x1024xi32, #tpu.memory_space<vmem>> -> memref<1x1x1024xi32, #tpu.memory_space<vmem>>
    %dma_wait3A_121 = tpu.memref_squeeze %dma_wait3A_120 : memref<1x1x1024xi32, #tpu.memory_space<vmem>> -> memref<1024xi32, #tpu.memory_space<vmem>>
    tpu.wait_dma2 semaphore(%dma_wait3A_116 : memref<!tpu.dma_semaphore, #tpu.memory_space<semaphore_mem>>) src(%dma_wait3A_121 : memref<1024xi32, #tpu.memory_space<vmem>>) dst(%dma_wait3A_118 : memref<1024xi32, #tpu.memory_space<hbm>>)
    %add3A_122 = arith.constant 14336 : i32
    %add3A_123 = arith.addi %mul3A_2, %add3A_122 : i32
    %dma_wait3A_124 = arith.constant 0 : i32
    %dma_wait3A_125 = arith.constant 6 : i32
    %dma_wait3A_126 = arith.constant 6 : i32
    %dma_wait3A_127 = arith.constant 0 : i32
    %dma_wait3A_128 = arith.constant 0 : i32
    %dma_wait3A_129 = tpu.memref_slice %arg8[%dma_wait3A_124, %dma_wait3A_125, %dma_wait3A_128] : memref<2x12x1024xi32, #tpu.memory_space<vmem>> -> memref<1x1x1024xi32, #tpu.memory_space<vmem>>
    %dma_wait3A_130 = tpu.memref_squeeze %dma_wait3A_129 : memref<1x1x1024xi32, #tpu.memory_space<vmem>> -> memref<1024xi32, #tpu.memory_space<vmem>>
    %dma_wait3A_131 = tpu.memref_slice %arg5[%dma_wait3A_126, %add3A_123] : memref<12x524288xi32, #tpu.memory_space<hbm>> -> memref<1x1024xi32, #tpu.memory_space<hbm>>
    %dma_wait3A_132 = tpu.memref_squeeze %dma_wait3A_131 : memref<1x1024xi32, #tpu.memory_space<hbm>> -> memref<1024xi32, #tpu.memory_space<hbm>>
    %dma_wait3A_133 = tpu.memref_slice %arg14[%dma_wait3A_127] : memref<2x!tpu.dma_semaphore, #tpu.memory_space<semaphore_mem>> -> memref<1x!tpu.dma_semaphore, #tpu.memory_space<semaphore_mem>>
    %dma_wait3A_134 = tpu.memref_squeeze %dma_wait3A_133 : memref<1x!tpu.dma_semaphore, #tpu.memory_space<semaphore_mem>> -> memref<!tpu.dma_semaphore, #tpu.memory_space<semaphore_mem>>
    %dma_wait3A_135 = tpu.memref_slice %arg5[%dma_wait3A_126, %add3A_123] : memref<12x524288xi32, #tpu.memory_space<hbm>> -> memref<1x1024xi32, #tpu.memory_space<hbm>>
    %dma_wait3A_136 = tpu.memref_squeeze %dma_wait3A_135 : memref<1x1024xi32, #tpu.memory_space<hbm>> -> memref<1024xi32, #tpu.memory_space<hbm>>
    %dma_wait3A_137 = arith.constant 0 : i32
    %dma_wait3A_138 = tpu.memref_slice %arg8[%dma_wait3A_124, %dma_wait3A_125, %dma_wait3A_137] : memref<2x12x1024xi32, #tpu.memory_space<vmem>> -> memref<1x1x1024xi32, #tpu.memory_space<vmem>>
    %dma_wait3A_139 = tpu.memref_squeeze %dma_wait3A_138 : memref<1x1x1024xi32, #tpu.memory_space<vmem>> -> memref<1024xi32, #tpu.memory_space<vmem>>
    tpu.wait_dma2 semaphore(%dma_wait3A_134 : memref<!tpu.dma_semaphore, #tpu.memory_space<semaphore_mem>>) src(%dma_wait3A_139 : memref<1024xi32, #tpu.memory_space<vmem>>) dst(%dma_wait3A_136 : memref<1024xi32, #tpu.memory_space<hbm>>)
    %add3A_140 = arith.constant 14336 : i32
    %add3A_141 = arith.addi %mul3A_2, %add3A_140 : i32
    %dma_wait3A_142 = arith.constant 0 : i32
    %dma_wait3A_143 = arith.constant 7 : i32
    %dma_wait3A_144 = arith.constant 7 : i32
    %dma_wait3A_145 = arith.constant 0 : i32
    %dma_wait3A_146 = arith.constant 0 : i32
    %dma_wait3A_147 = tpu.memref_slice %arg8[%dma_wait3A_142, %dma_wait3A_143, %dma_wait3A_146] : memref<2x12x1024xi32, #tpu.memory_space<vmem>> -> memref<1x1x1024xi32, #tpu.memory_space<vmem>>
    %dma_wait3A_148 = tpu.memref_squeeze %dma_wait3A_147 : memref<1x1x1024xi32, #tpu.memory_space<vmem>> -> memref<1024xi32, #tpu.memory_space<vmem>>
    %dma_wait3A_149 = tpu.memref_slice %arg5[%dma_wait3A_144, %add3A_141] : memref<12x524288xi32, #tpu.memory_space<hbm>> -> memref<1x1024xi32, #tpu.memory_space<hbm>>
    %dma_wait3A_150 = tpu.memref_squeeze %dma_wait3A_149 : memref<1x1024xi32, #tpu.memory_space<hbm>> -> memref<1024xi32, #tpu.memory_space<hbm>>
    %dma_wait3A_151 = tpu.memref_slice %arg14[%dma_wait3A_145] : memref<2x!tpu.dma_semaphore, #tpu.memory_space<semaphore_mem>> -> memref<1x!tpu.dma_semaphore, #tpu.memory_space<semaphore_mem>>
    %dma_wait3A_152 = tpu.memref_squeeze %dma_wait3A_151 : memref<1x!tpu.dma_semaphore, #tpu.memory_space<semaphore_mem>> -> memref<!tpu.dma_semaphore, #tpu.memory_space<semaphore_mem>>
    %dma_wait3A_153 = tpu.memref_slice %arg5[%dma_wait3A_144, %add3A_141] : memref<12x524288xi32, #tpu.memory_space<hbm>> -> memref<1x1024xi32, #tpu.memory_space<hbm>>
    %dma_wait3A_154 = tpu.memref_squeeze %dma_wait3A_153 : memref<1x1024xi32, #tpu.memory_space<hbm>> -> memref<1024xi32, #tpu.memory_space<hbm>>
    %dma_wait3A_155 = arith.constant 0 : i32
    %dma_wait3A_156 = tpu.memref_slice %arg8[%dma_wait3A_142, %dma_wait3A_143, %dma_wait3A_155] : memref<2x12x1024xi32, #tpu.memory_space<vmem>> -> memref<1x1x1024xi32, #tpu.memory_space<vmem>>
    %dma_wait3A_157 = tpu.memref_squeeze %dma_wait3A_156 : memref<1x1x1024xi32, #tpu.memory_space<vmem>> -> memref<1024xi32, #tpu.memory_space<vmem>>
    tpu.wait_dma2 semaphore(%dma_wait3A_152 : memref<!tpu.dma_semaphore, #tpu.memory_space<semaphore_mem>>) src(%dma_wait3A_157 : memref<1024xi32, #tpu.memory_space<vmem>>) dst(%dma_wait3A_154 : memref<1024xi32, #tpu.memory_space<hbm>>)
    %add3A_158 = arith.constant 14336 : i32
    %add3A_159 = arith.addi %mul3A_2, %add3A_158 : i32
    %dma_wait3A_160 = arith.constant 0 : i32
    %dma_wait3A_161 = arith.constant 8 : i32
    %dma_wait3A_162 = arith.constant 8 : i32
    %dma_wait3A_163 = arith.constant 0 : i32
    %dma_wait3A_164 = arith.constant 0 : i32
    %dma_wait3A_165 = tpu.memref_slice %arg8[%dma_wait3A_160, %dma_wait3A_161, %dma_wait3A_164] : memref<2x12x1024xi32, #tpu.memory_space<vmem>> -> memref<1x1x1024xi32, #tpu.memory_space<vmem>>
    %dma_wait3A_166 = tpu.memref_squeeze %dma_wait3A_165 : memref<1x1x1024xi32, #tpu.memory_space<vmem>> -> memref<1024xi32, #tpu.memory_space<vmem>>
    %dma_wait3A_167 = tpu.memref_slice %arg5[%dma_wait3A_162, %add3A_159] : memref<12x524288xi32, #tpu.memory_space<hbm>> -> memref<1x1024xi32, #tpu.memory_space<hbm>>
    %dma_wait3A_168 = tpu.memref_squeeze %dma_wait3A_167 : memref<1x1024xi32, #tpu.memory_space<hbm>> -> memref<1024xi32, #tpu.memory_space<hbm>>
    %dma_wait3A_169 = tpu.memref_slice %arg14[%dma_wait3A_163] : memref<2x!tpu.dma_semaphore, #tpu.memory_space<semaphore_mem>> -> memref<1x!tpu.dma_semaphore, #tpu.memory_space<semaphore_mem>>
    %dma_wait3A_170 = tpu.memref_squeeze %dma_wait3A_169 : memref<1x!tpu.dma_semaphore, #tpu.memory_space<semaphore_mem>> -> memref<!tpu.dma_semaphore, #tpu.memory_space<semaphore_mem>>
    %dma_wait3A_171 = tpu.memref_slice %arg5[%dma_wait3A_162, %add3A_159] : memref<12x524288xi32, #tpu.memory_space<hbm>> -> memref<1x1024xi32, #tpu.memory_space<hbm>>
    %dma_wait3A_172 = tpu.memref_squeeze %dma_wait3A_171 : memref<1x1024xi32, #tpu.memory_space<hbm>> -> memref<1024xi32, #tpu.memory_space<hbm>>
    %dma_wait3A_173 = arith.constant 0 : i32
    %dma_wait3A_174 = tpu.memref_slice %arg8[%dma_wait3A_160, %dma_wait3A_161, %dma_wait3A_173] : memref<2x12x1024xi32, #tpu.memory_space<vmem>> -> memref<1x1x1024xi32, #tpu.memory_space<vmem>>
    %dma_wait3A_175 = tpu.memref_squeeze %dma_wait3A_174 : memref<1x1x1024xi32, #tpu.memory_space<vmem>> -> memref<1024xi32, #tpu.memory_space<vmem>>
    tpu.wait_dma2 semaphore(%dma_wait3A_170 : memref<!tpu.dma_semaphore, #tpu.memory_space<semaphore_mem>>) src(%dma_wait3A_175 : memref<1024xi32, #tpu.memory_space<vmem>>) dst(%dma_wait3A_172 : memref<1024xi32, #tpu.memory_space<hbm>>)
    %add3A_176 = arith.constant 14336 : i32
    %add3A_177 = arith.addi %mul3A_2, %add3A_176 : i32
    %dma_wait3A_178 = arith.constant 0 : i32
    %dma_wait3A_179 = arith.constant 9 : i32
    %dma_wait3A_180 = arith.constant 9 : i32
    %dma_wait3A_181 = arith.constant 0 : i32
    %dma_wait3A_182 = arith.constant 0 : i32
    %dma_wait3A_183 = tpu.memref_slice %arg8[%dma_wait3A_178, %dma_wait3A_179, %dma_wait3A_182] : memref<2x12x1024xi32, #tpu.memory_space<vmem>> -> memref<1x1x1024xi32, #tpu.memory_space<vmem>>
    %dma_wait3A_184 = tpu.memref_squeeze %dma_wait3A_183 : memref<1x1x1024xi32, #tpu.memory_space<vmem>> -> memref<1024xi32, #tpu.memory_space<vmem>>
    %dma_wait3A_185 = tpu.memref_slice %arg5[%dma_wait3A_180, %add3A_177] : memref<12x524288xi32, #tpu.memory_space<hbm>> -> memref<1x1024xi32, #tpu.memory_space<hbm>>
    %dma_wait3A_186 = tpu.memref_squeeze %dma_wait3A_185 : memref<1x1024xi32, #tpu.memory_space<hbm>> -> memref<1024xi32, #tpu.memory_space<hbm>>
    %dma_wait3A_187 = tpu.memref_slice %arg14[%dma_wait3A_181] : memref<2x!tpu.dma_semaphore, #tpu.memory_space<semaphore_mem>> -> memref<1x!tpu.dma_semaphore, #tpu.memory_space<semaphore_mem>>
    %dma_wait3A_188 = tpu.memref_squeeze %dma_wait3A_187 : memref<1x!tpu.dma_semaphore, #tpu.memory_space<semaphore_mem>> -> memref<!tpu.dma_semaphore, #tpu.memory_space<semaphore_mem>>
    %dma_wait3A_189 = tpu.memref_slice %arg5[%dma_wait3A_180, %add3A_177] : memref<12x524288xi32, #tpu.memory_space<hbm>> -> memref<1x1024xi32, #tpu.memory_space<hbm>>
    %dma_wait3A_190 = tpu.memref_squeeze %dma_wait3A_189 : memref<1x1024xi32, #tpu.memory_space<hbm>> -> memref<1024xi32, #tpu.memory_space<hbm>>
    %dma_wait3A_191 = arith.constant 0 : i32
    %dma_wait3A_192 = tpu.memref_slice %arg8[%dma_wait3A_178, %dma_wait3A_179, %dma_wait3A_191] : memref<2x12x1024xi32, #tpu.memory_space<vmem>> -> memref<1x1x1024xi32, #tpu.memory_space<vmem>>
    %dma_wait3A_193 = tpu.memref_squeeze %dma_wait3A_192 : memref<1x1x1024xi32, #tpu.memory_space<vmem>> -> memref<1024xi32, #tpu.memory_space<vmem>>
    tpu.wait_dma2 semaphore(%dma_wait3A_188 : memref<!tpu.dma_semaphore, #tpu.memory_space<semaphore_mem>>) src(%dma_wait3A_193 : memref<1024xi32, #tpu.memory_space<vmem>>) dst(%dma_wait3A_190 : memref<1024xi32, #tpu.memory_space<hbm>>)
    %add3A_194 = arith.constant 14336 : i32
    %add3A_195 = arith.addi %mul3A_2, %add3A_194 : i32
    %dma_wait3A_196 = arith.constant 0 : i32
    %dma_wait3A_197 = arith.constant 10 : i32
    %dma_wait3A_198 = arith.constant 10 : i32
    %dma_wait3A_199 = arith.constant 0 : i32
    %dma_wait3A_200 = arith.constant 0 : i32
    %dma_wait3A_201 = tpu.memref_slice %arg8[%dma_wait3A_196, %dma_wait3A_197, %dma_wait3A_200] : memref<2x12x1024xi32, #tpu.memory_space<vmem>> -> memref<1x1x1024xi32, #tpu.memory_space<vmem>>
    %dma_wait3A_202 = tpu.memref_squeeze %dma_wait3A_201 : memref<1x1x1024xi32, #tpu.memory_space<vmem>> -> memref<1024xi32, #tpu.memory_space<vmem>>
    %dma_wait3A_203 = tpu.memref_slice %arg5[%dma_wait3A_198, %add3A_195] : memref<12x524288xi32, #tpu.memory_space<hbm>> -> memref<1x1024xi32, #tpu.memory_space<hbm>>
    %dma_wait3A_204 = tpu.memref_squeeze %dma_wait3A_203 : memref<1x1024xi32, #tpu.memory_space<hbm>> -> memref<1024xi32, #tpu.memory_space<hbm>>
    %dma_wait3A_205 = tpu.memref_slice %arg14[%dma_wait3A_199] : memref<2x!tpu.dma_semaphore, #tpu.memory_space<semaphore_mem>> -> memref<1x!tpu.dma_semaphore, #tpu.memory_space<semaphore_mem>>
    %dma_wait3A_206 = tpu.memref_squeeze %dma_wait3A_205 : memref<1x!tpu.dma_semaphore, #tpu.memory_space<semaphore_mem>> -> memref<!tpu.dma_semaphore, #tpu.memory_space<semaphore_mem>>
    %dma_wait3A_207 = tpu.memref_slice %arg5[%dma_wait3A_198, %add3A_195] : memref<12x524288xi32, #tpu.memory_space<hbm>> -> memref<1x1024xi32, #tpu.memory_space<hbm>>
    %dma_wait3A_208 = tpu.memref_squeeze %dma_wait3A_207 : memref<1x1024xi32, #tpu.memory_space<hbm>> -> memref<1024xi32, #tpu.memory_space<hbm>>
    %dma_wait3A_209 = arith.constant 0 : i32
    %dma_wait3A_210 = tpu.memref_slice %arg8[%dma_wait3A_196, %dma_wait3A_197, %dma_wait3A_209] : memref<2x12x1024xi32, #tpu.memory_space<vmem>> -> memref<1x1x1024xi32, #tpu.memory_space<vmem>>
    %dma_wait3A_211 = tpu.memref_squeeze %dma_wait3A_210 : memref<1x1x1024xi32, #tpu.memory_space<vmem>> -> memref<1024xi32, #tpu.memory_space<vmem>>
    tpu.wait_dma2 semaphore(%dma_wait3A_206 : memref<!tpu.dma_semaphore, #tpu.memory_space<semaphore_mem>>) src(%dma_wait3A_211 : memref<1024xi32, #tpu.memory_space<vmem>>) dst(%dma_wait3A_208 : memref<1024xi32, #tpu.memory_space<hbm>>)
    %add3A_212 = arith.constant 14336 : i32
    %add3A_213 = arith.addi %mul3A_2, %add3A_212 : i32
    %dma_wait3A_214 = arith.constant 0 : i32
    %dma_wait3A_215 = arith.constant 11 : i32
    %dma_wait3A_216 = arith.constant 11 : i32
    %dma_wait3A_217 = arith.constant 0 : i32
    %dma_wait3A_218 = arith.constant 0 : i32
    %dma_wait3A_219 = tpu.memref_slice %arg8[%dma_wait3A_214, %dma_wait3A_215, %dma_wait3A_218] : memref<2x12x1024xi32, #tpu.memory_space<vmem>> -> memref<1x1x1024xi32, #tpu.memory_space<vmem>>
    %dma_wait3A_220 = tpu.memref_squeeze %dma_wait3A_219 : memref<1x1x1024xi32, #tpu.memory_space<vmem>> -> memref<1024xi32, #tpu.memory_space<vmem>>
    %dma_wait3A_221 = tpu.memref_slice %arg5[%dma_wait3A_216, %add3A_213] : memref<12x524288xi32, #tpu.memory_space<hbm>> -> memref<1x1024xi32, #tpu.memory_space<hbm>>
    %dma_wait3A_222 = tpu.memref_squeeze %dma_wait3A_221 : memref<1x1024xi32, #tpu.memory_space<hbm>> -> memref<1024xi32, #tpu.memory_space<hbm>>
    %dma_wait3A_223 = tpu.memref_slice %arg14[%dma_wait3A_217] : memref<2x!tpu.dma_semaphore, #tpu.memory_space<semaphore_mem>> -> memref<1x!tpu.dma_semaphore, #tpu.memory_space<semaphore_mem>>
    %dma_wait3A_224 = tpu.memref_squeeze %dma_wait3A_223 : memref<1x!tpu.dma_semaphore, #tpu.memory_space<semaphore_mem>> -> memref<!tpu.dma_semaphore, #tpu.memory_space<semaphore_mem>>
    %dma_wait3A_225 = tpu.memref_slice %arg5[%dma_wait3A_216, %add3A_213] : memref<12x524288xi32, #tpu.memory_space<hbm>> -> memref<1x1024xi32, #tpu.memory_space<hbm>>
    %dma_wait3A_226 = tpu.memref_squeeze %dma_wait3A_225 : memref<1x1024xi32, #tpu.memory_space<hbm>> -> memref<1024xi32, #tpu.memory_space<hbm>>
    %dma_wait3A_227 = arith.constant 0 : i32
    %dma_wait3A_228 = tpu.memref_slice %arg8[%dma_wait3A_214, %dma_wait3A_215, %dma_wait3A_227] : memref<2x12x1024xi32, #tpu.memory_space<vmem>> -> memref<1x1x1024xi32, #tpu.memory_space<vmem>>
    %dma_wait3A_229 = tpu.memref_squeeze %dma_wait3A_228 : memref<1x1x1024xi32, #tpu.memory_space<vmem>> -> memref<1024xi32, #tpu.memory_space<vmem>>
    tpu.wait_dma2 semaphore(%dma_wait3A_224 : memref<!tpu.dma_semaphore, #tpu.memory_space<semaphore_mem>>) src(%dma_wait3A_229 : memref<1024xi32, #tpu.memory_space<vmem>>) dst(%dma_wait3A_226 : memref<1024xi32, #tpu.memory_space<hbm>>)
    %add3A_230 = arith.constant 15360 : i32
    %add3A_231 = arith.addi %mul3A_2, %add3A_230 : i32
    %dma_wait3A_232 = arith.constant 1 : i32
    %dma_wait3A_233 = arith.constant 0 : i32
    %dma_wait3A_234 = arith.constant 0 : i32
    %dma_wait3A_235 = arith.constant 1 : i32
    %dma_wait3A_236 = arith.constant 0 : i32
    %dma_wait3A_237 = tpu.memref_slice %arg8[%dma_wait3A_232, %dma_wait3A_233, %dma_wait3A_236] : memref<2x12x1024xi32, #tpu.memory_space<vmem>> -> memref<1x1x1024xi32, #tpu.memory_space<vmem>>
    %dma_wait3A_238 = tpu.memref_squeeze %dma_wait3A_237 : memref<1x1x1024xi32, #tpu.memory_space<vmem>> -> memref<1024xi32, #tpu.memory_space<vmem>>
    %dma_wait3A_239 = tpu.memref_slice %arg5[%dma_wait3A_234, %add3A_231] : memref<12x524288xi32, #tpu.memory_space<hbm>> -> memref<1x1024xi32, #tpu.memory_space<hbm>>
    %dma_wait3A_240 = tpu.memref_squeeze %dma_wait3A_239 : memref<1x1024xi32, #tpu.memory_space<hbm>> -> memref<1024xi32, #tpu.memory_space<hbm>>
    %dma_wait3A_241 = tpu.memref_slice %arg14[%dma_wait3A_235] : memref<2x!tpu.dma_semaphore, #tpu.memory_space<semaphore_mem>> -> memref<1x!tpu.dma_semaphore, #tpu.memory_space<semaphore_mem>>
    %dma_wait3A_242 = tpu.memref_squeeze %dma_wait3A_241 : memref<1x!tpu.dma_semaphore, #tpu.memory_space<semaphore_mem>> -> memref<!tpu.dma_semaphore, #tpu.memory_space<semaphore_mem>>
    %dma_wait3A_243 = tpu.memref_slice %arg5[%dma_wait3A_234, %add3A_231] : memref<12x524288xi32, #tpu.memory_space<hbm>> -> memref<1x1024xi32, #tpu.memory_space<hbm>>
    %dma_wait3A_244 = tpu.memref_squeeze %dma_wait3A_243 : memref<1x1024xi32, #tpu.memory_space<hbm>> -> memref<1024xi32, #tpu.memory_space<hbm>>
    %dma_wait3A_245 = arith.constant 0 : i32
    %dma_wait3A_246 = tpu.memref_slice %arg8[%dma_wait3A_232, %dma_wait3A_233, %dma_wait3A_245] : memref<2x12x1024xi32, #tpu.memory_space<vmem>> -> memref<1x1x1024xi32, #tpu.memory_space<vmem>>
    %dma_wait3A_247 = tpu.memref_squeeze %dma_wait3A_246 : memref<1x1x1024xi32, #tpu.memory_space<vmem>> -> memref<1024xi32, #tpu.memory_space<vmem>>
    tpu.wait_dma2 semaphore(%dma_wait3A_242 : memref<!tpu.dma_semaphore, #tpu.memory_space<semaphore_mem>>) src(%dma_wait3A_247 : memref<1024xi32, #tpu.memory_space<vmem>>) dst(%dma_wait3A_244 : memref<1024xi32, #tpu.memory_space<hbm>>)
    %add3A_248 = arith.constant 15360 : i32
    %add3A_249 = arith.addi %mul3A_2, %add3A_248 : i32
    %dma_wait3A_250 = arith.constant 1 : i32
    %dma_wait3A_251 = arith.constant 1 : i32
    %dma_wait3A_252 = arith.constant 1 : i32
    %dma_wait3A_253 = arith.constant 1 : i32
    %dma_wait3A_254 = arith.constant 0 : i32
    %dma_wait3A_255 = tpu.memref_slice %arg8[%dma_wait3A_250, %dma_wait3A_251, %dma_wait3A_254] : memref<2x12x1024xi32, #tpu.memory_space<vmem>> -> memref<1x1x1024xi32, #tpu.memory_space<vmem>>
    %dma_wait3A_256 = tpu.memref_squeeze %dma_wait3A_255 : memref<1x1x1024xi32, #tpu.memory_space<vmem>> -> memref<1024xi32, #tpu.memory_space<vmem>>
    %dma_wait3A_257 = tpu.memref_slice %arg5[%dma_wait3A_252, %add3A_249] : memref<12x524288xi32, #tpu.memory_space<hbm>> -> memref<1x1024xi32, #tpu.memory_space<hbm>>
    %dma_wait3A_258 = tpu.memref_squeeze %dma_wait3A_257 : memref<1x1024xi32, #tpu.memory_space<hbm>> -> memref<1024xi32, #tpu.memory_space<hbm>>
    %dma_wait3A_259 = tpu.memref_slice %arg14[%dma_wait3A_253] : memref<2x!tpu.dma_semaphore, #tpu.memory_space<semaphore_mem>> -> memref<1x!tpu.dma_semaphore, #tpu.memory_space<semaphore_mem>>
    %dma_wait3A_260 = tpu.memref_squeeze %dma_wait3A_259 : memref<1x!tpu.dma_semaphore, #tpu.memory_space<semaphore_mem>> -> memref<!tpu.dma_semaphore, #tpu.memory_space<semaphore_mem>>
    %dma_wait3A_261 = tpu.memref_slice %arg5[%dma_wait3A_252, %add3A_249] : memref<12x524288xi32, #tpu.memory_space<hbm>> -> memref<1x1024xi32, #tpu.memory_space<hbm>>
    %dma_wait3A_262 = tpu.memref_squeeze %dma_wait3A_261 : memref<1x1024xi32, #tpu.memory_space<hbm>> -> memref<1024xi32, #tpu.memory_space<hbm>>
    %dma_wait3A_263 = arith.constant 0 : i32
    %dma_wait3A_264 = tpu.memref_slice %arg8[%dma_wait3A_250, %dma_wait3A_251, %dma_wait3A_263] : memref<2x12x1024xi32, #tpu.memory_space<vmem>> -> memref<1x1x1024xi32, #tpu.memory_space<vmem>>
    %dma_wait3A_265 = tpu.memref_squeeze %dma_wait3A_264 : memref<1x1x1024xi32, #tpu.memory_space<vmem>> -> memref<1024xi32, #tpu.memory_space<vmem>>
    tpu.wait_dma2 semaphore(%dma_wait3A_260 : memref<!tpu.dma_semaphore, #tpu.memory_space<semaphore_mem>>) src(%dma_wait3A_265 : memref<1024xi32, #tpu.memory_space<vmem>>) dst(%dma_wait3A_262 : memref<1024xi32, #tpu.memory_space<hbm>>)
    %add3A_266 = arith.constant 15360 : i32
    %add3A_267 = arith.addi %mul3A_2, %add3A_266 : i32
    %dma_wait3A_268 = arith.constant 1 : i32
    %dma_wait3A_269 = arith.constant 2 : i32
    %dma_wait3A_270 = arith.constant 2 : i32
    %dma_wait3A_271 = arith.constant 1 : i32
    %dma_wait3A_272 = arith.constant 0 : i32
    %dma_wait3A_273 = tpu.memref_slice %arg8[%dma_wait3A_268, %dma_wait3A_269, %dma_wait3A_272] : memref<2x12x1024xi32, #tpu.memory_space<vmem>> -> memref<1x1x1024xi32, #tpu.memory_space<vmem>>
    %dma_wait3A_274 = tpu.memref_squeeze %dma_wait3A_273 : memref<1x1x1024xi32, #tpu.memory_space<vmem>> -> memref<1024xi32, #tpu.memory_space<vmem>>
    %dma_wait3A_275 = tpu.memref_slice %arg5[%dma_wait3A_270, %add3A_267] : memref<12x524288xi32, #tpu.memory_space<hbm>> -> memref<1x1024xi32, #tpu.memory_space<hbm>>
    %dma_wait3A_276 = tpu.memref_squeeze %dma_wait3A_275 : memref<1x1024xi32, #tpu.memory_space<hbm>> -> memref<1024xi32, #tpu.memory_space<hbm>>
    %dma_wait3A_277 = tpu.memref_slice %arg14[%dma_wait3A_271] : memref<2x!tpu.dma_semaphore, #tpu.memory_space<semaphore_mem>> -> memref<1x!tpu.dma_semaphore, #tpu.memory_space<semaphore_mem>>
    %dma_wait3A_278 = tpu.memref_squeeze %dma_wait3A_277 : memref<1x!tpu.dma_semaphore, #tpu.memory_space<semaphore_mem>> -> memref<!tpu.dma_semaphore, #tpu.memory_space<semaphore_mem>>
    %dma_wait3A_279 = tpu.memref_slice %arg5[%dma_wait3A_270, %add3A_267] : memref<12x524288xi32, #tpu.memory_space<hbm>> -> memref<1x1024xi32, #tpu.memory_space<hbm>>
    %dma_wait3A_280 = tpu.memref_squeeze %dma_wait3A_279 : memref<1x1024xi32, #tpu.memory_space<hbm>> -> memref<1024xi32, #tpu.memory_space<hbm>>
    %dma_wait3A_281 = arith.constant 0 : i32
    %dma_wait3A_282 = tpu.memref_slice %arg8[%dma_wait3A_268, %dma_wait3A_269, %dma_wait3A_281] : memref<2x12x1024xi32, #tpu.memory_space<vmem>> -> memref<1x1x1024xi32, #tpu.memory_space<vmem>>
    %dma_wait3A_283 = tpu.memref_squeeze %dma_wait3A_282 : memref<1x1x1024xi32, #tpu.memory_space<vmem>> -> memref<1024xi32, #tpu.memory_space<vmem>>
    tpu.wait_dma2 semaphore(%dma_wait3A_278 : memref<!tpu.dma_semaphore, #tpu.memory_space<semaphore_mem>>) src(%dma_wait3A_283 : memref<1024xi32, #tpu.memory_space<vmem>>) dst(%dma_wait3A_280 : memref<1024xi32, #tpu.memory_space<hbm>>)
    %add3A_284 = arith.constant 15360 : i32
    %add3A_285 = arith.addi %mul3A_2, %add3A_284 : i32
    %dma_wait3A_286 = arith.constant 1 : i32
    %dma_wait3A_287 = arith.constant 3 : i32
    %dma_wait3A_288 = arith.constant 3 : i32
    %dma_wait3A_289 = arith.constant 1 : i32
    %dma_wait3A_290 = arith.constant 0 : i32
    %dma_wait3A_291 = tpu.memref_slice %arg8[%dma_wait3A_286, %dma_wait3A_287, %dma_wait3A_290] : memref<2x12x1024xi32, #tpu.memory_space<vmem>> -> memref<1x1x1024xi32, #tpu.memory_space<vmem>>
    %dma_wait3A_292 = tpu.memref_squeeze %dma_wait3A_291 : memref<1x1x1024xi32, #tpu.memory_space<vmem>> -> memref<1024xi32, #tpu.memory_space<vmem>>
    %dma_wait3A_293 = tpu.memref_slice %arg5[%dma_wait3A_288, %add3A_285] : memref<12x524288xi32, #tpu.memory_space<hbm>> -> memref<1x1024xi32, #tpu.memory_space<hbm>>
    %dma_wait3A_294 = tpu.memref_squeeze %dma_wait3A_293 : memref<1x1024xi32, #tpu.memory_space<hbm>> -> memref<1024xi32, #tpu.memory_space<hbm>>
    %dma_wait3A_295 = tpu.memref_slice %arg14[%dma_wait3A_289] : memref<2x!tpu.dma_semaphore, #tpu.memory_space<semaphore_mem>> -> memref<1x!tpu.dma_semaphore, #tpu.memory_space<semaphore_mem>>
    %dma_wait3A_296 = tpu.memref_squeeze %dma_wait3A_295 : memref<1x!tpu.dma_semaphore, #tpu.memory_space<semaphore_mem>> -> memref<!tpu.dma_semaphore, #tpu.memory_space<semaphore_mem>>
    %dma_wait3A_297 = tpu.memref_slice %arg5[%dma_wait3A_288, %add3A_285] : memref<12x524288xi32, #tpu.memory_space<hbm>> -> memref<1x1024xi32, #tpu.memory_space<hbm>>
    %dma_wait3A_298 = tpu.memref_squeeze %dma_wait3A_297 : memref<1x1024xi32, #tpu.memory_space<hbm>> -> memref<1024xi32, #tpu.memory_space<hbm>>
    %dma_wait3A_299 = arith.constant 0 : i32
    %dma_wait3A_300 = tpu.memref_slice %arg8[%dma_wait3A_286, %dma_wait3A_287, %dma_wait3A_299] : memref<2x12x1024xi32, #tpu.memory_space<vmem>> -> memref<1x1x1024xi32, #tpu.memory_space<vmem>>
    %dma_wait3A_301 = tpu.memref_squeeze %dma_wait3A_300 : memref<1x1x1024xi32, #tpu.memory_space<vmem>> -> memref<1024xi32, #tpu.memory_space<vmem>>
    tpu.wait_dma2 semaphore(%dma_wait3A_296 : memref<!tpu.dma_semaphore, #tpu.memory_space<semaphore_mem>>) src(%dma_wait3A_301 : memref<1024xi32, #tpu.memory_space<vmem>>) dst(%dma_wait3A_298 : memref<1024xi32, #tpu.memory_space<hbm>>)
    %add3A_302 = arith.constant 15360 : i32
    %add3A_303 = arith.addi %mul3A_2, %add3A_302 : i32
    %dma_wait3A_304 = arith.constant 1 : i32
    %dma_wait3A_305 = arith.constant 4 : i32
    %dma_wait3A_306 = arith.constant 4 : i32
    %dma_wait3A_307 = arith.constant 1 : i32
    %dma_wait3A_308 = arith.constant 0 : i32
    %dma_wait3A_309 = tpu.memref_slice %arg8[%dma_wait3A_304, %dma_wait3A_305, %dma_wait3A_308] : memref<2x12x1024xi32, #tpu.memory_space<vmem>> -> memref<1x1x1024xi32, #tpu.memory_space<vmem>>
    %dma_wait3A_310 = tpu.memref_squeeze %dma_wait3A_309 : memref<1x1x1024xi32, #tpu.memory_space<vmem>> -> memref<1024xi32, #tpu.memory_space<vmem>>
    %dma_wait3A_311 = tpu.memref_slice %arg5[%dma_wait3A_306, %add3A_303] : memref<12x524288xi32, #tpu.memory_space<hbm>> -> memref<1x1024xi32, #tpu.memory_space<hbm>>
    %dma_wait3A_312 = tpu.memref_squeeze %dma_wait3A_311 : memref<1x1024xi32, #tpu.memory_space<hbm>> -> memref<1024xi32, #tpu.memory_space<hbm>>
    %dma_wait3A_313 = tpu.memref_slice %arg14[%dma_wait3A_307] : memref<2x!tpu.dma_semaphore, #tpu.memory_space<semaphore_mem>> -> memref<1x!tpu.dma_semaphore, #tpu.memory_space<semaphore_mem>>
    %dma_wait3A_314 = tpu.memref_squeeze %dma_wait3A_313 : memref<1x!tpu.dma_semaphore, #tpu.memory_space<semaphore_mem>> -> memref<!tpu.dma_semaphore, #tpu.memory_space<semaphore_mem>>
    %dma_wait3A_315 = tpu.memref_slice %arg5[%dma_wait3A_306, %add3A_303] : memref<12x524288xi32, #tpu.memory_space<hbm>> -> memref<1x1024xi32, #tpu.memory_space<hbm>>
    %dma_wait3A_316 = tpu.memref_squeeze %dma_wait3A_315 : memref<1x1024xi32, #tpu.memory_space<hbm>> -> memref<1024xi32, #tpu.memory_space<hbm>>
    %dma_wait3A_317 = arith.constant 0 : i32
    %dma_wait3A_318 = tpu.memref_slice %arg8[%dma_wait3A_304, %dma_wait3A_305, %dma_wait3A_317] : memref<2x12x1024xi32, #tpu.memory_space<vmem>> -> memref<1x1x1024xi32, #tpu.memory_space<vmem>>
    %dma_wait3A_319 = tpu.memref_squeeze %dma_wait3A_318 : memref<1x1x1024xi32, #tpu.memory_space<vmem>> -> memref<1024xi32, #tpu.memory_space<vmem>>
    tpu.wait_dma2 semaphore(%dma_wait3A_314 : memref<!tpu.dma_semaphore, #tpu.memory_space<semaphore_mem>>) src(%dma_wait3A_319 : memref<1024xi32, #tpu.memory_space<vmem>>) dst(%dma_wait3A_316 : memref<1024xi32, #tpu.memory_space<hbm>>)
    %add3A_320 = arith.constant 15360 : i32
    %add3A_321 = arith.addi %mul3A_2, %add3A_320 : i32
    %dma_wait3A_322 = arith.constant 1 : i32
    %dma_wait3A_323 = arith.constant 5 : i32
    %dma_wait3A_324 = arith.constant 5 : i32
    %dma_wait3A_325 = arith.constant 1 : i32
    %dma_wait3A_326 = arith.constant 0 : i32
    %dma_wait3A_327 = tpu.memref_slice %arg8[%dma_wait3A_322, %dma_wait3A_323, %dma_wait3A_326] : memref<2x12x1024xi32, #tpu.memory_space<vmem>> -> memref<1x1x1024xi32, #tpu.memory_space<vmem>>
    %dma_wait3A_328 = tpu.memref_squeeze %dma_wait3A_327 : memref<1x1x1024xi32, #tpu.memory_space<vmem>> -> memref<1024xi32, #tpu.memory_space<vmem>>
    %dma_wait3A_329 = tpu.memref_slice %arg5[%dma_wait3A_324, %add3A_321] : memref<12x524288xi32, #tpu.memory_space<hbm>> -> memref<1x1024xi32, #tpu.memory_space<hbm>>
    %dma_wait3A_330 = tpu.memref_squeeze %dma_wait3A_329 : memref<1x1024xi32, #tpu.memory_space<hbm>> -> memref<1024xi32, #tpu.memory_space<hbm>>
    %dma_wait3A_331 = tpu.memref_slice %arg14[%dma_wait3A_325] : memref<2x!tpu.dma_semaphore, #tpu.memory_space<semaphore_mem>> -> memref<1x!tpu.dma_semaphore, #tpu.memory_space<semaphore_mem>>
    %dma_wait3A_332 = tpu.memref_squeeze %dma_wait3A_331 : memref<1x!tpu.dma_semaphore, #tpu.memory_space<semaphore_mem>> -> memref<!tpu.dma_semaphore, #tpu.memory_space<semaphore_mem>>
    %dma_wait3A_333 = tpu.memref_slice %arg5[%dma_wait3A_324, %add3A_321] : memref<12x524288xi32, #tpu.memory_space<hbm>> -> memref<1x1024xi32, #tpu.memory_space<hbm>>
    %dma_wait3A_334 = tpu.memref_squeeze %dma_wait3A_333 : memref<1x1024xi32, #tpu.memory_space<hbm>> -> memref<1024xi32, #tpu.memory_space<hbm>>
    %dma_wait3A_335 = arith.constant 0 : i32
    %dma_wait3A_336 = tpu.memref_slice %arg8[%dma_wait3A_322, %dma_wait3A_323, %dma_wait3A_335] : memref<2x12x1024xi32, #tpu.memory_space<vmem>> -> memref<1x1x1024xi32, #tpu.memory_space<vmem>>
    %dma_wait3A_337 = tpu.memref_squeeze %dma_wait3A_336 : memref<1x1x1024xi32, #tpu.memory_space<vmem>> -> memref<1024xi32, #tpu.memory_space<vmem>>
    tpu.wait_dma2 semaphore(%dma_wait3A_332 : memref<!tpu.dma_semaphore, #tpu.memory_space<semaphore_mem>>) src(%dma_wait3A_337 : memref<1024xi32, #tpu.memory_space<vmem>>) dst(%dma_wait3A_334 : memref<1024xi32, #tpu.memory_space<hbm>>)
    %add3A_338 = arith.constant 15360 : i32
    %add3A_339 = arith.addi %mul3A_2, %add3A_338 : i32
    %dma_wait3A_340 = arith.constant 1 : i32
    %dma_wait3A_341 = arith.constant 6 : i32
    %dma_wait3A_342 = arith.constant 6 : i32
    %dma_wait3A_343 = arith.constant 1 : i32
    %dma_wait3A_344 = arith.constant 0 : i32
    %dma_wait3A_345 = tpu.memref_slice %arg8[%dma_wait3A_340, %dma_wait3A_341, %dma_wait3A_344] : memref<2x12x1024xi32, #tpu.memory_space<vmem>> -> memref<1x1x1024xi32, #tpu.memory_space<vmem>>
    %dma_wait3A_346 = tpu.memref_squeeze %dma_wait3A_345 : memref<1x1x1024xi32, #tpu.memory_space<vmem>> -> memref<1024xi32, #tpu.memory_space<vmem>>
    %dma_wait3A_347 = tpu.memref_slice %arg5[%dma_wait3A_342, %add3A_339] : memref<12x524288xi32, #tpu.memory_space<hbm>> -> memref<1x1024xi32, #tpu.memory_space<hbm>>
    %dma_wait3A_348 = tpu.memref_squeeze %dma_wait3A_347 : memref<1x1024xi32, #tpu.memory_space<hbm>> -> memref<1024xi32, #tpu.memory_space<hbm>>
    %dma_wait3A_349 = tpu.memref_slice %arg14[%dma_wait3A_343] : memref<2x!tpu.dma_semaphore, #tpu.memory_space<semaphore_mem>> -> memref<1x!tpu.dma_semaphore, #tpu.memory_space<semaphore_mem>>
    %dma_wait3A_350 = tpu.memref_squeeze %dma_wait3A_349 : memref<1x!tpu.dma_semaphore, #tpu.memory_space<semaphore_mem>> -> memref<!tpu.dma_semaphore, #tpu.memory_space<semaphore_mem>>
    %dma_wait3A_351 = tpu.memref_slice %arg5[%dma_wait3A_342, %add3A_339] : memref<12x524288xi32, #tpu.memory_space<hbm>> -> memref<1x1024xi32, #tpu.memory_space<hbm>>
    %dma_wait3A_352 = tpu.memref_squeeze %dma_wait3A_351 : memref<1x1024xi32, #tpu.memory_space<hbm>> -> memref<1024xi32, #tpu.memory_space<hbm>>
    %dma_wait3A_353 = arith.constant 0 : i32
    %dma_wait3A_354 = tpu.memref_slice %arg8[%dma_wait3A_340, %dma_wait3A_341, %dma_wait3A_353] : memref<2x12x1024xi32, #tpu.memory_space<vmem>> -> memref<1x1x1024xi32, #tpu.memory_space<vmem>>
    %dma_wait3A_355 = tpu.memref_squeeze %dma_wait3A_354 : memref<1x1x1024xi32, #tpu.memory_space<vmem>> -> memref<1024xi32, #tpu.memory_space<vmem>>
    tpu.wait_dma2 semaphore(%dma_wait3A_350 : memref<!tpu.dma_semaphore, #tpu.memory_space<semaphore_mem>>) src(%dma_wait3A_355 : memref<1024xi32, #tpu.memory_space<vmem>>) dst(%dma_wait3A_352 : memref<1024xi32, #tpu.memory_space<hbm>>)
    %add3A_356 = arith.constant 15360 : i32
    %add3A_357 = arith.addi %mul3A_2, %add3A_356 : i32
    %dma_wait3A_358 = arith.constant 1 : i32
    %dma_wait3A_359 = arith.constant 7 : i32
    %dma_wait3A_360 = arith.constant 7 : i32
    %dma_wait3A_361 = arith.constant 1 : i32
    %dma_wait3A_362 = arith.constant 0 : i32
    %dma_wait3A_363 = tpu.memref_slice %arg8[%dma_wait3A_358, %dma_wait3A_359, %dma_wait3A_362] : memref<2x12x1024xi32, #tpu.memory_space<vmem>> -> memref<1x1x1024xi32, #tpu.memory_space<vmem>>
    %dma_wait3A_364 = tpu.memref_squeeze %dma_wait3A_363 : memref<1x1x1024xi32, #tpu.memory_space<vmem>> -> memref<1024xi32, #tpu.memory_space<vmem>>
    %dma_wait3A_365 = tpu.memref_slice %arg5[%dma_wait3A_360, %add3A_357] : memref<12x524288xi32, #tpu.memory_space<hbm>> -> memref<1x1024xi32, #tpu.memory_space<hbm>>
    %dma_wait3A_366 = tpu.memref_squeeze %dma_wait3A_365 : memref<1x1024xi32, #tpu.memory_space<hbm>> -> memref<1024xi32, #tpu.memory_space<hbm>>
    %dma_wait3A_367 = tpu.memref_slice %arg14[%dma_wait3A_361] : memref<2x!tpu.dma_semaphore, #tpu.memory_space<semaphore_mem>> -> memref<1x!tpu.dma_semaphore, #tpu.memory_space<semaphore_mem>>
    %dma_wait3A_368 = tpu.memref_squeeze %dma_wait3A_367 : memref<1x!tpu.dma_semaphore, #tpu.memory_space<semaphore_mem>> -> memref<!tpu.dma_semaphore, #tpu.memory_space<semaphore_mem>>
    %dma_wait3A_369 = tpu.memref_slice %arg5[%dma_wait3A_360, %add3A_357] : memref<12x524288xi32, #tpu.memory_space<hbm>> -> memref<1x1024xi32, #tpu.memory_space<hbm>>
    %dma_wait3A_370 = tpu.memref_squeeze %dma_wait3A_369 : memref<1x1024xi32, #tpu.memory_space<hbm>> -> memref<1024xi32, #tpu.memory_space<hbm>>
    %dma_wait3A_371 = arith.constant 0 : i32
    %dma_wait3A_372 = tpu.memref_slice %arg8[%dma_wait3A_358, %dma_wait3A_359, %dma_wait3A_371] : memref<2x12x1024xi32, #tpu.memory_space<vmem>> -> memref<1x1x1024xi32, #tpu.memory_space<vmem>>
    %dma_wait3A_373 = tpu.memref_squeeze %dma_wait3A_372 : memref<1x1x1024xi32, #tpu.memory_space<vmem>> -> memref<1024xi32, #tpu.memory_space<vmem>>
    tpu.wait_dma2 semaphore(%dma_wait3A_368 : memref<!tpu.dma_semaphore, #tpu.memory_space<semaphore_mem>>) src(%dma_wait3A_373 : memref<1024xi32, #tpu.memory_space<vmem>>) dst(%dma_wait3A_370 : memref<1024xi32, #tpu.memory_space<hbm>>)
    %add3A_374 = arith.constant 15360 : i32
    %add3A_375 = arith.addi %mul3A_2, %add3A_374 : i32
    %dma_wait3A_376 = arith.constant 1 : i32
    %dma_wait3A_377 = arith.constant 8 : i32
    %dma_wait3A_378 = arith.constant 8 : i32
    %dma_wait3A_379 = arith.constant 1 : i32
    %dma_wait3A_380 = arith.constant 0 : i32
    %dma_wait3A_381 = tpu.memref_slice %arg8[%dma_wait3A_376, %dma_wait3A_377, %dma_wait3A_380] : memref<2x12x1024xi32, #tpu.memory_space<vmem>> -> memref<1x1x1024xi32, #tpu.memory_space<vmem>>
    %dma_wait3A_382 = tpu.memref_squeeze %dma_wait3A_381 : memref<1x1x1024xi32, #tpu.memory_space<vmem>> -> memref<1024xi32, #tpu.memory_space<vmem>>
    %dma_wait3A_383 = tpu.memref_slice %arg5[%dma_wait3A_378, %add3A_375] : memref<12x524288xi32, #tpu.memory_space<hbm>> -> memref<1x1024xi32, #tpu.memory_space<hbm>>
    %dma_wait3A_384 = tpu.memref_squeeze %dma_wait3A_383 : memref<1x1024xi32, #tpu.memory_space<hbm>> -> memref<1024xi32, #tpu.memory_space<hbm>>
    %dma_wait3A_385 = tpu.memref_slice %arg14[%dma_wait3A_379] : memref<2x!tpu.dma_semaphore, #tpu.memory_space<semaphore_mem>> -> memref<1x!tpu.dma_semaphore, #tpu.memory_space<semaphore_mem>>
    %dma_wait3A_386 = tpu.memref_squeeze %dma_wait3A_385 : memref<1x!tpu.dma_semaphore, #tpu.memory_space<semaphore_mem>> -> memref<!tpu.dma_semaphore, #tpu.memory_space<semaphore_mem>>
    %dma_wait3A_387 = tpu.memref_slice %arg5[%dma_wait3A_378, %add3A_375] : memref<12x524288xi32, #tpu.memory_space<hbm>> -> memref<1x1024xi32, #tpu.memory_space<hbm>>
    %dma_wait3A_388 = tpu.memref_squeeze %dma_wait3A_387 : memref<1x1024xi32, #tpu.memory_space<hbm>> -> memref<1024xi32, #tpu.memory_space<hbm>>
    %dma_wait3A_389 = arith.constant 0 : i32
    %dma_wait3A_390 = tpu.memref_slice %arg8[%dma_wait3A_376, %dma_wait3A_377, %dma_wait3A_389] : memref<2x12x1024xi32, #tpu.memory_space<vmem>> -> memref<1x1x1024xi32, #tpu.memory_space<vmem>>
    %dma_wait3A_391 = tpu.memref_squeeze %dma_wait3A_390 : memref<1x1x1024xi32, #tpu.memory_space<vmem>> -> memref<1024xi32, #tpu.memory_space<vmem>>
    tpu.wait_dma2 semaphore(%dma_wait3A_386 : memref<!tpu.dma_semaphore, #tpu.memory_space<semaphore_mem>>) src(%dma_wait3A_391 : memref<1024xi32, #tpu.memory_space<vmem>>) dst(%dma_wait3A_388 : memref<1024xi32, #tpu.memory_space<hbm>>)
    %add3A_392 = arith.constant 15360 : i32
    %add3A_393 = arith.addi %mul3A_2, %add3A_392 : i32
    %dma_wait3A_394 = arith.constant 1 : i32
    %dma_wait3A_395 = arith.constant 9 : i32
    %dma_wait3A_396 = arith.constant 9 : i32
    %dma_wait3A_397 = arith.constant 1 : i32
    %dma_wait3A_398 = arith.constant 0 : i32
    %dma_wait3A_399 = tpu.memref_slice %arg8[%dma_wait3A_394, %dma_wait3A_395, %dma_wait3A_398] : memref<2x12x1024xi32, #tpu.memory_space<vmem>> -> memref<1x1x1024xi32, #tpu.memory_space<vmem>>
    %dma_wait3A_400 = tpu.memref_squeeze %dma_wait3A_399 : memref<1x1x1024xi32, #tpu.memory_space<vmem>> -> memref<1024xi32, #tpu.memory_space<vmem>>
    %dma_wait3A_401 = tpu.memref_slice %arg5[%dma_wait3A_396, %add3A_393] : memref<12x524288xi32, #tpu.memory_space<hbm>> -> memref<1x1024xi32, #tpu.memory_space<hbm>>
    %dma_wait3A_402 = tpu.memref_squeeze %dma_wait3A_401 : memref<1x1024xi32, #tpu.memory_space<hbm>> -> memref<1024xi32, #tpu.memory_space<hbm>>
    %dma_wait3A_403 = tpu.memref_slice %arg14[%dma_wait3A_397] : memref<2x!tpu.dma_semaphore, #tpu.memory_space<semaphore_mem>> -> memref<1x!tpu.dma_semaphore, #tpu.memory_space<semaphore_mem>>
    %dma_wait3A_404 = tpu.memref_squeeze %dma_wait3A_403 : memref<1x!tpu.dma_semaphore, #tpu.memory_space<semaphore_mem>> -> memref<!tpu.dma_semaphore, #tpu.memory_space<semaphore_mem>>
    %dma_wait3A_405 = tpu.memref_slice %arg5[%dma_wait3A_396, %add3A_393] : memref<12x524288xi32, #tpu.memory_space<hbm>> -> memref<1x1024xi32, #tpu.memory_space<hbm>>
    %dma_wait3A_406 = tpu.memref_squeeze %dma_wait3A_405 : memref<1x1024xi32, #tpu.memory_space<hbm>> -> memref<1024xi32, #tpu.memory_space<hbm>>
    %dma_wait3A_407 = arith.constant 0 : i32
    %dma_wait3A_408 = tpu.memref_slice %arg8[%dma_wait3A_394, %dma_wait3A_395, %dma_wait3A_407] : memref<2x12x1024xi32, #tpu.memory_space<vmem>> -> memref<1x1x1024xi32, #tpu.memory_space<vmem>>
    %dma_wait3A_409 = tpu.memref_squeeze %dma_wait3A_408 : memref<1x1x1024xi32, #tpu.memory_space<vmem>> -> memref<1024xi32, #tpu.memory_space<vmem>>
    tpu.wait_dma2 semaphore(%dma_wait3A_404 : memref<!tpu.dma_semaphore, #tpu.memory_space<semaphore_mem>>) src(%dma_wait3A_409 : memref<1024xi32, #tpu.memory_space<vmem>>) dst(%dma_wait3A_406 : memref<1024xi32, #tpu.memory_space<hbm>>)
    %add3A_410 = arith.constant 15360 : i32
    %add3A_411 = arith.addi %mul3A_2, %add3A_410 : i32
    %dma_wait3A_412 = arith.constant 1 : i32
    %dma_wait3A_413 = arith.constant 10 : i32
    %dma_wait3A_414 = arith.constant 10 : i32
    %dma_wait3A_415 = arith.constant 1 : i32
    %dma_wait3A_416 = arith.constant 0 : i32
    %dma_wait3A_417 = tpu.memref_slice %arg8[%dma_wait3A_412, %dma_wait3A_413, %dma_wait3A_416] : memref<2x12x1024xi32, #tpu.memory_space<vmem>> -> memref<1x1x1024xi32, #tpu.memory_space<vmem>>
    %dma_wait3A_418 = tpu.memref_squeeze %dma_wait3A_417 : memref<1x1x1024xi32, #tpu.memory_space<vmem>> -> memref<1024xi32, #tpu.memory_space<vmem>>
    %dma_wait3A_419 = tpu.memref_slice %arg5[%dma_wait3A_414, %add3A_411] : memref<12x524288xi32, #tpu.memory_space<hbm>> -> memref<1x1024xi32, #tpu.memory_space<hbm>>
    %dma_wait3A_420 = tpu.memref_squeeze %dma_wait3A_419 : memref<1x1024xi32, #tpu.memory_space<hbm>> -> memref<1024xi32, #tpu.memory_space<hbm>>
    %dma_wait3A_421 = tpu.memref_slice %arg14[%dma_wait3A_415] : memref<2x!tpu.dma_semaphore, #tpu.memory_space<semaphore_mem>> -> memref<1x!tpu.dma_semaphore, #tpu.memory_space<semaphore_mem>>
    %dma_wait3A_422 = tpu.memref_squeeze %dma_wait3A_421 : memref<1x!tpu.dma_semaphore, #tpu.memory_space<semaphore_mem>> -> memref<!tpu.dma_semaphore, #tpu.memory_space<semaphore_mem>>
    %dma_wait3A_423 = tpu.memref_slice %arg5[%dma_wait3A_414, %add3A_411] : memref<12x524288xi32, #tpu.memory_space<hbm>> -> memref<1x1024xi32, #tpu.memory_space<hbm>>
    %dma_wait3A_424 = tpu.memref_squeeze %dma_wait3A_423 : memref<1x1024xi32, #tpu.memory_space<hbm>> -> memref<1024xi32, #tpu.memory_space<hbm>>
    %dma_wait3A_425 = arith.constant 0 : i32
    %dma_wait3A_426 = tpu.memref_slice %arg8[%dma_wait3A_412, %dma_wait3A_413, %dma_wait3A_425] : memref<2x12x1024xi32, #tpu.memory_space<vmem>> -> memref<1x1x1024xi32, #tpu.memory_space<vmem>>
    %dma_wait3A_427 = tpu.memref_squeeze %dma_wait3A_426 : memref<1x1x1024xi32, #tpu.memory_space<vmem>> -> memref<1024xi32, #tpu.memory_space<vmem>>
    tpu.wait_dma2 semaphore(%dma_wait3A_422 : memref<!tpu.dma_semaphore, #tpu.memory_space<semaphore_mem>>) src(%dma_wait3A_427 : memref<1024xi32, #tpu.memory_space<vmem>>) dst(%dma_wait3A_424 : memref<1024xi32, #tpu.memory_space<hbm>>)
    %add3A_428 = arith.constant 15360 : i32
    %add3A_429 = arith.addi %mul3A_2, %add3A_428 : i32
    %dma_wait3A_430 = arith.constant 1 : i32
    %dma_wait3A_431 = arith.constant 11 : i32
    %dma_wait3A_432 = arith.constant 11 : i32
    %dma_wait3A_433 = arith.constant 1 : i32
    %dma_wait3A_434 = arith.constant 0 : i32
    %dma_wait3A_435 = tpu.memref_slice %arg8[%dma_wait3A_430, %dma_wait3A_431, %dma_wait3A_434] : memref<2x12x1024xi32, #tpu.memory_space<vmem>> -> memref<1x1x1024xi32, #tpu.memory_space<vmem>>
    %dma_wait3A_436 = tpu.memref_squeeze %dma_wait3A_435 : memref<1x1x1024xi32, #tpu.memory_space<vmem>> -> memref<1024xi32, #tpu.memory_space<vmem>>
    %dma_wait3A_437 = tpu.memref_slice %arg5[%dma_wait3A_432, %add3A_429] : memref<12x524288xi32, #tpu.memory_space<hbm>> -> memref<1x1024xi32, #tpu.memory_space<hbm>>
    %dma_wait3A_438 = tpu.memref_squeeze %dma_wait3A_437 : memref<1x1024xi32, #tpu.memory_space<hbm>> -> memref<1024xi32, #tpu.memory_space<hbm>>
    %dma_wait3A_439 = tpu.memref_slice %arg14[%dma_wait3A_433] : memref<2x!tpu.dma_semaphore, #tpu.memory_space<semaphore_mem>> -> memref<1x!tpu.dma_semaphore, #tpu.memory_space<semaphore_mem>>
    %dma_wait3A_440 = tpu.memref_squeeze %dma_wait3A_439 : memref<1x!tpu.dma_semaphore, #tpu.memory_space<semaphore_mem>> -> memref<!tpu.dma_semaphore, #tpu.memory_space<semaphore_mem>>
    %dma_wait3A_441 = tpu.memref_slice %arg5[%dma_wait3A_432, %add3A_429] : memref<12x524288xi32, #tpu.memory_space<hbm>> -> memref<1x1024xi32, #tpu.memory_space<hbm>>
    %dma_wait3A_442 = tpu.memref_squeeze %dma_wait3A_441 : memref<1x1024xi32, #tpu.memory_space<hbm>> -> memref<1024xi32, #tpu.memory_space<hbm>>
    %dma_wait3A_443 = arith.constant 0 : i32
    %dma_wait3A_444 = tpu.memref_slice %arg8[%dma_wait3A_430, %dma_wait3A_431, %dma_wait3A_443] : memref<2x12x1024xi32, #tpu.memory_space<vmem>> -> memref<1x1x1024xi32, #tpu.memory_space<vmem>>
    %dma_wait3A_445 = tpu.memref_squeeze %dma_wait3A_444 : memref<1x1x1024xi32, #tpu.memory_space<vmem>> -> memref<1024xi32, #tpu.memory_space<vmem>>
    tpu.wait_dma2 semaphore(%dma_wait3A_440 : memref<!tpu.dma_semaphore, #tpu.memory_space<semaphore_mem>>) src(%dma_wait3A_445 : memref<1024xi32, #tpu.memory_space<vmem>>) dst(%dma_wait3A_442 : memref<1024xi32, #tpu.memory_space<hbm>>)
    return
  }
}

module attributes {stable_mosaic.version = 14 : i64} {
  func.func @_mlp_body(%arg0: i32, %arg1: memref<12x8192xi32, #tpu.memory_space<vmem>>, %arg2: memref<32x24xbf16, #tpu.memory_space<vmem>>, %arg3: memref<32x32xbf16, #tpu.memory_space<vmem>>, %arg4: memref<32x32xbf16, #tpu.memory_space<vmem>>, %arg5: memref<8x32xbf16, #tpu.memory_space<vmem>>, %arg6: memref<8x8192xf32, #tpu.memory_space<vmem>>) attributes {dimension_semantics = [#tpu.dimension_semantics<arbitrary>], iteration_bounds = array<i64: 64>, scalar_prefetch = 0 : i64, scratch_operands = 0 : i64, tpu.core_type = #tpu.core_type<tc>, window_params = [{transform_indices = @transform_0, window_bounds = array<i64: 12, 8192>}, {pipeline_mode = #tpu.pipeline_mode<synchronous>, transform_indices = @transform_1, window_bounds = array<i64: 32, 24>}, {pipeline_mode = #tpu.pipeline_mode<synchronous>, transform_indices = @transform_2, window_bounds = array<i64: 32, 32>}, {pipeline_mode = #tpu.pipeline_mode<synchronous>, transform_indices = @transform_3, window_bounds = array<i64: 32, 32>}, {pipeline_mode = #tpu.pipeline_mode<synchronous>, transform_indices = @transform_4, window_bounds = array<i64: 8, 32>}, {transform_indices = @transform_5, window_bounds = array<i64: 8, 8192>}]} {
    %get3A = arith.constant 0 : index
    %get3A_0 = arith.constant 0 : index
    %get3A_1 = vector.load %arg1[%get3A, %get3A_0] : memref<12x8192xi32, #tpu.memory_space<vmem>>, vector<12x8192xi32>
    %bitcast3A = tpu.bitcast %get3A_1 : vector<12x8192xi32> -> vector<24x8192xbf16>
    %get3A_2 = arith.constant 0 : index
    %get3A_3 = arith.constant 0 : index
    %get3A_4 = vector.load %arg2[%get3A_2, %get3A_3] : memref<32x24xbf16, #tpu.memory_space<vmem>>, vector<32x24xbf16>
    %dot_general3A = arith.constant dense<0.000000e+00> : vector<32x8192xf32>
    %dot_general3A_5 = tpu.matmul %get3A_4, %bitcast3A, %dot_general3A {dimension_numbers = #tpu.dot_dimension_numbers<[1], [0], [0], [1], [0, 0, 1, 1], [], []>, transpose_lhs_hint = false} : vector<32x24xbf16>, vector<24x8192xbf16>, vector<32x8192xf32> -> vector<32x8192xf32>
    %max3A = arith.constant 0.000000e+00 : f32
    %max3A_6 = vector.broadcast %max3A : f32 to vector<32x8192xf32>
    %max3A_7 = arith.maximumf %dot_general3A_5, %max3A_6 : vector<32x8192xf32>
    %get3A_8 = arith.constant 0 : index
    %get3A_9 = arith.constant 0 : index
    %get3A_10 = vector.load %arg3[%get3A_8, %get3A_9] : memref<32x32xbf16, #tpu.memory_space<vmem>>, vector<32x32xbf16>
    %convert_element_type3A = arith.truncf %max3A_7 : vector<32x8192xf32> to vector<32x8192xbf16>
    %dot_general3A_11 = arith.constant dense<0.000000e+00> : vector<32x8192xf32>
    %dot_general3A_12 = tpu.matmul %get3A_10, %convert_element_type3A, %dot_general3A_11 {dimension_numbers = #tpu.dot_dimension_numbers<[1], [0], [0], [1], [0, 0, 1, 1], [], []>, transpose_lhs_hint = false} : vector<32x32xbf16>, vector<32x8192xbf16>, vector<32x8192xf32> -> vector<32x8192xf32>
    %max3A_13 = arith.constant 0.000000e+00 : f32
    %max3A_14 = vector.broadcast %max3A_13 : f32 to vector<32x8192xf32>
    %max3A_15 = arith.maximumf %dot_general3A_12, %max3A_14 : vector<32x8192xf32>
    %get3A_16 = arith.constant 0 : index
    %get3A_17 = arith.constant 0 : index
    %get3A_18 = vector.load %arg4[%get3A_16, %get3A_17] : memref<32x32xbf16, #tpu.memory_space<vmem>>, vector<32x32xbf16>
    %convert_element_type3A_19 = arith.truncf %max3A_15 : vector<32x8192xf32> to vector<32x8192xbf16>
    %dot_general3A_20 = arith.constant dense<0.000000e+00> : vector<32x8192xf32>
    %dot_general3A_21 = tpu.matmul %get3A_18, %convert_element_type3A_19, %dot_general3A_20 {dimension_numbers = #tpu.dot_dimension_numbers<[1], [0], [0], [1], [0, 0, 1, 1], [], []>, transpose_lhs_hint = false} : vector<32x32xbf16>, vector<32x8192xbf16>, vector<32x8192xf32> -> vector<32x8192xf32>
    %max3A_22 = arith.constant 0.000000e+00 : f32
    %max3A_23 = vector.broadcast %max3A_22 : f32 to vector<32x8192xf32>
    %max3A_24 = arith.maximumf %dot_general3A_21, %max3A_23 : vector<32x8192xf32>
    %get3A_25 = arith.constant 0 : index
    %get3A_26 = arith.constant 0 : index
    %get3A_27 = vector.load %arg5[%get3A_25, %get3A_26] : memref<8x32xbf16, #tpu.memory_space<vmem>>, vector<8x32xbf16>
    %convert_element_type3A_28 = arith.truncf %max3A_24 : vector<32x8192xf32> to vector<32x8192xbf16>
    %dot_general3A_29 = arith.constant dense<0.000000e+00> : vector<8x8192xf32>
    %dot_general3A_30 = tpu.matmul %get3A_27, %convert_element_type3A_28, %dot_general3A_29 {dimension_numbers = #tpu.dot_dimension_numbers<[1], [0], [0], [1], [0, 0, 1, 1], [], []>, transpose_lhs_hint = false} : vector<8x32xbf16>, vector<32x8192xbf16>, vector<8x8192xf32> -> vector<8x8192xf32>
    %swap3A = arith.constant 0 : index
    %swap3A_31 = arith.constant 0 : index
    %swap3A_32 = vector.load %arg6[%swap3A, %swap3A_31] : memref<8x8192xf32, #tpu.memory_space<vmem>>, vector<8x8192xf32>
    tpu.vector_store %arg6[%swap3A, %swap3A_31], %dot_general3A_30 {strides = array<i32>} : memref<8x8192xf32, #tpu.memory_space<vmem>>, vector<8x8192xf32>,
    return
  }
  func.func @transform_0(%arg0: i32) -> (i32, i32) {
    %c0_i32 = arith.constant 0 : i32
    %c0_i32_0 = arith.constant 0 : i32
    return %c0_i32, %arg0 : i32, i32
  }
  func.func @transform_1(%arg0: i32) -> (i32, i32) {
    %c0_i32 = arith.constant 0 : i32
    %c0_i32_0 = arith.constant 0 : i32
    %c0_i32_1 = arith.constant 0 : i32
    return %c0_i32, %c0_i32_0 : i32, i32
  }
  func.func @transform_2(%arg0: i32) -> (i32, i32) {
    %c0_i32 = arith.constant 0 : i32
    %c0_i32_0 = arith.constant 0 : i32
    %c0_i32_1 = arith.constant 0 : i32
    return %c0_i32, %c0_i32_0 : i32, i32
  }
  func.func @transform_3(%arg0: i32) -> (i32, i32) {
    %c0_i32 = arith.constant 0 : i32
    %c0_i32_0 = arith.constant 0 : i32
    %c0_i32_1 = arith.constant 0 : i32
    return %c0_i32, %c0_i32_0 : i32, i32
  }
  func.func @transform_4(%arg0: i32) -> (i32, i32) {
    %c0_i32 = arith.constant 0 : i32
    %c0_i32_0 = arith.constant 0 : i32
    %c0_i32_1 = arith.constant 0 : i32
    return %c0_i32, %c0_i32_0 : i32, i32
  }
  func.func @transform_5(%arg0: i32) -> (i32, i32) {
    %c0_i32 = arith.constant 0 : i32
    %c0_i32_0 = arith.constant 0 : i32
    return %c0_i32, %arg0 : i32, i32
  }
}

</mosaic_0001>

<sc_bundles>
// kernel: kernel.4.cloned.1.call-start
scs
__scs_entry_jumppad:
0x0: {  	(pc) =	sbr.rel $0x88, $3  }
0x1: {  	(tag) =	ssettag $0x0;
	lr =	simm.s32 $0x1  }
0x2: {  	[smem:$0x3F99] =	sst lr;
	_ =	strace $0xD0000000  }
0x3: {  	_ = 	snop  }
0x4: {  	_ = 	snop  }
0x5: {  	_ = 	snop  }
0x6: {  	_ = 	snop  }
0x7: {  	_ = 	snop  }
__scs_overlays_trampoline_lowered:
0x8: {  	[smem:$0x3FA8] =	sst s0  }
0x9: {  	[smem:$0x3FA9] =	sst s1  }
0xa: {  	[smem:$0x3FAA] =	sst s2  }
0xb: {  	[smem:$0x3FAB] =	sst s3  }
0xc: {  	[smem:$0x3FAC] =	sst s4  }
0xd: {  	[smem:$0x3FAD] =	sst s5  }
0xe: {  	[smem:$0x3FAE] =	sst s6  }
0xf: {  	[smem:$0x3FAF] =	sst s7  }
0x10: {  	[smem:$0x3FB0] =	sst s8  }
0x11: {  	[smem:$0x3FB1] =	sst s9;
	s0 =	simm.s32 @!p0 $0x0  }
0x12: {  	s1 =	sld [smem:$0x3F97];
	s0 =	simm.s32 @p0 $0x1  }
0x13: {  	[smem:$0x3FB2] =	sst s0;
	s0 =	simm.s32 @!p1 $0x0  }
0x14: {  	s2 =	sld [smem:$0x3F96];
	s0 =	simm.s32 @p1 $0x1  }
0x15: {  	[smem:$0x3FB3] =	sst s0;
	s0 =	simm.s32 @!p2 $0x0  }
0x16: {  	s3 =	sld [smem:$0x3FDB];
	s0 =	simm.s32 @p2 $0x1  }
0x17: {  	s4 =	simm.s32 $0x1BF5;
	[smem:$0x3FB5] =	sst s0  }
0x18: {  	s0 =	sld [smem:$0x3F98];
	_ =	swait.ge [sflag:s4], $0x0  }
0x19: {  	s7 =	sld [smem:$0x3F99]  }
0x1a: {  	s8 =	sadd.s32 $0xFFFFE003, lr  }
0x1b: {  	s9 =	sadd.s32 $0xFFFFFEF7, lr;
	s5 =	simm.s32 $0xFFFFFFFF;
	p2 =	slt.u32 s8, $0xFFFFF086  }
0x1c: {  	p1 =	slt.u32 s9, $0xF7A;
	s5 =	simm.s32 @!p2 $0x0  }
0x1d: {  	s5 =	simm.s32 @p1 $0x1;
	p0 =	seq.s32 s7, s2  }
0x1e: {  	s7 =	smul.u32 @!p0 $0xF7A, s2;
	p2 =	seq.s32 @!p0 s5, $0x0  }
0x1f: {  	s9 =	smul.u32 $0xF7A, s1;
	s8 =	simm.s32 @!p0 $0x1BF5;
	p2 =	por !p2, p0  }
0x20: {  	[sflag:s8] =	ssyncset.s32 @!p0 $0xFFFFF086;
	s6 =	sadd.s32 @!p0 s3, s7;
	s7 =	simm.s32 @!p0 $0x108  }
0x21: {  	s3 =	sadd.s32 s3, s9;
	s6 =	sadd.s32 @!p0 $0x88, s6;
	s7 =	simm.s32 @p2 $0x1082  }
0x22: {  	[simem:s7], [sflag:s8] =	dma.local @!p0 [hbm:s6], $0xF7A  }
0x23: {  	s9 =	sor.u32 $0xD0000000, s2;
	s6 =	simm.s32 $0x108;
	_ =	swait.ge @!p0 [sflag:s8], $0x0  }
0x24: {  	s3 =	sadd.s32 $0x88, s3;
	s6 =	simm.s32 @!p1 $0x1082;
	[sflag:s4] =	ssyncset.s32 $0xFFFFF086  }
0x25: {  	[simem:s6], [sflag:s4] =	dma.local [hbm:s3], $0xF7A  }
0x26: {  	[smem:$0x3F99] =	sst s1;
	(tag) =	ssettag s2;
	_ =	strace s9  }
0x27: {  	s1 =	sld [smem:$0x3FA9]  }
0x28: {  	s2 =	sld [smem:$0x3FAA]  }
0x29: {  	s4 =	sld [smem:$0x3FAC]  }
0x2a: {  	p0 =	seq.s32 s5, $0x0;
	s5 =	sld [smem:$0x3FAD]  }
0x2b: {  	s6 =	sld [smem:$0x3FAE]  }
0x2c: {  	s7 =	sld [smem:$0x3FAF]  }
0x2d: {  	s3 =	simm.s32 $0x108;
	s8 =	sld [smem:$0x3FB0]  }
0x2e: {  	s3 =	simm.s32 @!p0 $0x1082;
	s9 =	sld [smem:$0x3FB1]  }
0x2f: {  	lr =	sadd.s32 s0, s3;
	s0 =	sld [smem:$0x3FA8]  }
0x30: {  	s3 =	sld [smem:$0x3FAB]  }
0x31: {  	[smem:$0x3FB4] =	sst s10  }
0x32: {  	s10 =	sld [smem:$0x3FB2];
	_ =	sdelay $0x3  }
0x33: {  	p0 =	seq.s32 s10, $0x1;
	s10 =	sld [smem:$0x3FB4];
	_ =	sdelay $0x3  }
0x34: {  	[smem:$0x3FB4] =	sst s10  }
0x35: {  	s10 =	sld [smem:$0x3FB3];
	_ =	sdelay $0x3  }
0x36: {  	p1 =	seq.s32 s10, $0x1;
	s10 =	sld [smem:$0x3FB4];
	_ =	sdelay $0x3  }
0x37: {  	[smem:$0x3FB4] =	sst s10  }
0x38: {  	s10 =	sld [smem:$0x3FB5]  }
0x39: {  	_ = 	snop;
	(pc) =	sbr.ind lr, $3  }
0x3a: {  	_ = 	snop  }
0x3b: {  	_ = 	snop  }
0x3c: {  	p2 =	seq.s32 s10, $0x1;
	s10 =	sld [smem:$0x3FB4]  }
0x3d: {  	_ =	shalt  }
0x3e: {  	_ =	shalt  }
0x3f: {  	_ =	shalt  }
0x40: {  	_ =	shalt  }
0x41: {  	_ =	shalt  }
0x42: {  	_ =	shalt  }
0x43: {  	_ =	shalt  }
0x44: {  	_ =	shalt  }
0x45: {  	_ =	shalt  }
0x46: {  	_ =	shalt  }
0x47: {  	_ =	shalt  }
0x48: {  	_ =	shalt  }
0x49: {  	_ =	shalt  }
0x4a: {  	_ =	shalt  }
0x4b: {  	_ =	shalt  }
0x4c: {  	_ =	shalt  }
0x4d: {  	_ =	shalt  }
0x4e: {  	_ =	shalt  }
0x4f: {  	_ =	shalt  }
0x50: {  	_ =	shalt  }
0x51: {  	_ =	shalt  }
0x52: {  	_ =	shalt  }
0x53: {  	_ =	shalt  }
0x54: {  	_ =	shalt  }
0x55: {  	_ =	shalt  }
0x56: {  	_ =	shalt  }
0x57: {  	_ =	shalt  }
0x58: {  	_ =	shalt  }
0x59: {  	_ =	shalt  }
0x5a: {  	_ =	shalt  }
0x5b: {  	_ =	shalt  }
0x5c: {  	_ =	shalt  }
0x5d: {  	_ =	shalt  }
0x5e: {  	_ =	shalt  }
0x5f: {  	_ =	shalt  }
0x60: {  	_ =	shalt  }
0x61: {  	_ =	shalt  }
0x62: {  	_ =	shalt  }
0x63: {  	_ =	shalt  }
0x64: {  	_ =	shalt  }
0x65: {  	_ =	shalt  }
0x66: {  	_ =	shalt  }
0x67: {  	_ =	shalt  }
0x68: {  	_ =	shalt  }
0x69: {  	_ =	shalt  }
0x6a: {  	_ =	shalt  }
0x6b: {  	_ =	shalt  }
0x6c: {  	_ =	shalt  }
0x6d: {  	_ =	shalt  }
0x6e: {  	_ =	shalt  }
0x6f: {  	_ =	shalt  }
0x70: {  	_ =	shalt  }
0x71: {  	_ =	shalt  }
0x72: {  	_ =	shalt  }
0x73: {  	_ =	shalt  }
0x74: {  	_ =	shalt  }
0x75: {  	_ =	shalt  }
0x76: {  	_ =	shalt  }
0x77: {  	_ =	shalt  }
0x78: {  	_ =	shalt  }
0x79: {  	_ =	shalt  }
0x7a: {  	_ =	shalt  }
0x7b: {  	_ =	shalt  }
0x7c: {  	_ =	shalt  }
0x7d: {  	_ =	shalt  }
0x7e: {  	_ =	shalt  }
0x7f: {  	_ =	shalt  }
0x80: {  	_ =	shalt  }
0x81: {  	_ =	shalt  }
0x82: {  	_ =	shalt  }
0x83: {  	_ =	shalt  }
0x84: {  	_ =	shalt  }
0x85: {  	_ =	shalt  }
0x86: {  	_ =	shalt  }
0x87: {  	_ =	shalt  }
.Lfunc_end0:
.L_simem_size_0:
called_computation_lowered:
.L_overlay_start_0:
0x88: {  	s2 =	sld [smem:$0x3FD9]  }
0x89: {  	s3 =	sld [smem:$0x3FFE];
	_ =	sdelay $0x1  }
0x8a: {  	s1 =	srdreg.scid  }
0x8b: {  	s0 =	sand.u32 $0x1, s1  }
0x8c: {  	s17 =	sshll.u32 s0, $0xA;
	s2 =	sadd.s32 s3, s2  }
0x8d: {  	s2 =	sadd.s32 s2, s17  }
0x8e: {  	[smem:$0x3FC0] =	sst s2  }
0x8f: {  	_ = 	snop  }
0x90: {  	s2 =	sld [smem:$0x3FD0];
	(tm) =	ssettm $0x1  }
0x91: {  	s18 =	sld [smem:$0x3FFB];
	_ =	sdelay $0x3  }
0x92: {  	_ =	strace s18  }
0x93: {  	s3 =	sld [smem:$0x3FFC];
	_ =	sdelay $0x3  }
0x94: {  	_ =	strace s3  }
0x95: {  	s3 =	sld [smem:$0x3FFD];
	_ =	sdelay $0x3  }
0x96: {  	_ =	strace s3  }
0x97: {  	_ =	strace $0x8FFFFFFF  }
0x98: {  	s19 =	sld [smem:$0x3FDB];
	_ =	sdelay $0x1  }
0x99: {  	s4 =	simm.s32 $_scs_section_size  }
0x9a: {  	s5 =	simm.s32 $_size__tile_overlayer_lowered;
	s6 =	simm.s32 $_tile_overlayer_lowered  }
0x9b: {  	s22 =	simm.s32 $0x1BFF;
	s21 =	sshll.u32 s6, $0x1;
	s3 =	sadd.s32 s4, s19  }
0x9c: {  	s7 =	simm.s32 $0x0;
	s20 =	sshll.u32 s5, $0x1;
	s5 =	sadd.s32 s21, s3  }
0x9d: {  	[timem:s7], [sflag:s22] =	dma.local [hbm:s5], s20  }
0x9e: {  	_ =	swait.ge [sflag:s22], s20  }
0x9f: {  	s4 =	ssub.s32 $0x0, s20;
	[sflag:s22] =	ssyncset.done $0x0  }
0xa0: {  	[sflag:s22] =	ssyncadd.s32 s4;
	_ =	sdelay $0x1  }
0xa1: {  	s23 =	simm.s32 $0x1B8B  }
0xa2: {  	_ =	swait.ge [sflag:s23], $0x1  }
0xa3: {  	[sflag:s23] =	ssyncset.done $0x0  }
0xa4: {  	s25 =	simm.s32 $0x1B8E;
	s24 =	sld [smem:$0x3FFE];
	[sflag:s23] =	ssyncadd.s32 $0xFFFFFFFF  }
0xa5: {  	s26 =	simm.s32 $execute0_lowered;
	[smem:$0x3FD2] =	sst s25  }
0xa6: {  	s5 =	sshll.u32 s26, $0x1;
	_ =	strace $0x80000046;
	[dreg:$0x1] =	wrdreg $0xFFFFFFFF  }
0xa7: {  	s28 =	simm.s32 $_size_execute0_lowered;
	s3 =	sadd.s32 s3, s5;
	[dreg:$0x0] =	wrdreg $0x0  }
0xa8: {  	s5 =	sshll.u32 s28, $0x1;
	[dreg:$0x2] =	wrdreg s3  }
0xa9: {  	[dreg:$0x3] =	wrdreg s5  }
0xaa: {  	[dreg:$0x4] =	wrdreg $0xC0  }
0xab: {  	_ =	task [dreg:s7], $0x5FFFF  }
0xac: {  	[dreg:$0x1] =	wrdreg $0xFFFFFFFF  }
0xad: {  	[dreg:$0x0] =	wrdreg $0x60  }
0xae: {  	[dreg:$0x2] =	wrdreg s24  }
0xaf: {  	[dreg:$0x3] =	wrdreg s2  }
0xb0: {  	[dreg:$0x4] =	wrdreg $0x9  }
0xb1: {  	_ =	task.clear_ibuf [dreg:s7], $0x5FFFF;
	_ =	strace $0x90000046  }
0xb2: {  	s29 =	simm.s32 $0x9;
	_ =	strace $0x80000048  }
0xb3: {  	_ =	swait.ge [sflag:s29], $0x1  }
0xb4: {  	[sflag:s29] =	ssyncadd.s32 $0xFFFFFFFF  }
0xb5: {  	_ =	strace $0x90000048  }
0xb6: {  	_ =	sfence  }
0xb7: {  	s30 =	sld [smem:$0x0];
	_ =	sdelay $0x2  }
0xb8: {  	s31 =	sshll.u32 s1, $0xD;
	s1 =	sshrl.u32 s1, $0x2  }
0xb9: {  	s3 =	sand.u32 $0x4000, s31;
	s1 =	sadd.s32 s1, s30  }
0xba: {  	s0 =	sor.u32 s3, s0;
	s1 =	sshll.u32 s1, $0x11  }
0xbb: {  	s0 =	sor.u32 s1, s0  }
0xbc: {  	s0 =	sadd.s32 $0x8F2B, s0  }
0xbd: {  	[sflag:s0] =	ssyncadd.remote.s32 $0x1  }
0xbe: {  	_ =	sfence.sel $0xFFFF  }
0xbf: {  	[dreg:$0x0] =	wrdreg $0xFFFFFFFF;
	(pc) =	sbr.abs _section_cstart, $3  }
0xc0: {  	[dreg:$0x1] =	wrdreg $0xFFFFFFFF  }
0xc1: {  	_ =	task.clear_ibuf [dreg:s7], $0x2FFFF;
	_ =	strace $0x9FFFFFFF  }
0xc2: {  	(tm) =	ssettm $0x7FFFFFFF  }
0xc3: {  	_ =	shalt  }
tec
execute0_lowered:
.L_overlay_start_1:
0x0: {  	(tag) =	ssettag $0x1  }
0x1: {  	s6 =	rddreg [dreg:$0x0]  }
0x2: {  	s2 =	rddreg [dreg:$0x1]  }
0x3: {  	s0 =	rddreg [dreg:$0x2]  }
0x4: {  	s3 =	simm.s32 $0x0;
	s4 =	srdreg.scid;
	s1 =	stileid.u32  }
0x5: {  	s11 =	simm.s32 $0x14;
	s12 =	simm.s32 $0x9F60;
	s13 =	simm.s32 $0x13F60  }
0x6: {  	s14 =	simm.s32 $0x14060;
	s15 =	simm.s32 $0x12;
	s16 =	simm.s32 $0x13  }
0x7: {  	s17 =	simm.s32 $0x0;
	[smem:$0x7FF] =	sst s3;
	s5 =	sand.u32 $0x1, s4  }
.Ltmp0:
0x8: {  	s31 =	sshll.u32 s1, $0x1;
	s4 =	sadd.s32 $0x80DE00, s6;
	(pc) =	sbr.rel .LBB2_1-.Ltmp0, $4  }
0x9: {  	_ =	strace $0x80000047;
	s7 =	sor.u32 s5, s31;
	s8 =	ssub.s32 $0x2, s5  }
0xa: {  	s5 =	sadd.s32 $0x272600, s6;
	s9 =	smul.u32 $0x3000, s7;
	s10 =	sshrl.u32 s8, $0x1  }
0xb: {  	v1 =	vimm.s32 $0x2040600;
	s6 =	sadd.s32 $0x1600, s6;
	s7 =	sshll.u32 s7, $0xE;
	s10 =	ssub.s32 s8, s10  }
0xc: {  	v0 =	vlaneseq.u32;
	vm0 =	vmmov $0xffff;
	v1 =	vunpack.c.0.s8.s32 v1;
	s8 =	sadd.s32 s4, s9;
	s9 =	sor.u32 $0x400, s7;
	s10 =	smax.u32 s10, $0x1  }
.LBB2_6:
0xd: {  	_ =	swait.ge [sflag:s15], $0x400  }
0xe: {  	[sflag:s15] =	ssyncset.done $0x0  }
0xf: {  	[sflag:s15] =	ssyncadd.s32 $0xFFFFFC00  }
0x10: {  	_ =	swait.ge [sflag:s15], $0x400  }
0x11: {  	[sflag:s15] =	ssyncset.done $0x0  }
0x12: {  	[sflag:s15] =	ssyncadd.s32 $0xFFFFFC00  }
0x13: {  	_ =	swait.ge [sflag:s15], $0x400  }
0x14: {  	[sflag:s15] =	ssyncset.done $0x0  }
0x15: {  	[sflag:s15] =	ssyncadd.s32 $0xFFFFFC00  }
0x16: {  	_ =	swait.ge [sflag:s15], $0x400  }
0x17: {  	[sflag:s15] =	ssyncset.done $0x0  }
0x18: {  	[sflag:s15] =	ssyncadd.s32 $0xFFFFFC00  }
0x19: {  	_ =	swait.ge [sflag:s15], $0x400  }
0x1a: {  	[sflag:s15] =	ssyncset.done $0x0  }
0x1b: {  	[sflag:s15] =	ssyncadd.s32 $0xFFFFFC00  }
0x1c: {  	_ =	swait.ge [sflag:s15], $0x400  }
0x1d: {  	[sflag:s15] =	ssyncset.done $0x0  }
0x1e: {  	[sflag:s15] =	ssyncadd.s32 $0xFFFFFC00  }
0x1f: {  	_ =	swait.ge [sflag:s15], $0x400  }
0x20: {  	[sflag:s15] =	ssyncset.done $0x0  }
0x21: {  	[sflag:s15] =	ssyncadd.s32 $0xFFFFFC00  }
0x22: {  	_ =	swait.ge [sflag:s15], $0x400  }
0x23: {  	[sflag:s15] =	ssyncset.done $0x0  }
0x24: {  	[sflag:s15] =	ssyncadd.s32 $0xFFFFFC00  }
0x25: {  	_ =	swait.ge [sflag:s15], $0x400  }
0x26: {  	[sflag:s15] =	ssyncset.done $0x0  }
0x27: {  	[sflag:s15] =	ssyncadd.s32 $0xFFFFFC00  }
0x28: {  	_ =	swait.ge [sflag:s15], $0x400  }
0x29: {  	[sflag:s15] =	ssyncset.done $0x0  }
0x2a: {  	[sflag:s15] =	ssyncadd.s32 $0xFFFFFC00  }
0x2b: {  	_ =	swait.ge [sflag:s15], $0x400  }
0x2c: {  	[sflag:s15] =	ssyncset.done $0x0  }
0x2d: {  	[sflag:s15] =	ssyncadd.s32 $0xFFFFFC00  }
0x2e: {  	_ =	swait.ge [sflag:s15], $0x400  }
0x2f: {  	[sflag:s15] =	ssyncset.done $0x0  }
0x30: {  	[sflag:s15] =	ssyncadd.s32 $0xFFFFFC00  }
0x31: {  	_ =	swait.ge [sflag:s16], $0x400  }
0x32: {  	[sflag:s16] =	ssyncset.done $0x0  }
0x33: {  	[sflag:s16] =	ssyncadd.s32 $0xFFFFFC00  }
0x34: {  	_ =	swait.ge [sflag:s16], $0x400  }
0x35: {  	[sflag:s16] =	ssyncset.done $0x0  }
0x36: {  	[sflag:s16] =	ssyncadd.s32 $0xFFFFFC00  }
0x37: {  	_ =	swait.ge [sflag:s16], $0x400  }
0x38: {  	[sflag:s16] =	ssyncset.done $0x0  }
0x39: {  	[sflag:s16] =	ssyncadd.s32 $0xFFFFFC00  }
0x3a: {  	_ =	swait.ge [sflag:s16], $0x400  }
0x3b: {  	[sflag:s16] =	ssyncset.done $0x0  }
0x3c: {  	[sflag:s16] =	ssyncadd.s32 $0xFFFFFC00  }
0x3d: {  	_ =	swait.ge [sflag:s16], $0x400  }
0x3e: {  	[sflag:s16] =	ssyncset.done $0x0  }
0x3f: {  	[sflag:s16] =	ssyncadd.s32 $0xFFFFFC00  }
0x40: {  	_ =	swait.ge [sflag:s16], $0x400  }
0x41: {  	[sflag:s16] =	ssyncset.done $0x0  }
0x42: {  	[sflag:s16] =	ssyncadd.s32 $0xFFFFFC00  }
0x43: {  	_ =	swait.ge [sflag:s16], $0x400  }
0x44: {  	[sflag:s16] =	ssyncset.done $0x0  }
0x45: {  	[sflag:s16] =	ssyncadd.s32 $0xFFFFFC00  }
0x46: {  	_ =	swait.ge [sflag:s16], $0x400  }
0x47: {  	[sflag:s16] =	ssyncset.done $0x0  }
0x48: {  	[sflag:s16] =	ssyncadd.s32 $0xFFFFFC00  }
0x49: {  	_ =	swait.ge [sflag:s16], $0x400  }
0x4a: {  	[sflag:s16] =	ssyncset.done $0x0  }
0x4b: {  	[sflag:s16] =	ssyncadd.s32 $0xFFFFFC00  }
0x4c: {  	_ =	swait.ge [sflag:s16], $0x400  }
0x4d: {  	[sflag:s16] =	ssyncset.done $0x0  }
0x4e: {  	s17 =	sadd.s32 $0x1, s17;
	[sflag:s16] =	ssyncadd.s32 $0xFFFFFC00  }
0x4f: {  	p0 =	sne.s32 s17, s10;
	_ =	swait.ge [sflag:s16], $0x400  }
.Ltmp1:
0x50: {  	[sflag:s16] =	ssyncset.done $0x0;
	(pc) =	sbr.rel @!p0 .LBB2_7-.Ltmp1, $4  }
0x51: {  	[sflag:s16] =	ssyncadd.s32 $0xFFFFFC00  }
0x52: {  	_ =	swait.ge [sflag:s16], $0x400  }
0x53: {  	[sflag:s16] =	ssyncset.done $0x0  }
0x54: {  	[sflag:s16] =	ssyncadd.s32 $0xFFFFFC00  }
.LBB2_1:
0x55: {  	[tilespmem:s3], [sflag:$0x14] =	stream.linear.gather [hbm4b:s2+s3], $0x9F60, $0x38;
	[tilespmem:$0x14160] =	vst v63  }
.Ltmp2:
0x56: {  	_ = 	snop;
	(pc) =	sbr.rel .LBB2_2-.Ltmp2, $4  }
0x57: {  	_ =	swait.ge [sflag:s11], $0x9F60  }
0x58: {  	s18 =	simm.s32 $0x1;
	[sflag:s11] =	ssyncset.done $0x0  }
0x59: {  	s19 =	simm.s32 $0x10;
	s20 =	simm.s32 $0x0;
	[sflag:s11] =	ssyncadd.s32 $0xFFFF60A0  }
0x5a: {  	[tilespmem:s12], [sflag:$0x1] =	stream.linear.gather [hbm4b:s8+s3], $0x1800, $0x38;
	[tilespmem:$0x14160] =	vst v63  }
.LBB2_4:
0x5b: {  	s24 =	sadd.s32 $0xFFFFFFFC, s18  }
0x5c: {  	s22 =	sshrl.u32 s24, $0x6;
	s23 =	sand.u32 $0x3F, s24  }
0x5d: {  	s21 =	sand.u32 $0x1, s22;
	s25 =	sshll.u32 s23, $0x4  }
0x5e: {  	v3 =	vor.u32 s25, v0;
	s29 =	smul.u32 $0x1800, s21  }
0x5f: {  	v2 =	vmul.u32 $0x6, v3  }
0x60: {  	s26 =	sor.u32 $0x3, s29  }
0x61: {  	s30 =	sor.u32 $0x2, s29;
	v4 =	vadd.s32 s26, v2  }
0x62: {  	s31 =	sor.u32 $0x5, s29;
	v5 =	vadd.s32 s30, v2  }
0x63: {  	s24 =	sand.u32 $0x7, s24;
	s25 =	sor.u32 $0x4, s29;
	v6 =	vadd.s32 s31, v2  }
0x64: {  	v2 =	vadd.s32 s25, v2;
	s26 =	sshll.u32 s24, $0x5  }
0x65: {  	v7 =	vor.u32 s26, v0;
	s25 =	sor.u32 $0x10, s26  }
0x66: {  	v9 =	vor.u32 s25, v0;
	v8 =	vld.idx.msk [tilespmem:v4+s12+$0x0], $0xffff  }
0x67: {  	v10 =	vld.idx.msk [tilespmem:v5+s12+$0x0], $0xffff  }
0x68: {  	v4 =	vld.idx.msk [tilespmem:v6+s12+$0x0], $0xffff  }
0x69: {  	s28 =	sshll.u32 s24, $0x1;
	v5 =	vld.idx.msk [tilespmem:v2+s12+$0x0], $0xffff  }
0x6a: {  	s29 =	sadd.s32 $0x2, s28;
	v2 =	vld.idx.msk [tilespmem:v7+s14+$0x0], $0xffff  }
0x6b: {  	v54 =	vmul.u32 $0x10, v0;
	v53 =	vld.idx.msk [tilespmem:v9+s14+$0x0], $0xffff;
	_ =	swait.ge [sflag:s29], $0x100  }
0x6c: {  	[sflag:s29] =	ssyncset.done $0x0  }
0x6d: {  	v55 =	vor.u32 $0x8, v54;
	s25 =	sadd.s32 $0x3, s28;
	[sflag:s29] =	ssyncadd.s32 $0xFFFFFF00  }
0x6e: {  	v11 =	vor.u32 $0x1, v54;
	_ =	swait.ge [sflag:s25], $0x100  }
0x6f: {  	v12 =	vor.u32 $0x9, v54;
	[sflag:s25] =	ssyncset.done $0x0  }
0x70: {  	s28 =	sshll.u32 s24, $0x9;
	[sflag:s25] =	ssyncadd.s32 $0xFFFFFF00  }
0x71: {  	v13 =	vld.idx.msk [tilespmem:v54+s28+$0x12F60], $0xffff  }
0x72: {  	v14 =	vld.idx.msk [tilespmem:v55+s28+$0x12F60], $0xffff  }
0x73: {  	v15 =	vld.idx.msk [tilespmem:v11+s28+$0x12F60], $0xffff  }
0x74: {  	s30 =	sor.u32 $0x13060, s28;
	v18 =	vld.idx.msk [tilespmem:v12+s28+$0x12F60], $0xffff  }
0x75: {  	v17 =	vsub.f32 $1.000000000e+00, v2;
	v16 =	vsub.f32 $1.000000000e+00, v53;
	v19 =	vld.idx.msk [tilespmem:v54+s30+$0x0], $0xffff  }
0x76: {  	v11 =	vld.idx.msk [tilespmem:v11+s30+$0x0], $0xffff  }
0x77: {  	v9 =	vld.idx.msk [tilespmem:v55+s30+$0x0], $0xffff;
	v20 =	vmul.f32 v16, v2;
	v16 =	vmul.f32 v16, v17  }
0x78: {  	v12 =	vld.idx.msk [tilespmem:v12+s30+$0x0], $0xffff;
	v17 =	vmul.f32 v53, v17  }
0x79: {  	v13 =	vmul.f32 v13, v16;
	v14 =	vmul.f32 v14, v20  }
0x7a: {  	v15 =	vmul.f32 v15, v16;
	v18 =	vmul.f32 v18, v20  }
0x7b: {  	v6 =	vmul.f32 v53, v2;
	v2 =	vand.u32 $0x7, v0;
	v56 =	vmul.f32 v19, v17  }
0x7c: {  	v11 =	vmul.f32 v11, v17;
	v13 =	vadd.f32 v14, v13;
	v15 =	vadd.f32 v18, v15  }
0x7d: {  	v57 =	vor.u32 $0x3F8, v2;
	v9 =	vmul.f32 v9, v6;
	v12 =	vmul.f32 v12, v6  }
0x7e: {  	v14 =	vand.u32 v57, v3;
	v13 =	vadd.f32 v56, v13;
	v11 =	vadd.f32 v11, v15  }
0x7f: {  	v58 =	vor.u32 $0x2, v54;
	s31 =	smul.u32 $0xC000, s21  }
0x80: {  	v59 =	vor.u32 $0xA, v54;
	v9 =	vadd.f32 v9, v13;
	v11 =	vadd.f32 v12, v11  }
0x81: {  	v60 =	vor.u32 $0x3, v54;
	s24 =	sshrl.u32 s31, $0x2  }
0x82: {  	v61 =	vor.u32 $0xB, v54;
	s25 =	sor.u32 $0xCF60, s24;
	v9 =	vpack.i.f32.bf16 v11, v9  }
0x83: {  	[tilespmem:v14+s25+$0x0] =	vst.idx.msk $0xffff, v9  }
0x84: {  	v9 =	vld.idx.msk [tilespmem:v58+s28+$0x12F60], $0xffff  }
0x85: {  	v14 =	vld.idx.msk [tilespmem:v59+s28+$0x12F60], $0xffff  }
0x86: {  	v62 =	vld.idx.msk [tilespmem:v60+s28+$0x12F60], $0xffff  }
0x87: {  	v63 =	vld.idx.msk [tilespmem:v61+s28+$0x12F60], $0xffff  }
0x88: {  	v15 =	vld.idx.msk [tilespmem:v58+s30+$0x0], $0xffff  }
0x89: {  	v13 =	vld.idx.msk [tilespmem:v60+s30+$0x0], $0xffff  }
0x8a: {  	v12 =	vld.idx.msk [tilespmem:v59+s30+$0x0], $0xffff  }
0x8b: {  	v11 =	vld.idx.msk [tilespmem:v61+s30+$0x0], $0xffff  }
0x8c: {  	v9 =	vmul.f32 v9, v16;
	v14 =	vmul.f32 v14, v20  }
0x8d: {  	v18 =	vmul.f32 v62, v16;
	v19 =	vmul.f32 v63, v20  }
0x8e: {  	v23 =	vor.u32 $0x400, v2;
	v21 =	vmul.f32 v15, v17  }
0x8f: {  	v13 =	vmul.f32 v13, v17;
	v9 =	vadd.f32 v14, v9;
	v22 =	vadd.f32 v19, v18  }
0x90: {  	v3 =	vand.u32 $0x3F8, v3;
	v12 =	vmul.f32 v12, v6;
	v11 =	vmul.f32 v11, v6  }
0x91: {  	v14 =	vor.u32 v23, v3;
	v9 =	vadd.f32 v21, v9;
	v13 =	vadd.f32 v13, v22  }
0x92: {  	v24 =	vor.u32 $0x4, v54  }
0x93: {  	v25 =	vor.u32 $0xC, v54;
	v9 =	vadd.f32 v12, v9;
	v11 =	vadd.f32 v11, v13  }
0x94: {  	v26 =	vor.u32 $0x5, v54  }
0x95: {  	v27 =	vor.u32 $0xD, v54;
	v9 =	vpack.i.f32.bf16 v11, v9  }
0x96: {  	[tilespmem:v14+s25+$0x0] =	vst.idx.msk $0xffff, v9  }
0x97: {  	v9 =	vld.idx.msk [tilespmem:v24+s28+$0x12F60], $0xffff  }
0x98: {  	v14 =	vld.idx.msk [tilespmem:v25+s28+$0x12F60], $0xffff  }
0x99: {  	v28 =	vld.idx.msk [tilespmem:v26+s28+$0x12F60], $0xffff  }
0x9a: {  	v29 =	vld.idx.msk [tilespmem:v27+s28+$0x12F60], $0xffff  }
0x9b: {  	v15 =	vld.idx.msk [tilespmem:v24+s30+$0x0], $0xffff  }
0x9c: {  	v13 =	vld.idx.msk [tilespmem:v26+s30+$0x0], $0xffff  }
0x9d: {  	v12 =	vld.idx.msk [tilespmem:v25+s30+$0x0], $0xffff  }
0x9e: {  	v11 =	vld.idx.msk [tilespmem:v27+s30+$0x0], $0xffff  }
0x9f: {  	v9 =	vmul.f32 v9, v16;
	v14 =	vmul.f32 v14, v20  }
0xa0: {  	v18 =	vmul.f32 v28, v16;
	v19 =	vmul.f32 v29, v20  }
0xa1: {  	v30 =	vmul.f32 v15, v17  }
0xa2: {  	v13 =	vmul.f32 v13, v17;
	v9 =	vadd.f32 v14, v9;
	v31 =	vadd.f32 v19, v18  }
0xa3: {  	v32 =	vor.u32 $0x800, v2;
	v12 =	vmul.f32 v12, v6;
	v11 =	vmul.f32 v11, v6  }
0xa4: {  	v14 =	vor.u32 v32, v3;
	v9 =	vadd.f32 v30, v9;
	v13 =	vadd.f32 v13, v31  }
0xa5: {  	v33 =	vor.u32 $0x6, v54  }
0xa6: {  	v34 =	vor.u32 $0xE, v54;
	v9 =	vadd.f32 v12, v9;
	v11 =	vadd.f32 v11, v13  }
0xa7: {  	v35 =	vor.u32 $0x7, v54  }
0xa8: {  	v7 =	vor.u32 $0xF, v54;
	v9 =	vpack.i.f32.bf16 v11, v9  }
0xa9: {  	[tilespmem:v14+s25+$0x0] =	vst.idx.msk $0xffff, v9  }
0xaa: {  	v37 =	vld.idx.msk [tilespmem:v33+s28+$0x12F60], $0xffff  }
0xab: {  	v38 =	vld.idx.msk [tilespmem:v34+s28+$0x12F60], $0xffff  }
0xac: {  	v36 =	vmul.f32 $4.900000000e+01, v10;
	v40 =	vld.idx.msk [tilespmem:v35+s28+$0x12F60], $0xffff  }
0xad: {  	v41 =	vld.idx.msk [tilespmem:v7+s28+$0x12F60], $0xffff  }
0xae: {  	v8 =	vmul.f32 $5.000000000e+01, v8;
	v39 =	vtrunc.f32 v36;
	v15 =	vld.idx.msk [tilespmem:v33+s30+$0x0], $0xffff  }
0xaf: {  	v14 =	vcvt.f32.s32 v39;
	v13 =	vld.idx.msk [tilespmem:v35+s30+$0x0], $0xffff  }
0xb0: {  	v21 =	vtrunc.f32 v8;
	v12 =	vld.idx.msk [tilespmem:v34+s30+$0x0], $0xffff  }
0xb1: {  	v47 =	vor.u32 $0xC00, v2;
	v21 =	vcvt.f32.s32 v21;
	v7 =	vld.idx.msk [tilespmem:v7+s30+$0x0], $0xffff;
	vm1 =	vlt.s32 v14, $0x30  }
0xb2: {  	v14 =	vnsel vm1, $0x30, v14;
	v10 =	vmul.f32 v37, v16;
	v11 =	vmul.f32 v38, v20  }
0xb3: {  	vm1 =	vlt.s32 v21, $0x31;
	v16 =	vmul.f32 v40, v16;
	v42 =	vmul.f32 v41, v20  }
0xb4: {  	v22 =	vmul.u32 $0x33, v14;
	v43 =	vnsel vm1, $0x31, v21;
	v44 =	vmul.f32 v15, v17  }
0xb5: {  	v13 =	vmul.f32 v13, v17;
	v10 =	vadd.f32 v11, v10;
	v16 =	vadd.f32 v42, v16  }
0xb6: {  	v45 =	vadd.s32 v43, v22;
	v46 =	vmul.f32 v12, v6;
	v7 =	vmul.f32 v7, v6  }
0xb7: {  	v12 =	vor.u32 v47, v3;
	v10 =	vadd.f32 v44, v10;
	v13 =	vadd.f32 v13, v16  }
0xb8: {  	v6 =	vshll.u32 v45, $0x3  }
0xb9: {  	v48 =	vadd.s32 $0x8, v6;
	v10 =	vadd.f32 v46, v10;
	v7 =	vadd.f32 v7, v13  }
0xba: {  	v49 =	vor.u32 $0x1, v6  }
0xbb: {  	v50 =	vadd.s32 $0x9, v6;
	v7 =	vpack.i.f32.bf16 v7, v10  }
0xbc: {  	v52 =	vadd.s32 $0x198, v6;
	[tilespmem:v12+s25+$0x0] =	vst.idx.msk $0xffff, v7  }
0xbd: {  	v14 =	vcvt.s32.f32 v14;
	v51 =	vcvt.s32.f32 v43;
	v53 =	vadd.s32 $0x199, v6;
	v12 =	vld.idx.msk [tilespmem:v6+s3+$0x0], $0xffff  }
0xbe: {  	v54 =	vadd.s32 $0x1A0, v6;
	v11 =	vld.idx.msk [tilespmem:v48+s3+$0x0], $0xffff  }
0xbf: {  	v9 =	vsub.f32 v36, v14;
	v8 =	vsub.f32 v8, v51;
	v55 =	vadd.s32 $0x1A1, v6;
	v13 =	vld.idx.msk [tilespmem:v49+s3+$0x0], $0xffff  }
0xc0: {  	v10 =	vld.idx.msk [tilespmem:v50+s3+$0x0], $0xffff  }
0xc1: {  	v56 =	vsub.f32 $1.000000000e+00, v9;
	v57 =	vsub.f32 $1.000000000e+00, v8;
	v7 =	vld.idx.msk [tilespmem:v52+s3+$0x0], $0xffff  }
0xc2: {  	v16 =	vld.idx.msk [tilespmem:v53+s3+$0x0], $0xffff  }
0xc3: {  	v58 =	vmul.f32 v56, v8;
	v17 =	vmul.f32 v56, v57;
	v14 =	vld.idx.msk [tilespmem:v54+s3+$0x0], $0xffff  }
0xc4: {  	v18 =	vmul.f32 v9, v57;
	v15 =	vld.idx.msk [tilespmem:v55+s3+$0x0], $0xffff  }
0xc5: {  	v12 =	vmul.f32 v12, v17;
	v11 =	vmul.f32 v11, v58  }
0xc6: {  	v13 =	vmul.f32 v13, v17;
	v10 =	vmul.f32 v10, v58  }
0xc7: {  	v8 =	vmul.f32 v9, v8;
	v7 =	vmul.f32 v7, v18  }
0xc8: {  	v60 =	vmul.f32 v16, v18;
	v59 =	vadd.f32 v11, v12;
	v10 =	vadd.f32 v10, v13  }
0xc9: {  	v62 =	vor.u32 $0x1000, v2;
	v61 =	vmul.f32 v14, v8;
	v63 =	vmul.f32 v15, v8  }
0xca: {  	v12 =	vor.u32 v62, v3;
	v7 =	vadd.f32 v7, v59;
	v10 =	vadd.f32 v60, v10  }
0xcb: {  	v16 =	vor.u32 $0x2, v6  }
0xcc: {  	v21 =	vadd.s32 $0xA, v6;
	v7 =	vadd.f32 v61, v7;
	v20 =	vadd.f32 v63, v10  }
0xcd: {  	v22 =	vor.u32 $0x3, v6  }
0xce: {  	v23 =	vadd.s32 $0xB, v6;
	v7 =	vpack.i.f32.bf16 v20, v7  }
0xcf: {  	v24 =	vadd.s32 $0x19A, v6;
	[tilespmem:v12+s25+$0x0] =	vst.idx.msk $0xffff, v7  }
0xd0: {  	v25 =	vadd.s32 $0x19B, v6;
	v12 =	vld.idx.msk [tilespmem:v16+s3+$0x0], $0xffff  }
0xd1: {  	v26 =	vadd.s32 $0x1A2, v6;
	v10 =	vld.idx.msk [tilespmem:v21+s3+$0x0], $0xffff  }
0xd2: {  	v27 =	vadd.s32 $0x1A3, v6;
	v11 =	vld.idx.msk [tilespmem:v22+s3+$0x0], $0xffff  }
0xd3: {  	v9 =	vld.idx.msk [tilespmem:v23+s3+$0x0], $0xffff  }
0xd4: {  	v7 =	vld.idx.msk [tilespmem:v24+s3+$0x0], $0xffff  }
0xd5: {  	v13 =	vld.idx.msk [tilespmem:v25+s3+$0x0], $0xffff  }
0xd6: {  	v14 =	vld.idx.msk [tilespmem:v26+s3+$0x0], $0xffff  }
0xd7: {  	v15 =	vld.idx.msk [tilespmem:v27+s3+$0x0], $0xffff  }
0xd8: {  	v12 =	vmul.f32 v12, v17;
	v10 =	vmul.f32 v10, v58  }
0xd9: {  	v11 =	vmul.f32 v11, v17;
	v9 =	vmul.f32 v9, v58  }
0xda: {  	v7 =	vmul.f32 v7, v18  }
0xdb: {  	v28 =	vmul.f32 v13, v18;
	v10 =	vadd.f32 v10, v12;
	v9 =	vadd.f32 v9, v11  }
0xdc: {  	v30 =	vor.u32 $0x1400, v2;
	v29 =	vmul.f32 v14, v8;
	v31 =	vmul.f32 v15, v8  }
0xdd: {  	v12 =	vor.u32 v30, v3;
	v7 =	vadd.f32 v7, v10;
	v9 =	vadd.f32 v28, v9  }
0xde: {  	v32 =	vor.u32 $0x4, v6  }
0xdf: {  	v33 =	vadd.s32 $0xC, v6;
	v7 =	vadd.f32 v29, v7;
	v9 =	vadd.f32 v31, v9  }
0xe0: {  	v34 =	vor.u32 $0x5, v6  }
0xe1: {  	v35 =	vadd.s32 $0xD, v6;
	v7 =	vpack.i.f32.bf16 v9, v7  }
0xe2: {  	v36 =	vadd.s32 $0x19C, v6;
	[tilespmem:v12+s25+$0x0] =	vst.idx.msk $0xffff, v7  }
0xe3: {  	v37 =	vadd.s32 $0x19D, v6;
	v12 =	vld.idx.msk [tilespmem:v32+s3+$0x0], $0xffff  }
0xe4: {  	v38 =	vadd.s32 $0x1A4, v6;
	v10 =	vld.idx.msk [tilespmem:v33+s3+$0x0], $0xffff  }
0xe5: {  	v39 =	vadd.s32 $0x1A5, v6;
	v11 =	vld.idx.msk [tilespmem:v34+s3+$0x0], $0xffff  }
0xe6: {  	v9 =	vld.idx.msk [tilespmem:v35+s3+$0x0], $0xffff  }
0xe7: {  	v7 =	vld.idx.msk [tilespmem:v36+s3+$0x0], $0xffff  }
0xe8: {  	v13 =	vld.idx.msk [tilespmem:v37+s3+$0x0], $0xffff  }
0xe9: {  	v14 =	vld.idx.msk [tilespmem:v38+s3+$0x0], $0xffff  }
0xea: {  	v15 =	vld.idx.msk [tilespmem:v39+s3+$0x0], $0xffff  }
0xeb: {  	v12 =	vmul.f32 v12, v17;
	v10 =	vmul.f32 v10, v58  }
0xec: {  	v11 =	vmul.f32 v11, v17;
	v9 =	vmul.f32 v9, v58  }
0xed: {  	v7 =	vmul.f32 v7, v18  }
0xee: {  	v40 =	vmul.f32 v13, v18;
	v10 =	vadd.f32 v10, v12;
	v9 =	vadd.f32 v9, v11  }
0xef: {  	v42 =	vor.u32 $0x1800, v2;
	v41 =	vmul.f32 v14, v8;
	v43 =	vmul.f32 v15, v8  }
0xf0: {  	v12 =	vor.u32 v42, v3;
	v7 =	vadd.f32 v7, v10;
	v9 =	vadd.f32 v40, v9  }
0xf1: {  	v44 =	vor.u32 $0x6, v6  }
0xf2: {  	v45 =	vadd.s32 $0xE, v6;
	v7 =	vadd.f32 v41, v7;
	v9 =	vadd.f32 v43, v9  }
0xf3: {  	v46 =	vor.u32 $0x7, v6  }
0xf4: {  	v47 =	vadd.s32 $0xF, v6;
	v7 =	vpack.i.f32.bf16 v9, v7  }
0xf5: {  	v48 =	vadd.s32 $0x19E, v6;
	[tilespmem:v12+s25+$0x0] =	vst.idx.msk $0xffff, v7  }
0xf6: {  	v49 =	vadd.s32 $0x19F, v6;
	v12 =	vld.idx.msk [tilespmem:v44+s3+$0x0], $0xffff  }
0xf7: {  	v5 =	vmul.f32 $4.900000000e+01, v5;
	v52 =	vadd.s32 $0x1A6, v6;
	v51 =	vld.idx.msk [tilespmem:v45+s3+$0x0], $0xffff  }
0xf8: {  	v50 =	vmul.f32 $5.000000000e+01, v4;
	v6 =	vadd.s32 $0x1A7, v6;
	v11 =	vld.idx.msk [tilespmem:v46+s3+$0x0], $0xffff  }
0xf9: {  	v53 =	vtrunc.f32 v5;
	v9 =	vld.idx.msk [tilespmem:v47+s3+$0x0], $0xffff  }
0xfa: {  	v54 =	vtrunc.f32 v50;
	v15 =	vcvt.f32.s32 v53;
	v7 =	vld.idx.msk [tilespmem:v48+s3+$0x0], $0xffff  }
0xfb: {  	v16 =	vcvt.f32.s32 v54;
	v13 =	vld.idx.msk [tilespmem:v49+s3+$0x0], $0xffff  }
0xfc: {  	vm1 =	vlt.s32 v15, $0x30;
	v10 =	vld.idx.msk [tilespmem:v52+s3+$0x0], $0xffff  }
0xfd: {  	v15 =	vnsel vm1, $0x30, v15;
	vm1 =	vlt.s32 v16, $0x31;
	v6 =	vld.idx.msk [tilespmem:v6+s3+$0x0], $0xffff  }
0xfe: {  	v55 =	vmul.u32 $0x33, v15;
	v12 =	vmul.f32 v12, v17;
	v4 =	vmul.f32 v51, v58  }
0xff: {  	v16 =	vnsel vm1, $0x31, v16;
	v11 =	vmul.f32 v11, v17;
	v9 =	vmul.f32 v9, v58  }
0x100: {  	v56 =	vadd.s32 v16, v55;
	v7 =	vmul.f32 v7, v18;
	v57 =	vmul.f32 v13, v18  }
0x101: {  	v58 =	vor.u32 $0x1C00, v2;
	v12 =	vadd.f32 v4, v12;
	v9 =	vadd.f32 v9, v11  }
0x102: {  	v10 =	vmul.f32 v10, v8;
	v6 =	vmul.f32 v6, v8;
	v59 =	vor.u32 v58, v3  }
0x103: {  	v4 =	vshll.u32 v56, $0x3;
	v7 =	vadd.f32 v7, v12;
	v9 =	vadd.f32 v57, v9  }
0x104: {  	v60 =	vadd.s32 $0x4FB0, v4  }
0x105: {  	v61 =	vadd.s32 $0x4FB8, v4;
	v7 =	vadd.f32 v10, v7;
	v6 =	vadd.f32 v6, v9  }
0x106: {  	v62 =	vadd.s32 $0x4FB1, v4  }
0x107: {  	v63 =	vadd.s32 $0x4FB9, v4;
	v6 =	vpack.i.f32.bf16 v6, v7  }
0x108: {  	v20 =	vadd.s32 $0x5148, v4;
	[tilespmem:v59+s25+$0x0] =	vst.idx.msk $0xffff, v6  }
0x109: {  	v19 =	vcvt.s32.f32 v15;
	v18 =	vcvt.s32.f32 v16;
	v21 =	vadd.s32 $0x5149, v4;
	v8 =	vld.idx.msk [tilespmem:v60+s3+$0x0], $0xffff  }
0x10a: {  	v22 =	vadd.s32 $0x5150, v4;
	v9 =	vld.idx.msk [tilespmem:v61+s3+$0x0], $0xffff  }
0x10b: {  	v5 =	vsub.f32 v5, v19;
	v23 =	vadd.s32 $0x5151, v4;
	v12 =	vsub.f32 v50, v18;
	v10 =	vld.idx.msk [tilespmem:v62+s3+$0x0], $0xffff  }
0x10c: {  	v7 =	vld.idx.msk [tilespmem:v63+s3+$0x0], $0xffff  }
0x10d: {  	v24 =	vsub.f32 $1.000000000e+00, v5;
	v25 =	vsub.f32 $1.000000000e+00, v12;
	v6 =	vld.idx.msk [tilespmem:v20+s3+$0x0], $0xffff  }
0x10e: {  	v11 =	vld.idx.msk [tilespmem:v21+s3+$0x0], $0xffff  }
0x10f: {  	v26 =	vmul.f32 v24, v12;
	v15 =	vmul.f32 v24, v25;
	v13 =	vld.idx.msk [tilespmem:v22+s3+$0x0], $0xffff  }
0x110: {  	v16 =	vmul.f32 v5, v25;
	v14 =	vld.idx.msk [tilespmem:v23+s3+$0x0], $0xffff  }
0x111: {  	v8 =	vmul.f32 v8, v15;
	v9 =	vmul.f32 v9, v26  }
0x112: {  	v10 =	vmul.f32 v10, v15;
	v7 =	vmul.f32 v7, v26  }
0x113: {  	v5 =	vmul.f32 v5, v12;
	v6 =	vmul.f32 v6, v16  }
0x114: {  	v27 =	vmul.f32 v11, v16;
	v8 =	vadd.f32 v9, v8;
	v7 =	vadd.f32 v7, v10  }
0x115: {  	v29 =	vor.u32 $0x2000, v2;
	v28 =	vmul.f32 v13, v5;
	v30 =	vmul.f32 v14, v5  }
0x116: {  	v10 =	vor.u32 v29, v3;
	v6 =	vadd.f32 v6, v8;
	v7 =	vadd.f32 v27, v7  }
0x117: {  	v31 =	vadd.s32 $0x4FB2, v4  }
0x118: {  	v32 =	vadd.s32 $0x4FBA, v4;
	v6 =	vadd.f32 v28, v6;
	v7 =	vadd.f32 v30, v7  }
0x119: {  	v33 =	vadd.s32 $0x4FB3, v4  }
0x11a: {  	v34 =	vadd.s32 $0x4FBB, v4;
	v6 =	vpack.i.f32.bf16 v7, v6  }
0x11b: {  	v35 =	vadd.s32 $0x514A, v4;
	[tilespmem:v10+s25+$0x0] =	vst.idx.msk $0xffff, v6  }
0x11c: {  	v36 =	vadd.s32 $0x514B, v4;
	v10 =	vld.idx.msk [tilespmem:v31+s3+$0x0], $0xffff  }
0x11d: {  	v37 =	vadd.s32 $0x5152, v4;
	v8 =	vld.idx.msk [tilespmem:v32+s3+$0x0], $0xffff  }
0x11e: {  	v38 =	vadd.s32 $0x5153, v4;
	v9 =	vld.idx.msk [tilespmem:v33+s3+$0x0], $0xffff  }
0x11f: {  	v7 =	vld.idx.msk [tilespmem:v34+s3+$0x0], $0xffff  }
0x120: {  	v6 =	vld.idx.msk [tilespmem:v35+s3+$0x0], $0xffff  }
0x121: {  	v11 =	vld.idx.msk [tilespmem:v36+s3+$0x0], $0xffff  }
0x122: {  	v12 =	vld.idx.msk [tilespmem:v37+s3+$0x0], $0xffff  }
0x123: {  	v13 =	vld.idx.msk [tilespmem:v38+s3+$0x0], $0xffff  }
0x124: {  	v10 =	vmul.f32 v10, v15;
	v8 =	vmul.f32 v8, v26  }
0x125: {  	v9 =	vmul.f32 v9, v15;
	v7 =	vmul.f32 v7, v26  }
0x126: {  	v6 =	vmul.f32 v6, v16  }
0x127: {  	v39 =	vmul.f32 v11, v16;
	v8 =	vadd.f32 v8, v10;
	v7 =	vadd.f32 v7, v9  }
0x128: {  	v41 =	vor.u32 $0x2400, v2;
	v40 =	vmul.f32 v12, v5;
	v42 =	vmul.f32 v13, v5  }
0x129: {  	v10 =	vor.u32 v41, v3;
	v6 =	vadd.f32 v6, v8;
	v7 =	vadd.f32 v39, v7  }
0x12a: {  	v43 =	vadd.s32 $0x4FB4, v4  }
0x12b: {  	v44 =	vadd.s32 $0x4FBC, v4;
	v6 =	vadd.f32 v40, v6;
	v7 =	vadd.f32 v42, v7  }
0x12c: {  	v45 =	vadd.s32 $0x4FB5, v4  }
0x12d: {  	v46 =	vadd.s32 $0x4FBD, v4;
	v6 =	vpack.i.f32.bf16 v7, v6  }
0x12e: {  	v47 =	vadd.s32 $0x514C, v4;
	[tilespmem:v10+s25+$0x0] =	vst.idx.msk $0xffff, v6  }
0x12f: {  	v48 =	vadd.s32 $0x514D, v4;
	v10 =	vld.idx.msk [tilespmem:v43+s3+$0x0], $0xffff  }
0x130: {  	v49 =	vadd.s32 $0x5154, v4;
	v8 =	vld.idx.msk [tilespmem:v44+s3+$0x0], $0xffff  }
0x131: {  	v50 =	vadd.s32 $0x5155, v4;
	v9 =	vld.idx.msk [tilespmem:v45+s3+$0x0], $0xffff  }
0x132: {  	v7 =	vld.idx.msk [tilespmem:v46+s3+$0x0], $0xffff  }
0x133: {  	v6 =	vld.idx.msk [tilespmem:v47+s3+$0x0], $0xffff  }
0x134: {  	v11 =	vld.idx.msk [tilespmem:v48+s3+$0x0], $0xffff  }
0x135: {  	v12 =	vld.idx.msk [tilespmem:v49+s3+$0x0], $0xffff  }
0x136: {  	v13 =	vld.idx.msk [tilespmem:v50+s3+$0x0], $0xffff  }
0x137: {  	v10 =	vmul.f32 v10, v15;
	v8 =	vmul.f32 v8, v26  }
0x138: {  	v9 =	vmul.f32 v9, v15;
	v7 =	vmul.f32 v7, v26  }
0x139: {  	v6 =	vmul.f32 v6, v16  }
0x13a: {  	v51 =	vmul.f32 v11, v16;
	v8 =	vadd.f32 v8, v10;
	v7 =	vadd.f32 v7, v9  }
0x13b: {  	v53 =	vor.u32 $0x2800, v2;
	v52 =	vmul.f32 v12, v5;
	v54 =	vmul.f32 v13, v5  }
0x13c: {  	v10 =	vor.u32 v53, v3;
	v6 =	vadd.f32 v6, v8;
	v7 =	vadd.f32 v51, v7  }
0x13d: {  	v55 =	vadd.s32 $0x4FB6, v4  }
0x13e: {  	v56 =	vadd.s32 $0x4FBE, v4;
	v6 =	vadd.f32 v52, v6;
	v7 =	vadd.f32 v54, v7  }
0x13f: {  	v57 =	vadd.s32 $0x4FB7, v4  }
0x140: {  	v58 =	vadd.s32 $0x4FBF, v4;
	v6 =	vpack.i.f32.bf16 v7, v6  }
0x141: {  	v59 =	vadd.s32 $0x514E, v4;
	[tilespmem:v10+s25+$0x0] =	vst.idx.msk $0xffff, v6  }
0x142: {  	v60 =	vadd.s32 $0x514F, v4;
	v10 =	vld.idx.msk [tilespmem:v55+s3+$0x0], $0xffff  }
0x143: {  	v61 =	vadd.s32 $0x5156, v4;
	v8 =	vld.idx.msk [tilespmem:v56+s3+$0x0], $0xffff  }
0x144: {  	v4 =	vadd.s32 $0x5157, v4;
	v9 =	vld.idx.msk [tilespmem:v57+s3+$0x0], $0xffff  }
0x145: {  	v7 =	vld.idx.msk [tilespmem:v58+s3+$0x0], $0xffff  }
0x146: {  	v6 =	vld.idx.msk [tilespmem:v59+s3+$0x0], $0xffff  }
0x147: {  	v11 =	vld.idx.msk [tilespmem:v60+s3+$0x0], $0xffff  }
0x148: {  	v12 =	vld.idx.msk [tilespmem:v61+s3+$0x0], $0xffff  }
0x149: {  	v4 =	vld.idx.msk [tilespmem:v4+s3+$0x0], $0xffff;
	v10 =	vmul.f32 v10, v15;
	v8 =	vmul.f32 v8, v26  }
0x14a: {  	v9 =	vmul.f32 v9, v15;
	v7 =	vmul.f32 v7, v26  }
0x14b: {  	v2 =	vor.u32 $0x2C00, v2;
	v6 =	vmul.f32 v6, v16  }
0x14c: {  	v62 =	vmul.f32 v11, v16;
	v8 =	vadd.f32 v8, v10;
	v7 =	vadd.f32 v7, v9  }
0x14d: {  	v2 =	vor.u32 v2, v3;
	v63 =	vmul.f32 v12, v5  }
0x14e: {  	v4 =	vmul.f32 v4, v5;
	v6 =	vadd.f32 v6, v8;
	v7 =	vadd.f32 v62, v7  }
0x14f: {  	p0 =	sne.s32 s23, $0x3F  }
0x150: {  	s22 =	sshll.u32 @!p0 s22, $0xA;
	v3 =	vadd.f32 v63, v6;
	v4 =	vadd.f32 v4, v7  }
0x151: {  	s22 =	sadd.s32 @!p0 s7, s22  }
0x152: {  	s23 =	sshrl.u32 @!p0 s22, $0x3;
	v3 =	vpack.i.f32.bf16 v4, v3  }
0x153: {  	s21 =	sor.u32 @!p0 $0x12, s21;
	s23 =	sadd.s32 @!p0 s6, s23;
	s26 =	simm.s32 @!p0 $0x0;
	[tilespmem:v2+s25+$0x0] =	vst.idx.msk $0xffff, v3  }
0x154: {  	[hbm4b:s23+s26] =	stream.linear.scatter @!p0 [tilespmem:s25], [sflag:s21], $0x400, $0x38;
	[tilespmem:$0x14160] =	vst v63  }
0x155: {  	s23 =	sadd.s32 @!p0 $0x80000, s22  }
0x156: {  	s23 =	sshrl.u32 @!p0 s23, $0x3  }
0x157: {  	s25 =	sadd.s32 @!p0 $0xD360, s24;
	s23 =	sadd.s32 @!p0 s6, s23  }
0x158: {  	[hbm4b:s23+s26] =	stream.linear.scatter @!p0 [tilespmem:s25], [sflag:s21], $0x400, $0x38;
	[tilespmem:$0x14160] =	vst v63  }
0x159: {  	s23 =	sadd.s32 @!p0 $0x100000, s22  }
0x15a: {  	s23 =	sshrl.u32 @!p0 s23, $0x3  }
0x15b: {  	s25 =	sadd.s32 @!p0 $0xD760, s24;
	s23 =	sadd.s32 @!p0 s6, s23  }
0x15c: {  	[hbm4b:s23+s26] =	stream.linear.scatter @!p0 [tilespmem:s25], [sflag:s21], $0x400, $0x38;
	[tilespmem:$0x14160] =	vst v63  }
0x15d: {  	s23 =	sadd.s32 @!p0 $0x180000, s22  }
0x15e: {  	s23 =	sshrl.u32 @!p0 s23, $0x3  }
0x15f: {  	s25 =	sadd.s32 @!p0 $0xDB60, s24;
	s23 =	sadd.s32 @!p0 s6, s23  }
0x160: {  	[hbm4b:s23+s26] =	stream.linear.scatter @!p0 [tilespmem:s25], [sflag:s21], $0x400, $0x38;
	[tilespmem:$0x14160] =	vst v63  }
0x161: {  	s23 =	sadd.s32 @!p0 $0x200000, s22  }
0x162: {  	s23 =	sshrl.u32 @!p0 s23, $0x3  }
0x163: {  	s25 =	sadd.s32 @!p0 $0xDF60, s24;
	s23 =	sadd.s32 @!p0 s6, s23  }
0x164: {  	[hbm4b:s23+s26] =	stream.linear.scatter @!p0 [tilespmem:s25], [sflag:s21], $0x400, $0x38;
	[tilespmem:$0x14160] =	vst v63  }
0x165: {  	s23 =	sadd.s32 @!p0 $0x280000, s22  }
0x166: {  	s23 =	sshrl.u32 @!p0 s23, $0x3  }
0x167: {  	s25 =	sadd.s32 @!p0 $0xE360, s24;
	s23 =	sadd.s32 @!p0 s6, s23  }
0x168: {  	[hbm4b:s23+s26] =	stream.linear.scatter @!p0 [tilespmem:s25], [sflag:s21], $0x400, $0x38;
	[tilespmem:$0x14160] =	vst v63  }
0x169: {  	s23 =	sadd.s32 @!p0 $0x300000, s22  }
0x16a: {  	s23 =	sshrl.u32 @!p0 s23, $0x3  }
0x16b: {  	s25 =	sadd.s32 @!p0 $0xE760, s24;
	s23 =	sadd.s32 @!p0 s6, s23  }
0x16c: {  	[hbm4b:s23+s26] =	stream.linear.scatter @!p0 [tilespmem:s25], [sflag:s21], $0x400, $0x38;
	[tilespmem:$0x14160] =	vst v63  }
0x16d: {  	s23 =	sadd.s32 @!p0 $0x380000, s22  }
0x16e: {  	s23 =	sshrl.u32 @!p0 s23, $0x3  }
0x16f: {  	s25 =	sadd.s32 @!p0 $0xEB60, s24;
	s23 =	sadd.s32 @!p0 s6, s23  }
0x170: {  	[hbm4b:s23+s26] =	stream.linear.scatter @!p0 [tilespmem:s25], [sflag:s21], $0x400, $0x38;
	[tilespmem:$0x14160] =	vst v63  }
0x171: {  	s23 =	sadd.s32 @!p0 $0x400000, s22  }
0x172: {  	s23 =	sshrl.u32 @!p0 s23, $0x3  }
0x173: {  	s25 =	sadd.s32 @!p0 $0xEF60, s24;
	s23 =	sadd.s32 @!p0 s6, s23  }
0x174: {  	[hbm4b:s23+s26] =	stream.linear.scatter @!p0 [tilespmem:s25], [sflag:s21], $0x400, $0x38;
	[tilespmem:$0x14160] =	vst v63  }
0x175: {  	s23 =	sadd.s32 @!p0 $0x480000, s22  }
0x176: {  	s23 =	sshrl.u32 @!p0 s23, $0x3  }
0x177: {  	s25 =	sadd.s32 @!p0 $0xF360, s24;
	s23 =	sadd.s32 @!p0 s6, s23  }
0x178: {  	[hbm4b:s23+s26] =	stream.linear.scatter @!p0 [tilespmem:s25], [sflag:s21], $0x400, $0x38;
	[tilespmem:$0x14160] =	vst v63  }
0x179: {  	s23 =	sadd.s32 @!p0 $0x500000, s22  }
0x17a: {  	s22 =	sadd.s32 @!p0 $0x580000, s22;
	s23 =	sshrl.u32 @!p0 s23, $0x3  }
0x17b: {  	s25 =	sadd.s32 @!p0 $0xF760, s24;
	s22 =	sshrl.u32 @!p0 s22, $0x3;
	s23 =	sadd.s32 @!p0 s6, s23  }
0x17c: {  	[hbm4b:s23+s26] =	stream.linear.scatter @!p0 [tilespmem:s25], [sflag:s21], $0x400, $0x38;
	[tilespmem:$0x14160] =	vst v63  }
0x17d: {  	s22 =	sadd.s32 @!p0 s6, s22;
	s23 =	sadd.s32 @!p0 $0xFB60, s24  }
0x17e: {  	[hbm4b:s22+s26] =	stream.linear.scatter @!p0 [tilespmem:s23], [sflag:s21], $0x400, $0x38;
	[tilespmem:$0x14160] =	vst v63  }
.LBB2_5:
0x17f: {  	s20 =	sadd.s32 $0x1, s20  }
0x180: {  	p0 =	sne.s32 s20, $0x202  }
.Ltmp3:
0x181: {  	_ = 	snop;
	(pc) =	sbr.rel @!p0 .LBB2_6-.Ltmp3, $2  }
0x182: {  	_ =	sdelay $0x2  }
0x183: {  	s18 =	sadd.s32 $0x2, s18;
	s19 =	sadd.s32 $0x20, s19  }
.LBB2_2:
0x184: {  	s24 =	sadd.s32 $0xFFFFFFFF, s18  }
0x185: {  	p0 =	sgt.u32 s20, $0x1FF;
	s22 =	sand.u32 $0x3E, s24  }
0x186: {  	s21 =	sshll.u32 @!p0 s22, $0x4  }
0x187: {  	v2 =	vmov @!p0 s21  }
0x188: {  	s21 =	sshrl.u32 s20, $0x5;
	v2 =	vmul.u32 @!p0 $0x6, v2  }
0x189: {  	v3 =	vlaneseq.u32 @!p0;
	s23 =	sand.u32 $0x1, s21  }
0x18a: {  	v4 =	vmul.u32 @!p0 $0x6, v3;
	s25 =	smul.u32 @!p0 $0x1800, s23;
	v2 =	vbroadcast @!p0 v2, $0x0;
	_ =	sdelay $0x1  }
0x18b: {  	p1 =	sne.s32 @!p0 s22, $0x0;
	s26 =	sor.u32 @!p0 $0x1, s25;
	v2 =	vadd.s32 @!p0 v4, v2;
	v4 =	vimm.s32 @!p0 $0x2040600  }
0x18c: {  	p1 =	por p1, p0;
	v5 =	vadd.s32 @!p0 s25, v2;
	v4 =	vunpack.c.0.s8.s32 @!p0 v4;
	v2 =	vadd.s32 @!p0 s26, v2  }
0x18d: {  	s25 =	simm.s32 @!p1 $0x1;
	v5 =	vand.u32 @!p0 $0xFFFFFFF8, v5  }
0x18e: {  	_ =	swait.ge @!p1 [sflag:s25], $0x1800;
	v4 =	vor.u32 @!p0 v4, v5  }
0x18f: {  	[sflag:s25] =	ssyncset.done @!p1 $0x0  }
0x190: {  	[sflag:s25] =	ssyncadd.s32 @!p1 $0xFFFFE800;
	s25 =	simm.s32 @!p0 $0x9F60  }
0x191: {  	v2 =	vld.idx.msk @!p0 [tilespmem:v2+s25+$0x0], $0xffff;
	_ =	sdelay $0x1  }
0x192: {  	v4 =	vld.idx.msk @!p0 [tilespmem:v4+s25+$0x0], $0xffff;
	_ =	sdelay $0x2  }
0x193: {  	v2 =	vmul.f32 @!p0 $3.990000000e+02, v2;
	_ =	sdelay $0x1  }
0x194: {  	v4 =	vmul.f32 @!p0 $3.990000000e+02, v4;
	v5 =	vtrunc.f32 @!p0 v2  }
0x195: {  	v5 =	vcvt.f32.s32 @!p0 v5  }
0x196: {  	v6 =	vtrunc.f32 @!p0 v4  }
0x197: {  	v6 =	vcvt.f32.s32 @!p0 v6;
	vm1 =	vlt.s32 @!p0 v5, $0x18F  }
0x198: {  	s24 =	sand.u32 @!p0 $0x6, s24;
	v7 =	vnsel @!p0 vm1, $0x18F, v5;
	vm1 =	vlt.s32 @!p0 v5, $0x18E  }
0x199: {  	s25 =	sshll.u32 @!p0 s24, $0x5;
	vm2 =	vlt.s32 @!p0 v6, $0x18F;
	v8 =	vmul.u32 @!p0 $0x190, v7;
	v5 =	vnsel @!p0 vm1, $0x18E, v5  }
0x19a: {  	v9 =	vor.u32 @!p0 s25, v3;
	v6 =	vnsel @!p0 vm2, $0x18F, v6;
	v5 =	vmul.u32 @!p0 $0x190, v5  }
0x19b: {  	p1 =	sgt.u32 @!p0 s20, $0x1DF;
	s25 =	sor.u32 @!p0 $0x10, s25;
	v8 =	vadd.s32 @!p0 v6, v8  }
0x19c: {  	s26 =	sshll.u32 @!p0 s24, $0x1;
	p2 =	por p1, p0;
	v3 =	vor.u32 @!p0 s25, v3;
	v5 =	vadd.s32 @!p0 v5, v6  }
0x19d: {  	s30 =	simm.s32 @!p0 $0x0;
	s29 =	sor.u32 @!p0 $0x2, s26;
	p2 =	sne.s32 @!p2 s22, $0x4;
	v5 =	vadd.s32 @!p0 $0x190, v5  }
0x19e: {  	p1 =	por @!p0 p2, p1;
	s24 =	sshll.u32 @!p0 s24, $0x9;
	s25 =	simm.s32 @!p0 $0x13F60  }
0x19f: {  	p1 =	por p1, p0;
	s28 =	sadd.s32 @!p0 $0x12F60, s24;
	s24 =	sor.u32 @!p0 $0x13060, s24;
	vm1 =	vmmov @!p0 $0xffff;
	[tilespmem:v9+s25+$0x0] =	vst.idx.msk @!p0 $0xffff, v8  }
0x1a0: {  	[tilespmem:s28], [sflag:s29] =	stream.indirect_vreg.gather @!p0 [hbm4b:s5+s30], $0x10, v8, vm1, $0xb8;
	[tilespmem:$0x14160] =	vst v63  }
0x1a1: {  	s22 =	sxor.u32 @!p1 $0x1, s23;
	s21 =	sshll.u32 @!p1 s21, $0xA;
	[tilespmem:v3+s25+$0x0] =	vst.idx.msk @!p0 $0xffff, v5;
	s25 =	sor.u32 @!p0 $0x3, s26  }
0x1a2: {  	[tilespmem:s24], [sflag:s25] =	stream.indirect_vreg.gather @!p0 [hbm4b:s5+s30], $0x10, v5, vm1, $0xb8;
	v5 =	vcvt.s32.f32 @!p0 v6;
	[tilespmem:$0x14160] =	vst v63  }
0x1a3: {  	s22 =	smul.u32 @!p1 $0x6000, s22;
	s21 =	sadd.s32 @!p1 s21, s9;
	v6 =	vcvt.s32.f32 @!p0 v7  }
0x1a4: {  	s21 =	smul.u32 @!p1 $0x6, s21;
	v4 =	vsub.f32 @!p0 v4, v5  }
0x1a5: {  	s23 =	simm.s32 @!p0 $0x14060;
	v2 =	vsub.f32 @!p0 v2, v6  }
0x1a6: {  	s22 =	sshrl.u32 @!p1 s22, $0x2;
	s21 =	sshrl.u32 @!p1 s21, $0x3;
	[tilespmem:v9+s23+$0x0] =	vst.idx.msk @!p0 $0xffff, v4  }
0x1a7: {  	s22 =	sadd.s32 @!p1 $0x9F60, s22;
	s21 =	sadd.s32 @!p1 s4, s21;
	[tilespmem:v3+s23+$0x0] =	vst.idx.msk @!p0 $0xffff, v2;
	s23 =	simm.s32 @!p1 $0x0  }
0x1a8: {  	[tilespmem:s22], [sflag:$0x1] =	stream.linear.gather @!p1 [hbm4b:s21+s23], $0x1800, $0x38;
	[tilespmem:$0x14160] =	vst v63  }
0x1a9: {  	p1 =	slt.u32 @!p0 s20, $0x2  }
0x1aa: {  	p1 =	por p0, !p1  }
0x1ab: {  	s22 =	sadd.s32 @p1 $0xFFFFFFFB, s18  }
0x1ac: {  	p2 =	slt.u32 @p1 s22, $0x80  }
0x1ad: {  	s23 =	sand.u32 @p1 $0x3E, s22;
	p3 =	por p2, !p1  }
0x1ae: {  	p3 =	sne.s32 @!p3 s23, $0x0  }
0x1af: {  	s21 =	sshrl.u32 @p1 s22, $0x6;
	p2 =	por @p1 p3, p2  }
0x1b0: {  	s21 =	sand.u32 @p1 $0x1, s21;
	p2 =	por p2, !p1  }
0x1b1: {  	s24 =	sor.u32 @!p2 $0x12, s21  }
0x1b2: {  	_ =	swait.ge @!p2 [sflag:s24], $0x400  }
0x1b3: {  	[sflag:s24] =	ssyncset.done @!p2 $0x0  }
0x1b4: {  	[sflag:s24] =	ssyncadd.s32 @!p2 $0xFFFFFC00  }
0x1b5: {  	_ =	swait.ge @!p2 [sflag:s24], $0x400  }
0x1b6: {  	[sflag:s24] =	ssyncset.done @!p2 $0x0  }
0x1b7: {  	[sflag:s24] =	ssyncadd.s32 @!p2 $0xFFFFFC00  }
0x1b8: {  	_ =	swait.ge @!p2 [sflag:s24], $0x400  }
0x1b9: {  	[sflag:s24] =	ssyncset.done @!p2 $0x0  }
0x1ba: {  	[sflag:s24] =	ssyncadd.s32 @!p2 $0xFFFFFC00  }
0x1bb: {  	_ =	swait.ge @!p2 [sflag:s24], $0x400  }
0x1bc: {  	[sflag:s24] =	ssyncset.done @!p2 $0x0  }
0x1bd: {  	[sflag:s24] =	ssyncadd.s32 @!p2 $0xFFFFFC00  }
0x1be: {  	_ =	swait.ge @!p2 [sflag:s24], $0x400  }
0x1bf: {  	[sflag:s24] =	ssyncset.done @!p2 $0x0  }
0x1c0: {  	[sflag:s24] =	ssyncadd.s32 @!p2 $0xFFFFFC00  }
0x1c1: {  	_ =	swait.ge @!p2 [sflag:s24], $0x400  }
0x1c2: {  	[sflag:s24] =	ssyncset.done @!p2 $0x0  }
0x1c3: {  	[sflag:s24] =	ssyncadd.s32 @!p2 $0xFFFFFC00  }
0x1c4: {  	_ =	swait.ge @!p2 [sflag:s24], $0x400  }
0x1c5: {  	[sflag:s24] =	ssyncset.done @!p2 $0x0  }
0x1c6: {  	[sflag:s24] =	ssyncadd.s32 @!p2 $0xFFFFFC00  }
0x1c7: {  	_ =	swait.ge @!p2 [sflag:s24], $0x400  }
0x1c8: {  	[sflag:s24] =	ssyncset.done @!p2 $0x0  }
0x1c9: {  	[sflag:s24] =	ssyncadd.s32 @!p2 $0xFFFFFC00  }
0x1ca: {  	_ =	swait.ge @!p2 [sflag:s24], $0x400  }
0x1cb: {  	[sflag:s24] =	ssyncset.done @!p2 $0x0  }
0x1cc: {  	[sflag:s24] =	ssyncadd.s32 @!p2 $0xFFFFFC00  }
0x1cd: {  	v2 =	vlaneseq.u32 @p1;
	s23 =	sshll.u32 @p1 s23, $0x4;
	_ =	swait.ge @!p2 [sflag:s24], $0x400  }
0x1ce: {  	v3 =	vor.u32 @p1 s23, v2;
	s23 =	smul.u32 @p1 $0x1800, s21;
	[sflag:s24] =	ssyncset.done @!p2 $0x0  }
0x1cf: {  	v4 =	vmul.u32 @p1 $0x6, v3;
	[sflag:s24] =	ssyncadd.s32 @!p2 $0xFFFFFC00  }
0x1d0: {  	s25 =	sor.u32 @p1 $0x3, s23;
	_ =	swait.ge @!p2 [sflag:s24], $0x400  }
0x1d1: {  	v5 =	vadd.s32 @p1 s25, v4;
	s25 =	sor.u32 @p1 $0x2, s23;
	[sflag:s24] =	ssyncset.done @!p2 $0x0  }
0x1d2: {  	v6 =	vadd.s32 @p1 s25, v4;
	s25 =	sor.u32 @p1 $0x5, s23;
	[sflag:s24] =	ssyncadd.s32 @!p2 $0xFFFFFC00  }
0x1d3: {  	s22 =	sand.u32 @p1 $0x6, s22;
	s23 =	sor.u32 @p1 $0x4, s23;
	v7 =	vadd.s32 @p1 s25, v4;
	_ =	swait.ge @!p2 [sflag:s24], $0x400  }
0x1d4: {  	v8 =	vadd.s32 @p1 s23, v4;
	s23 =	sshll.u32 @p1 s22, $0x5;
	[sflag:s24] =	ssyncset.done @!p2 $0x0  }
0x1d5: {  	v9 =	vor.u32 @p1 s23, v2;
	s23 =	sor.u32 @p1 $0x10, s23;
	[sflag:s24] =	ssyncadd.s32 @!p2 $0xFFFFFC00;
	s24 =	simm.s32 @p1 $0x9F60  }
0x1d6: {  	v11 =	vor.u32 @p1 s23, v2;
	v10 =	vld.idx.msk @p1 [tilespmem:v5+s24+$0x0], $0xffff  }
0x1d7: {  	v6 =	vld.idx.msk @p1 [tilespmem:v6+s24+$0x0], $0xffff  }
0x1d8: {  	v4 =	vld.idx.msk @p1 [tilespmem:v7+s24+$0x0], $0xffff  }
0x1d9: {  	s23 =	simm.s32 @p1 $0x14060;
	v5 =	vld.idx.msk @p1 [tilespmem:v8+s24+$0x0], $0xffff  }
0x1da: {  	v7 =	vld.idx.msk @p1 [tilespmem:v9+s23+$0x0], $0xffff;
	s24 =	sshll.u32 @p1 s22, $0x1  }
0x1db: {  	v8 =	vld.idx.msk @p1 [tilespmem:v11+s23+$0x0], $0xffff;
	s23 =	sadd.s32 @p1 $0x2, s24  }
0x1dc: {  	v9 =	vmul.u32 @p1 $0x10, v2;
	_ =	swait.ge @p1 [sflag:s23], $0x100  }
0x1dd: {  	[sflag:s23] =	ssyncset.done @p1 $0x0  }
0x1de: {  	v11 =	vor.u32 @p1 $0x8, v9;
	[sflag:s23] =	ssyncadd.s32 @p1 $0xFFFFFF00;
	s23 =	sadd.s32 @p1 $0x3, s24  }
0x1df: {  	v12 =	vor.u32 @p1 $0x1, v9;
	_ =	swait.ge @p1 [sflag:s23], $0x100  }
0x1e0: {  	v13 =	vor.u32 @p1 $0x9, v9;
	[sflag:s23] =	ssyncset.done @p1 $0x0  }
0x1e1: {  	[sflag:s23] =	ssyncadd.s32 @p1 $0xFFFFFF00;
	s23 =	sshll.u32 @p1 s22, $0x9  }
0x1e2: {  	v14 =	vld.idx.msk @p1 [tilespmem:v9+s23+$0x12F60], $0xffff  }
0x1e3: {  	v15 =	vld.idx.msk @p1 [tilespmem:v11+s23+$0x12F60], $0xffff  }
0x1e4: {  	v16 =	vld.idx.msk @p1 [tilespmem:v12+s23+$0x12F60], $0xffff  }
0x1e5: {  	v17 =	vsub.f32 @p1 $1.000000000e+00, v8;
	v18 =	vsub.f32 @p1 $1.000000000e+00, v7;
	s22 =	sor.u32 @p1 $0x13060, s23;
	v19 =	vld.idx.msk @p1 [tilespmem:v13+s23+$0x12F60], $0xffff  }
0x1e6: {  	v20 =	vld.idx.msk @p1 [tilespmem:v9+s22+$0x0], $0xffff  }
0x1e7: {  	v21 =	vmul.f32 @p1 v17, v7;
	v17 =	vmul.f32 @p1 v17, v18;
	v12 =	vld.idx.msk @p1 [tilespmem:v12+s22+$0x0], $0xffff  }
0x1e8: {  	v18 =	vmul.f32 @p1 v8, v18;
	v11 =	vld.idx.msk @p1 [tilespmem:v11+s22+$0x0], $0xffff  }
0x1e9: {  	v13 =	vld.idx.msk @p1 [tilespmem:v13+s22+$0x0], $0xffff;
	v14 =	vmul.f32 @p1 v14, v17;
	v15 =	vmul.f32 @p1 v15, v21  }
0x1ea: {  	v16 =	vmul.f32 @p1 v16, v17;
	v19 =	vmul.f32 @p1 v19, v21  }
0x1eb: {  	v7 =	vmul.f32 @p1 v8, v7;
	v8 =	vadd.f32 @p1 v15, v14;
	v14 =	vmul.f32 @p1 v20, v18  }
0x1ec: {  	v2 =	vand.u32 @p1 $0x7, v2;
	v12 =	vmul.f32 @p1 v12, v18;
	v15 =	vadd.f32 @p1 v19, v16  }
0x1ed: {  	v11 =	vmul.f32 @p1 v11, v7;
	v8 =	vadd.f32 @p1 v14, v8;
	v14 =	vor.u32 @p1 $0x3E8, v2  }
0x1ee: {  	v13 =	vmul.f32 @p1 v13, v7;
	v12 =	vadd.f32 @p1 v12, v15;
	v14 =	vand.u32 @p1 v14, v3  }
0x1ef: {  	s21 =	smul.u32 @p1 $0xC000, s21;
	v15 =	vor.u32 @p1 $0x2, v9  }
0x1f0: {  	v8 =	vadd.f32 @p1 v11, v8;
	v11 =	vadd.f32 @p1 v13, v12;
	v12 =	vor.u32 @p1 $0xA, v9  }
0x1f1: {  	s21 =	sshrl.u32 @p1 s21, $0x2;
	v13 =	vor.u32 @p1 $0x3, v9  }
0x1f2: {  	s21 =	sor.u32 @p1 $0xCF60, s21;
	v8 =	vpack.i.f32.bf16 @p1 v11, v8;
	v11 =	vor.u32 @p1 $0xB, v9  }
0x1f3: {  	[tilespmem:v14+s21+$0x0] =	vst.idx.msk @p1 $0xffff, v8  }
0x1f4: {  	v8 =	vld.idx.msk @p1 [tilespmem:v15+s23+$0x12F60], $0xffff  }
0x1f5: {  	v14 =	vld.idx.msk @p1 [tilespmem:v12+s23+$0x12F60], $0xffff  }
0x1f6: {  	v16 =	vld.idx.msk @p1 [tilespmem:v13+s23+$0x12F60], $0xffff  }
0x1f7: {  	v19 =	vld.idx.msk @p1 [tilespmem:v11+s23+$0x12F60], $0xffff  }
0x1f8: {  	v15 =	vld.idx.msk @p1 [tilespmem:v15+s22+$0x0], $0xffff  }
0x1f9: {  	v13 =	vld.idx.msk @p1 [tilespmem:v13+s22+$0x0], $0xffff  }
0x1fa: {  	v12 =	vld.idx.msk @p1 [tilespmem:v12+s22+$0x0], $0xffff  }
0x1fb: {  	v11 =	vld.idx.msk @p1 [tilespmem:v11+s22+$0x0], $0xffff;
	v8 =	vmul.f32 @p1 v8, v17;
	v14 =	vmul.f32 @p1 v14, v21  }
0x1fc: {  	v16 =	vmul.f32 @p1 v16, v17;
	v19 =	vmul.f32 @p1 v19, v21  }
0x1fd: {  	v8 =	vadd.f32 @p1 v14, v8;
	v14 =	vmul.f32 @p1 v15, v18  }
0x1fe: {  	v3 =	vand.u32 @p1 $0x3E8, v3;
	v13 =	vmul.f32 @p1 v13, v18;
	v15 =	vadd.f32 @p1 v19, v16  }
0x1ff: {  	v12 =	vmul.f32 @p1 v12, v7;
	v8 =	vadd.f32 @p1 v14, v8;
	v14 =	vor.u32 @p1 $0x400, v2  }
0x200: {  	v11 =	vmul.f32 @p1 v11, v7;
	v14 =	vor.u32 @p1 v14, v3;
	v13 =	vadd.f32 @p1 v13, v15  }
0x201: {  	v15 =	vor.u32 @p1 $0x4, v9  }
0x202: {  	v8 =	vadd.f32 @p1 v12, v8;
	v12 =	vor.u32 @p1 $0xC, v9;
	v11 =	vadd.f32 @p1 v11, v13  }
0x203: {  	v13 =	vor.u32 @p1 $0x5, v9  }
0x204: {  	v8 =	vpack.i.f32.bf16 @p1 v11, v8;
	v11 =	vor.u32 @p1 $0xD, v9  }
0x205: {  	[tilespmem:v14+s21+$0x0] =	vst.idx.msk @p1 $0xffff, v8  }
0x206: {  	v8 =	vld.idx.msk @p1 [tilespmem:v15+s23+$0x12F60], $0xffff  }
0x207: {  	v14 =	vld.idx.msk @p1 [tilespmem:v12+s23+$0x12F60], $0xffff  }
0x208: {  	v16 =	vld.idx.msk @p1 [tilespmem:v13+s23+$0x12F60], $0xffff  }
0x209: {  	v19 =	vld.idx.msk @p1 [tilespmem:v11+s23+$0x12F60], $0xffff  }
0x20a: {  	v15 =	vld.idx.msk @p1 [tilespmem:v15+s22+$0x0], $0xffff  }
0x20b: {  	v13 =	vld.idx.msk @p1 [tilespmem:v13+s22+$0x0], $0xffff  }
0x20c: {  	v12 =	vld.idx.msk @p1 [tilespmem:v12+s22+$0x0], $0xffff  }
0x20d: {  	v11 =	vld.idx.msk @p1 [tilespmem:v11+s22+$0x0], $0xffff;
	v8 =	vmul.f32 @p1 v8, v17;
	v14 =	vmul.f32 @p1 v14, v21  }
0x20e: {  	v16 =	vmul.f32 @p1 v16, v17;
	v19 =	vmul.f32 @p1 v19, v21  }
0x20f: {  	v8 =	vadd.f32 @p1 v14, v8;
	v14 =	vmul.f32 @p1 v15, v18  }
0x210: {  	v13 =	vmul.f32 @p1 v13, v18;
	v15 =	vadd.f32 @p1 v19, v16  }
0x211: {  	v12 =	vmul.f32 @p1 v12, v7;
	v8 =	vadd.f32 @p1 v14, v8;
	v14 =	vor.u32 @p1 $0x800, v2  }
0x212: {  	v11 =	vmul.f32 @p1 v11, v7;
	v14 =	vor.u32 @p1 v14, v3;
	v13 =	vadd.f32 @p1 v13, v15  }
0x213: {  	v15 =	vor.u32 @p1 $0x6, v9  }
0x214: {  	v8 =	vadd.f32 @p1 v12, v8;
	v12 =	vor.u32 @p1 $0xE, v9;
	v11 =	vadd.f32 @p1 v11, v13;
	_ =	sdelay $0x1  }
0x215: {  	v13 =	vor.u32 @p1 $0x7, v9;
	v8 =	vpack.i.f32.bf16 @p1 v11, v8  }
0x216: {  	v9 =	vor.u32 @p1 $0xF, v9;
	[tilespmem:v14+s21+$0x0] =	vst.idx.msk @p1 $0xffff, v8  }
0x217: {  	v8 =	vld.idx.msk @p1 [tilespmem:v15+s23+$0x12F60], $0xffff  }
0x218: {  	v10 =	vmul.f32 @p1 $5.000000000e+01, v10;
	v11 =	vmul.f32 @p1 $4.900000000e+01, v6;
	v6 =	vld.idx.msk @p1 [tilespmem:v12+s23+$0x12F60], $0xffff  }
0x219: {  	v15 =	vld.idx.msk @p1 [tilespmem:v15+s22+$0x0], $0xffff  }
0x21a: {  	v16 =	vtrunc.f32 @p1 v10;
	v14 =	vld.idx.msk @p1 [tilespmem:v13+s23+$0x12F60], $0xffff  }
0x21b: {  	v16 =	vcvt.f32.s32 @p1 v16;
	v20 =	vld.idx.msk @p1 [tilespmem:v9+s23+$0x12F60], $0xffff  }
0x21c: {  	v19 =	vtrunc.f32 @p1 v11;
	v12 =	vld.idx.msk @p1 [tilespmem:v12+s22+$0x0], $0xffff  }
0x21d: {  	vm1 =	vlt.s32 @p1 v16, $0x31;
	v19 =	vcvt.f32.s32 @p1 v19;
	v13 =	vld.idx.msk @p1 [tilespmem:v13+s22+$0x0], $0xffff  }
0x21e: {  	v16 =	vnsel @p1 vm1, $0x31, v16;
	v9 =	vld.idx.msk @p1 [tilespmem:v9+s22+$0x0], $0xffff  }
0x21f: {  	vm2 =	vlt.s32 @p1 v19, $0x30;
	v8 =	vmul.f32 @p1 v8, v17;
	v6 =	vmul.f32 @p1 v6, v21  }
0x220: {  	v19 =	vnsel @p1 vm2, $0x30, v19;
	v14 =	vmul.f32 @p1 v14, v17;
	v17 =	vmul.f32 @p1 v20, v21  }
0x221: {  	v22 =	vmul.u32 @p1 $0x33, v19;
	v6 =	vadd.f32 @p1 v6, v8;
	v8 =	vmul.f32 @p1 v15, v18  }
0x222: {  	v12 =	vmul.f32 @p1 v12, v7;
	v13 =	vmul.f32 @p1 v13, v18;
	v14 =	vadd.f32 @p1 v17, v14  }
0x223: {  	v7 =	vmul.f32 @p1 v9, v7;
	v8 =	vadd.f32 @p1 v8, v6;
	v6 =	vor.u32 @p1 $0xC00, v2  }
0x224: {  	v15 =	vadd.s32 @p1 v16, v22;
	v13 =	vadd.f32 @p1 v13, v14;
	v9 =	vor.u32 @p1 v6, v3  }
0x225: {  	v6 =	vshll.u32 @p1 v15, $0x3  }
0x226: {  	v8 =	vadd.f32 @p1 v12, v8;
	v12 =	vadd.s32 @p1 $0x8, v6;
	v7 =	vadd.f32 @p1 v7, v13  }
0x227: {  	v13 =	vor.u32 @p1 $0x1, v6  }
0x228: {  	v7 =	vpack.i.f32.bf16 @p1 v7, v8;
	v8 =	vadd.s32 @p1 $0x9, v6  }
0x229: {  	s22 =	simm.s32 @p1 $0x0;
	v14 =	vcvt.s32.f32 @p1 v16;
	v15 =	vcvt.s32.f32 @p1 v19;
	[tilespmem:v9+s21+$0x0] =	vst.idx.msk @p1 $0xffff, v7;
	v7 =	vadd.s32 @p1 $0x198, v6  }
0x22a: {  	v16 =	vadd.s32 @p1 $0x199, v6;
	v9 =	vld.idx.msk @p1 [tilespmem:v6+s22+$0x0], $0xffff  }
0x22b: {  	v10 =	vsub.f32 @p1 v10, v14;
	v11 =	vsub.f32 @p1 v11, v15;
	v14 =	vadd.s32 @p1 $0x1A0, v6;
	v12 =	vld.idx.msk @p1 [tilespmem:v12+s22+$0x0], $0xffff  }
0x22c: {  	v15 =	vadd.s32 @p1 $0x1A1, v6;
	v13 =	vld.idx.msk @p1 [tilespmem:v13+s22+$0x0], $0xffff  }
0x22d: {  	v17 =	vsub.f32 @p1 $1.000000000e+00, v11;
	v18 =	vsub.f32 @p1 $1.000000000e+00, v10;
	v8 =	vld.idx.msk @p1 [tilespmem:v8+s22+$0x0], $0xffff  }
0x22e: {  	v7 =	vld.idx.msk @p1 [tilespmem:v7+s22+$0x0], $0xffff  }
0x22f: {  	v19 =	vmul.f32 @p1 v17, v10;
	v17 =	vmul.f32 @p1 v17, v18;
	v16 =	vld.idx.msk @p1 [tilespmem:v16+s22+$0x0], $0xffff  }
0x230: {  	v18 =	vmul.f32 @p1 v11, v18;
	v14 =	vld.idx.msk @p1 [tilespmem:v14+s22+$0x0], $0xffff  }
0x231: {  	v15 =	vld.idx.msk @p1 [tilespmem:v15+s22+$0x0], $0xffff;
	v9 =	vmul.f32 @p1 v9, v17;
	v12 =	vmul.f32 @p1 v12, v19  }
0x232: {  	v13 =	vmul.f32 @p1 v13, v17;
	v8 =	vmul.f32 @p1 v8, v19  }
0x233: {  	v10 =	vmul.f32 @p1 v11, v10;
	v9 =	vadd.f32 @p1 v12, v9;
	v7 =	vmul.f32 @p1 v7, v18  }
0x234: {  	v11 =	vmul.f32 @p1 v16, v18;
	v12 =	vor.u32 @p1 $0x1000, v2;
	v8 =	vadd.f32 @p1 v8, v13  }
0x235: {  	v12 =	vor.u32 @p1 v12, v3;
	v7 =	vadd.f32 @p1 v7, v9  }
0x236: {  	v9 =	vmul.f32 @p1 v14, v10;
	v8 =	vadd.f32 @p1 v11, v8;
	v11 =	vmul.f32 @p1 v15, v10  }
0x237: {  	v13 =	vor.u32 @p1 $0x2, v6  }
0x238: {  	v7 =	vadd.f32 @p1 v9, v7;
	v9 =	vadd.s32 @p1 $0xA, v6;
	v8 =	vadd.f32 @p1 v11, v8  }
0x239: {  	v11 =	vor.u32 @p1 $0x3, v6  }
0x23a: {  	v7 =	vpack.i.f32.bf16 @p1 v8, v7;
	v8 =	vadd.s32 @p1 $0xB, v6  }
0x23b: {  	[tilespmem:v12+s21+$0x0] =	vst.idx.msk @p1 $0xffff, v7;
	v7 =	vadd.s32 @p1 $0x19A, v6  }
0x23c: {  	v12 =	vld.idx.msk @p1 [tilespmem:v13+s22+$0x0], $0xffff;
	v13 =	vadd.s32 @p1 $0x19B, v6  }
0x23d: {  	v14 =	vadd.s32 @p1 $0x1A2, v6;
	v9 =	vld.idx.msk @p1 [tilespmem:v9+s22+$0x0], $0xffff  }
0x23e: {  	v15 =	vadd.s32 @p1 $0x1A3, v6;
	v11 =	vld.idx.msk @p1 [tilespmem:v11+s22+$0x0], $0xffff  }
0x23f: {  	v8 =	vld.idx.msk @p1 [tilespmem:v8+s22+$0x0], $0xffff  }
0x240: {  	v7 =	vld.idx.msk @p1 [tilespmem:v7+s22+$0x0], $0xffff  }
0x241: {  	v13 =	vld.idx.msk @p1 [tilespmem:v13+s22+$0x0], $0xffff  }
0x242: {  	v14 =	vld.idx.msk @p1 [tilespmem:v14+s22+$0x0], $0xffff  }
0x243: {  	v15 =	vld.idx.msk @p1 [tilespmem:v15+s22+$0x0], $0xffff;
	v12 =	vmul.f32 @p1 v12, v17;
	v9 =	vmul.f32 @p1 v9, v19  }
0x244: {  	v11 =	vmul.f32 @p1 v11, v17;
	v8 =	vmul.f32 @p1 v8, v19  }
0x245: {  	v9 =	vadd.f32 @p1 v9, v12;
	v7 =	vmul.f32 @p1 v7, v18  }
0x246: {  	v12 =	vor.u32 @p1 $0x1400, v2;
	v8 =	vadd.f32 @p1 v8, v11;
	v11 =	vmul.f32 @p1 v13, v18  }
0x247: {  	v12 =	vor.u32 @p1 v12, v3;
	v7 =	vadd.f32 @p1 v7, v9  }
0x248: {  	v9 =	vmul.f32 @p1 v14, v10;
	v8 =	vadd.f32 @p1 v11, v8;
	v11 =	vmul.f32 @p1 v15, v10  }
0x249: {  	v13 =	vor.u32 @p1 $0x4, v6  }
0x24a: {  	v7 =	vadd.f32 @p1 v9, v7;
	v9 =	vadd.s32 @p1 $0xC, v6;
	v8 =	vadd.f32 @p1 v11, v8  }
0x24b: {  	v11 =	vor.u32 @p1 $0x5, v6  }
0x24c: {  	v7 =	vpack.i.f32.bf16 @p1 v8, v7;
	v8 =	vadd.s32 @p1 $0xD, v6  }
0x24d: {  	[tilespmem:v12+s21+$0x0] =	vst.idx.msk @p1 $0xffff, v7;
	v7 =	vadd.s32 @p1 $0x19C, v6  }
0x24e: {  	v12 =	vld.idx.msk @p1 [tilespmem:v13+s22+$0x0], $0xffff;
	v13 =	vadd.s32 @p1 $0x19D, v6  }
0x24f: {  	v14 =	vadd.s32 @p1 $0x1A4, v6;
	v9 =	vld.idx.msk @p1 [tilespmem:v9+s22+$0x0], $0xffff  }
0x250: {  	v15 =	vadd.s32 @p1 $0x1A5, v6;
	v11 =	vld.idx.msk @p1 [tilespmem:v11+s22+$0x0], $0xffff  }
0x251: {  	v8 =	vld.idx.msk @p1 [tilespmem:v8+s22+$0x0], $0xffff  }
0x252: {  	v7 =	vld.idx.msk @p1 [tilespmem:v7+s22+$0x0], $0xffff  }
0x253: {  	v13 =	vld.idx.msk @p1 [tilespmem:v13+s22+$0x0], $0xffff  }
0x254: {  	v14 =	vld.idx.msk @p1 [tilespmem:v14+s22+$0x0], $0xffff  }
0x255: {  	v15 =	vld.idx.msk @p1 [tilespmem:v15+s22+$0x0], $0xffff;
	v12 =	vmul.f32 @p1 v12, v17;
	v9 =	vmul.f32 @p1 v9, v19  }
0x256: {  	v11 =	vmul.f32 @p1 v11, v17;
	v8 =	vmul.f32 @p1 v8, v19  }
0x257: {  	v9 =	vadd.f32 @p1 v9, v12;
	v7 =	vmul.f32 @p1 v7, v18  }
0x258: {  	v12 =	vor.u32 @p1 $0x1800, v2;
	v8 =	vadd.f32 @p1 v8, v11;
	v11 =	vmul.f32 @p1 v13, v18  }
0x259: {  	v12 =	vor.u32 @p1 v12, v3;
	v7 =	vadd.f32 @p1 v7, v9  }
0x25a: {  	v9 =	vmul.f32 @p1 v14, v10;
	v8 =	vadd.f32 @p1 v11, v8;
	v11 =	vmul.f32 @p1 v15, v10  }
0x25b: {  	v13 =	vor.u32 @p1 $0x6, v6  }
0x25c: {  	v7 =	vadd.f32 @p1 v9, v7;
	v9 =	vadd.s32 @p1 $0xE, v6;
	v8 =	vadd.f32 @p1 v11, v8  }
0x25d: {  	v11 =	vor.u32 @p1 $0x7, v6  }
0x25e: {  	v7 =	vpack.i.f32.bf16 @p1 v8, v7;
	v8 =	vadd.s32 @p1 $0xF, v6  }
0x25f: {  	[tilespmem:v12+s21+$0x0] =	vst.idx.msk @p1 $0xffff, v7;
	v7 =	vadd.s32 @p1 $0x19E, v6  }
0x260: {  	v5 =	vmul.f32 @p1 $4.900000000e+01, v5;
	v12 =	vld.idx.msk @p1 [tilespmem:v13+s22+$0x0], $0xffff;
	v13 =	vadd.s32 @p1 $0x19F, v6  }
0x261: {  	v14 =	vmul.f32 @p1 $5.000000000e+01, v4;
	v4 =	vld.idx.msk @p1 [tilespmem:v9+s22+$0x0], $0xffff;
	v9 =	vadd.s32 @p1 $0x1A6, v6  }
0x262: {  	v15 =	vtrunc.f32 @p1 v5;
	v6 =	vadd.s32 @p1 $0x1A7, v6;
	v11 =	vld.idx.msk @p1 [tilespmem:v11+s22+$0x0], $0xffff  }
0x263: {  	v16 =	vtrunc.f32 @p1 v14;
	v15 =	vcvt.f32.s32 @p1 v15;
	v8 =	vld.idx.msk @p1 [tilespmem:v8+s22+$0x0], $0xffff  }
0x264: {  	v16 =	vcvt.f32.s32 @p1 v16;
	v7 =	vld.idx.msk @p1 [tilespmem:v7+s22+$0x0], $0xffff  }
0x265: {  	vm1 =	vlt.s32 @p1 v15, $0x30;
	v13 =	vld.idx.msk @p1 [tilespmem:v13+s22+$0x0], $0xffff  }
0x266: {  	vm2 =	vlt.s32 @p1 v16, $0x31;
	v15 =	vnsel @p1 vm1, $0x30, v15;
	v9 =	vld.idx.msk @p1 [tilespmem:v9+s22+$0x0], $0xffff  }
0x267: {  	v20 =	vmul.u32 @p1 $0x33, v15;
	v12 =	vmul.f32 @p1 v12, v17;
	v4 =	vmul.f32 @p1 v4, v19;
	v6 =	vld.idx.msk @p1 [tilespmem:v6+s22+$0x0], $0xffff  }
0x268: {  	v16 =	vnsel @p1 vm2, $0x31, v16;
	v11 =	vmul.f32 @p1 v11, v17;
	v8 =	vmul.f32 @p1 v8, v19  }
0x269: {  	v17 =	vadd.s32 @p1 v16, v20;
	v12 =	vadd.f32 @p1 v4, v12;
	v7 =	vmul.f32 @p1 v7, v18  }
0x26a: {  	v4 =	vshll.u32 @p1 v17, $0x3;
	v8 =	vadd.f32 @p1 v8, v11;
	v11 =	vmul.f32 @p1 v13, v18  }
0x26b: {  	v9 =	vmul.f32 @p1 v9, v10;
	v7 =	vadd.f32 @p1 v7, v12;
	v12 =	vor.u32 @p1 $0x1C00, v2  }
0x26c: {  	v6 =	vmul.f32 @p1 v6, v10;
	v8 =	vadd.f32 @p1 v11, v8;
	v10 =	vor.u32 @p1 v12, v3  }
0x26d: {  	v11 =	vadd.s32 @p1 $0x4FB0, v4  }
0x26e: {  	v7 =	vadd.f32 @p1 v9, v7;
	v9 =	vadd.s32 @p1 $0x4FB1, v4;
	v6 =	vadd.f32 @p1 v6, v8  }
0x26f: {  	v8 =	vadd.s32 @p1 $0x4FB8, v4  }
0x270: {  	v6 =	vpack.i.f32.bf16 @p1 v6, v7;
	v7 =	vadd.s32 @p1 $0x4FB9, v4  }
0x271: {  	v13 =	vcvt.s32.f32 @p1 v15;
	v12 =	vcvt.s32.f32 @p1 v16;
	[tilespmem:v10+s21+$0x0] =	vst.idx.msk @p1 $0xffff, v6;
	v6 =	vadd.s32 @p1 $0x5148, v4  }
0x272: {  	v10 =	vld.idx.msk @p1 [tilespmem:v11+s22+$0x0], $0xffff;
	v11 =	vadd.s32 @p1 $0x5149, v4  }
0x273: {  	v5 =	vsub.f32 @p1 v5, v13;
	v13 =	vadd.s32 @p1 $0x5150, v4;
	v12 =	vsub.f32 @p1 v14, v12;
	v9 =	vld.idx.msk @p1 [tilespmem:v9+s22+$0x0], $0xffff  }
0x274: {  	v14 =	vadd.s32 @p1 $0x5151, v4;
	v8 =	vld.idx.msk @p1 [tilespmem:v8+s22+$0x0], $0xffff  }
0x275: {  	v15 =	vsub.f32 @p1 $1.000000000e+00, v5;
	v16 =	vsub.f32 @p1 $1.000000000e+00, v12;
	v7 =	vld.idx.msk @p1 [tilespmem:v7+s22+$0x0], $0xffff  }
0x276: {  	v6 =	vld.idx.msk @p1 [tilespmem:v6+s22+$0x0], $0xffff  }
0x277: {  	v17 =	vmul.f32 @p1 v15, v12;
	v15 =	vmul.f32 @p1 v15, v16;
	v11 =	vld.idx.msk @p1 [tilespmem:v11+s22+$0x0], $0xffff  }
0x278: {  	v16 =	vmul.f32 @p1 v5, v16;
	v13 =	vld.idx.msk @p1 [tilespmem:v13+s22+$0x0], $0xffff  }
0x279: {  	v14 =	vld.idx.msk @p1 [tilespmem:v14+s22+$0x0], $0xffff;
	v10 =	vmul.f32 @p1 v10, v15;
	v8 =	vmul.f32 @p1 v8, v17  }
0x27a: {  	v9 =	vmul.f32 @p1 v9, v15;
	v7 =	vmul.f32 @p1 v7, v17  }
0x27b: {  	v5 =	vmul.f32 @p1 v5, v12;
	v8 =	vadd.f32 @p1 v8, v10;
	v6 =	vmul.f32 @p1 v6, v16  }
0x27c: {  	v10 =	vor.u32 @p1 $0x2000, v2;
	v7 =	vadd.f32 @p1 v7, v9;
	v9 =	vmul.f32 @p1 v11, v16  }
0x27d: {  	v10 =	vor.u32 @p1 v10, v3;
	v6 =	vadd.f32 @p1 v6, v8  }
0x27e: {  	v8 =	vmul.f32 @p1 v13, v5;
	v7 =	vadd.f32 @p1 v9, v7;
	v9 =	vmul.f32 @p1 v14, v5  }
0x27f: {  	v11 =	vadd.s32 @p1 $0x4FB2, v4  }
0x280: {  	v6 =	vadd.f32 @p1 v8, v6;
	v8 =	vadd.s32 @p1 $0x4FBA, v4;
	v7 =	vadd.f32 @p1 v9, v7  }
0x281: {  	v9 =	vadd.s32 @p1 $0x4FB3, v4  }
0x282: {  	v6 =	vpack.i.f32.bf16 @p1 v7, v6;
	v7 =	vadd.s32 @p1 $0x4FBB, v4  }
0x283: {  	[tilespmem:v10+s21+$0x0] =	vst.idx.msk @p1 $0xffff, v6;
	v6 =	vadd.s32 @p1 $0x514A, v4  }
0x284: {  	v10 =	vld.idx.msk @p1 [tilespmem:v11+s22+$0x0], $0xffff;
	v11 =	vadd.s32 @p1 $0x514B, v4  }
0x285: {  	v12 =	vadd.s32 @p1 $0x5152, v4;
	v8 =	vld.idx.msk @p1 [tilespmem:v8+s22+$0x0], $0xffff  }
0x286: {  	v13 =	vadd.s32 @p1 $0x5153, v4;
	v9 =	vld.idx.msk @p1 [tilespmem:v9+s22+$0x0], $0xffff  }
0x287: {  	v7 =	vld.idx.msk @p1 [tilespmem:v7+s22+$0x0], $0xffff  }
0x288: {  	v6 =	vld.idx.msk @p1 [tilespmem:v6+s22+$0x0], $0xffff  }
0x289: {  	v11 =	vld.idx.msk @p1 [tilespmem:v11+s22+$0x0], $0xffff  }
0x28a: {  	v12 =	vld.idx.msk @p1 [tilespmem:v12+s22+$0x0], $0xffff  }
0x28b: {  	v13 =	vld.idx.msk @p1 [tilespmem:v13+s22+$0x0], $0xffff;
	v10 =	vmul.f32 @p1 v10, v15;
	v8 =	vmul.f32 @p1 v8, v17  }
0x28c: {  	v9 =	vmul.f32 @p1 v9, v15;
	v7 =	vmul.f32 @p1 v7, v17  }
0x28d: {  	v8 =	vadd.f32 @p1 v8, v10;
	v6 =	vmul.f32 @p1 v6, v16  }
0x28e: {  	v10 =	vor.u32 @p1 $0x2400, v2;
	v7 =	vadd.f32 @p1 v7, v9;
	v9 =	vmul.f32 @p1 v11, v16  }
0x28f: {  	v10 =	vor.u32 @p1 v10, v3;
	v6 =	vadd.f32 @p1 v6, v8  }
0x290: {  	v8 =	vmul.f32 @p1 v12, v5;
	v7 =	vadd.f32 @p1 v9, v7;
	v9 =	vmul.f32 @p1 v13, v5  }
0x291: {  	v11 =	vadd.s32 @p1 $0x4FB4, v4  }
0x292: {  	v6 =	vadd.f32 @p1 v8, v6;
	v8 =	vadd.s32 @p1 $0x4FBC, v4;
	v7 =	vadd.f32 @p1 v9, v7  }
0x293: {  	v9 =	vadd.s32 @p1 $0x4FB5, v4  }
0x294: {  	v6 =	vpack.i.f32.bf16 @p1 v7, v6;
	v7 =	vadd.s32 @p1 $0x4FBD, v4  }
0x295: {  	[tilespmem:v10+s21+$0x0] =	vst.idx.msk @p1 $0xffff, v6;
	v6 =	vadd.s32 @p1 $0x514C, v4  }
0x296: {  	v10 =	vld.idx.msk @p1 [tilespmem:v11+s22+$0x0], $0xffff;
	v11 =	vadd.s32 @p1 $0x514D, v4  }
0x297: {  	v12 =	vadd.s32 @p1 $0x5154, v4;
	v8 =	vld.idx.msk @p1 [tilespmem:v8+s22+$0x0], $0xffff  }
0x298: {  	v13 =	vadd.s32 @p1 $0x5155, v4;
	v9 =	vld.idx.msk @p1 [tilespmem:v9+s22+$0x0], $0xffff  }
0x299: {  	v7 =	vld.idx.msk @p1 [tilespmem:v7+s22+$0x0], $0xffff  }
0x29a: {  	v6 =	vld.idx.msk @p1 [tilespmem:v6+s22+$0x0], $0xffff  }
0x29b: {  	v11 =	vld.idx.msk @p1 [tilespmem:v11+s22+$0x0], $0xffff  }
0x29c: {  	v12 =	vld.idx.msk @p1 [tilespmem:v12+s22+$0x0], $0xffff  }
0x29d: {  	v13 =	vld.idx.msk @p1 [tilespmem:v13+s22+$0x0], $0xffff;
	v10 =	vmul.f32 @p1 v10, v15;
	v8 =	vmul.f32 @p1 v8, v17  }
0x29e: {  	v9 =	vmul.f32 @p1 v9, v15;
	v7 =	vmul.f32 @p1 v7, v17  }
0x29f: {  	v8 =	vadd.f32 @p1 v8, v10;
	v6 =	vmul.f32 @p1 v6, v16  }
0x2a0: {  	v10 =	vor.u32 @p1 $0x2800, v2;
	v7 =	vadd.f32 @p1 v7, v9;
	v9 =	vmul.f32 @p1 v11, v16  }
0x2a1: {  	v10 =	vor.u32 @p1 v10, v3;
	v6 =	vadd.f32 @p1 v6, v8  }
0x2a2: {  	v8 =	vmul.f32 @p1 v12, v5;
	v7 =	vadd.f32 @p1 v9, v7;
	v9 =	vmul.f32 @p1 v13, v5  }
0x2a3: {  	v11 =	vadd.s32 @p1 $0x4FB6, v4  }
0x2a4: {  	v6 =	vadd.f32 @p1 v8, v6;
	v8 =	vadd.s32 @p1 $0x4FBE, v4;
	v7 =	vadd.f32 @p1 v9, v7  }
0x2a5: {  	v9 =	vadd.s32 @p1 $0x4FB7, v4  }
0x2a6: {  	v6 =	vpack.i.f32.bf16 @p1 v7, v6;
	v7 =	vadd.s32 @p1 $0x4FBF, v4  }
0x2a7: {  	[tilespmem:v10+s21+$0x0] =	vst.idx.msk @p1 $0xffff, v6;
	v6 =	vadd.s32 @p1 $0x514E, v4  }
0x2a8: {  	v10 =	vld.idx.msk @p1 [tilespmem:v11+s22+$0x0], $0xffff;
	v11 =	vadd.s32 @p1 $0x514F, v4  }
0x2a9: {  	v12 =	vadd.s32 @p1 $0x5156, v4;
	v8 =	vld.idx.msk @p1 [tilespmem:v8+s22+$0x0], $0xffff;
	v4 =	vadd.s32 @p1 $0x5157, v4  }
0x2aa: {  	v9 =	vld.idx.msk @p1 [tilespmem:v9+s22+$0x0], $0xffff  }
0x2ab: {  	v7 =	vld.idx.msk @p1 [tilespmem:v7+s22+$0x0], $0xffff  }
0x2ac: {  	v6 =	vld.idx.msk @p1 [tilespmem:v6+s22+$0x0], $0xffff  }
0x2ad: {  	v11 =	vld.idx.msk @p1 [tilespmem:v11+s22+$0x0], $0xffff  }
0x2ae: {  	v4 =	vld.idx.msk @p1 [tilespmem:v4+s22+$0x0], $0xffff  }
0x2af: {  	v12 =	vld.idx.msk @p1 [tilespmem:v12+s22+$0x0], $0xffff;
	v10 =	vmul.f32 @p1 v10, v15;
	v8 =	vmul.f32 @p1 v8, v17  }
0x2b0: {  	v9 =	vmul.f32 @p1 v9, v15;
	v7 =	vmul.f32 @p1 v7, v17  }
0x2b1: {  	v2 =	vor.u32 @p1 $0x2C00, v2;
	v8 =	vadd.f32 @p1 v8, v10  }
0x2b2: {  	v6 =	vmul.f32 @p1 v6, v16;
	v7 =	vadd.f32 @p1 v7, v9;
	v9 =	vmul.f32 @p1 v11, v16  }
0x2b3: {  	p2 =	sgt.u32 @p1 s20, $0x1FF;
	v2 =	vor.u32 @p1 v2, v3;
	v4 =	vmul.f32 @p1 v4, v5  }
0x2b4: {  	p2 =	por !p1, !p2;
	v6 =	vadd.f32 @p1 v6, v8;
	v8 =	vmul.f32 @p1 v12, v5;
	v7 =	vadd.f32 @p1 v9, v7  }
.Ltmp4:
0x2b5: {  	_ = 	snop;
	(pc) =	sbr.rel @!p2 .LBB2_4-.Ltmp4, $3  }
0x2b6: {  	v3 =	vadd.f32 @p1 v8, v6;
	v4 =	vadd.f32 @p1 v4, v7;
	_ =	sdelay $0x1  }
0x2b7: {  	v3 =	vpack.i.f32.bf16 @p1 v4, v3  }
0x2b8: {  	[tilespmem:v2+s21+$0x0] =	vst.idx.msk @p1 $0xffff, v3  }
0x2b9: {  	s21 =	sand.u32 $0x3F0, s19  }
0x2ba: {  	v2 =	vmov s21  }
0x2bb: {  	v2 =	vmul.u32 $0x6, v2  }
0x2bc: {  	s28 =	sshll.u32 s20, $0x1A  }
0x2bd: {  	v3 =	vmul.u32 $0x6, v0;
	s21 =	sshra.s32 s28, $0x1F;
	v2 =	vbroadcast v2, $0x0  }
0x2be: {  	s21 =	sand.u32 $0x1800, s21  }
0x2bf: {  	s22 =	sor.u32 $0x1, s21;
	v2 =	vadd.s32 v3, v2  }
0x2c0: {  	v3 =	vadd.s32 s21, v2;
	v2 =	vadd.s32 s22, v2  }
0x2c1: {  	v3 =	vand.u32 $0xFFFFFFF8, v3  }
0x2c2: {  	v3 =	vor.u32 v1, v3;
	_ =	sdelay $0x2  }
0x2c3: {  	v2 =	vld.idx.msk [tilespmem:v2+s12+$0x0], $0xffff;
	_ =	sdelay $0x1  }
0x2c4: {  	v3 =	vld.idx.msk [tilespmem:v3+s12+$0x0], $0xffff;
	_ =	sdelay $0x2  }
0x2c5: {  	v2 =	vmul.f32 $3.990000000e+02, v2;
	_ =	sdelay $0x1  }
0x2c6: {  	v3 =	vmul.f32 $3.990000000e+02, v3;
	v4 =	vtrunc.f32 v2  }
0x2c7: {  	v4 =	vcvt.f32.s32 v4  }
0x2c8: {  	v5 =	vtrunc.f32 v3  }
0x2c9: {  	v5 =	vcvt.f32.s32 v5;
	vm1 =	vlt.s32 v4, $0x18F  }
0x2ca: {  	s29 =	sand.u32 $0x7, s18;
	v6 =	vnsel vm1, $0x18F, v4  }
0x2cb: {  	s30 =	sshll.u32 s29, $0x5;
	vm2 =	vlt.s32 v4, $0x18E;
	vm1 =	vlt.s32 v5, $0x18F;
	v7 =	vmul.u32 $0x190, v6  }
0x2cc: {  	v8 =	vor.u32 s30, v0;
	v4 =	vnsel vm2, $0x18E, v4;
	v5 =	vnsel vm1, $0x18F, v5  }
0x2cd: {  	v4 =	vmul.u32 $0x190, v4;
	v7 =	vadd.s32 v5, v7  }
0x2ce: {  	s22 =	sor.u32 $0x10, s30  }
0x2cf: {  	p0 =	por @!p0 $0x0, $0x0;
	v9 =	vor.u32 s22, v0;
	v4 =	vadd.s32 v4, v5  }
0x2d0: {  	p2 =	por @p1 $0x1, $0x1;
	s31 =	sshll.u32 s29, $0x1;
	s21 =	sshll.u32 s29, $0x9;
	v4 =	vadd.s32 $0x190, v4  }
0x2d1: {  	p2 =	por @!p1 p0, p0;
	s24 =	sadd.s32 $0x2, s31;
	s23 =	sadd.s32 $0x12F60, s21;
	[tilespmem:v8+s13+$0x0] =	vst.idx.msk $0xffff, v7  }
0x2d2: {  	v5 =	vcvt.s32.f32 v5;
	[tilespmem:s23], [sflag:s24] =	stream.indirect_vreg.gather [hbm4b:s5+s3], $0x10, v7, vm0, $0xb8;
	[tilespmem:$0x14160] =	vst v63  }
.Ltmp5:
0x2d3: {  	v6 =	vcvt.s32.f32 v6;
	(pc) =	sbr.rel @!p2 .LBB2_5-.Ltmp5, $4  }
.Ltmp6:
0x2d4: {  	s21 =	sor.u32 $0x13060, s21;
	s22 =	sadd.s32 $0x3, s31;
	v3 =	vsub.f32 v3, v5;
	[tilespmem:v9+s13+$0x0] =	vst.idx.msk $0xffff, v4;
	(pc) =	sbr.rel @p2 .LBB2_4-.Ltmp6, $4  }
0x2d5: {  	v2 =	vsub.f32 v2, v6;
	[tilespmem:s21], [sflag:s22] =	stream.indirect_vreg.gather [hbm4b:s5+s3], $0x10, v4, vm0, $0xb8;
	[tilespmem:$0x14160] =	vst v63  }
0x2d6: {  	[tilespmem:v8+s14+$0x0] =	vst.idx.msk $0xffff, v3  }
0x2d7: {  	[tilespmem:v9+s14+$0x0] =	vst.idx.msk $0xffff, v2  }
0x2d8: {  	_ = 	snop  }
.LBB2_7:
0x2d9: {  	_ =	sfence.sel $0x180000  }
0x2da: {  	[bflag:$0x0] =	sbarrier.arrive $0xFFFF  }
0x2db: {  	p0 =	sne.s32 s1, $0x0;
	_ =	strace $0x90000047  }
0x2dc: {  	s0 =	sadd.s32 @!p0 $0x100000, s0;
	[bflag:$0x2] =	sbarrier.arrive $0xFFFF  }
0x2dd: {  	[sflag:s0] =	ssyncadd.tile.s32 @!p0 $0x1;
	_ =	shalt  }
.Lfunc_end2:
_tile_overlayer_lowered:
.L_overlay_start_2:
0x2de: {  	(tag) =	ssettag $0x2  }
0x2df: {  	s0 =	rddreg [dreg:$0x0];
	s2 =	stileid.u32  }
0x2e0: {  	s1 =	rddreg [dreg:$0x1];
	p0 =	sne.s32 s2, $0x0  }
0x2e1: {  	s3 =	rddreg [dreg:$0x2];
	[bflag:$0x3] =	sbarrier.arrive $0xFFFF;
	s2 =	simm.s32 @!p0 $0x1C14  }
0x2e2: {  	[timem:s3], [sflag:s2] =	dma.local @!p0 [hbm:s0], s1  }
0x2e3: {  	s0 =	simm.s32 @!p0 $0x14  }
0x2e4: {  	_ =	swait.ge @!p0 [sflag:s0], s1  }
0x2e5: {  	s1 =	ssub.s32 @!p0 $0x0, s1;
	[sflag:s0] =	ssyncset.done @!p0 $0x0  }
0x2e6: {  	[sflag:s0] =	ssyncadd.s32 @!p0 s1  }
0x2e7: {  	[bflag:$0x3] =	sbarrier.arrive $0xFFFF  }
0x2e8: {  	_ =	shalt  }

</sc_bundles>
